<compile_context>
chip_gen: v7x
topology: tpu7x:2x2x1
jax: 0.10.2.dev20260603
libtpu: 0.0.44.dev20260713+nightly
codegen_flags: <defaults>
</compile_context>

<pallas_src>
import jax
import jax.numpy as jnp
from jax import lax
from jax.experimental import pallas as pl
from jax.experimental.pallas import tpu as pltpu
from jax.experimental.pallas import tpu_sc as plsc

N = 10000
E = 320000
D = 128
C = 40

NC = 2
NS = 16
NH = N // NC
NTRASH = 8
ACC_R = NH + NTRASH
EPS = E // NS
SLAB = EPS + 96
K = 32
NCH = EPS // K
RZ = 312
TAIL = NH - NS * RZ


def _sc_mesh():
  return plsc.VectorSubcoreMesh(
      core_axis_name="c", subcore_axis_name="s",
      num_cores=NC, num_subcores=NS)


def _make_seg_sum():
  scratch = [
      pltpu.VMEM((SLAB,), jnp.int32),
      pltpu.VMEM((SLAB,), jnp.int32),
      pltpu.VMEM((2, K), jnp.int32),
      pltpu.VMEM((2, K, D), jnp.float32),
      pltpu.VMEM((RZ, D), jnp.float32),
      pltpu.VMEM_SHARED((ACC_R, D), jnp.float32),
      pltpu.SemaphoreType.DMA,
      pltpu.SemaphoreType.DMA,
  ]

  def body(h_hbm, src_hbm, dst_hbm, out_hbm,
           src_all, dst_all, idx2, rows2, zbuf, acc, gsem, ssem):
    c = lax.axis_index("c")
    s = lax.axis_index("s")
    z16 = jnp.zeros((16,), jnp.float32)
    lo = c * NH

    def zrow(i, carry):
      for j in range(D // 16):
        zbuf[i, pl.ds(j * 16, 16)] = z16
      return carry
    lax.fori_loop(0, RZ, zrow, 0)
    pltpu.sync_copy(zbuf, acc.at[pl.ds(s * RZ, RZ)])

    @pl.when(s == 0)
    def _zero_tail():
      pltpu.sync_copy(zbuf.at[pl.ds(0, TAIL + NTRASH)],
                      acc.at[pl.ds(NS * RZ, TAIL + NTRASH)])

    base_al = (s * EPS) // 128 * 128
    off = s * EPS - base_al
    pltpu.sync_copy(src_hbm.at[pl.ds(base_al, SLAB)], src_all)
    pltpu.sync_copy(dst_hbm.at[pl.ds(base_al, SLAB)], dst_all)
    plsc.subcore_barrier()

    def gidx(t):
      return src_all.at[pl.ds(off + t * K, K)]

    def remap(t, par):
      for j in range(K // 16):
        dv = dst_all[pl.ds(off + t * K + j * 16, 16)]
        v = dv - lo
        ok = (v >= 0) & (v < NH)
        idx2[par, pl.ds(j * 16, 16)] = jnp.where(ok, v,
                                                 NH + (dv & (NTRASH - 1)))

    def sidx(t):
      return idx2.at[t & 1]

    def step(t, carry):
      @pl.when(t >= 2)
      def _wait_scatter():
        pltpu.make_async_copy(rows2.at[t & 1], acc.at[sidx(t - 2)],
                              ssem).wait()

      @pl.when(t < NCH)
      def _fire_gather():
        pltpu.async_copy(h_hbm.at[gidx(t)], rows2.at[t & 1], gsem)

      @pl.when((t >= 1) & (t <= NCH))
      def _drain_fire():
        tp = t - 1
        remap(tp, tp & 1)
        pltpu.make_async_copy(h_hbm.at[gidx(tp)], rows2.at[tp & 1],
                              gsem).wait()
        pltpu.async_copy(rows2.at[tp & 1], acc.at[sidx(tp)], ssem,
                         add=True)
      return carry
    lax.fori_loop(0, NCH + 2, step, 0)

    plsc.subcore_barrier()
    sl = pl.ds(s * RZ, RZ)
    pltpu.sync_copy(acc.at[sl], out_hbm.at[c, sl])

    @pl.when(s == 0)
    def _out_tail():
      tl = pl.ds(NS * RZ, TAIL)
      pltpu.sync_copy(acc.at[tl], out_hbm.at[c, tl])

  return pl.kernel(
      body,
      out_type=jax.ShapeDtypeStruct((NC, NH, D), jnp.float32),
      mesh=_sc_mesh(), scratch_types=tuple(scratch))


def _make_seg_cnt():
  scratch = [
      pltpu.VMEM((SLAB,), jnp.int32),
      pltpu.VMEM((2, K), jnp.int32),
      pltpu.VMEM((K, D), jnp.float32),
      pltpu.VMEM((RZ, D), jnp.float32),
      pltpu.VMEM_SHARED((ACC_R, D), jnp.float32),
      pltpu.SemaphoreType.DMA,
  ]

  def body(dst_hbm, cnt_hbm, dst_all, idx2, ones_v, zbuf, cacc, ssem):
    c = lax.axis_index("c")
    s = lax.axis_index("s")
    z16 = jnp.zeros((16,), jnp.float32)
    one16 = jnp.ones((16,), jnp.float32)
    lo = c * NH

    def orow(i, carry):
      for j in range(D // 16):
        ones_v[i, pl.ds(j * 16, 16)] = one16
      return carry
    lax.fori_loop(0, K, orow, 0)

    def zrow(i, carry):
      for j in range(D // 16):
        zbuf[i, pl.ds(j * 16, 16)] = z16
      return carry
    lax.fori_loop(0, RZ, zrow, 0)
    pltpu.sync_copy(zbuf, cacc.at[pl.ds(s * RZ, RZ)])

    @pl.when(s == 0)
    def _zero_tail():
      pltpu.sync_copy(zbuf.at[pl.ds(0, TAIL + NTRASH)],
                      cacc.at[pl.ds(NS * RZ, TAIL + NTRASH)])

    base_al = (s * EPS) // 128 * 128
    off = s * EPS - base_al
    pltpu.sync_copy(dst_hbm.at[pl.ds(base_al, SLAB)], dst_all)
    plsc.subcore_barrier()

    def step(t, carry):
      @pl.when(t >= 2)
      def _wait_scatter():
        pltpu.make_async_copy(ones_v, cacc.at[idx2.at[t & 1]], ssem).wait()

      @pl.when(t < NCH)
      def _fire():
        for j in range(K // 16):
          dv = dst_all[pl.ds(off + t * K + j * 16, 16)]
          v = dv - lo
          ok = (v >= 0) & (v < NH)
          idx2[t & 1, pl.ds(j * 16, 16)] = jnp.where(
              ok, v, NH + (dv & (NTRASH - 1)))
        pltpu.async_copy(ones_v, cacc.at[idx2.at[t & 1]], ssem, add=True)
      return carry
    lax.fori_loop(0, NCH + 2, step, 0)

    plsc.subcore_barrier()
    sl = pl.ds(s * RZ, RZ)
    pltpu.sync_copy(cacc.at[sl], cnt_hbm.at[c, sl])

    @pl.when(s == 0)
    def _cnt_tail():
      tl = pl.ds(NS * RZ, TAIL)
      pltpu.sync_copy(cacc.at[tl], cnt_hbm.at[c, tl])

  return pl.kernel(
      body,
      out_type=jax.ShapeDtypeStruct((NC, NH, D), jnp.float32),
      mesh=_sc_mesh(), scratch_types=tuple(scratch))


_seg_sum = _make_seg_sum()
_seg_cnt = _make_seg_cnt()


def _dotT(a, w):
  return lax.dot_general(a, w, (((1,), (1,)), ((), ())),
                         preferred_element_type=jnp.float32)


def _bn_relu(y, g, be):
  y = jnp.maximum(y, 0.0)
  mu = jnp.mean(y, axis=0, keepdims=True)
  var = jnp.mean((y - mu) ** 2, axis=0, keepdims=True)
  return (y - mu) * lax.rsqrt(var + 1e-5) * g + be


def _full(sp_ref):
  return jnp.concatenate([sp_ref[0], sp_ref[1]], axis=0)


def _tc_layer0(sp, cntp, x, wl, wr, b, g, be):
  def tc_body(sp_ref, cnt_ref, x_ref, wl_ref, wr_ref, b_ref, g_ref, be_ref,
              h_out, ic_out):
    cnt = _full(cnt_ref)[:, 0:1]
    ic = 1.0 / jnp.maximum(cnt, 1.0)
    mean = _full(sp_ref) * ic
    y = _dotT(mean, wl_ref[...]) + _dotT(x_ref[...], wr_ref[...]) + b_ref[...]
    h_out[...] = _bn_relu(y, g_ref[...], be_ref[...])
    ic_out[...] = ic
  return pl.pallas_call(
      tc_body,
      out_shape=(jax.ShapeDtypeStruct((N, D), jnp.float32),
                 jax.ShapeDtypeStruct((N, 1), jnp.float32)),
  )(sp, cntp, x, wl, wr, b, g, be)


def _tc_mid(sp, h, ic, wl, wr, b, g, be):
  def tc_body(sp_ref, h_ref, ic_ref, wl_ref, wr_ref, b_ref, g_ref, be_ref,
              h_out):
    mean = _full(sp_ref) * ic_ref[...]
    y = _dotT(mean, wl_ref[...]) + _dotT(h_ref[...], wr_ref[...]) + b_ref[...]
    h_out[...] = _bn_relu(y, g_ref[...], be_ref[...])
  return pl.pallas_call(
      tc_body,
      out_shape=jax.ShapeDtypeStruct((N, D), jnp.float32),
  )(sp, h, ic, wl, wr, b, g, be)


def _tc_final(sp, h, ic, wlf, wrf, bf):
  def tc_body(sp_ref, h_ref, ic_ref, wlf_ref, wrf_ref, bf_ref, o_ref):
    mean = _full(sp_ref) * ic_ref[...]
    y = _dotT(mean, wlf_ref[...]) + _dotT(h_ref[...], wrf_ref[...]) \
        + bf_ref[...]
    mx = jnp.max(y, axis=1, keepdims=True)
    z = y - mx
    lse = jnp.log(jnp.sum(jnp.exp(z), axis=1, keepdims=True))
    o_ref[...] = z - lse
  return pl.pallas_call(
      tc_body,
      out_shape=jax.ShapeDtypeStruct((N, C), jnp.float32),
  )(sp, h, ic, wlf, wrf, bf)


def kernel(x, edge_index, Wl0, Wr0, b0, g0, be0, Wl1, Wr1, b1, g1, be1,
           Wl2, Wr2, b2, g2, be2, Wl3, Wr3, b3, g3, be3, Wlf, Wrf, bf):
  r = lambda v: v.reshape(1, -1)
  src, dst = edge_index[0], edge_index[1]

  cnt = _seg_cnt(dst)
  s0 = _seg_sum(x, src, dst)
  h1, ic = _tc_layer0(s0, cnt, x, Wl0, Wr0, r(b0), r(g0), r(be0))
  s1 = _seg_sum(h1, src, dst)
  h2 = _tc_mid(s1, h1, ic, Wl1, Wr1, r(b1), r(g1), r(be1))
  s2 = _seg_sum(h2, src, dst)
  h3 = _tc_mid(s2, h2, ic, Wl2, Wr2, r(b2), r(g2), r(be2))
  s3 = _seg_sum(h3, src, dst)
  h4 = _tc_mid(s3, h3, ic, Wl3, Wr3, r(b3), r(g3), r(be3))
  s4 = _seg_sum(h4, src, dst)
  return _tc_final(s4, h4, ic, Wlf, Wrf, r(bf))

# --- scband reference (transcript-rebuilt; emitter-appended) ---
"""Pipeline reference for scband-gsage-v2-6073083756547 (READ-ONLY COPY).

The authoritative reference and input builder live on the scoring server;
editing this copy changes nothing except your own understanding.
"""

import jax, jax.numpy as jnp
import numpy as np

N = 10000
E = 320000
D = 128
H = 128
C = 40

def _glorot(k, shape):
    return jax.random.normal(k, shape, dtype=jnp.float32) / jnp.sqrt(shape[1])

def setup_inputs(seed: int = 0):
    key = jax.random.key(seed)
    ks = jax.random.split(key, 40)
    inp = {}
    inp['x'] = jax.random.normal(ks[0], (N, D), dtype=jnp.float32)
    inp['edge_index'] = jax.random.randint(ks[1], (2, E), 0, N, dtype=jnp.int32)
    inp['Wl0'] = _glorot(ks[2], (H, D))
    inp['Wr0'] = _glorot(ks[3], (H, D))
    inp['b0'] = jnp.zeros((H,), dtype=jnp.float32)
    inp['g0'] = jnp.ones((H,), dtype=jnp.float32)
    inp['be0'] = jnp.zeros((H,), dtype=jnp.float32)
    for l in range(1, 4):
        inp['Wl%d' % l] = _glorot(ks[2 + 4 * l], (H, H))
        inp['Wr%d' % l] = _glorot(ks[3 + 4 * l], (H, H))
        inp['b%d' % l] = jnp.zeros((H,), dtype=jnp.float32)
        inp['g%d' % l] = jnp.ones((H,), dtype=jnp.float32)
        inp['be%d' % l] = jnp.zeros((H,), dtype=jnp.float32)
    inp['Wlf'] = _glorot(ks[30], (C, H))
    inp['Wrf'] = _glorot(ks[31], (C, H))
    inp['bf'] = jnp.zeros((C,), dtype=jnp.float32)
    return inp

def _sage(x, src, dst, Wl, Wr, b):
    # PyG SAGEConv (mean aggr): out = lin_l(mean_{j in N(i)} x_j) + lin_r(x_i) + bias
    agg = jax.ops.segment_sum(x[src], dst, num_segments=N)
    cnt = jax.ops.segment_sum(jnp.ones((src.shape[0],), dtype=x.dtype), dst, num_segments=N)
    mean = agg / jnp.maximum(cnt, 1.0)[:, None]
    return mean @ Wl.T + x @ Wr.T + b

def _bn(x, g, b):
    mu = jnp.mean(x, axis=0)
    var = jnp.var(x, axis=0)
    return (x - mu) * jax.lax.rsqrt(var + 1e-5) * g + b

def reference(x, edge_index, Wl0, Wr0, b0, g0, be0, Wl1, Wr1, b1, g1, be1, Wl2, Wr2, b2, g2, be2, Wl3, Wr3, b3, g3, be3, Wlf, Wrf, bf):
    src, dst = edge_index[0], edge_index[1]
    h = _sage(x, src, dst, Wl0, Wr0, b0)
    h = jax.nn.relu(h)
    h = _bn(h, g0, be0)
    for (Wl, Wr, b, g, be) in [(Wl1, Wr1, b1, g1, be1), (Wl2, Wr2, b2, g2, be2), (Wl3, Wr3, b3, g3, be3)]:
        h = _sage(h, src, dst, Wl, Wr, b)
        h = jax.nn.relu(h)
        h = _bn(h, g, be)
    h = _sage(h, src, dst, Wlf, Wrf, bf)
    return jax.nn.log_softmax(h, axis=1)

if __name__ == "__main__":
    import jax
    _d = setup_inputs()
    print(jax.jit(kernel)(*tuple(_d.values())))

</pallas_src>

<mosaic_0001>
#map = affine_map<(d0, d1) -> (0)>
#map1 = affine_map<(d0, d1) -> (0, 0, 0)>
module attributes {stable_mosaic.version = 14 : i64} {
  func.func @body(%arg0: i32, %arg1: i32, %arg2: memref<320000xi32, #tpu.memory_space<hbm>>, %arg3: memref<2x5000x128xf32, #tpu.memory_space<hbm>>, %arg4: memref<20096xi32, #tpu.memory_space<vmem>>, %arg5: memref<2x32xi32, #tpu.memory_space<vmem>>, %arg6: memref<32x128xf32, #tpu.memory_space<vmem>>, %arg7: memref<312x128xf32, #tpu.memory_space<vmem>>, %arg8: memref<5008x128xf32, #tpu.memory_space<vmem_shared>>, %arg9: memref<!tpu.dma_semaphore, #tpu.memory_space<semaphore_mem>>) attributes {dimension_semantics = [#tpu.dimension_semantics<core_parallel>, #tpu.dimension_semantics<subcore_parallel>], iteration_bounds = array<i64: 2, 16>, scalar_prefetch = 0 : i64, scratch_operands = 6 : i64, tpu.core_type = #tpu.core_type<sc_vector_subcore>, window_params = [{transform_indices = #map}, {transform_indices = #map1}]} {
    %broadcast_in_dim3A = arith.constant 0.000000e+00 : f32
    %broadcast_in_dim3A_0 = vector.broadcast %broadcast_in_dim3A : f32 to vector<16xf32>
    %broadcast_in_dim3A_1 = arith.constant 1.000000e+00 : f32
    %broadcast_in_dim3A_2 = vector.broadcast %broadcast_in_dim3A_1 : f32 to vector<16xf32>
    %mul3A = arith.constant 5000 : i32
    %mul3A_3 = arith.muli %arg0, %mul3A : i32
    %scan3A = arith.constant 0 : i32
    %scan3A_4 = arith.constant 0 : i32
    %scan3A_5 = arith.constant 32 : i32
    %scan3A_6 = arith.addi %scan3A_4, %scan3A_5 : i32
    %scan3A_7 = arith.constant 1 : i32
    scf.for %scan3A_56 = %scan3A_4 to %scan3A_6 step %scan3A_7  : i32 {
      %swap3A = arith.index_cast %scan3A_56 : i32 to index
      %swap3A_57 = arith.constant 0 : index
      %swap3A_58 = tpu.vector_load %arg6[%swap3A, %swap3A_57] {strides = array<i32>} : memref<32x128xf32, #tpu.memory_space<vmem>>, vector<1x16xf32>,
      %swap3A_59 = vector.shape_cast %swap3A_58 : vector<1x16xf32> to vector<16xf32>
      %swap3A_60 = vector.shape_cast %broadcast_in_dim3A_2 : vector<16xf32> to vector<1x16xf32>
      tpu.vector_store %arg6[%swap3A, %swap3A_57], %swap3A_60 {strides = array<i32>} : memref<32x128xf32, #tpu.memory_space<vmem>>, vector<1x16xf32>,
      %swap3A_61 = arith.index_cast %scan3A_56 : i32 to index
      %swap3A_62 = arith.constant 16 : index
      %swap3A_63 = tpu.vector_load %arg6[%swap3A_61, %swap3A_62] {strides = array<i32>} : memref<32x128xf32, #tpu.memory_space<vmem>>, vector<1x16xf32>,
      %swap3A_64 = vector.shape_cast %swap3A_63 : vector<1x16xf32> to vector<16xf32>
      %swap3A_65 = vector.shape_cast %broadcast_in_dim3A_2 : vector<16xf32> to vector<1x16xf32>
      tpu.vector_store %arg6[%swap3A_61, %swap3A_62], %swap3A_65 {strides = array<i32>} : memref<32x128xf32, #tpu.memory_space<vmem>>, vector<1x16xf32>,
      %swap3A_66 = arith.index_cast %scan3A_56 : i32 to index
      %swap3A_67 = arith.constant 32 : index
      %swap3A_68 = tpu.vector_load %arg6[%swap3A_66, %swap3A_67] {strides = array<i32>} : memref<32x128xf32, #tpu.memory_space<vmem>>, vector<1x16xf32>,
      %swap3A_69 = vector.shape_cast %swap3A_68 : vector<1x16xf32> to vector<16xf32>
      %swap3A_70 = vector.shape_cast %broadcast_in_dim3A_2 : vector<16xf32> to vector<1x16xf32>
      tpu.vector_store %arg6[%swap3A_66, %swap3A_67], %swap3A_70 {strides = array<i32>} : memref<32x128xf32, #tpu.memory_space<vmem>>, vector<1x16xf32>,
      %swap3A_71 = arith.index_cast %scan3A_56 : i32 to index
      %swap3A_72 = arith.constant 48 : index
      %swap3A_73 = tpu.vector_load %arg6[%swap3A_71, %swap3A_72] {strides = array<i32>} : memref<32x128xf32, #tpu.memory_space<vmem>>, vector<1x16xf32>,
      %swap3A_74 = vector.shape_cast %swap3A_73 : vector<1x16xf32> to vector<16xf32>
      %swap3A_75 = vector.shape_cast %broadcast_in_dim3A_2 : vector<16xf32> to vector<1x16xf32>
      tpu.vector_store %arg6[%swap3A_71, %swap3A_72], %swap3A_75 {strides = array<i32>} : memref<32x128xf32, #tpu.memory_space<vmem>>, vector<1x16xf32>,
      %swap3A_76 = arith.index_cast %scan3A_56 : i32 to index
      %swap3A_77 = arith.constant 64 : index
      %swap3A_78 = tpu.vector_load %arg6[%swap3A_76, %swap3A_77] {strides = array<i32>} : memref<32x128xf32, #tpu.memory_space<vmem>>, vector<1x16xf32>,
      %swap3A_79 = vector.shape_cast %swap3A_78 : vector<1x16xf32> to vector<16xf32>
      %swap3A_80 = vector.shape_cast %broadcast_in_dim3A_2 : vector<16xf32> to vector<1x16xf32>
      tpu.vector_store %arg6[%swap3A_76, %swap3A_77], %swap3A_80 {strides = array<i32>} : memref<32x128xf32, #tpu.memory_space<vmem>>, vector<1x16xf32>,
      %swap3A_81 = arith.index_cast %scan3A_56 : i32 to index
      %swap3A_82 = arith.constant 80 : index
      %swap3A_83 = tpu.vector_load %arg6[%swap3A_81, %swap3A_82] {strides = array<i32>} : memref<32x128xf32, #tpu.memory_space<vmem>>, vector<1x16xf32>,
      %swap3A_84 = vector.shape_cast %swap3A_83 : vector<1x16xf32> to vector<16xf32>
      %swap3A_85 = vector.shape_cast %broadcast_in_dim3A_2 : vector<16xf32> to vector<1x16xf32>
      tpu.vector_store %arg6[%swap3A_81, %swap3A_82], %swap3A_85 {strides = array<i32>} : memref<32x128xf32, #tpu.memory_space<vmem>>, vector<1x16xf32>,
      %swap3A_86 = arith.index_cast %scan3A_56 : i32 to index
      %swap3A_87 = arith.constant 96 : index
      %swap3A_88 = tpu.vector_load %arg6[%swap3A_86, %swap3A_87] {strides = array<i32>} : memref<32x128xf32, #tpu.memory_space<vmem>>, vector<1x16xf32>,
      %swap3A_89 = vector.shape_cast %swap3A_88 : vector<1x16xf32> to vector<16xf32>
      %swap3A_90 = vector.shape_cast %broadcast_in_dim3A_2 : vector<16xf32> to vector<1x16xf32>
      tpu.vector_store %arg6[%swap3A_86, %swap3A_87], %swap3A_90 {strides = array<i32>} : memref<32x128xf32, #tpu.memory_space<vmem>>, vector<1x16xf32>,
      %swap3A_91 = arith.index_cast %scan3A_56 : i32 to index
      %swap3A_92 = arith.constant 112 : index
      %swap3A_93 = tpu.vector_load %arg6[%swap3A_91, %swap3A_92] {strides = array<i32>} : memref<32x128xf32, #tpu.memory_space<vmem>>, vector<1x16xf32>,
      %swap3A_94 = vector.shape_cast %swap3A_93 : vector<1x16xf32> to vector<16xf32>
      %swap3A_95 = vector.shape_cast %broadcast_in_dim3A_2 : vector<16xf32> to vector<1x16xf32>
      tpu.vector_store %arg6[%swap3A_91, %swap3A_92], %swap3A_95 {strides = array<i32>} : memref<32x128xf32, #tpu.memory_space<vmem>>, vector<1x16xf32>,
    }
    %scan3A_8 = arith.constant 32 : i32
    %scan3A_9 = arith.constant 0 : i32
    %scan3A_10 = arith.constant 0 : i32
    %scan3A_11 = arith.constant 312 : i32
    %scan3A_12 = arith.addi %scan3A_10, %scan3A_11 : i32
    %scan3A_13 = arith.constant 1 : i32
    scf.for %scan3A_56 = %scan3A_10 to %scan3A_12 step %scan3A_13  : i32 {
      %swap3A = arith.index_cast %scan3A_56 : i32 to index
      %swap3A_57 = arith.constant 0 : index
      %swap3A_58 = tpu.vector_load %arg7[%swap3A, %swap3A_57] {strides = array<i32>} : memref<312x128xf32, #tpu.memory_space<vmem>>, vector<1x16xf32>,
      %swap3A_59 = vector.shape_cast %swap3A_58 : vector<1x16xf32> to vector<16xf32>
      %swap3A_60 = vector.shape_cast %broadcast_in_dim3A_0 : vector<16xf32> to vector<1x16xf32>
      tpu.vector_store %arg7[%swap3A, %swap3A_57], %swap3A_60 {strides = array<i32>} : memref<312x128xf32, #tpu.memory_space<vmem>>, vector<1x16xf32>,
      %swap3A_61 = arith.index_cast %scan3A_56 : i32 to index
      %swap3A_62 = arith.constant 16 : index
      %swap3A_63 = tpu.vector_load %arg7[%swap3A_61, %swap3A_62] {strides = array<i32>} : memref<312x128xf32, #tpu.memory_space<vmem>>, vector<1x16xf32>,
      %swap3A_64 = vector.shape_cast %swap3A_63 : vector<1x16xf32> to vector<16xf32>
      %swap3A_65 = vector.shape_cast %broadcast_in_dim3A_0 : vector<16xf32> to vector<1x16xf32>
      tpu.vector_store %arg7[%swap3A_61, %swap3A_62], %swap3A_65 {strides = array<i32>} : memref<312x128xf32, #tpu.memory_space<vmem>>, vector<1x16xf32>,
      %swap3A_66 = arith.index_cast %scan3A_56 : i32 to index
      %swap3A_67 = arith.constant 32 : index
      %swap3A_68 = tpu.vector_load %arg7[%swap3A_66, %swap3A_67] {strides = array<i32>} : memref<312x128xf32, #tpu.memory_space<vmem>>, vector<1x16xf32>,
      %swap3A_69 = vector.shape_cast %swap3A_68 : vector<1x16xf32> to vector<16xf32>
      %swap3A_70 = vector.shape_cast %broadcast_in_dim3A_0 : vector<16xf32> to vector<1x16xf32>
      tpu.vector_store %arg7[%swap3A_66, %swap3A_67], %swap3A_70 {strides = array<i32>} : memref<312x128xf32, #tpu.memory_space<vmem>>, vector<1x16xf32>,
      %swap3A_71 = arith.index_cast %scan3A_56 : i32 to index
      %swap3A_72 = arith.constant 48 : index
      %swap3A_73 = tpu.vector_load %arg7[%swap3A_71, %swap3A_72] {strides = array<i32>} : memref<312x128xf32, #tpu.memory_space<vmem>>, vector<1x16xf32>,
      %swap3A_74 = vector.shape_cast %swap3A_73 : vector<1x16xf32> to vector<16xf32>
      %swap3A_75 = vector.shape_cast %broadcast_in_dim3A_0 : vector<16xf32> to vector<1x16xf32>
      tpu.vector_store %arg7[%swap3A_71, %swap3A_72], %swap3A_75 {strides = array<i32>} : memref<312x128xf32, #tpu.memory_space<vmem>>, vector<1x16xf32>,
      %swap3A_76 = arith.index_cast %scan3A_56 : i32 to index
      %swap3A_77 = arith.constant 64 : index
      %swap3A_78 = tpu.vector_load %arg7[%swap3A_76, %swap3A_77] {strides = array<i32>} : memref<312x128xf32, #tpu.memory_space<vmem>>, vector<1x16xf32>,
      %swap3A_79 = vector.shape_cast %swap3A_78 : vector<1x16xf32> to vector<16xf32>
      %swap3A_80 = vector.shape_cast %broadcast_in_dim3A_0 : vector<16xf32> to vector<1x16xf32>
      tpu.vector_store %arg7[%swap3A_76, %swap3A_77], %swap3A_80 {strides = array<i32>} : memref<312x128xf32, #tpu.memory_space<vmem>>, vector<1x16xf32>,
      %swap3A_81 = arith.index_cast %scan3A_56 : i32 to index
      %swap3A_82 = arith.constant 80 : index
      %swap3A_83 = tpu.vector_load %arg7[%swap3A_81, %swap3A_82] {strides = array<i32>} : memref<312x128xf32, #tpu.memory_space<vmem>>, vector<1x16xf32>,
      %swap3A_84 = vector.shape_cast %swap3A_83 : vector<1x16xf32> to vector<16xf32>
      %swap3A_85 = vector.shape_cast %broadcast_in_dim3A_0 : vector<16xf32> to vector<1x16xf32>
      tpu.vector_store %arg7[%swap3A_81, %swap3A_82], %swap3A_85 {strides = array<i32>} : memref<312x128xf32, #tpu.memory_space<vmem>>, vector<1x16xf32>,
      %swap3A_86 = arith.index_cast %scan3A_56 : i32 to index
      %swap3A_87 = arith.constant 96 : index
      %swap3A_88 = tpu.vector_load %arg7[%swap3A_86, %swap3A_87] {strides = array<i32>} : memref<312x128xf32, #tpu.memory_space<vmem>>, vector<1x16xf32>,
      %swap3A_89 = vector.shape_cast %swap3A_88 : vector<1x16xf32> to vector<16xf32>
      %swap3A_90 = vector.shape_cast %broadcast_in_dim3A_0 : vector<16xf32> to vector<1x16xf32>
      tpu.vector_store %arg7[%swap3A_86, %swap3A_87], %swap3A_90 {strides = array<i32>} : memref<312x128xf32, #tpu.memory_space<vmem>>, vector<1x16xf32>,
      %swap3A_91 = arith.index_cast %scan3A_56 : i32 to index
      %swap3A_92 = arith.constant 112 : index
      %swap3A_93 = tpu.vector_load %arg7[%swap3A_91, %swap3A_92] {strides = array<i32>} : memref<312x128xf32, #tpu.memory_space<vmem>>, vector<1x16xf32>,
      %swap3A_94 = vector.shape_cast %swap3A_93 : vector<1x16xf32> to vector<16xf32>
      %swap3A_95 = vector.shape_cast %broadcast_in_dim3A_0 : vector<16xf32> to vector<1x16xf32>
      tpu.vector_store %arg7[%swap3A_91, %swap3A_92], %swap3A_95 {strides = array<i32>} : memref<312x128xf32, #tpu.memory_space<vmem>>, vector<1x16xf32>,
    }
    %scan3A_14 = arith.constant 312 : i32
    %mul3A_15 = arith.constant 312 : i32
    %mul3A_16 = arith.muli %arg1, %mul3A_15 : i32
    "tpu.region"() ({
      %run_scoped3A = tpu.sem_alloc : memref<!tpu.dma_semaphore, #tpu.memory_space<semaphore_mem>>
      %dma_start3A = arith.constant 0 : i32
      %dma_start3A_56 = tpu.memref_slice %arg8[%mul3A_16, %dma_start3A] : memref<5008x128xf32, #tpu.memory_space<vmem_shared>> -> memref<312x128xf32, #tpu.memory_space<vmem_shared>>
      %dma_start3A_57 = arith.constant 0 : i32
      %dma_start3A_58 = tpu.memref_slice %arg8[%mul3A_16, %dma_start3A_57] : memref<5008x128xf32, #tpu.memory_space<vmem_shared>> -> memref<312x128xf32, #tpu.memory_space<vmem_shared>>
      tpu.enqueue_dma source(%arg7 : memref<312x128xf32, #tpu.memory_space<vmem>>) target(%dma_start3A_58 : memref<312x128xf32, #tpu.memory_space<vmem_shared>>) target_semaphore(%run_scoped3A : memref<!tpu.dma_semaphore, #tpu.memory_space<semaphore_mem>>)
      %dma_wait3A = arith.constant 0 : i32
      %dma_wait3A_59 = tpu.memref_slice %arg8[%mul3A_16, %dma_wait3A] : memref<5008x128xf32, #tpu.memory_space<vmem_shared>> -> memref<312x128xf32, #tpu.memory_space<vmem_shared>>
      %dma_wait3A_60 = arith.constant 0 : i32
      %dma_wait3A_61 = tpu.memref_slice %arg8[%mul3A_16, %dma_wait3A_60] : memref<5008x128xf32, #tpu.memory_space<vmem_shared>> -> memref<312x128xf32, #tpu.memory_space<vmem_shared>>
      tpu.wait_dma2 semaphore(%run_scoped3A : memref<!tpu.dma_semaphore, #tpu.memory_space<semaphore_mem>>) src(%arg7 : memref<312x128xf32, #tpu.memory_space<vmem>>) dst(%dma_wait3A_61 : memref<312x128xf32, #tpu.memory_space<vmem_shared>>)
      tpu.yield
    }) : () -> ()
    %eq3A = arith.constant 0 : i32
    %eq3A_17 = arith.cmpi eq, %arg1, %eq3A : i32
    %convert_element_type3A = arith.extui %eq3A_17 : i1 to i32
    %cond3A = arith.constant 0 : i32
    %cond3A_18 = arith.cmpi ne, %convert_element_type3A, %cond3A : i32
    scf.if %cond3A_18 {
      "tpu.region"() ({
        %run_scoped3A = tpu.sem_alloc : memref<!tpu.dma_semaphore, #tpu.memory_space<semaphore_mem>>
        %dma_start3A = arith.constant 0 : i32
        %dma_start3A_56 = arith.constant 0 : i32
        %dma_start3A_57 = tpu.memref_slice %arg7[%dma_start3A, %dma_start3A_56] : memref<312x128xf32, #tpu.memory_space<vmem>> -> memref<16x128xf32, #tpu.memory_space<vmem>>
        %dma_start3A_58 = arith.constant 4992 : i32
        %dma_start3A_59 = arith.constant 0 : i32
        %dma_start3A_60 = tpu.memref_slice %arg8[%dma_start3A_58, %dma_start3A_59] : memref<5008x128xf32, #tpu.memory_space<vmem_shared>> -> memref<16x128xf32, #tpu.memory_space<vmem_shared>>
        %dma_start3A_61 = arith.constant 4992 : i32
        %dma_start3A_62 = arith.constant 0 : i32
        %dma_start3A_63 = tpu.memref_slice %arg8[%dma_start3A_61, %dma_start3A_62] : memref<5008x128xf32, #tpu.memory_space<vmem_shared>> -> memref<16x128xf32, #tpu.memory_space<vmem_shared>>
        %dma_start3A_64 = arith.constant 0 : i32
        %dma_start3A_65 = arith.constant 0 : i32
        %dma_start3A_66 = tpu.memref_slice %arg7[%dma_start3A_64, %dma_start3A_65] : memref<312x128xf32, #tpu.memory_space<vmem>> -> memref<16x128xf32, #tpu.memory_space<vmem>>
        tpu.enqueue_dma source(%dma_start3A_66 : memref<16x128xf32, #tpu.memory_space<vmem>>) target(%dma_start3A_63 : memref<16x128xf32, #tpu.memory_space<vmem_shared>>) target_semaphore(%run_scoped3A : memref<!tpu.dma_semaphore, #tpu.memory_space<semaphore_mem>>)
        %dma_wait3A = arith.constant 0 : i32
        %dma_wait3A_67 = arith.constant 0 : i32
        %dma_wait3A_68 = tpu.memref_slice %arg7[%dma_wait3A, %dma_wait3A_67] : memref<312x128xf32, #tpu.memory_space<vmem>> -> memref<16x128xf32, #tpu.memory_space<vmem>>
        %dma_wait3A_69 = arith.constant 4992 : i32
        %dma_wait3A_70 = arith.constant 0 : i32
        %dma_wait3A_71 = tpu.memref_slice %arg8[%dma_wait3A_69, %dma_wait3A_70] : memref<5008x128xf32, #tpu.memory_space<vmem_shared>> -> memref<16x128xf32, #tpu.memory_space<vmem_shared>>
        %dma_wait3A_72 = arith.constant 4992 : i32
        %dma_wait3A_73 = arith.constant 0 : i32
        %dma_wait3A_74 = tpu.memref_slice %arg8[%dma_wait3A_72, %dma_wait3A_73] : memref<5008x128xf32, #tpu.memory_space<vmem_shared>> -> memref<16x128xf32, #tpu.memory_space<vmem_shared>>
        %dma_wait3A_75 = arith.constant 0 : i32
        %dma_wait3A_76 = arith.constant 0 : i32
        %dma_wait3A_77 = tpu.memref_slice %arg7[%dma_wait3A_75, %dma_wait3A_76] : memref<312x128xf32, #tpu.memory_space<vmem>> -> memref<16x128xf32, #tpu.memory_space<vmem>>
        tpu.wait_dma2 semaphore(%run_scoped3A : memref<!tpu.dma_semaphore, #tpu.memory_space<semaphore_mem>>) src(%dma_wait3A_77 : memref<16x128xf32, #tpu.memory_space<vmem>>) dst(%dma_wait3A_74 : memref<16x128xf32, #tpu.memory_space<vmem_shared>>)
        tpu.yield
      }) : () -> ()
    } else {
    }
    %mul3A_19 = arith.constant 20000 : i32
    %mul3A_20 = arith.muli %arg1, %mul3A_19 : i32
    %jit3A = arith.constant 128 : i32
    %div3A = arith.divsi %mul3A_20, %jit3A : i32
    %sign3A = arith.constant 0 : i32
    %sign3A_21 = arith.cmpi sgt, %mul3A_20, %sign3A : i32
    %sign3A_22 = arith.extui %sign3A_21 : i1 to i32
    %sign3A_23 = arith.constant 0 : i32
    %sign3A_24 = arith.cmpi slt, %mul3A_20, %sign3A_23 : i32
    %sign3A_25 = arith.extui %sign3A_24 : i1 to i32
    %sign3A_26 = arith.subi %sign3A_22, %sign3A_25 : i32
    %sign3A_27 = arith.constant 0 : i32
    %sign3A_28 = arith.cmpi sgt, %jit3A, %sign3A_27 : i32
    %sign3A_29 = arith.extui %sign3A_28 : i1 to i32
    %sign3A_30 = arith.constant 0 : i32
    %sign3A_31 = arith.cmpi slt, %jit3A, %sign3A_30 : i32
    %sign3A_32 = arith.extui %sign3A_31 : i1 to i32
    %sign3A_33 = arith.subi %sign3A_29, %sign3A_32 : i32
    %ne3A = arith.cmpi ne, %sign3A_26, %sign3A_33 : i32
    %rem3A = arith.remsi %mul3A_20, %jit3A : i32
    %ne3A_34 = arith.constant 0 : i32
    %ne3A_35 = arith.cmpi ne, %rem3A, %ne3A_34 : i32
    %and3A = arith.andi %ne3A, %ne3A_35 : i1
    %sub3A = arith.constant 1 : i32
    %sub3A_36 = arith.subi %div3A, %sub3A : i32
    %select_n3A = arith.select %and3A, %sub3A_36, %div3A : i32
    %mul3A_37 = arith.constant 128 : i32
    %mul3A_38 = arith.muli %select_n3A, %mul3A_37 : i32
    %mul3A_39 = arith.constant 20000 : i32
    %mul3A_40 = arith.muli %arg1, %mul3A_39 : i32
    %sub3A_41 = arith.subi %mul3A_40, %mul3A_38 : i32
    "tpu.region"() ({
      %run_scoped3A = tpu.sem_alloc : memref<!tpu.dma_semaphore, #tpu.memory_space<semaphore_mem>>
      %dma_start3A = tpu.memref_slice %arg2[%mul3A_38] : memref<320000xi32, #tpu.memory_space<hbm>> -> memref<20096xi32, #tpu.memory_space<hbm>>
      %dma_start3A_56 = tpu.memref_slice %arg2[%mul3A_38] : memref<320000xi32, #tpu.memory_space<hbm>> -> memref<20096xi32, #tpu.memory_space<hbm>>
      tpu.enqueue_dma source(%dma_start3A_56 : memref<20096xi32, #tpu.memory_space<hbm>>) target(%arg4 : memref<20096xi32, #tpu.memory_space<vmem>>) target_semaphore(%run_scoped3A : memref<!tpu.dma_semaphore, #tpu.memory_space<semaphore_mem>>)
      %dma_wait3A = tpu.memref_slice %arg2[%mul3A_38] : memref<320000xi32, #tpu.memory_space<hbm>> -> memref<20096xi32, #tpu.memory_space<hbm>>
      %dma_wait3A_57 = tpu.memref_slice %arg2[%mul3A_38] : memref<320000xi32, #tpu.memory_space<hbm>> -> memref<20096xi32, #tpu.memory_space<hbm>>
      tpu.wait_dma2 semaphore(%run_scoped3A : memref<!tpu.dma_semaphore, #tpu.memory_space<semaphore_mem>>) src(%dma_wait3A_57 : memref<20096xi32, #tpu.memory_space<hbm>>) dst(%arg4 : memref<20096xi32, #tpu.memory_space<vmem>>)
      tpu.yield
    }) : () -> ()
    %barrier3A = arith.constant 0 : index
    tpu.barrier barrier_id(%barrier3A)
    %scan3A_42 = arith.constant 0 : i32
    %scan3A_43 = arith.constant 0 : i32
    %scan3A_44 = arith.constant 627 : i32
    %scan3A_45 = arith.addi %scan3A_43, %scan3A_44 : i32
    %scan3A_46 = arith.constant 1 : i32
    scf.for %scan3A_56 = %scan3A_43 to %scan3A_45 step %scan3A_46  : i32 {
      %ge3A = arith.constant 2 : i32
      %ge3A_57 = arith.cmpi sge, %scan3A_56, %ge3A : i32
      %convert_element_type3A_58 = arith.extui %ge3A_57 : i1 to i32
      %cond3A_59 = arith.constant 0 : i32
      %cond3A_60 = arith.cmpi ne, %convert_element_type3A_58, %cond3A_59 : i32
      scf.if %cond3A_60 {
        %and3A_65 = arith.constant 1 : i32
        %and3A_66 = arith.andi %scan3A_56, %and3A_65 : i32
        %dma_wait3A = arith.constant 0 : i32
        %dma_wait3A_67 = tpu.memref_slice %arg5[%and3A_66, %dma_wait3A] : memref<2x32xi32, #tpu.memory_space<vmem>> -> memref<1x32xi32, #tpu.memory_space<vmem>>
        %dma_wait3A_68 = tpu.memref_squeeze %dma_wait3A_67 : memref<1x32xi32, #tpu.memory_space<vmem>> -> memref<32xi32, #tpu.memory_space<vmem>>
        %dma_wait3A_69 = arith.constant 0 : i32
        %dma_wait3A_70 = arith.constant 0 : i32
        %dma_wait3A_71 = tpu.memref_slice %arg8[%dma_wait3A_69, %dma_wait3A_70] : memref<5008x128xf32, #tpu.memory_space<vmem_shared>> -> memref<5008x128xf32, #tpu.memory_space<vmem_shared>>
        tpu.wait_indirect_dma semaphore(%arg9 : memref<!tpu.dma_semaphore, #tpu.memory_space<semaphore_mem>>) src(%arg6 : memref<32x128xf32, #tpu.memory_space<vmem>>) dst(%dma_wait3A_71 : memref<5008x128xf32, #tpu.memory_space<vmem_shared>>)
      } else {
      }
      %lt3A = arith.constant 625 : i32
      %lt3A_61 = arith.cmpi slt, %scan3A_56, %lt3A : i32
      %convert_element_type3A_62 = arith.extui %lt3A_61 : i1 to i32
      %cond3A_63 = arith.constant 0 : i32
      %cond3A_64 = arith.cmpi ne, %convert_element_type3A_62, %cond3A_63 : i32
      scf.if %cond3A_64 {
        %mul3A_65 = arith.constant 32 : i32
        %mul3A_66 = arith.muli %scan3A_56, %mul3A_65 : i32
        %add3A = arith.addi %sub3A_41, %mul3A_66 : i32
        %add3A_67 = arith.constant 0 : i32
        %add3A_68 = arith.addi %add3A, %add3A_67 : i32
        %get3A = arith.index_cast %add3A_68 : i32 to index
        %get3A_69 = tpu.vector_load %arg4[%get3A] {strides = array<i32>} : memref<20096xi32, #tpu.memory_space<vmem>>, vector<16xi32>,
        %get3A_70 = vector.shape_cast %get3A_69 : vector<16xi32> to vector<16xi32>
        %sub3A_71 = vector.broadcast %mul3A_3 : i32 to vector<16xi32>
        %sub3A_72 = arith.subi %get3A_70, %sub3A_71 : vector<16xi32>
        %ge3A_73 = arith.constant 0 : i32
        %ge3A_74 = vector.broadcast %ge3A_73 : i32 to vector<16xi32>
        %ge3A_75 = arith.cmpi sge, %sub3A_72, %ge3A_74 : vector<16xi32>
        %lt3A_76 = arith.constant 5000 : i32
        %lt3A_77 = vector.broadcast %lt3A_76 : i32 to vector<16xi32>
        %lt3A_78 = arith.cmpi slt, %sub3A_72, %lt3A_77 : vector<16xi32>
        %and3A_79 = arith.andi %ge3A_75, %lt3A_78 : vector<16xi1>
        %and3A_80 = arith.constant 7 : i32
        %and3A_81 = vector.broadcast %and3A_80 : i32 to vector<16xi32>
        %and3A_82 = arith.andi %get3A_70, %and3A_81 : vector<16xi32>
        %add3A_83 = arith.constant 5000 : i32
        %add3A_84 = vector.broadcast %add3A_83 : i32 to vector<16xi32>
        %add3A_85 = arith.addi %add3A_84, %and3A_82 : vector<16xi32>
        %select_n3A_86 = arith.select %and3A_79, %sub3A_72, %add3A_85 : vector<16xi1>, vector<16xi32>
        %and3A_87 = arith.constant 1 : i32
        %and3A_88 = arith.andi %scan3A_56, %and3A_87 : i32
        %swap3A = arith.index_cast %and3A_88 : i32 to index
        %swap3A_89 = arith.constant 0 : index
        %swap3A_90 = tpu.vector_load %arg5[%swap3A, %swap3A_89] {strides = array<i32>} : memref<2x32xi32, #tpu.memory_space<vmem>>, vector<1x16xi32>,
        %swap3A_91 = vector.shape_cast %swap3A_90 : vector<1x16xi32> to vector<16xi32>
        %swap3A_92 = vector.shape_cast %select_n3A_86 : vector<16xi32> to vector<1x16xi32>
        tpu.vector_store %arg5[%swap3A, %swap3A_89], %swap3A_92 {strides = array<i32>} : memref<2x32xi32, #tpu.memory_space<vmem>>, vector<1x16xi32>,
        %mul3A_93 = arith.constant 32 : i32
        %mul3A_94 = arith.muli %scan3A_56, %mul3A_93 : i32
        %add3A_95 = arith.addi %sub3A_41, %mul3A_94 : i32
        %add3A_96 = arith.constant 16 : i32
        %add3A_97 = arith.addi %add3A_95, %add3A_96 : i32
        %get3A_98 = arith.index_cast %add3A_97 : i32 to index
        %get3A_99 = tpu.vector_load %arg4[%get3A_98] {strides = array<i32>} : memref<20096xi32, #tpu.memory_space<vmem>>, vector<16xi32>,
        %get3A_100 = vector.shape_cast %get3A_99 : vector<16xi32> to vector<16xi32>
        %sub3A_101 = vector.broadcast %mul3A_3 : i32 to vector<16xi32>
        %sub3A_102 = arith.subi %get3A_100, %sub3A_101 : vector<16xi32>
        %ge3A_103 = arith.constant 0 : i32
        %ge3A_104 = vector.broadcast %ge3A_103 : i32 to vector<16xi32>
        %ge3A_105 = arith.cmpi sge, %sub3A_102, %ge3A_104 : vector<16xi32>
        %lt3A_106 = arith.constant 5000 : i32
        %lt3A_107 = vector.broadcast %lt3A_106 : i32 to vector<16xi32>
        %lt3A_108 = arith.cmpi slt, %sub3A_102, %lt3A_107 : vector<16xi32>
        %and3A_109 = arith.andi %ge3A_105, %lt3A_108 : vector<16xi1>
        %and3A_110 = arith.constant 7 : i32
        %and3A_111 = vector.broadcast %and3A_110 : i32 to vector<16xi32>
        %and3A_112 = arith.andi %get3A_100, %and3A_111 : vector<16xi32>
        %add3A_113 = arith.constant 5000 : i32
        %add3A_114 = vector.broadcast %add3A_113 : i32 to vector<16xi32>
        %add3A_115 = arith.addi %add3A_114, %and3A_112 : vector<16xi32>
        %select_n3A_116 = arith.select %and3A_109, %sub3A_102, %add3A_115 : vector<16xi1>, vector<16xi32>
        %and3A_117 = arith.constant 1 : i32
        %and3A_118 = arith.andi %scan3A_56, %and3A_117 : i32
        %swap3A_119 = arith.index_cast %and3A_118 : i32 to index
        %swap3A_120 = arith.constant 16 : index
        %swap3A_121 = tpu.vector_load %arg5[%swap3A_119, %swap3A_120] {strides = array<i32>} : memref<2x32xi32, #tpu.memory_space<vmem>>, vector<1x16xi32>,
        %swap3A_122 = vector.shape_cast %swap3A_121 : vector<1x16xi32> to vector<16xi32>
        %swap3A_123 = vector.shape_cast %select_n3A_116 : vector<16xi32> to vector<1x16xi32>
        tpu.vector_store %arg5[%swap3A_119, %swap3A_120], %swap3A_123 {strides = array<i32>} : memref<2x32xi32, #tpu.memory_space<vmem>>, vector<1x16xi32>,
        %and3A_124 = arith.constant 1 : i32
        %and3A_125 = arith.andi %scan3A_56, %and3A_124 : i32
        %dma_start3A = arith.constant 0 : i32
        %dma_start3A_126 = tpu.memref_slice %arg5[%and3A_125, %dma_start3A] : memref<2x32xi32, #tpu.memory_space<vmem>> -> memref<1x32xi32, #tpu.memory_space<vmem>>
        %dma_start3A_127 = tpu.memref_squeeze %dma_start3A_126 : memref<1x32xi32, #tpu.memory_space<vmem>> -> memref<32xi32, #tpu.memory_space<vmem>>
        %dma_start3A_128 = arith.constant 0 : i32
        %dma_start3A_129 = arith.constant 0 : i32
        %dma_start3A_130 = tpu.memref_slice %arg8[%dma_start3A_128, %dma_start3A_129] : memref<5008x128xf32, #tpu.memory_space<vmem_shared>> -> memref<5008x128xf32, #tpu.memory_space<vmem_shared>>
        tpu.enqueue_indirect_dma source(%arg6 : memref<32x128xf32, #tpu.memory_space<vmem>>) target(%dma_start3A_130 : memref<5008x128xf32, #tpu.memory_space<vmem_shared>>) offsets(%dma_start3A_127 : memref<32xi32, #tpu.memory_space<vmem>>) semaphore(%arg9 : memref<!tpu.dma_semaphore, #tpu.memory_space<semaphore_mem>>) {add = true}
      } else {
      }
    }
    %scan3A_47 = arith.constant 627 : i32
    %barrier3A_48 = arith.constant 0 : index
    tpu.barrier barrier_id(%barrier3A_48)
    %mul3A_49 = arith.constant 312 : i32
    %mul3A_50 = arith.muli %arg1, %mul3A_49 : i32
    "tpu.region"() ({
      %run_scoped3A = tpu.sem_alloc : memref<!tpu.dma_semaphore, #tpu.memory_space<semaphore_mem>>
      %dma_start3A = arith.constant 0 : i32
      %dma_start3A_56 = tpu.memref_slice %arg3[%arg0, %mul3A_50, %dma_start3A] : memref<2x5000x128xf32, #tpu.memory_space<hbm>> -> memref<1x312x128xf32, #tpu.memory_space<hbm>>
      %dma_start3A_57 = tpu.memref_squeeze %dma_start3A_56 : memref<1x312x128xf32, #tpu.memory_space<hbm>> -> memref<312x128xf32, #tpu.memory_space<hbm>>
      %dma_start3A_58 = arith.constant 0 : i32
      %dma_start3A_59 = tpu.memref_slice %arg8[%mul3A_50, %dma_start3A_58] : memref<5008x128xf32, #tpu.memory_space<vmem_shared>> -> memref<312x128xf32, #tpu.memory_space<vmem_shared>>
      tpu.enqueue_dma source(%dma_start3A_59 : memref<312x128xf32, #tpu.memory_space<vmem_shared>>) target(%dma_start3A_57 : memref<312x128xf32, #tpu.memory_space<hbm>>) target_semaphore(%run_scoped3A : memref<!tpu.dma_semaphore, #tpu.memory_space<semaphore_mem>>)
      %dma_wait3A = arith.constant 0 : i32
      %dma_wait3A_60 = tpu.memref_slice %arg3[%arg0, %mul3A_50, %dma_wait3A] : memref<2x5000x128xf32, #tpu.memory_space<hbm>> -> memref<1x312x128xf32, #tpu.memory_space<hbm>>
      %dma_wait3A_61 = tpu.memref_squeeze %dma_wait3A_60 : memref<1x312x128xf32, #tpu.memory_space<hbm>> -> memref<312x128xf32, #tpu.memory_space<hbm>>
      %dma_wait3A_62 = arith.constant 0 : i32
      %dma_wait3A_63 = tpu.memref_slice %arg8[%mul3A_50, %dma_wait3A_62] : memref<5008x128xf32, #tpu.memory_space<vmem_shared>> -> memref<312x128xf32, #tpu.memory_space<vmem_shared>>
      tpu.wait_dma2 semaphore(%run_scoped3A : memref<!tpu.dma_semaphore, #tpu.memory_space<semaphore_mem>>) src(%dma_wait3A_63 : memref<312x128xf32, #tpu.memory_space<vmem_shared>>) dst(%dma_wait3A_61 : memref<312x128xf32, #tpu.memory_space<hbm>>)
      tpu.yield
    }) : () -> ()
    %eq3A_51 = arith.constant 0 : i32
    %eq3A_52 = arith.cmpi eq, %arg1, %eq3A_51 : i32
    %convert_element_type3A_53 = arith.extui %eq3A_52 : i1 to i32
    %cond3A_54 = arith.constant 0 : i32
    %cond3A_55 = arith.cmpi ne, %convert_element_type3A_53, %cond3A_54 : i32
    scf.if %cond3A_55 {
      "tpu.region"() ({
        %run_scoped3A = tpu.sem_alloc : memref<!tpu.dma_semaphore, #tpu.memory_space<semaphore_mem>>
        %dma_start3A = arith.constant 4992 : i32
        %dma_start3A_56 = arith.constant 0 : i32
        %dma_start3A_57 = tpu.memref_slice %arg3[%arg0, %dma_start3A, %dma_start3A_56] : memref<2x5000x128xf32, #tpu.memory_space<hbm>> -> memref<1x8x128xf32, #tpu.memory_space<hbm>>
        %dma_start3A_58 = tpu.memref_squeeze %dma_start3A_57 : memref<1x8x128xf32, #tpu.memory_space<hbm>> -> memref<8x128xf32, #tpu.memory_space<hbm>>
        %dma_start3A_59 = arith.constant 4992 : i32
        %dma_start3A_60 = arith.constant 0 : i32
        %dma_start3A_61 = tpu.memref_slice %arg8[%dma_start3A_59, %dma_start3A_60] : memref<5008x128xf32, #tpu.memory_space<vmem_shared>> -> memref<8x128xf32, #tpu.memory_space<vmem_shared>>
        tpu.enqueue_dma source(%dma_start3A_61 : memref<8x128xf32, #tpu.memory_space<vmem_shared>>) target(%dma_start3A_58 : memref<8x128xf32, #tpu.memory_space<hbm>>) target_semaphore(%run_scoped3A : memref<!tpu.dma_semaphore, #tpu.memory_space<semaphore_mem>>)
        %dma_wait3A = arith.constant 4992 : i32
        %dma_wait3A_62 = arith.constant 0 : i32
        %dma_wait3A_63 = tpu.memref_slice %arg3[%arg0, %dma_wait3A, %dma_wait3A_62] : memref<2x5000x128xf32, #tpu.memory_space<hbm>> -> memref<1x8x128xf32, #tpu.memory_space<hbm>>
        %dma_wait3A_64 = tpu.memref_squeeze %dma_wait3A_63 : memref<1x8x128xf32, #tpu.memory_space<hbm>> -> memref<8x128xf32, #tpu.memory_space<hbm>>
        %dma_wait3A_65 = arith.constant 4992 : i32
        %dma_wait3A_66 = arith.constant 0 : i32
        %dma_wait3A_67 = tpu.memref_slice %arg8[%dma_wait3A_65, %dma_wait3A_66] : memref<5008x128xf32, #tpu.memory_space<vmem_shared>> -> memref<8x128xf32, #tpu.memory_space<vmem_shared>>
        tpu.wait_dma2 semaphore(%run_scoped3A : memref<!tpu.dma_semaphore, #tpu.memory_space<semaphore_mem>>) src(%dma_wait3A_67 : memref<8x128xf32, #tpu.memory_space<vmem_shared>>) dst(%dma_wait3A_64 : memref<8x128xf32, #tpu.memory_space<hbm>>)
        tpu.yield
      }) : () -> ()
    } else {
    }
    return
  }
}

#map = affine_map<(d0, d1) -> (0, 0)>
#map1 = affine_map<(d0, d1) -> (0)>
#map2 = affine_map<(d0, d1) -> (0, 0, 0)>
module attributes {stable_mosaic.version = 14 : i64} {
  func.func @body(%arg0: i32, %arg1: i32, %arg2: memref<10000x128xf32, #tpu.memory_space<hbm>>, %arg3: memref<320000xi32, #tpu.memory_space<hbm>>, %arg4: memref<320000xi32, #tpu.memory_space<hbm>>, %arg5: memref<2x5000x128xf32, #tpu.memory_space<hbm>>, %arg6: memref<20096xi32, #tpu.memory_space<vmem>>, %arg7: memref<20096xi32, #tpu.memory_space<vmem>>, %arg8: memref<2x32xi32, #tpu.memory_space<vmem>>, %arg9: memref<2x32x128xf32, #tpu.memory_space<vmem>>, %arg10: memref<312x128xf32, #tpu.memory_space<vmem>>, %arg11: memref<5008x128xf32, #tpu.memory_space<vmem_shared>>, %arg12: memref<!tpu.dma_semaphore, #tpu.memory_space<semaphore_mem>>, %arg13: memref<!tpu.dma_semaphore, #tpu.memory_space<semaphore_mem>>) attributes {dimension_semantics = [#tpu.dimension_semantics<core_parallel>, #tpu.dimension_semantics<subcore_parallel>], iteration_bounds = array<i64: 2, 16>, scalar_prefetch = 0 : i64, scratch_operands = 8 : i64, tpu.core_type = #tpu.core_type<sc_vector_subcore>, window_params = [{transform_indices = #map}, {transform_indices = #map1}, {transform_indices = #map1}, {transform_indices = #map2}]} {
    %broadcast_in_dim3A = arith.constant 0.000000e+00 : f32
    %broadcast_in_dim3A_0 = vector.broadcast %broadcast_in_dim3A : f32 to vector<16xf32>
    %mul3A = arith.constant 5000 : i32
    %mul3A_1 = arith.muli %arg0, %mul3A : i32
    %scan3A = arith.constant 0 : i32
    %scan3A_2 = arith.constant 0 : i32
    %scan3A_3 = arith.constant 312 : i32
    %scan3A_4 = arith.addi %scan3A_2, %scan3A_3 : i32
    %scan3A_5 = arith.constant 1 : i32
    scf.for %scan3A_48 = %scan3A_2 to %scan3A_4 step %scan3A_5  : i32 {
      %swap3A = arith.index_cast %scan3A_48 : i32 to index
      %swap3A_49 = arith.constant 0 : index
      %swap3A_50 = tpu.vector_load %arg10[%swap3A, %swap3A_49] {strides = array<i32>} : memref<312x128xf32, #tpu.memory_space<vmem>>, vector<1x16xf32>,
      %swap3A_51 = vector.shape_cast %swap3A_50 : vector<1x16xf32> to vector<16xf32>
      %swap3A_52 = vector.shape_cast %broadcast_in_dim3A_0 : vector<16xf32> to vector<1x16xf32>
      tpu.vector_store %arg10[%swap3A, %swap3A_49], %swap3A_52 {strides = array<i32>} : memref<312x128xf32, #tpu.memory_space<vmem>>, vector<1x16xf32>,
      %swap3A_53 = arith.index_cast %scan3A_48 : i32 to index
      %swap3A_54 = arith.constant 16 : index
      %swap3A_55 = tpu.vector_load %arg10[%swap3A_53, %swap3A_54] {strides = array<i32>} : memref<312x128xf32, #tpu.memory_space<vmem>>, vector<1x16xf32>,
      %swap3A_56 = vector.shape_cast %swap3A_55 : vector<1x16xf32> to vector<16xf32>
      %swap3A_57 = vector.shape_cast %broadcast_in_dim3A_0 : vector<16xf32> to vector<1x16xf32>
      tpu.vector_store %arg10[%swap3A_53, %swap3A_54], %swap3A_57 {strides = array<i32>} : memref<312x128xf32, #tpu.memory_space<vmem>>, vector<1x16xf32>,
      %swap3A_58 = arith.index_cast %scan3A_48 : i32 to index
      %swap3A_59 = arith.constant 32 : index
      %swap3A_60 = tpu.vector_load %arg10[%swap3A_58, %swap3A_59] {strides = array<i32>} : memref<312x128xf32, #tpu.memory_space<vmem>>, vector<1x16xf32>,
      %swap3A_61 = vector.shape_cast %swap3A_60 : vector<1x16xf32> to vector<16xf32>
      %swap3A_62 = vector.shape_cast %broadcast_in_dim3A_0 : vector<16xf32> to vector<1x16xf32>
      tpu.vector_store %arg10[%swap3A_58, %swap3A_59], %swap3A_62 {strides = array<i32>} : memref<312x128xf32, #tpu.memory_space<vmem>>, vector<1x16xf32>,
      %swap3A_63 = arith.index_cast %scan3A_48 : i32 to index
      %swap3A_64 = arith.constant 48 : index
      %swap3A_65 = tpu.vector_load %arg10[%swap3A_63, %swap3A_64] {strides = array<i32>} : memref<312x128xf32, #tpu.memory_space<vmem>>, vector<1x16xf32>,
      %swap3A_66 = vector.shape_cast %swap3A_65 : vector<1x16xf32> to vector<16xf32>
      %swap3A_67 = vector.shape_cast %broadcast_in_dim3A_0 : vector<16xf32> to vector<1x16xf32>
      tpu.vector_store %arg10[%swap3A_63, %swap3A_64], %swap3A_67 {strides = array<i32>} : memref<312x128xf32, #tpu.memory_space<vmem>>, vector<1x16xf32>,
      %swap3A_68 = arith.index_cast %scan3A_48 : i32 to index
      %swap3A_69 = arith.constant 64 : index
      %swap3A_70 = tpu.vector_load %arg10[%swap3A_68, %swap3A_69] {strides = array<i32>} : memref<312x128xf32, #tpu.memory_space<vmem>>, vector<1x16xf32>,
      %swap3A_71 = vector.shape_cast %swap3A_70 : vector<1x16xf32> to vector<16xf32>
      %swap3A_72 = vector.shape_cast %broadcast_in_dim3A_0 : vector<16xf32> to vector<1x16xf32>
      tpu.vector_store %arg10[%swap3A_68, %swap3A_69], %swap3A_72 {strides = array<i32>} : memref<312x128xf32, #tpu.memory_space<vmem>>, vector<1x16xf32>,
      %swap3A_73 = arith.index_cast %scan3A_48 : i32 to index
      %swap3A_74 = arith.constant 80 : index
      %swap3A_75 = tpu.vector_load %arg10[%swap3A_73, %swap3A_74] {strides = array<i32>} : memref<312x128xf32, #tpu.memory_space<vmem>>, vector<1x16xf32>,
      %swap3A_76 = vector.shape_cast %swap3A_75 : vector<1x16xf32> to vector<16xf32>
      %swap3A_77 = vector.shape_cast %broadcast_in_dim3A_0 : vector<16xf32> to vector<1x16xf32>
      tpu.vector_store %arg10[%swap3A_73, %swap3A_74], %swap3A_77 {strides = array<i32>} : memref<312x128xf32, #tpu.memory_space<vmem>>, vector<1x16xf32>,
      %swap3A_78 = arith.index_cast %scan3A_48 : i32 to index
      %swap3A_79 = arith.constant 96 : index
      %swap3A_80 = tpu.vector_load %arg10[%swap3A_78, %swap3A_79] {strides = array<i32>} : memref<312x128xf32, #tpu.memory_space<vmem>>, vector<1x16xf32>,
      %swap3A_81 = vector.shape_cast %swap3A_80 : vector<1x16xf32> to vector<16xf32>
      %swap3A_82 = vector.shape_cast %broadcast_in_dim3A_0 : vector<16xf32> to vector<1x16xf32>
      tpu.vector_store %arg10[%swap3A_78, %swap3A_79], %swap3A_82 {strides = array<i32>} : memref<312x128xf32, #tpu.memory_space<vmem>>, vector<1x16xf32>,
      %swap3A_83 = arith.index_cast %scan3A_48 : i32 to index
      %swap3A_84 = arith.constant 112 : index
      %swap3A_85 = tpu.vector_load %arg10[%swap3A_83, %swap3A_84] {strides = array<i32>} : memref<312x128xf32, #tpu.memory_space<vmem>>, vector<1x16xf32>,
      %swap3A_86 = vector.shape_cast %swap3A_85 : vector<1x16xf32> to vector<16xf32>
      %swap3A_87 = vector.shape_cast %broadcast_in_dim3A_0 : vector<16xf32> to vector<1x16xf32>
      tpu.vector_store %arg10[%swap3A_83, %swap3A_84], %swap3A_87 {strides = array<i32>} : memref<312x128xf32, #tpu.memory_space<vmem>>, vector<1x16xf32>,
    }
    %scan3A_6 = arith.constant 312 : i32
    %mul3A_7 = arith.constant 312 : i32
    %mul3A_8 = arith.muli %arg1, %mul3A_7 : i32
    "tpu.region"() ({
      %run_scoped3A = tpu.sem_alloc : memref<!tpu.dma_semaphore, #tpu.memory_space<semaphore_mem>>
      %dma_start3A = arith.constant 0 : i32
      %dma_start3A_48 = tpu.memref_slice %arg11[%mul3A_8, %dma_start3A] : memref<5008x128xf32, #tpu.memory_space<vmem_shared>> -> memref<312x128xf32, #tpu.memory_space<vmem_shared>>
      %dma_start3A_49 = arith.constant 0 : i32
      %dma_start3A_50 = tpu.memref_slice %arg11[%mul3A_8, %dma_start3A_49] : memref<5008x128xf32, #tpu.memory_space<vmem_shared>> -> memref<312x128xf32, #tpu.memory_space<vmem_shared>>
      tpu.enqueue_dma source(%arg10 : memref<312x128xf32, #tpu.memory_space<vmem>>) target(%dma_start3A_50 : memref<312x128xf32, #tpu.memory_space<vmem_shared>>) target_semaphore(%run_scoped3A : memref<!tpu.dma_semaphore, #tpu.memory_space<semaphore_mem>>)
      %dma_wait3A = arith.constant 0 : i32
      %dma_wait3A_51 = tpu.memref_slice %arg11[%mul3A_8, %dma_wait3A] : memref<5008x128xf32, #tpu.memory_space<vmem_shared>> -> memref<312x128xf32, #tpu.memory_space<vmem_shared>>
      %dma_wait3A_52 = arith.constant 0 : i32
      %dma_wait3A_53 = tpu.memref_slice %arg11[%mul3A_8, %dma_wait3A_52] : memref<5008x128xf32, #tpu.memory_space<vmem_shared>> -> memref<312x128xf32, #tpu.memory_space<vmem_shared>>
      tpu.wait_dma2 semaphore(%run_scoped3A : memref<!tpu.dma_semaphore, #tpu.memory_space<semaphore_mem>>) src(%arg10 : memref<312x128xf32, #tpu.memory_space<vmem>>) dst(%dma_wait3A_53 : memref<312x128xf32, #tpu.memory_space<vmem_shared>>)
      tpu.yield
    }) : () -> ()
    %eq3A = arith.constant 0 : i32
    %eq3A_9 = arith.cmpi eq, %arg1, %eq3A : i32
    %convert_element_type3A = arith.extui %eq3A_9 : i1 to i32
    %cond3A = arith.constant 0 : i32
    %cond3A_10 = arith.cmpi ne, %convert_element_type3A, %cond3A : i32
    scf.if %cond3A_10 {
      "tpu.region"() ({
        %run_scoped3A = tpu.sem_alloc : memref<!tpu.dma_semaphore, #tpu.memory_space<semaphore_mem>>
        %dma_start3A = arith.constant 0 : i32
        %dma_start3A_48 = arith.constant 0 : i32
        %dma_start3A_49 = tpu.memref_slice %arg10[%dma_start3A, %dma_start3A_48] : memref<312x128xf32, #tpu.memory_space<vmem>> -> memref<16x128xf32, #tpu.memory_space<vmem>>
        %dma_start3A_50 = arith.constant 4992 : i32
        %dma_start3A_51 = arith.constant 0 : i32
        %dma_start3A_52 = tpu.memref_slice %arg11[%dma_start3A_50, %dma_start3A_51] : memref<5008x128xf32, #tpu.memory_space<vmem_shared>> -> memref<16x128xf32, #tpu.memory_space<vmem_shared>>
        %dma_start3A_53 = arith.constant 4992 : i32
        %dma_start3A_54 = arith.constant 0 : i32
        %dma_start3A_55 = tpu.memref_slice %arg11[%dma_start3A_53, %dma_start3A_54] : memref<5008x128xf32, #tpu.memory_space<vmem_shared>> -> memref<16x128xf32, #tpu.memory_space<vmem_shared>>
        %dma_start3A_56 = arith.constant 0 : i32
        %dma_start3A_57 = arith.constant 0 : i32
        %dma_start3A_58 = tpu.memref_slice %arg10[%dma_start3A_56, %dma_start3A_57] : memref<312x128xf32, #tpu.memory_space<vmem>> -> memref<16x128xf32, #tpu.memory_space<vmem>>
        tpu.enqueue_dma source(%dma_start3A_58 : memref<16x128xf32, #tpu.memory_space<vmem>>) target(%dma_start3A_55 : memref<16x128xf32, #tpu.memory_space<vmem_shared>>) target_semaphore(%run_scoped3A : memref<!tpu.dma_semaphore, #tpu.memory_space<semaphore_mem>>)
        %dma_wait3A = arith.constant 0 : i32
        %dma_wait3A_59 = arith.constant 0 : i32
        %dma_wait3A_60 = tpu.memref_slice %arg10[%dma_wait3A, %dma_wait3A_59] : memref<312x128xf32, #tpu.memory_space<vmem>> -> memref<16x128xf32, #tpu.memory_space<vmem>>
        %dma_wait3A_61 = arith.constant 4992 : i32
        %dma_wait3A_62 = arith.constant 0 : i32
        %dma_wait3A_63 = tpu.memref_slice %arg11[%dma_wait3A_61, %dma_wait3A_62] : memref<5008x128xf32, #tpu.memory_space<vmem_shared>> -> memref<16x128xf32, #tpu.memory_space<vmem_shared>>
        %dma_wait3A_64 = arith.constant 4992 : i32
        %dma_wait3A_65 = arith.constant 0 : i32
        %dma_wait3A_66 = tpu.memref_slice %arg11[%dma_wait3A_64, %dma_wait3A_65] : memref<5008x128xf32, #tpu.memory_space<vmem_shared>> -> memref<16x128xf32, #tpu.memory_space<vmem_shared>>
        %dma_wait3A_67 = arith.constant 0 : i32
        %dma_wait3A_68 = arith.constant 0 : i32
        %dma_wait3A_69 = tpu.memref_slice %arg10[%dma_wait3A_67, %dma_wait3A_68] : memref<312x128xf32, #tpu.memory_space<vmem>> -> memref<16x128xf32, #tpu.memory_space<vmem>>
        tpu.wait_dma2 semaphore(%run_scoped3A : memref<!tpu.dma_semaphore, #tpu.memory_space<semaphore_mem>>) src(%dma_wait3A_69 : memref<16x128xf32, #tpu.memory_space<vmem>>) dst(%dma_wait3A_66 : memref<16x128xf32, #tpu.memory_space<vmem_shared>>)
        tpu.yield
      }) : () -> ()
    } else {
    }
    %mul3A_11 = arith.constant 20000 : i32
    %mul3A_12 = arith.muli %arg1, %mul3A_11 : i32
    %jit3A = arith.constant 128 : i32
    %div3A = arith.divsi %mul3A_12, %jit3A : i32
    %sign3A = arith.constant 0 : i32
    %sign3A_13 = arith.cmpi sgt, %mul3A_12, %sign3A : i32
    %sign3A_14 = arith.extui %sign3A_13 : i1 to i32
    %sign3A_15 = arith.constant 0 : i32
    %sign3A_16 = arith.cmpi slt, %mul3A_12, %sign3A_15 : i32
    %sign3A_17 = arith.extui %sign3A_16 : i1 to i32
    %sign3A_18 = arith.subi %sign3A_14, %sign3A_17 : i32
    %sign3A_19 = arith.constant 0 : i32
    %sign3A_20 = arith.cmpi sgt, %jit3A, %sign3A_19 : i32
    %sign3A_21 = arith.extui %sign3A_20 : i1 to i32
    %sign3A_22 = arith.constant 0 : i32
    %sign3A_23 = arith.cmpi slt, %jit3A, %sign3A_22 : i32
    %sign3A_24 = arith.extui %sign3A_23 : i1 to i32
    %sign3A_25 = arith.subi %sign3A_21, %sign3A_24 : i32
    %ne3A = arith.cmpi ne, %sign3A_18, %sign3A_25 : i32
    %rem3A = arith.remsi %mul3A_12, %jit3A : i32
    %ne3A_26 = arith.constant 0 : i32
    %ne3A_27 = arith.cmpi ne, %rem3A, %ne3A_26 : i32
    %and3A = arith.andi %ne3A, %ne3A_27 : i1
    %sub3A = arith.constant 1 : i32
    %sub3A_28 = arith.subi %div3A, %sub3A : i32
    %select_n3A = arith.select %and3A, %sub3A_28, %div3A : i32
    %mul3A_29 = arith.constant 128 : i32
    %mul3A_30 = arith.muli %select_n3A, %mul3A_29 : i32
    %mul3A_31 = arith.constant 20000 : i32
    %mul3A_32 = arith.muli %arg1, %mul3A_31 : i32
    %sub3A_33 = arith.subi %mul3A_32, %mul3A_30 : i32
    "tpu.region"() ({
      %run_scoped3A = tpu.sem_alloc : memref<!tpu.dma_semaphore, #tpu.memory_space<semaphore_mem>>
      %dma_start3A = tpu.memref_slice %arg3[%mul3A_30] : memref<320000xi32, #tpu.memory_space<hbm>> -> memref<20096xi32, #tpu.memory_space<hbm>>
      %dma_start3A_48 = tpu.memref_slice %arg3[%mul3A_30] : memref<320000xi32, #tpu.memory_space<hbm>> -> memref<20096xi32, #tpu.memory_space<hbm>>
      tpu.enqueue_dma source(%dma_start3A_48 : memref<20096xi32, #tpu.memory_space<hbm>>) target(%arg6 : memref<20096xi32, #tpu.memory_space<vmem>>) target_semaphore(%run_scoped3A : memref<!tpu.dma_semaphore, #tpu.memory_space<semaphore_mem>>)
      %dma_wait3A = tpu.memref_slice %arg3[%mul3A_30] : memref<320000xi32, #tpu.memory_space<hbm>> -> memref<20096xi32, #tpu.memory_space<hbm>>
      %dma_wait3A_49 = tpu.memref_slice %arg3[%mul3A_30] : memref<320000xi32, #tpu.memory_space<hbm>> -> memref<20096xi32, #tpu.memory_space<hbm>>
      tpu.wait_dma2 semaphore(%run_scoped3A : memref<!tpu.dma_semaphore, #tpu.memory_space<semaphore_mem>>) src(%dma_wait3A_49 : memref<20096xi32, #tpu.memory_space<hbm>>) dst(%arg6 : memref<20096xi32, #tpu.memory_space<vmem>>)
      tpu.yield
    }) : () -> ()
    "tpu.region"() ({
      %run_scoped3A = tpu.sem_alloc : memref<!tpu.dma_semaphore, #tpu.memory_space<semaphore_mem>>
      %dma_start3A = tpu.memref_slice %arg4[%mul3A_30] : memref<320000xi32, #tpu.memory_space<hbm>> -> memref<20096xi32, #tpu.memory_space<hbm>>
      %dma_start3A_48 = tpu.memref_slice %arg4[%mul3A_30] : memref<320000xi32, #tpu.memory_space<hbm>> -> memref<20096xi32, #tpu.memory_space<hbm>>
      tpu.enqueue_dma source(%dma_start3A_48 : memref<20096xi32, #tpu.memory_space<hbm>>) target(%arg7 : memref<20096xi32, #tpu.memory_space<vmem>>) target_semaphore(%run_scoped3A : memref<!tpu.dma_semaphore, #tpu.memory_space<semaphore_mem>>)
      %dma_wait3A = tpu.memref_slice %arg4[%mul3A_30] : memref<320000xi32, #tpu.memory_space<hbm>> -> memref<20096xi32, #tpu.memory_space<hbm>>
      %dma_wait3A_49 = tpu.memref_slice %arg4[%mul3A_30] : memref<320000xi32, #tpu.memory_space<hbm>> -> memref<20096xi32, #tpu.memory_space<hbm>>
      tpu.wait_dma2 semaphore(%run_scoped3A : memref<!tpu.dma_semaphore, #tpu.memory_space<semaphore_mem>>) src(%dma_wait3A_49 : memref<20096xi32, #tpu.memory_space<hbm>>) dst(%arg7 : memref<20096xi32, #tpu.memory_space<vmem>>)
      tpu.yield
    }) : () -> ()
    %barrier3A = arith.constant 0 : index
    tpu.barrier barrier_id(%barrier3A)
    %scan3A_34 = arith.constant 0 : i32
    %scan3A_35 = arith.constant 0 : i32
    %scan3A_36 = arith.constant 627 : i32
    %scan3A_37 = arith.addi %scan3A_35, %scan3A_36 : i32
    %scan3A_38 = arith.constant 1 : i32
    scf.for %scan3A_48 = %scan3A_35 to %scan3A_37 step %scan3A_38  : i32 {
      %ge3A = arith.constant 2 : i32
      %ge3A_49 = arith.cmpi sge, %scan3A_48, %ge3A : i32
      %convert_element_type3A_50 = arith.extui %ge3A_49 : i1 to i32
      %cond3A_51 = arith.constant 0 : i32
      %cond3A_52 = arith.cmpi ne, %convert_element_type3A_50, %cond3A_51 : i32
      scf.if %cond3A_52 {
        %and3A_64 = arith.constant 1 : i32
        %and3A_65 = arith.andi %scan3A_48, %and3A_64 : i32
        %sub3A_66 = arith.constant 2 : i32
        %sub3A_67 = arith.subi %scan3A_48, %sub3A_66 : i32
        %and3A_68 = arith.constant 1 : i32
        %and3A_69 = arith.andi %sub3A_67, %and3A_68 : i32
        %dma_wait3A = arith.constant 0 : i32
        %dma_wait3A_70 = arith.constant 0 : i32
        %dma_wait3A_71 = tpu.memref_slice %arg9[%and3A_65, %dma_wait3A, %dma_wait3A_70] : memref<2x32x128xf32, #tpu.memory_space<vmem>> -> memref<1x32x128xf32, #tpu.memory_space<vmem>>
        %dma_wait3A_72 = tpu.memref_squeeze %dma_wait3A_71 : memref<1x32x128xf32, #tpu.memory_space<vmem>> -> memref<32x128xf32, #tpu.memory_space<vmem>>
        %dma_wait3A_73 = arith.constant 0 : i32
        %dma_wait3A_74 = tpu.memref_slice %arg8[%and3A_69, %dma_wait3A_73] : memref<2x32xi32, #tpu.memory_space<vmem>> -> memref<1x32xi32, #tpu.memory_space<vmem>>
        %dma_wait3A_75 = tpu.memref_squeeze %dma_wait3A_74 : memref<1x32xi32, #tpu.memory_space<vmem>> -> memref<32xi32, #tpu.memory_space<vmem>>
        %dma_wait3A_76 = arith.constant 0 : i32
        %dma_wait3A_77 = arith.constant 0 : i32
        %dma_wait3A_78 = tpu.memref_slice %arg11[%dma_wait3A_76, %dma_wait3A_77] : memref<5008x128xf32, #tpu.memory_space<vmem_shared>> -> memref<5008x128xf32, #tpu.memory_space<vmem_shared>>
        tpu.wait_indirect_dma semaphore(%arg13 : memref<!tpu.dma_semaphore, #tpu.memory_space<semaphore_mem>>) src(%dma_wait3A_72 : memref<32x128xf32, #tpu.memory_space<vmem>>) dst(%dma_wait3A_78 : memref<5008x128xf32, #tpu.memory_space<vmem_shared>>)
      } else {
      }
      %lt3A = arith.constant 625 : i32
      %lt3A_53 = arith.cmpi slt, %scan3A_48, %lt3A : i32
      %convert_element_type3A_54 = arith.extui %lt3A_53 : i1 to i32
      %cond3A_55 = arith.constant 0 : i32
      %cond3A_56 = arith.cmpi ne, %convert_element_type3A_54, %cond3A_55 : i32
      scf.if %cond3A_56 {
        %mul3A_64 = arith.constant 32 : i32
        %mul3A_65 = arith.muli %scan3A_48, %mul3A_64 : i32
        %add3A = arith.addi %sub3A_33, %mul3A_65 : i32
        %and3A_66 = arith.constant 1 : i32
        %and3A_67 = arith.andi %scan3A_48, %and3A_66 : i32
        %dma_start3A = arith.constant 0 : i32
        %dma_start3A_68 = arith.constant 0 : i32
        %dma_start3A_69 = tpu.memref_slice %arg9[%and3A_67, %dma_start3A, %dma_start3A_68] : memref<2x32x128xf32, #tpu.memory_space<vmem>> -> memref<1x32x128xf32, #tpu.memory_space<vmem>>
        %dma_start3A_70 = tpu.memref_squeeze %dma_start3A_69 : memref<1x32x128xf32, #tpu.memory_space<vmem>> -> memref<32x128xf32, #tpu.memory_space<vmem>>
        %dma_start3A_71 = tpu.memref_slice %arg6[%add3A] : memref<20096xi32, #tpu.memory_space<vmem>> -> memref<32xi32, #tpu.memory_space<vmem>>
        %dma_start3A_72 = arith.constant 0 : i32
        %dma_start3A_73 = arith.constant 0 : i32
        %dma_start3A_74 = tpu.memref_slice %arg2[%dma_start3A_72, %dma_start3A_73] : memref<10000x128xf32, #tpu.memory_space<hbm>> -> memref<10000x128xf32, #tpu.memory_space<hbm>>
        tpu.enqueue_indirect_dma source(%dma_start3A_74 : memref<10000x128xf32, #tpu.memory_space<hbm>>) target(%dma_start3A_70 : memref<32x128xf32, #tpu.memory_space<vmem>>) offsets(%dma_start3A_71 : memref<32xi32, #tpu.memory_space<vmem>>) semaphore(%arg12 : memref<!tpu.dma_semaphore, #tpu.memory_space<semaphore_mem>>)
      } else {
      }
      %ge3A_57 = arith.constant 1 : i32
      %ge3A_58 = arith.cmpi sge, %scan3A_48, %ge3A_57 : i32
      %le3A = arith.constant 625 : i32
      %le3A_59 = arith.cmpi sle, %scan3A_48, %le3A : i32
      %and3A_60 = arith.andi %ge3A_58, %le3A_59 : i1
      %convert_element_type3A_61 = arith.extui %and3A_60 : i1 to i32
      %cond3A_62 = arith.constant 0 : i32
      %cond3A_63 = arith.cmpi ne, %convert_element_type3A_61, %cond3A_62 : i32
      scf.if %cond3A_63 {
        %sub3A_64 = arith.constant 1 : i32
        %sub3A_65 = arith.subi %scan3A_48, %sub3A_64 : i32
        %and3A_66 = arith.constant 1 : i32
        %and3A_67 = arith.andi %sub3A_65, %and3A_66 : i32
        %mul3A_68 = arith.constant 32 : i32
        %mul3A_69 = arith.muli %sub3A_65, %mul3A_68 : i32
        %add3A = arith.addi %sub3A_33, %mul3A_69 : i32
        %add3A_70 = arith.constant 0 : i32
        %add3A_71 = arith.addi %add3A, %add3A_70 : i32
        %get3A = arith.index_cast %add3A_71 : i32 to index
        %get3A_72 = tpu.vector_load %arg7[%get3A] {strides = array<i32>} : memref<20096xi32, #tpu.memory_space<vmem>>, vector<16xi32>,
        %get3A_73 = vector.shape_cast %get3A_72 : vector<16xi32> to vector<16xi32>
        %sub3A_74 = vector.broadcast %mul3A_1 : i32 to vector<16xi32>
        %sub3A_75 = arith.subi %get3A_73, %sub3A_74 : vector<16xi32>
        %ge3A_76 = arith.constant 0 : i32
        %ge3A_77 = vector.broadcast %ge3A_76 : i32 to vector<16xi32>
        %ge3A_78 = arith.cmpi sge, %sub3A_75, %ge3A_77 : vector<16xi32>
        %lt3A_79 = arith.constant 5000 : i32
        %lt3A_80 = vector.broadcast %lt3A_79 : i32 to vector<16xi32>
        %lt3A_81 = arith.cmpi slt, %sub3A_75, %lt3A_80 : vector<16xi32>
        %and3A_82 = arith.andi %ge3A_78, %lt3A_81 : vector<16xi1>
        %and3A_83 = arith.constant 7 : i32
        %and3A_84 = vector.broadcast %and3A_83 : i32 to vector<16xi32>
        %and3A_85 = arith.andi %get3A_73, %and3A_84 : vector<16xi32>
        %add3A_86 = arith.constant 5000 : i32
        %add3A_87 = vector.broadcast %add3A_86 : i32 to vector<16xi32>
        %add3A_88 = arith.addi %add3A_87, %and3A_85 : vector<16xi32>
        %select_n3A_89 = arith.select %and3A_82, %sub3A_75, %add3A_88 : vector<16xi1>, vector<16xi32>
        %swap3A = arith.index_cast %and3A_67 : i32 to index
        %swap3A_90 = arith.constant 0 : index
        %swap3A_91 = tpu.vector_load %arg8[%swap3A, %swap3A_90] {strides = array<i32>} : memref<2x32xi32, #tpu.memory_space<vmem>>, vector<1x16xi32>,
        %swap3A_92 = vector.shape_cast %swap3A_91 : vector<1x16xi32> to vector<16xi32>
        %swap3A_93 = vector.shape_cast %select_n3A_89 : vector<16xi32> to vector<1x16xi32>
        tpu.vector_store %arg8[%swap3A, %swap3A_90], %swap3A_93 {strides = array<i32>} : memref<2x32xi32, #tpu.memory_space<vmem>>, vector<1x16xi32>,
        %mul3A_94 = arith.constant 32 : i32
        %mul3A_95 = arith.muli %sub3A_65, %mul3A_94 : i32
        %add3A_96 = arith.addi %sub3A_33, %mul3A_95 : i32
        %add3A_97 = arith.constant 16 : i32
        %add3A_98 = arith.addi %add3A_96, %add3A_97 : i32
        %get3A_99 = arith.index_cast %add3A_98 : i32 to index
        %get3A_100 = tpu.vector_load %arg7[%get3A_99] {strides = array<i32>} : memref<20096xi32, #tpu.memory_space<vmem>>, vector<16xi32>,
        %get3A_101 = vector.shape_cast %get3A_100 : vector<16xi32> to vector<16xi32>
        %sub3A_102 = vector.broadcast %mul3A_1 : i32 to vector<16xi32>
        %sub3A_103 = arith.subi %get3A_101, %sub3A_102 : vector<16xi32>
        %ge3A_104 = arith.constant 0 : i32
        %ge3A_105 = vector.broadcast %ge3A_104 : i32 to vector<16xi32>
        %ge3A_106 = arith.cmpi sge, %sub3A_103, %ge3A_105 : vector<16xi32>
        %lt3A_107 = arith.constant 5000 : i32
        %lt3A_108 = vector.broadcast %lt3A_107 : i32 to vector<16xi32>
        %lt3A_109 = arith.cmpi slt, %sub3A_103, %lt3A_108 : vector<16xi32>
        %and3A_110 = arith.andi %ge3A_106, %lt3A_109 : vector<16xi1>
        %and3A_111 = arith.constant 7 : i32
        %and3A_112 = vector.broadcast %and3A_111 : i32 to vector<16xi32>
        %and3A_113 = arith.andi %get3A_101, %and3A_112 : vector<16xi32>
        %add3A_114 = arith.constant 5000 : i32
        %add3A_115 = vector.broadcast %add3A_114 : i32 to vector<16xi32>
        %add3A_116 = arith.addi %add3A_115, %and3A_113 : vector<16xi32>
        %select_n3A_117 = arith.select %and3A_110, %sub3A_103, %add3A_116 : vector<16xi1>, vector<16xi32>
        %swap3A_118 = arith.index_cast %and3A_67 : i32 to index
        %swap3A_119 = arith.constant 16 : index
        %swap3A_120 = tpu.vector_load %arg8[%swap3A_118, %swap3A_119] {strides = array<i32>} : memref<2x32xi32, #tpu.memory_space<vmem>>, vector<1x16xi32>,
        %swap3A_121 = vector.shape_cast %swap3A_120 : vector<1x16xi32> to vector<16xi32>
        %swap3A_122 = vector.shape_cast %select_n3A_117 : vector<16xi32> to vector<1x16xi32>
        tpu.vector_store %arg8[%swap3A_118, %swap3A_119], %swap3A_122 {strides = array<i32>} : memref<2x32xi32, #tpu.memory_space<vmem>>, vector<1x16xi32>,
        %mul3A_123 = arith.constant 32 : i32
        %mul3A_124 = arith.muli %sub3A_65, %mul3A_123 : i32
        %add3A_125 = arith.addi %sub3A_33, %mul3A_124 : i32
        %and3A_126 = arith.constant 1 : i32
        %and3A_127 = arith.andi %sub3A_65, %and3A_126 : i32
        %dma_wait3A = arith.constant 0 : i32
        %dma_wait3A_128 = arith.constant 0 : i32
        %dma_wait3A_129 = tpu.memref_slice %arg9[%and3A_127, %dma_wait3A, %dma_wait3A_128] : memref<2x32x128xf32, #tpu.memory_space<vmem>> -> memref<1x32x128xf32, #tpu.memory_space<vmem>>
        %dma_wait3A_130 = tpu.memref_squeeze %dma_wait3A_129 : memref<1x32x128xf32, #tpu.memory_space<vmem>> -> memref<32x128xf32, #tpu.memory_space<vmem>>
        %dma_wait3A_131 = tpu.memref_slice %arg6[%add3A_125] : memref<20096xi32, #tpu.memory_space<vmem>> -> memref<32xi32, #tpu.memory_space<vmem>>
        %dma_wait3A_132 = arith.constant 0 : i32
        %dma_wait3A_133 = arith.constant 0 : i32
        %dma_wait3A_134 = tpu.memref_slice %arg2[%dma_wait3A_132, %dma_wait3A_133] : memref<10000x128xf32, #tpu.memory_space<hbm>> -> memref<10000x128xf32, #tpu.memory_space<hbm>>
        tpu.wait_indirect_dma semaphore(%arg12 : memref<!tpu.dma_semaphore, #tpu.memory_space<semaphore_mem>>) src(%dma_wait3A_134 : memref<10000x128xf32, #tpu.memory_space<hbm>>) dst(%dma_wait3A_130 : memref<32x128xf32, #tpu.memory_space<vmem>>)
        %and3A_135 = arith.constant 1 : i32
        %and3A_136 = arith.andi %sub3A_65, %and3A_135 : i32
        %and3A_137 = arith.constant 1 : i32
        %and3A_138 = arith.andi %sub3A_65, %and3A_137 : i32
        %dma_start3A = arith.constant 0 : i32
        %dma_start3A_139 = arith.constant 0 : i32
        %dma_start3A_140 = tpu.memref_slice %arg9[%and3A_136, %dma_start3A, %dma_start3A_139] : memref<2x32x128xf32, #tpu.memory_space<vmem>> -> memref<1x32x128xf32, #tpu.memory_space<vmem>>
        %dma_start3A_141 = tpu.memref_squeeze %dma_start3A_140 : memref<1x32x128xf32, #tpu.memory_space<vmem>> -> memref<32x128xf32, #tpu.memory_space<vmem>>
        %dma_start3A_142 = arith.constant 0 : i32
        %dma_start3A_143 = tpu.memref_slice %arg8[%and3A_138, %dma_start3A_142] : memref<2x32xi32, #tpu.memory_space<vmem>> -> memref<1x32xi32, #tpu.memory_space<vmem>>
        %dma_start3A_144 = tpu.memref_squeeze %dma_start3A_143 : memref<1x32xi32, #tpu.memory_space<vmem>> -> memref<32xi32, #tpu.memory_space<vmem>>
        %dma_start3A_145 = arith.constant 0 : i32
        %dma_start3A_146 = arith.constant 0 : i32
        %dma_start3A_147 = tpu.memref_slice %arg11[%dma_start3A_145, %dma_start3A_146] : memref<5008x128xf32, #tpu.memory_space<vmem_shared>> -> memref<5008x128xf32, #tpu.memory_space<vmem_shared>>
        tpu.enqueue_indirect_dma source(%dma_start3A_141 : memref<32x128xf32, #tpu.memory_space<vmem>>) target(%dma_start3A_147 : memref<5008x128xf32, #tpu.memory_space<vmem_shared>>) offsets(%dma_start3A_144 : memref<32xi32, #tpu.memory_space<vmem>>) semaphore(%arg13 : memref<!tpu.dma_semaphore, #tpu.memory_space<semaphore_mem>>) {add = true}
      } else {
      }
    }
    %scan3A_39 = arith.constant 627 : i32
    %barrier3A_40 = arith.constant 0 : index
    tpu.barrier barrier_id(%barrier3A_40)
    %mul3A_41 = arith.constant 312 : i32
    %mul3A_42 = arith.muli %arg1, %mul3A_41 : i32
    "tpu.region"() ({
      %run_scoped3A = tpu.sem_alloc : memref<!tpu.dma_semaphore, #tpu.memory_space<semaphore_mem>>
      %dma_start3A = arith.constant 0 : i32
      %dma_start3A_48 = tpu.memref_slice %arg5[%arg0, %mul3A_42, %dma_start3A] : memref<2x5000x128xf32, #tpu.memory_space<hbm>> -> memref<1x312x128xf32, #tpu.memory_space<hbm>>
      %dma_start3A_49 = tpu.memref_squeeze %dma_start3A_48 : memref<1x312x128xf32, #tpu.memory_space<hbm>> -> memref<312x128xf32, #tpu.memory_space<hbm>>
      %dma_start3A_50 = arith.constant 0 : i32
      %dma_start3A_51 = tpu.memref_slice %arg11[%mul3A_42, %dma_start3A_50] : memref<5008x128xf32, #tpu.memory_space<vmem_shared>> -> memref<312x128xf32, #tpu.memory_space<vmem_shared>>
      tpu.enqueue_dma source(%dma_start3A_51 : memref<312x128xf32, #tpu.memory_space<vmem_shared>>) target(%dma_start3A_49 : memref<312x128xf32, #tpu.memory_space<hbm>>) target_semaphore(%run_scoped3A : memref<!tpu.dma_semaphore, #tpu.memory_space<semaphore_mem>>)
      %dma_wait3A = arith.constant 0 : i32
      %dma_wait3A_52 = tpu.memref_slice %arg5[%arg0, %mul3A_42, %dma_wait3A] : memref<2x5000x128xf32, #tpu.memory_space<hbm>> -> memref<1x312x128xf32, #tpu.memory_space<hbm>>
      %dma_wait3A_53 = tpu.memref_squeeze %dma_wait3A_52 : memref<1x312x128xf32, #tpu.memory_space<hbm>> -> memref<312x128xf32, #tpu.memory_space<hbm>>
      %dma_wait3A_54 = arith.constant 0 : i32
      %dma_wait3A_55 = tpu.memref_slice %arg11[%mul3A_42, %dma_wait3A_54] : memref<5008x128xf32, #tpu.memory_space<vmem_shared>> -> memref<312x128xf32, #tpu.memory_space<vmem_shared>>
      tpu.wait_dma2 semaphore(%run_scoped3A : memref<!tpu.dma_semaphore, #tpu.memory_space<semaphore_mem>>) src(%dma_wait3A_55 : memref<312x128xf32, #tpu.memory_space<vmem_shared>>) dst(%dma_wait3A_53 : memref<312x128xf32, #tpu.memory_space<hbm>>)
      tpu.yield
    }) : () -> ()
    %eq3A_43 = arith.constant 0 : i32
    %eq3A_44 = arith.cmpi eq, %arg1, %eq3A_43 : i32
    %convert_element_type3A_45 = arith.extui %eq3A_44 : i1 to i32
    %cond3A_46 = arith.constant 0 : i32
    %cond3A_47 = arith.cmpi ne, %convert_element_type3A_45, %cond3A_46 : i32
    scf.if %cond3A_47 {
      "tpu.region"() ({
        %run_scoped3A = tpu.sem_alloc : memref<!tpu.dma_semaphore, #tpu.memory_space<semaphore_mem>>
        %dma_start3A = arith.constant 4992 : i32
        %dma_start3A_48 = arith.constant 0 : i32
        %dma_start3A_49 = tpu.memref_slice %arg5[%arg0, %dma_start3A, %dma_start3A_48] : memref<2x5000x128xf32, #tpu.memory_space<hbm>> -> memref<1x8x128xf32, #tpu.memory_space<hbm>>
        %dma_start3A_50 = tpu.memref_squeeze %dma_start3A_49 : memref<1x8x128xf32, #tpu.memory_space<hbm>> -> memref<8x128xf32, #tpu.memory_space<hbm>>
        %dma_start3A_51 = arith.constant 4992 : i32
        %dma_start3A_52 = arith.constant 0 : i32
        %dma_start3A_53 = tpu.memref_slice %arg11[%dma_start3A_51, %dma_start3A_52] : memref<5008x128xf32, #tpu.memory_space<vmem_shared>> -> memref<8x128xf32, #tpu.memory_space<vmem_shared>>
        tpu.enqueue_dma source(%dma_start3A_53 : memref<8x128xf32, #tpu.memory_space<vmem_shared>>) target(%dma_start3A_50 : memref<8x128xf32, #tpu.memory_space<hbm>>) target_semaphore(%run_scoped3A : memref<!tpu.dma_semaphore, #tpu.memory_space<semaphore_mem>>)
        %dma_wait3A = arith.constant 4992 : i32
        %dma_wait3A_54 = arith.constant 0 : i32
        %dma_wait3A_55 = tpu.memref_slice %arg5[%arg0, %dma_wait3A, %dma_wait3A_54] : memref<2x5000x128xf32, #tpu.memory_space<hbm>> -> memref<1x8x128xf32, #tpu.memory_space<hbm>>
        %dma_wait3A_56 = tpu.memref_squeeze %dma_wait3A_55 : memref<1x8x128xf32, #tpu.memory_space<hbm>> -> memref<8x128xf32, #tpu.memory_space<hbm>>
        %dma_wait3A_57 = arith.constant 4992 : i32
        %dma_wait3A_58 = arith.constant 0 : i32
        %dma_wait3A_59 = tpu.memref_slice %arg11[%dma_wait3A_57, %dma_wait3A_58] : memref<5008x128xf32, #tpu.memory_space<vmem_shared>> -> memref<8x128xf32, #tpu.memory_space<vmem_shared>>
        tpu.wait_dma2 semaphore(%run_scoped3A : memref<!tpu.dma_semaphore, #tpu.memory_space<semaphore_mem>>) src(%dma_wait3A_59 : memref<8x128xf32, #tpu.memory_space<vmem_shared>>) dst(%dma_wait3A_56 : memref<8x128xf32, #tpu.memory_space<hbm>>)
        tpu.yield
      }) : () -> ()
    } else {
    }
    return
  }
}

#map = affine_map<(d0, d1) -> (0, 0)>
#map1 = affine_map<(d0, d1) -> (0)>
#map2 = affine_map<(d0, d1) -> (0, 0, 0)>
module attributes {stable_mosaic.version = 14 : i64} {
  func.func @body(%arg0: i32, %arg1: i32, %arg2: memref<10000x128xf32, #tpu.memory_space<hbm>>, %arg3: memref<320000xi32, #tpu.memory_space<hbm>>, %arg4: memref<320000xi32, #tpu.memory_space<hbm>>, %arg5: memref<2x5000x128xf32, #tpu.memory_space<hbm>>, %arg6: memref<20096xi32, #tpu.memory_space<vmem>>, %arg7: memref<20096xi32, #tpu.memory_space<vmem>>, %arg8: memref<2x32xi32, #tpu.memory_space<vmem>>, %arg9: memref<2x32x128xf32, #tpu.memory_space<vmem>>, %arg10: memref<312x128xf32, #tpu.memory_space<vmem>>, %arg11: memref<5008x128xf32, #tpu.memory_space<vmem_shared>>, %arg12: memref<!tpu.dma_semaphore, #tpu.memory_space<semaphore_mem>>, %arg13: memref<!tpu.dma_semaphore, #tpu.memory_space<semaphore_mem>>) attributes {dimension_semantics = [#tpu.dimension_semantics<core_parallel>, #tpu.dimension_semantics<subcore_parallel>], iteration_bounds = array<i64: 2, 16>, scalar_prefetch = 0 : i64, scratch_operands = 8 : i64, tpu.core_type = #tpu.core_type<sc_vector_subcore>, window_params = [{transform_indices = #map}, {transform_indices = #map1}, {transform_indices = #map1}, {transform_indices = #map2}]} {
    %broadcast_in_dim3A = arith.constant 0.000000e+00 : f32
    %broadcast_in_dim3A_0 = vector.broadcast %broadcast_in_dim3A : f32 to vector<16xf32>
    %mul3A = arith.constant 5000 : i32
    %mul3A_1 = arith.muli %arg0, %mul3A : i32
    %scan3A = arith.constant 0 : i32
    %scan3A_2 = arith.constant 0 : i32
    %scan3A_3 = arith.constant 312 : i32
    %scan3A_4 = arith.addi %scan3A_2, %scan3A_3 : i32
    %scan3A_5 = arith.constant 1 : i32
    scf.for %scan3A_48 = %scan3A_2 to %scan3A_4 step %scan3A_5  : i32 {
      %swap3A = arith.index_cast %scan3A_48 : i32 to index
      %swap3A_49 = arith.constant 0 : index
      %swap3A_50 = tpu.vector_load %arg10[%swap3A, %swap3A_49] {strides = array<i32>} : memref<312x128xf32, #tpu.memory_space<vmem>>, vector<1x16xf32>,
      %swap3A_51 = vector.shape_cast %swap3A_50 : vector<1x16xf32> to vector<16xf32>
      %swap3A_52 = vector.shape_cast %broadcast_in_dim3A_0 : vector<16xf32> to vector<1x16xf32>
      tpu.vector_store %arg10[%swap3A, %swap3A_49], %swap3A_52 {strides = array<i32>} : memref<312x128xf32, #tpu.memory_space<vmem>>, vector<1x16xf32>,
      %swap3A_53 = arith.index_cast %scan3A_48 : i32 to index
      %swap3A_54 = arith.constant 16 : index
      %swap3A_55 = tpu.vector_load %arg10[%swap3A_53, %swap3A_54] {strides = array<i32>} : memref<312x128xf32, #tpu.memory_space<vmem>>, vector<1x16xf32>,
      %swap3A_56 = vector.shape_cast %swap3A_55 : vector<1x16xf32> to vector<16xf32>
      %swap3A_57 = vector.shape_cast %broadcast_in_dim3A_0 : vector<16xf32> to vector<1x16xf32>
      tpu.vector_store %arg10[%swap3A_53, %swap3A_54], %swap3A_57 {strides = array<i32>} : memref<312x128xf32, #tpu.memory_space<vmem>>, vector<1x16xf32>,
      %swap3A_58 = arith.index_cast %scan3A_48 : i32 to index
      %swap3A_59 = arith.constant 32 : index
      %swap3A_60 = tpu.vector_load %arg10[%swap3A_58, %swap3A_59] {strides = array<i32>} : memref<312x128xf32, #tpu.memory_space<vmem>>, vector<1x16xf32>,
      %swap3A_61 = vector.shape_cast %swap3A_60 : vector<1x16xf32> to vector<16xf32>
      %swap3A_62 = vector.shape_cast %broadcast_in_dim3A_0 : vector<16xf32> to vector<1x16xf32>
      tpu.vector_store %arg10[%swap3A_58, %swap3A_59], %swap3A_62 {strides = array<i32>} : memref<312x128xf32, #tpu.memory_space<vmem>>, vector<1x16xf32>,
      %swap3A_63 = arith.index_cast %scan3A_48 : i32 to index
      %swap3A_64 = arith.constant 48 : index
      %swap3A_65 = tpu.vector_load %arg10[%swap3A_63, %swap3A_64] {strides = array<i32>} : memref<312x128xf32, #tpu.memory_space<vmem>>, vector<1x16xf32>,
      %swap3A_66 = vector.shape_cast %swap3A_65 : vector<1x16xf32> to vector<16xf32>
      %swap3A_67 = vector.shape_cast %broadcast_in_dim3A_0 : vector<16xf32> to vector<1x16xf32>
      tpu.vector_store %arg10[%swap3A_63, %swap3A_64], %swap3A_67 {strides = array<i32>} : memref<312x128xf32, #tpu.memory_space<vmem>>, vector<1x16xf32>,
      %swap3A_68 = arith.index_cast %scan3A_48 : i32 to index
      %swap3A_69 = arith.constant 64 : index
      %swap3A_70 = tpu.vector_load %arg10[%swap3A_68, %swap3A_69] {strides = array<i32>} : memref<312x128xf32, #tpu.memory_space<vmem>>, vector<1x16xf32>,
      %swap3A_71 = vector.shape_cast %swap3A_70 : vector<1x16xf32> to vector<16xf32>
      %swap3A_72 = vector.shape_cast %broadcast_in_dim3A_0 : vector<16xf32> to vector<1x16xf32>
      tpu.vector_store %arg10[%swap3A_68, %swap3A_69], %swap3A_72 {strides = array<i32>} : memref<312x128xf32, #tpu.memory_space<vmem>>, vector<1x16xf32>,
      %swap3A_73 = arith.index_cast %scan3A_48 : i32 to index
      %swap3A_74 = arith.constant 80 : index
      %swap3A_75 = tpu.vector_load %arg10[%swap3A_73, %swap3A_74] {strides = array<i32>} : memref<312x128xf32, #tpu.memory_space<vmem>>, vector<1x16xf32>,
      %swap3A_76 = vector.shape_cast %swap3A_75 : vector<1x16xf32> to vector<16xf32>
      %swap3A_77 = vector.shape_cast %broadcast_in_dim3A_0 : vector<16xf32> to vector<1x16xf32>
      tpu.vector_store %arg10[%swap3A_73, %swap3A_74], %swap3A_77 {strides = array<i32>} : memref<312x128xf32, #tpu.memory_space<vmem>>, vector<1x16xf32>,
      %swap3A_78 = arith.index_cast %scan3A_48 : i32 to index
      %swap3A_79 = arith.constant 96 : index
      %swap3A_80 = tpu.vector_load %arg10[%swap3A_78, %swap3A_79] {strides = array<i32>} : memref<312x128xf32, #tpu.memory_space<vmem>>, vector<1x16xf32>,
      %swap3A_81 = vector.shape_cast %swap3A_80 : vector<1x16xf32> to vector<16xf32>
      %swap3A_82 = vector.shape_cast %broadcast_in_dim3A_0 : vector<16xf32> to vector<1x16xf32>
      tpu.vector_store %arg10[%swap3A_78, %swap3A_79], %swap3A_82 {strides = array<i32>} : memref<312x128xf32, #tpu.memory_space<vmem>>, vector<1x16xf32>,
      %swap3A_83 = arith.index_cast %scan3A_48 : i32 to index
      %swap3A_84 = arith.constant 112 : index
      %swap3A_85 = tpu.vector_load %arg10[%swap3A_83, %swap3A_84] {strides = array<i32>} : memref<312x128xf32, #tpu.memory_space<vmem>>, vector<1x16xf32>,
      %swap3A_86 = vector.shape_cast %swap3A_85 : vector<1x16xf32> to vector<16xf32>
      %swap3A_87 = vector.shape_cast %broadcast_in_dim3A_0 : vector<16xf32> to vector<1x16xf32>
      tpu.vector_store %arg10[%swap3A_83, %swap3A_84], %swap3A_87 {strides = array<i32>} : memref<312x128xf32, #tpu.memory_space<vmem>>, vector<1x16xf32>,
    }
    %scan3A_6 = arith.constant 312 : i32
    %mul3A_7 = arith.constant 312 : i32
    %mul3A_8 = arith.muli %arg1, %mul3A_7 : i32
    "tpu.region"() ({
      %run_scoped3A = tpu.sem_alloc : memref<!tpu.dma_semaphore, #tpu.memory_space<semaphore_mem>>
      %dma_start3A = arith.constant 0 : i32
      %dma_start3A_48 = tpu.memref_slice %arg11[%mul3A_8, %dma_start3A] : memref<5008x128xf32, #tpu.memory_space<vmem_shared>> -> memref<312x128xf32, #tpu.memory_space<vmem_shared>>
      %dma_start3A_49 = arith.constant 0 : i32
      %dma_start3A_50 = tpu.memref_slice %arg11[%mul3A_8, %dma_start3A_49] : memref<5008x128xf32, #tpu.memory_space<vmem_shared>> -> memref<312x128xf32, #tpu.memory_space<vmem_shared>>
      tpu.enqueue_dma source(%arg10 : memref<312x128xf32, #tpu.memory_space<vmem>>) target(%dma_start3A_50 : memref<312x128xf32, #tpu.memory_space<vmem_shared>>) target_semaphore(%run_scoped3A : memref<!tpu.dma_semaphore, #tpu.memory_space<semaphore_mem>>)
      %dma_wait3A = arith.constant 0 : i32
      %dma_wait3A_51 = tpu.memref_slice %arg11[%mul3A_8, %dma_wait3A] : memref<5008x128xf32, #tpu.memory_space<vmem_shared>> -> memref<312x128xf32, #tpu.memory_space<vmem_shared>>
      %dma_wait3A_52 = arith.constant 0 : i32
      %dma_wait3A_53 = tpu.memref_slice %arg11[%mul3A_8, %dma_wait3A_52] : memref<5008x128xf32, #tpu.memory_space<vmem_shared>> -> memref<312x128xf32, #tpu.memory_space<vmem_shared>>
      tpu.wait_dma2 semaphore(%run_scoped3A : memref<!tpu.dma_semaphore, #tpu.memory_space<semaphore_mem>>) src(%arg10 : memref<312x128xf32, #tpu.memory_space<vmem>>) dst(%dma_wait3A_53 : memref<312x128xf32, #tpu.memory_space<vmem_shared>>)
      tpu.yield
    }) : () -> ()
    %eq3A = arith.constant 0 : i32
    %eq3A_9 = arith.cmpi eq, %arg1, %eq3A : i32
    %convert_element_type3A = arith.extui %eq3A_9 : i1 to i32
    %cond3A = arith.constant 0 : i32
    %cond3A_10 = arith.cmpi ne, %convert_element_type3A, %cond3A : i32
    scf.if %cond3A_10 {
      "tpu.region"() ({
        %run_scoped3A = tpu.sem_alloc : memref<!tpu.dma_semaphore, #tpu.memory_space<semaphore_mem>>
        %dma_start3A = arith.constant 0 : i32
        %dma_start3A_48 = arith.constant 0 : i32
        %dma_start3A_49 = tpu.memref_slice %arg10[%dma_start3A, %dma_start3A_48] : memref<312x128xf32, #tpu.memory_space<vmem>> -> memref<16x128xf32, #tpu.memory_space<vmem>>
        %dma_start3A_50 = arith.constant 4992 : i32
        %dma_start3A_51 = arith.constant 0 : i32
        %dma_start3A_52 = tpu.memref_slice %arg11[%dma_start3A_50, %dma_start3A_51] : memref<5008x128xf32, #tpu.memory_space<vmem_shared>> -> memref<16x128xf32, #tpu.memory_space<vmem_shared>>
        %dma_start3A_53 = arith.constant 4992 : i32
        %dma_start3A_54 = arith.constant 0 : i32
        %dma_start3A_55 = tpu.memref_slice %arg11[%dma_start3A_53, %dma_start3A_54] : memref<5008x128xf32, #tpu.memory_space<vmem_shared>> -> memref<16x128xf32, #tpu.memory_space<vmem_shared>>
        %dma_start3A_56 = arith.constant 0 : i32
        %dma_start3A_57 = arith.constant 0 : i32
        %dma_start3A_58 = tpu.memref_slice %arg10[%dma_start3A_56, %dma_start3A_57] : memref<312x128xf32, #tpu.memory_space<vmem>> -> memref<16x128xf32, #tpu.memory_space<vmem>>
        tpu.enqueue_dma source(%dma_start3A_58 : memref<16x128xf32, #tpu.memory_space<vmem>>) target(%dma_start3A_55 : memref<16x128xf32, #tpu.memory_space<vmem_shared>>) target_semaphore(%run_scoped3A : memref<!tpu.dma_semaphore, #tpu.memory_space<semaphore_mem>>)
        %dma_wait3A = arith.constant 0 : i32
        %dma_wait3A_59 = arith.constant 0 : i32
        %dma_wait3A_60 = tpu.memref_slice %arg10[%dma_wait3A, %dma_wait3A_59] : memref<312x128xf32, #tpu.memory_space<vmem>> -> memref<16x128xf32, #tpu.memory_space<vmem>>
        %dma_wait3A_61 = arith.constant 4992 : i32
        %dma_wait3A_62 = arith.constant 0 : i32
        %dma_wait3A_63 = tpu.memref_slice %arg11[%dma_wait3A_61, %dma_wait3A_62] : memref<5008x128xf32, #tpu.memory_space<vmem_shared>> -> memref<16x128xf32, #tpu.memory_space<vmem_shared>>
        %dma_wait3A_64 = arith.constant 4992 : i32
        %dma_wait3A_65 = arith.constant 0 : i32
        %dma_wait3A_66 = tpu.memref_slice %arg11[%dma_wait3A_64, %dma_wait3A_65] : memref<5008x128xf32, #tpu.memory_space<vmem_shared>> -> memref<16x128xf32, #tpu.memory_space<vmem_shared>>
        %dma_wait3A_67 = arith.constant 0 : i32
        %dma_wait3A_68 = arith.constant 0 : i32
        %dma_wait3A_69 = tpu.memref_slice %arg10[%dma_wait3A_67, %dma_wait3A_68] : memref<312x128xf32, #tpu.memory_space<vmem>> -> memref<16x128xf32, #tpu.memory_space<vmem>>
        tpu.wait_dma2 semaphore(%run_scoped3A : memref<!tpu.dma_semaphore, #tpu.memory_space<semaphore_mem>>) src(%dma_wait3A_69 : memref<16x128xf32, #tpu.memory_space<vmem>>) dst(%dma_wait3A_66 : memref<16x128xf32, #tpu.memory_space<vmem_shared>>)
        tpu.yield
      }) : () -> ()
    } else {
    }
    %mul3A_11 = arith.constant 20000 : i32
    %mul3A_12 = arith.muli %arg1, %mul3A_11 : i32
    %jit3A = arith.constant 128 : i32
    %div3A = arith.divsi %mul3A_12, %jit3A : i32
    %sign3A = arith.constant 0 : i32
    %sign3A_13 = arith.cmpi sgt, %mul3A_12, %sign3A : i32
    %sign3A_14 = arith.extui %sign3A_13 : i1 to i32
    %sign3A_15 = arith.constant 0 : i32
    %sign3A_16 = arith.cmpi slt, %mul3A_12, %sign3A_15 : i32
    %sign3A_17 = arith.extui %sign3A_16 : i1 to i32
    %sign3A_18 = arith.subi %sign3A_14, %sign3A_17 : i32
    %sign3A_19 = arith.constant 0 : i32
    %sign3A_20 = arith.cmpi sgt, %jit3A, %sign3A_19 : i32
    %sign3A_21 = arith.extui %sign3A_20 : i1 to i32
    %sign3A_22 = arith.constant 0 : i32
    %sign3A_23 = arith.cmpi slt, %jit3A, %sign3A_22 : i32
    %sign3A_24 = arith.extui %sign3A_23 : i1 to i32
    %sign3A_25 = arith.subi %sign3A_21, %sign3A_24 : i32
    %ne3A = arith.cmpi ne, %sign3A_18, %sign3A_25 : i32
    %rem3A = arith.remsi %mul3A_12, %jit3A : i32
    %ne3A_26 = arith.constant 0 : i32
    %ne3A_27 = arith.cmpi ne, %rem3A, %ne3A_26 : i32
    %and3A = arith.andi %ne3A, %ne3A_27 : i1
    %sub3A = arith.constant 1 : i32
    %sub3A_28 = arith.subi %div3A, %sub3A : i32
    %select_n3A = arith.select %and3A, %sub3A_28, %div3A : i32
    %mul3A_29 = arith.constant 128 : i32
    %mul3A_30 = arith.muli %select_n3A, %mul3A_29 : i32
    %mul3A_31 = arith.constant 20000 : i32
    %mul3A_32 = arith.muli %arg1, %mul3A_31 : i32
    %sub3A_33 = arith.subi %mul3A_32, %mul3A_30 : i32
    "tpu.region"() ({
      %run_scoped3A = tpu.sem_alloc : memref<!tpu.dma_semaphore, #tpu.memory_space<semaphore_mem>>
      %dma_start3A = tpu.memref_slice %arg3[%mul3A_30] : memref<320000xi32, #tpu.memory_space<hbm>> -> memref<20096xi32, #tpu.memory_space<hbm>>
      %dma_start3A_48 = tpu.memref_slice %arg3[%mul3A_30] : memref<320000xi32, #tpu.memory_space<hbm>> -> memref<20096xi32, #tpu.memory_space<hbm>>
      tpu.enqueue_dma source(%dma_start3A_48 : memref<20096xi32, #tpu.memory_space<hbm>>) target(%arg6 : memref<20096xi32, #tpu.memory_space<vmem>>) target_semaphore(%run_scoped3A : memref<!tpu.dma_semaphore, #tpu.memory_space<semaphore_mem>>)
      %dma_wait3A = tpu.memref_slice %arg3[%mul3A_30] : memref<320000xi32, #tpu.memory_space<hbm>> -> memref<20096xi32, #tpu.memory_space<hbm>>
      %dma_wait3A_49 = tpu.memref_slice %arg3[%mul3A_30] : memref<320000xi32, #tpu.memory_space<hbm>> -> memref<20096xi32, #tpu.memory_space<hbm>>
      tpu.wait_dma2 semaphore(%run_scoped3A : memref<!tpu.dma_semaphore, #tpu.memory_space<semaphore_mem>>) src(%dma_wait3A_49 : memref<20096xi32, #tpu.memory_space<hbm>>) dst(%arg6 : memref<20096xi32, #tpu.memory_space<vmem>>)
      tpu.yield
    }) : () -> ()
    "tpu.region"() ({
      %run_scoped3A = tpu.sem_alloc : memref<!tpu.dma_semaphore, #tpu.memory_space<semaphore_mem>>
      %dma_start3A = tpu.memref_slice %arg4[%mul3A_30] : memref<320000xi32, #tpu.memory_space<hbm>> -> memref<20096xi32, #tpu.memory_space<hbm>>
      %dma_start3A_48 = tpu.memref_slice %arg4[%mul3A_30] : memref<320000xi32, #tpu.memory_space<hbm>> -> memref<20096xi32, #tpu.memory_space<hbm>>
      tpu.enqueue_dma source(%dma_start3A_48 : memref<20096xi32, #tpu.memory_space<hbm>>) target(%arg7 : memref<20096xi32, #tpu.memory_space<vmem>>) target_semaphore(%run_scoped3A : memref<!tpu.dma_semaphore, #tpu.memory_space<semaphore_mem>>)
      %dma_wait3A = tpu.memref_slice %arg4[%mul3A_30] : memref<320000xi32, #tpu.memory_space<hbm>> -> memref<20096xi32, #tpu.memory_space<hbm>>
      %dma_wait3A_49 = tpu.memref_slice %arg4[%mul3A_30] : memref<320000xi32, #tpu.memory_space<hbm>> -> memref<20096xi32, #tpu.memory_space<hbm>>
      tpu.wait_dma2 semaphore(%run_scoped3A : memref<!tpu.dma_semaphore, #tpu.memory_space<semaphore_mem>>) src(%dma_wait3A_49 : memref<20096xi32, #tpu.memory_space<hbm>>) dst(%arg7 : memref<20096xi32, #tpu.memory_space<vmem>>)
      tpu.yield
    }) : () -> ()
    %barrier3A = arith.constant 0 : index
    tpu.barrier barrier_id(%barrier3A)
    %scan3A_34 = arith.constant 0 : i32
    %scan3A_35 = arith.constant 0 : i32
    %scan3A_36 = arith.constant 627 : i32
    %scan3A_37 = arith.addi %scan3A_35, %scan3A_36 : i32
    %scan3A_38 = arith.constant 1 : i32
    scf.for %scan3A_48 = %scan3A_35 to %scan3A_37 step %scan3A_38  : i32 {
      %ge3A = arith.constant 2 : i32
      %ge3A_49 = arith.cmpi sge, %scan3A_48, %ge3A : i32
      %convert_element_type3A_50 = arith.extui %ge3A_49 : i1 to i32
      %cond3A_51 = arith.constant 0 : i32
      %cond3A_52 = arith.cmpi ne, %convert_element_type3A_50, %cond3A_51 : i32
      scf.if %cond3A_52 {
        %and3A_64 = arith.constant 1 : i32
        %and3A_65 = arith.andi %scan3A_48, %and3A_64 : i32
        %sub3A_66 = arith.constant 2 : i32
        %sub3A_67 = arith.subi %scan3A_48, %sub3A_66 : i32
        %and3A_68 = arith.constant 1 : i32
        %and3A_69 = arith.andi %sub3A_67, %and3A_68 : i32
        %dma_wait3A = arith.constant 0 : i32
        %dma_wait3A_70 = arith.constant 0 : i32
        %dma_wait3A_71 = tpu.memref_slice %arg9[%and3A_65, %dma_wait3A, %dma_wait3A_70] : memref<2x32x128xf32, #tpu.memory_space<vmem>> -> memref<1x32x128xf32, #tpu.memory_space<vmem>>
        %dma_wait3A_72 = tpu.memref_squeeze %dma_wait3A_71 : memref<1x32x128xf32, #tpu.memory_space<vmem>> -> memref<32x128xf32, #tpu.memory_space<vmem>>
        %dma_wait3A_73 = arith.constant 0 : i32
        %dma_wait3A_74 = tpu.memref_slice %arg8[%and3A_69, %dma_wait3A_73] : memref<2x32xi32, #tpu.memory_space<vmem>> -> memref<1x32xi32, #tpu.memory_space<vmem>>
        %dma_wait3A_75 = tpu.memref_squeeze %dma_wait3A_74 : memref<1x32xi32, #tpu.memory_space<vmem>> -> memref<32xi32, #tpu.memory_space<vmem>>
        %dma_wait3A_76 = arith.constant 0 : i32
        %dma_wait3A_77 = arith.constant 0 : i32
        %dma_wait3A_78 = tpu.memref_slice %arg11[%dma_wait3A_76, %dma_wait3A_77] : memref<5008x128xf32, #tpu.memory_space<vmem_shared>> -> memref<5008x128xf32, #tpu.memory_space<vmem_shared>>
        tpu.wait_indirect_dma semaphore(%arg13 : memref<!tpu.dma_semaphore, #tpu.memory_space<semaphore_mem>>) src(%dma_wait3A_72 : memref<32x128xf32, #tpu.memory_space<vmem>>) dst(%dma_wait3A_78 : memref<5008x128xf32, #tpu.memory_space<vmem_shared>>)
      } else {
      }
      %lt3A = arith.constant 625 : i32
      %lt3A_53 = arith.cmpi slt, %scan3A_48, %lt3A : i32
      %convert_element_type3A_54 = arith.extui %lt3A_53 : i1 to i32
      %cond3A_55 = arith.constant 0 : i32
      %cond3A_56 = arith.cmpi ne, %convert_element_type3A_54, %cond3A_55 : i32
      scf.if %cond3A_56 {
        %mul3A_64 = arith.constant 32 : i32
        %mul3A_65 = arith.muli %scan3A_48, %mul3A_64 : i32
        %add3A = arith.addi %sub3A_33, %mul3A_65 : i32
        %and3A_66 = arith.constant 1 : i32
        %and3A_67 = arith.andi %scan3A_48, %and3A_66 : i32
        %dma_start3A = arith.constant 0 : i32
        %dma_start3A_68 = arith.constant 0 : i32
        %dma_start3A_69 = tpu.memref_slice %arg9[%and3A_67, %dma_start3A, %dma_start3A_68] : memref<2x32x128xf32, #tpu.memory_space<vmem>> -> memref<1x32x128xf32, #tpu.memory_space<vmem>>
        %dma_start3A_70 = tpu.memref_squeeze %dma_start3A_69 : memref<1x32x128xf32, #tpu.memory_space<vmem>> -> memref<32x128xf32, #tpu.memory_space<vmem>>
        %dma_start3A_71 = tpu.memref_slice %arg6[%add3A] : memref<20096xi32, #tpu.memory_space<vmem>> -> memref<32xi32, #tpu.memory_space<vmem>>
        %dma_start3A_72 = arith.constant 0 : i32
        %dma_start3A_73 = arith.constant 0 : i32
        %dma_start3A_74 = tpu.memref_slice %arg2[%dma_start3A_72, %dma_start3A_73] : memref<10000x128xf32, #tpu.memory_space<hbm>> -> memref<10000x128xf32, #tpu.memory_space<hbm>>
        tpu.enqueue_indirect_dma source(%dma_start3A_74 : memref<10000x128xf32, #tpu.memory_space<hbm>>) target(%dma_start3A_70 : memref<32x128xf32, #tpu.memory_space<vmem>>) offsets(%dma_start3A_71 : memref<32xi32, #tpu.memory_space<vmem>>) semaphore(%arg12 : memref<!tpu.dma_semaphore, #tpu.memory_space<semaphore_mem>>)
      } else {
      }
      %ge3A_57 = arith.constant 1 : i32
      %ge3A_58 = arith.cmpi sge, %scan3A_48, %ge3A_57 : i32
      %le3A = arith.constant 625 : i32
      %le3A_59 = arith.cmpi sle, %scan3A_48, %le3A : i32
      %and3A_60 = arith.andi %ge3A_58, %le3A_59 : i1
      %convert_element_type3A_61 = arith.extui %and3A_60 : i1 to i32
      %cond3A_62 = arith.constant 0 : i32
      %cond3A_63 = arith.cmpi ne, %convert_element_type3A_61, %cond3A_62 : i32
      scf.if %cond3A_63 {
        %sub3A_64 = arith.constant 1 : i32
        %sub3A_65 = arith.subi %scan3A_48, %sub3A_64 : i32
        %and3A_66 = arith.constant 1 : i32
        %and3A_67 = arith.andi %sub3A_65, %and3A_66 : i32
        %mul3A_68 = arith.constant 32 : i32
        %mul3A_69 = arith.muli %sub3A_65, %mul3A_68 : i32
        %add3A = arith.addi %sub3A_33, %mul3A_69 : i32
        %add3A_70 = arith.constant 0 : i32
        %add3A_71 = arith.addi %add3A, %add3A_70 : i32
        %get3A = arith.index_cast %add3A_71 : i32 to index
        %get3A_72 = tpu.vector_load %arg7[%get3A] {strides = array<i32>} : memref<20096xi32, #tpu.memory_space<vmem>>, vector<16xi32>,
        %get3A_73 = vector.shape_cast %get3A_72 : vector<16xi32> to vector<16xi32>
        %sub3A_74 = vector.broadcast %mul3A_1 : i32 to vector<16xi32>
        %sub3A_75 = arith.subi %get3A_73, %sub3A_74 : vector<16xi32>
        %ge3A_76 = arith.constant 0 : i32
        %ge3A_77 = vector.broadcast %ge3A_76 : i32 to vector<16xi32>
        %ge3A_78 = arith.cmpi sge, %sub3A_75, %ge3A_77 : vector<16xi32>
        %lt3A_79 = arith.constant 5000 : i32
        %lt3A_80 = vector.broadcast %lt3A_79 : i32 to vector<16xi32>
        %lt3A_81 = arith.cmpi slt, %sub3A_75, %lt3A_80 : vector<16xi32>
        %and3A_82 = arith.andi %ge3A_78, %lt3A_81 : vector<16xi1>
        %and3A_83 = arith.constant 7 : i32
        %and3A_84 = vector.broadcast %and3A_83 : i32 to vector<16xi32>
        %and3A_85 = arith.andi %get3A_73, %and3A_84 : vector<16xi32>
        %add3A_86 = arith.constant 5000 : i32
        %add3A_87 = vector.broadcast %add3A_86 : i32 to vector<16xi32>
        %add3A_88 = arith.addi %add3A_87, %and3A_85 : vector<16xi32>
        %select_n3A_89 = arith.select %and3A_82, %sub3A_75, %add3A_88 : vector<16xi1>, vector<16xi32>
        %swap3A = arith.index_cast %and3A_67 : i32 to index
        %swap3A_90 = arith.constant 0 : index
        %swap3A_91 = tpu.vector_load %arg8[%swap3A, %swap3A_90] {strides = array<i32>} : memref<2x32xi32, #tpu.memory_space<vmem>>, vector<1x16xi32>,
        %swap3A_92 = vector.shape_cast %swap3A_91 : vector<1x16xi32> to vector<16xi32>
        %swap3A_93 = vector.shape_cast %select_n3A_89 : vector<16xi32> to vector<1x16xi32>
        tpu.vector_store %arg8[%swap3A, %swap3A_90], %swap3A_93 {strides = array<i32>} : memref<2x32xi32, #tpu.memory_space<vmem>>, vector<1x16xi32>,
        %mul3A_94 = arith.constant 32 : i32
        %mul3A_95 = arith.muli %sub3A_65, %mul3A_94 : i32
        %add3A_96 = arith.addi %sub3A_33, %mul3A_95 : i32
        %add3A_97 = arith.constant 16 : i32
        %add3A_98 = arith.addi %add3A_96, %add3A_97 : i32
        %get3A_99 = arith.index_cast %add3A_98 : i32 to index
        %get3A_100 = tpu.vector_load %arg7[%get3A_99] {strides = array<i32>} : memref<20096xi32, #tpu.memory_space<vmem>>, vector<16xi32>,
        %get3A_101 = vector.shape_cast %get3A_100 : vector<16xi32> to vector<16xi32>
        %sub3A_102 = vector.broadcast %mul3A_1 : i32 to vector<16xi32>
        %sub3A_103 = arith.subi %get3A_101, %sub3A_102 : vector<16xi32>
        %ge3A_104 = arith.constant 0 : i32
        %ge3A_105 = vector.broadcast %ge3A_104 : i32 to vector<16xi32>
        %ge3A_106 = arith.cmpi sge, %sub3A_103, %ge3A_105 : vector<16xi32>
        %lt3A_107 = arith.constant 5000 : i32
        %lt3A_108 = vector.broadcast %lt3A_107 : i32 to vector<16xi32>
        %lt3A_109 = arith.cmpi slt, %sub3A_103, %lt3A_108 : vector<16xi32>
        %and3A_110 = arith.andi %ge3A_106, %lt3A_109 : vector<16xi1>
        %and3A_111 = arith.constant 7 : i32
        %and3A_112 = vector.broadcast %and3A_111 : i32 to vector<16xi32>
        %and3A_113 = arith.andi %get3A_101, %and3A_112 : vector<16xi32>
        %add3A_114 = arith.constant 5000 : i32
        %add3A_115 = vector.broadcast %add3A_114 : i32 to vector<16xi32>
        %add3A_116 = arith.addi %add3A_115, %and3A_113 : vector<16xi32>
        %select_n3A_117 = arith.select %and3A_110, %sub3A_103, %add3A_116 : vector<16xi1>, vector<16xi32>
        %swap3A_118 = arith.index_cast %and3A_67 : i32 to index
        %swap3A_119 = arith.constant 16 : index
        %swap3A_120 = tpu.vector_load %arg8[%swap3A_118, %swap3A_119] {strides = array<i32>} : memref<2x32xi32, #tpu.memory_space<vmem>>, vector<1x16xi32>,
        %swap3A_121 = vector.shape_cast %swap3A_120 : vector<1x16xi32> to vector<16xi32>
        %swap3A_122 = vector.shape_cast %select_n3A_117 : vector<16xi32> to vector<1x16xi32>
        tpu.vector_store %arg8[%swap3A_118, %swap3A_119], %swap3A_122 {strides = array<i32>} : memref<2x32xi32, #tpu.memory_space<vmem>>, vector<1x16xi32>,
        %mul3A_123 = arith.constant 32 : i32
        %mul3A_124 = arith.muli %sub3A_65, %mul3A_123 : i32
        %add3A_125 = arith.addi %sub3A_33, %mul3A_124 : i32
        %and3A_126 = arith.constant 1 : i32
        %and3A_127 = arith.andi %sub3A_65, %and3A_126 : i32
        %dma_wait3A = arith.constant 0 : i32
        %dma_wait3A_128 = arith.constant 0 : i32
        %dma_wait3A_129 = tpu.memref_slice %arg9[%and3A_127, %dma_wait3A, %dma_wait3A_128] : memref<2x32x128xf32, #tpu.memory_space<vmem>> -> memref<1x32x128xf32, #tpu.memory_space<vmem>>
        %dma_wait3A_130 = tpu.memref_squeeze %dma_wait3A_129 : memref<1x32x128xf32, #tpu.memory_space<vmem>> -> memref<32x128xf32, #tpu.memory_space<vmem>>
        %dma_wait3A_131 = tpu.memref_slice %arg6[%add3A_125] : memref<20096xi32, #tpu.memory_space<vmem>> -> memref<32xi32, #tpu.memory_space<vmem>>
        %dma_wait3A_132 = arith.constant 0 : i32
        %dma_wait3A_133 = arith.constant 0 : i32
        %dma_wait3A_134 = tpu.memref_slice %arg2[%dma_wait3A_132, %dma_wait3A_133] : memref<10000x128xf32, #tpu.memory_space<hbm>> -> memref<10000x128xf32, #tpu.memory_space<hbm>>
        tpu.wait_indirect_dma semaphore(%arg12 : memref<!tpu.dma_semaphore, #tpu.memory_space<semaphore_mem>>) src(%dma_wait3A_134 : memref<10000x128xf32, #tpu.memory_space<hbm>>) dst(%dma_wait3A_130 : memref<32x128xf32, #tpu.memory_space<vmem>>)
        %and3A_135 = arith.constant 1 : i32
        %and3A_136 = arith.andi %sub3A_65, %and3A_135 : i32
        %and3A_137 = arith.constant 1 : i32
        %and3A_138 = arith.andi %sub3A_65, %and3A_137 : i32
        %dma_start3A = arith.constant 0 : i32
        %dma_start3A_139 = arith.constant 0 : i32
        %dma_start3A_140 = tpu.memref_slice %arg9[%and3A_136, %dma_start3A, %dma_start3A_139] : memref<2x32x128xf32, #tpu.memory_space<vmem>> -> memref<1x32x128xf32, #tpu.memory_space<vmem>>
        %dma_start3A_141 = tpu.memref_squeeze %dma_start3A_140 : memref<1x32x128xf32, #tpu.memory_space<vmem>> -> memref<32x128xf32, #tpu.memory_space<vmem>>
        %dma_start3A_142 = arith.constant 0 : i32
        %dma_start3A_143 = tpu.memref_slice %arg8[%and3A_138, %dma_start3A_142] : memref<2x32xi32, #tpu.memory_space<vmem>> -> memref<1x32xi32, #tpu.memory_space<vmem>>
        %dma_start3A_144 = tpu.memref_squeeze %dma_start3A_143 : memref<1x32xi32, #tpu.memory_space<vmem>> -> memref<32xi32, #tpu.memory_space<vmem>>
        %dma_start3A_145 = arith.constant 0 : i32
        %dma_start3A_146 = arith.constant 0 : i32
        %dma_start3A_147 = tpu.memref_slice %arg11[%dma_start3A_145, %dma_start3A_146] : memref<5008x128xf32, #tpu.memory_space<vmem_shared>> -> memref<5008x128xf32, #tpu.memory_space<vmem_shared>>
        tpu.enqueue_indirect_dma source(%dma_start3A_141 : memref<32x128xf32, #tpu.memory_space<vmem>>) target(%dma_start3A_147 : memref<5008x128xf32, #tpu.memory_space<vmem_shared>>) offsets(%dma_start3A_144 : memref<32xi32, #tpu.memory_space<vmem>>) semaphore(%arg13 : memref<!tpu.dma_semaphore, #tpu.memory_space<semaphore_mem>>) {add = true}
      } else {
      }
    }
    %scan3A_39 = arith.constant 627 : i32
    %barrier3A_40 = arith.constant 0 : index
    tpu.barrier barrier_id(%barrier3A_40)
    %mul3A_41 = arith.constant 312 : i32
    %mul3A_42 = arith.muli %arg1, %mul3A_41 : i32
    "tpu.region"() ({
      %run_scoped3A = tpu.sem_alloc : memref<!tpu.dma_semaphore, #tpu.memory_space<semaphore_mem>>
      %dma_start3A = arith.constant 0 : i32
      %dma_start3A_48 = tpu.memref_slice %arg5[%arg0, %mul3A_42, %dma_start3A] : memref<2x5000x128xf32, #tpu.memory_space<hbm>> -> memref<1x312x128xf32, #tpu.memory_space<hbm>>
      %dma_start3A_49 = tpu.memref_squeeze %dma_start3A_48 : memref<1x312x128xf32, #tpu.memory_space<hbm>> -> memref<312x128xf32, #tpu.memory_space<hbm>>
      %dma_start3A_50 = arith.constant 0 : i32
      %dma_start3A_51 = tpu.memref_slice %arg11[%mul3A_42, %dma_start3A_50] : memref<5008x128xf32, #tpu.memory_space<vmem_shared>> -> memref<312x128xf32, #tpu.memory_space<vmem_shared>>
      tpu.enqueue_dma source(%dma_start3A_51 : memref<312x128xf32, #tpu.memory_space<vmem_shared>>) target(%dma_start3A_49 : memref<312x128xf32, #tpu.memory_space<hbm>>) target_semaphore(%run_scoped3A : memref<!tpu.dma_semaphore, #tpu.memory_space<semaphore_mem>>)
      %dma_wait3A = arith.constant 0 : i32
      %dma_wait3A_52 = tpu.memref_slice %arg5[%arg0, %mul3A_42, %dma_wait3A] : memref<2x5000x128xf32, #tpu.memory_space<hbm>> -> memref<1x312x128xf32, #tpu.memory_space<hbm>>
      %dma_wait3A_53 = tpu.memref_squeeze %dma_wait3A_52 : memref<1x312x128xf32, #tpu.memory_space<hbm>> -> memref<312x128xf32, #tpu.memory_space<hbm>>
      %dma_wait3A_54 = arith.constant 0 : i32
      %dma_wait3A_55 = tpu.memref_slice %arg11[%mul3A_42, %dma_wait3A_54] : memref<5008x128xf32, #tpu.memory_space<vmem_shared>> -> memref<312x128xf32, #tpu.memory_space<vmem_shared>>
      tpu.wait_dma2 semaphore(%run_scoped3A : memref<!tpu.dma_semaphore, #tpu.memory_space<semaphore_mem>>) src(%dma_wait3A_55 : memref<312x128xf32, #tpu.memory_space<vmem_shared>>) dst(%dma_wait3A_53 : memref<312x128xf32, #tpu.memory_space<hbm>>)
      tpu.yield
    }) : () -> ()
    %eq3A_43 = arith.constant 0 : i32
    %eq3A_44 = arith.cmpi eq, %arg1, %eq3A_43 : i32
    %convert_element_type3A_45 = arith.extui %eq3A_44 : i1 to i32
    %cond3A_46 = arith.constant 0 : i32
    %cond3A_47 = arith.cmpi ne, %convert_element_type3A_45, %cond3A_46 : i32
    scf.if %cond3A_47 {
      "tpu.region"() ({
        %run_scoped3A = tpu.sem_alloc : memref<!tpu.dma_semaphore, #tpu.memory_space<semaphore_mem>>
        %dma_start3A = arith.constant 4992 : i32
        %dma_start3A_48 = arith.constant 0 : i32
        %dma_start3A_49 = tpu.memref_slice %arg5[%arg0, %dma_start3A, %dma_start3A_48] : memref<2x5000x128xf32, #tpu.memory_space<hbm>> -> memref<1x8x128xf32, #tpu.memory_space<hbm>>
        %dma_start3A_50 = tpu.memref_squeeze %dma_start3A_49 : memref<1x8x128xf32, #tpu.memory_space<hbm>> -> memref<8x128xf32, #tpu.memory_space<hbm>>
        %dma_start3A_51 = arith.constant 4992 : i32
        %dma_start3A_52 = arith.constant 0 : i32
        %dma_start3A_53 = tpu.memref_slice %arg11[%dma_start3A_51, %dma_start3A_52] : memref<5008x128xf32, #tpu.memory_space<vmem_shared>> -> memref<8x128xf32, #tpu.memory_space<vmem_shared>>
        tpu.enqueue_dma source(%dma_start3A_53 : memref<8x128xf32, #tpu.memory_space<vmem_shared>>) target(%dma_start3A_50 : memref<8x128xf32, #tpu.memory_space<hbm>>) target_semaphore(%run_scoped3A : memref<!tpu.dma_semaphore, #tpu.memory_space<semaphore_mem>>)
        %dma_wait3A = arith.constant 4992 : i32
        %dma_wait3A_54 = arith.constant 0 : i32
        %dma_wait3A_55 = tpu.memref_slice %arg5[%arg0, %dma_wait3A, %dma_wait3A_54] : memref<2x5000x128xf32, #tpu.memory_space<hbm>> -> memref<1x8x128xf32, #tpu.memory_space<hbm>>
        %dma_wait3A_56 = tpu.memref_squeeze %dma_wait3A_55 : memref<1x8x128xf32, #tpu.memory_space<hbm>> -> memref<8x128xf32, #tpu.memory_space<hbm>>
        %dma_wait3A_57 = arith.constant 4992 : i32
        %dma_wait3A_58 = arith.constant 0 : i32
        %dma_wait3A_59 = tpu.memref_slice %arg11[%dma_wait3A_57, %dma_wait3A_58] : memref<5008x128xf32, #tpu.memory_space<vmem_shared>> -> memref<8x128xf32, #tpu.memory_space<vmem_shared>>
        tpu.wait_dma2 semaphore(%run_scoped3A : memref<!tpu.dma_semaphore, #tpu.memory_space<semaphore_mem>>) src(%dma_wait3A_59 : memref<8x128xf32, #tpu.memory_space<vmem_shared>>) dst(%dma_wait3A_56 : memref<8x128xf32, #tpu.memory_space<hbm>>)
        tpu.yield
      }) : () -> ()
    } else {
    }
    return
  }
}

#map = affine_map<(d0, d1) -> (0, 0)>
#map1 = affine_map<(d0, d1) -> (0)>
#map2 = affine_map<(d0, d1) -> (0, 0, 0)>
module attributes {stable_mosaic.version = 14 : i64} {
  func.func @body(%arg0: i32, %arg1: i32, %arg2: memref<10000x128xf32, #tpu.memory_space<hbm>>, %arg3: memref<320000xi32, #tpu.memory_space<hbm>>, %arg4: memref<320000xi32, #tpu.memory_space<hbm>>, %arg5: memref<2x5000x128xf32, #tpu.memory_space<hbm>>, %arg6: memref<20096xi32, #tpu.memory_space<vmem>>, %arg7: memref<20096xi32, #tpu.memory_space<vmem>>, %arg8: memref<2x32xi32, #tpu.memory_space<vmem>>, %arg9: memref<2x32x128xf32, #tpu.memory_space<vmem>>, %arg10: memref<312x128xf32, #tpu.memory_space<vmem>>, %arg11: memref<5008x128xf32, #tpu.memory_space<vmem_shared>>, %arg12: memref<!tpu.dma_semaphore, #tpu.memory_space<semaphore_mem>>, %arg13: memref<!tpu.dma_semaphore, #tpu.memory_space<semaphore_mem>>) attributes {dimension_semantics = [#tpu.dimension_semantics<core_parallel>, #tpu.dimension_semantics<subcore_parallel>], iteration_bounds = array<i64: 2, 16>, scalar_prefetch = 0 : i64, scratch_operands = 8 : i64, tpu.core_type = #tpu.core_type<sc_vector_subcore>, window_params = [{transform_indices = #map}, {transform_indices = #map1}, {transform_indices = #map1}, {transform_indices = #map2}]} {
    %broadcast_in_dim3A = arith.constant 0.000000e+00 : f32
    %broadcast_in_dim3A_0 = vector.broadcast %broadcast_in_dim3A : f32 to vector<16xf32>
    %mul3A = arith.constant 5000 : i32
    %mul3A_1 = arith.muli %arg0, %mul3A : i32
    %scan3A = arith.constant 0 : i32
    %scan3A_2 = arith.constant 0 : i32
    %scan3A_3 = arith.constant 312 : i32
    %scan3A_4 = arith.addi %scan3A_2, %scan3A_3 : i32
    %scan3A_5 = arith.constant 1 : i32
    scf.for %scan3A_48 = %scan3A_2 to %scan3A_4 step %scan3A_5  : i32 {
      %swap3A = arith.index_cast %scan3A_48 : i32 to index
      %swap3A_49 = arith.constant 0 : index
      %swap3A_50 = tpu.vector_load %arg10[%swap3A, %swap3A_49] {strides = array<i32>} : memref<312x128xf32, #tpu.memory_space<vmem>>, vector<1x16xf32>,
      %swap3A_51 = vector.shape_cast %swap3A_50 : vector<1x16xf32> to vector<16xf32>
      %swap3A_52 = vector.shape_cast %broadcast_in_dim3A_0 : vector<16xf32> to vector<1x16xf32>
      tpu.vector_store %arg10[%swap3A, %swap3A_49], %swap3A_52 {strides = array<i32>} : memref<312x128xf32, #tpu.memory_space<vmem>>, vector<1x16xf32>,
      %swap3A_53 = arith.index_cast %scan3A_48 : i32 to index
      %swap3A_54 = arith.constant 16 : index
      %swap3A_55 = tpu.vector_load %arg10[%swap3A_53, %swap3A_54] {strides = array<i32>} : memref<312x128xf32, #tpu.memory_space<vmem>>, vector<1x16xf32>,
      %swap3A_56 = vector.shape_cast %swap3A_55 : vector<1x16xf32> to vector<16xf32>
      %swap3A_57 = vector.shape_cast %broadcast_in_dim3A_0 : vector<16xf32> to vector<1x16xf32>
      tpu.vector_store %arg10[%swap3A_53, %swap3A_54], %swap3A_57 {strides = array<i32>} : memref<312x128xf32, #tpu.memory_space<vmem>>, vector<1x16xf32>,
      %swap3A_58 = arith.index_cast %scan3A_48 : i32 to index
      %swap3A_59 = arith.constant 32 : index
      %swap3A_60 = tpu.vector_load %arg10[%swap3A_58, %swap3A_59] {strides = array<i32>} : memref<312x128xf32, #tpu.memory_space<vmem>>, vector<1x16xf32>,
      %swap3A_61 = vector.shape_cast %swap3A_60 : vector<1x16xf32> to vector<16xf32>
      %swap3A_62 = vector.shape_cast %broadcast_in_dim3A_0 : vector<16xf32> to vector<1x16xf32>
      tpu.vector_store %arg10[%swap3A_58, %swap3A_59], %swap3A_62 {strides = array<i32>} : memref<312x128xf32, #tpu.memory_space<vmem>>, vector<1x16xf32>,
      %swap3A_63 = arith.index_cast %scan3A_48 : i32 to index
      %swap3A_64 = arith.constant 48 : index
      %swap3A_65 = tpu.vector_load %arg10[%swap3A_63, %swap3A_64] {strides = array<i32>} : memref<312x128xf32, #tpu.memory_space<vmem>>, vector<1x16xf32>,
      %swap3A_66 = vector.shape_cast %swap3A_65 : vector<1x16xf32> to vector<16xf32>
      %swap3A_67 = vector.shape_cast %broadcast_in_dim3A_0 : vector<16xf32> to vector<1x16xf32>
      tpu.vector_store %arg10[%swap3A_63, %swap3A_64], %swap3A_67 {strides = array<i32>} : memref<312x128xf32, #tpu.memory_space<vmem>>, vector<1x16xf32>,
      %swap3A_68 = arith.index_cast %scan3A_48 : i32 to index
      %swap3A_69 = arith.constant 64 : index
      %swap3A_70 = tpu.vector_load %arg10[%swap3A_68, %swap3A_69] {strides = array<i32>} : memref<312x128xf32, #tpu.memory_space<vmem>>, vector<1x16xf32>,
      %swap3A_71 = vector.shape_cast %swap3A_70 : vector<1x16xf32> to vector<16xf32>
      %swap3A_72 = vector.shape_cast %broadcast_in_dim3A_0 : vector<16xf32> to vector<1x16xf32>
      tpu.vector_store %arg10[%swap3A_68, %swap3A_69], %swap3A_72 {strides = array<i32>} : memref<312x128xf32, #tpu.memory_space<vmem>>, vector<1x16xf32>,
      %swap3A_73 = arith.index_cast %scan3A_48 : i32 to index
      %swap3A_74 = arith.constant 80 : index
      %swap3A_75 = tpu.vector_load %arg10[%swap3A_73, %swap3A_74] {strides = array<i32>} : memref<312x128xf32, #tpu.memory_space<vmem>>, vector<1x16xf32>,
      %swap3A_76 = vector.shape_cast %swap3A_75 : vector<1x16xf32> to vector<16xf32>
      %swap3A_77 = vector.shape_cast %broadcast_in_dim3A_0 : vector<16xf32> to vector<1x16xf32>
      tpu.vector_store %arg10[%swap3A_73, %swap3A_74], %swap3A_77 {strides = array<i32>} : memref<312x128xf32, #tpu.memory_space<vmem>>, vector<1x16xf32>,
      %swap3A_78 = arith.index_cast %scan3A_48 : i32 to index
      %swap3A_79 = arith.constant 96 : index
      %swap3A_80 = tpu.vector_load %arg10[%swap3A_78, %swap3A_79] {strides = array<i32>} : memref<312x128xf32, #tpu.memory_space<vmem>>, vector<1x16xf32>,
      %swap3A_81 = vector.shape_cast %swap3A_80 : vector<1x16xf32> to vector<16xf32>
      %swap3A_82 = vector.shape_cast %broadcast_in_dim3A_0 : vector<16xf32> to vector<1x16xf32>
      tpu.vector_store %arg10[%swap3A_78, %swap3A_79], %swap3A_82 {strides = array<i32>} : memref<312x128xf32, #tpu.memory_space<vmem>>, vector<1x16xf32>,
      %swap3A_83 = arith.index_cast %scan3A_48 : i32 to index
      %swap3A_84 = arith.constant 112 : index
      %swap3A_85 = tpu.vector_load %arg10[%swap3A_83, %swap3A_84] {strides = array<i32>} : memref<312x128xf32, #tpu.memory_space<vmem>>, vector<1x16xf32>,
      %swap3A_86 = vector.shape_cast %swap3A_85 : vector<1x16xf32> to vector<16xf32>
      %swap3A_87 = vector.shape_cast %broadcast_in_dim3A_0 : vector<16xf32> to vector<1x16xf32>
      tpu.vector_store %arg10[%swap3A_83, %swap3A_84], %swap3A_87 {strides = array<i32>} : memref<312x128xf32, #tpu.memory_space<vmem>>, vector<1x16xf32>,
    }
    %scan3A_6 = arith.constant 312 : i32
    %mul3A_7 = arith.constant 312 : i32
    %mul3A_8 = arith.muli %arg1, %mul3A_7 : i32
    "tpu.region"() ({
      %run_scoped3A = tpu.sem_alloc : memref<!tpu.dma_semaphore, #tpu.memory_space<semaphore_mem>>
      %dma_start3A = arith.constant 0 : i32
      %dma_start3A_48 = tpu.memref_slice %arg11[%mul3A_8, %dma_start3A] : memref<5008x128xf32, #tpu.memory_space<vmem_shared>> -> memref<312x128xf32, #tpu.memory_space<vmem_shared>>
      %dma_start3A_49 = arith.constant 0 : i32
      %dma_start3A_50 = tpu.memref_slice %arg11[%mul3A_8, %dma_start3A_49] : memref<5008x128xf32, #tpu.memory_space<vmem_shared>> -> memref<312x128xf32, #tpu.memory_space<vmem_shared>>
      tpu.enqueue_dma source(%arg10 : memref<312x128xf32, #tpu.memory_space<vmem>>) target(%dma_start3A_50 : memref<312x128xf32, #tpu.memory_space<vmem_shared>>) target_semaphore(%run_scoped3A : memref<!tpu.dma_semaphore, #tpu.memory_space<semaphore_mem>>)
      %dma_wait3A = arith.constant 0 : i32
      %dma_wait3A_51 = tpu.memref_slice %arg11[%mul3A_8, %dma_wait3A] : memref<5008x128xf32, #tpu.memory_space<vmem_shared>> -> memref<312x128xf32, #tpu.memory_space<vmem_shared>>
      %dma_wait3A_52 = arith.constant 0 : i32
      %dma_wait3A_53 = tpu.memref_slice %arg11[%mul3A_8, %dma_wait3A_52] : memref<5008x128xf32, #tpu.memory_space<vmem_shared>> -> memref<312x128xf32, #tpu.memory_space<vmem_shared>>
      tpu.wait_dma2 semaphore(%run_scoped3A : memref<!tpu.dma_semaphore, #tpu.memory_space<semaphore_mem>>) src(%arg10 : memref<312x128xf32, #tpu.memory_space<vmem>>) dst(%dma_wait3A_53 : memref<312x128xf32, #tpu.memory_space<vmem_shared>>)
      tpu.yield
    }) : () -> ()
    %eq3A = arith.constant 0 : i32
    %eq3A_9 = arith.cmpi eq, %arg1, %eq3A : i32
    %convert_element_type3A = arith.extui %eq3A_9 : i1 to i32
    %cond3A = arith.constant 0 : i32
    %cond3A_10 = arith.cmpi ne, %convert_element_type3A, %cond3A : i32
    scf.if %cond3A_10 {
      "tpu.region"() ({
        %run_scoped3A = tpu.sem_alloc : memref<!tpu.dma_semaphore, #tpu.memory_space<semaphore_mem>>
        %dma_start3A = arith.constant 0 : i32
        %dma_start3A_48 = arith.constant 0 : i32
        %dma_start3A_49 = tpu.memref_slice %arg10[%dma_start3A, %dma_start3A_48] : memref<312x128xf32, #tpu.memory_space<vmem>> -> memref<16x128xf32, #tpu.memory_space<vmem>>
        %dma_start3A_50 = arith.constant 4992 : i32
        %dma_start3A_51 = arith.constant 0 : i32
        %dma_start3A_52 = tpu.memref_slice %arg11[%dma_start3A_50, %dma_start3A_51] : memref<5008x128xf32, #tpu.memory_space<vmem_shared>> -> memref<16x128xf32, #tpu.memory_space<vmem_shared>>
        %dma_start3A_53 = arith.constant 4992 : i32
        %dma_start3A_54 = arith.constant 0 : i32
        %dma_start3A_55 = tpu.memref_slice %arg11[%dma_start3A_53, %dma_start3A_54] : memref<5008x128xf32, #tpu.memory_space<vmem_shared>> -> memref<16x128xf32, #tpu.memory_space<vmem_shared>>
        %dma_start3A_56 = arith.constant 0 : i32
        %dma_start3A_57 = arith.constant 0 : i32
        %dma_start3A_58 = tpu.memref_slice %arg10[%dma_start3A_56, %dma_start3A_57] : memref<312x128xf32, #tpu.memory_space<vmem>> -> memref<16x128xf32, #tpu.memory_space<vmem>>
        tpu.enqueue_dma source(%dma_start3A_58 : memref<16x128xf32, #tpu.memory_space<vmem>>) target(%dma_start3A_55 : memref<16x128xf32, #tpu.memory_space<vmem_shared>>) target_semaphore(%run_scoped3A : memref<!tpu.dma_semaphore, #tpu.memory_space<semaphore_mem>>)
        %dma_wait3A = arith.constant 0 : i32
        %dma_wait3A_59 = arith.constant 0 : i32
        %dma_wait3A_60 = tpu.memref_slice %arg10[%dma_wait3A, %dma_wait3A_59] : memref<312x128xf32, #tpu.memory_space<vmem>> -> memref<16x128xf32, #tpu.memory_space<vmem>>
        %dma_wait3A_61 = arith.constant 4992 : i32
        %dma_wait3A_62 = arith.constant 0 : i32
        %dma_wait3A_63 = tpu.memref_slice %arg11[%dma_wait3A_61, %dma_wait3A_62] : memref<5008x128xf32, #tpu.memory_space<vmem_shared>> -> memref<16x128xf32, #tpu.memory_space<vmem_shared>>
        %dma_wait3A_64 = arith.constant 4992 : i32
        %dma_wait3A_65 = arith.constant 0 : i32
        %dma_wait3A_66 = tpu.memref_slice %arg11[%dma_wait3A_64, %dma_wait3A_65] : memref<5008x128xf32, #tpu.memory_space<vmem_shared>> -> memref<16x128xf32, #tpu.memory_space<vmem_shared>>
        %dma_wait3A_67 = arith.constant 0 : i32
        %dma_wait3A_68 = arith.constant 0 : i32
        %dma_wait3A_69 = tpu.memref_slice %arg10[%dma_wait3A_67, %dma_wait3A_68] : memref<312x128xf32, #tpu.memory_space<vmem>> -> memref<16x128xf32, #tpu.memory_space<vmem>>
        tpu.wait_dma2 semaphore(%run_scoped3A : memref<!tpu.dma_semaphore, #tpu.memory_space<semaphore_mem>>) src(%dma_wait3A_69 : memref<16x128xf32, #tpu.memory_space<vmem>>) dst(%dma_wait3A_66 : memref<16x128xf32, #tpu.memory_space<vmem_shared>>)
        tpu.yield
      }) : () -> ()
    } else {
    }
    %mul3A_11 = arith.constant 20000 : i32
    %mul3A_12 = arith.muli %arg1, %mul3A_11 : i32
    %jit3A = arith.constant 128 : i32
    %div3A = arith.divsi %mul3A_12, %jit3A : i32
    %sign3A = arith.constant 0 : i32
    %sign3A_13 = arith.cmpi sgt, %mul3A_12, %sign3A : i32
    %sign3A_14 = arith.extui %sign3A_13 : i1 to i32
    %sign3A_15 = arith.constant 0 : i32
    %sign3A_16 = arith.cmpi slt, %mul3A_12, %sign3A_15 : i32
    %sign3A_17 = arith.extui %sign3A_16 : i1 to i32
    %sign3A_18 = arith.subi %sign3A_14, %sign3A_17 : i32
    %sign3A_19 = arith.constant 0 : i32
    %sign3A_20 = arith.cmpi sgt, %jit3A, %sign3A_19 : i32
    %sign3A_21 = arith.extui %sign3A_20 : i1 to i32
    %sign3A_22 = arith.constant 0 : i32
    %sign3A_23 = arith.cmpi slt, %jit3A, %sign3A_22 : i32
    %sign3A_24 = arith.extui %sign3A_23 : i1 to i32
    %sign3A_25 = arith.subi %sign3A_21, %sign3A_24 : i32
    %ne3A = arith.cmpi ne, %sign3A_18, %sign3A_25 : i32
    %rem3A = arith.remsi %mul3A_12, %jit3A : i32
    %ne3A_26 = arith.constant 0 : i32
    %ne3A_27 = arith.cmpi ne, %rem3A, %ne3A_26 : i32
    %and3A = arith.andi %ne3A, %ne3A_27 : i1
    %sub3A = arith.constant 1 : i32
    %sub3A_28 = arith.subi %div3A, %sub3A : i32
    %select_n3A = arith.select %and3A, %sub3A_28, %div3A : i32
    %mul3A_29 = arith.constant 128 : i32
    %mul3A_30 = arith.muli %select_n3A, %mul3A_29 : i32
    %mul3A_31 = arith.constant 20000 : i32
    %mul3A_32 = arith.muli %arg1, %mul3A_31 : i32
    %sub3A_33 = arith.subi %mul3A_32, %mul3A_30 : i32
    "tpu.region"() ({
      %run_scoped3A = tpu.sem_alloc : memref<!tpu.dma_semaphore, #tpu.memory_space<semaphore_mem>>
      %dma_start3A = tpu.memref_slice %arg3[%mul3A_30] : memref<320000xi32, #tpu.memory_space<hbm>> -> memref<20096xi32, #tpu.memory_space<hbm>>
      %dma_start3A_48 = tpu.memref_slice %arg3[%mul3A_30] : memref<320000xi32, #tpu.memory_space<hbm>> -> memref<20096xi32, #tpu.memory_space<hbm>>
      tpu.enqueue_dma source(%dma_start3A_48 : memref<20096xi32, #tpu.memory_space<hbm>>) target(%arg6 : memref<20096xi32, #tpu.memory_space<vmem>>) target_semaphore(%run_scoped3A : memref<!tpu.dma_semaphore, #tpu.memory_space<semaphore_mem>>)
      %dma_wait3A = tpu.memref_slice %arg3[%mul3A_30] : memref<320000xi32, #tpu.memory_space<hbm>> -> memref<20096xi32, #tpu.memory_space<hbm>>
      %dma_wait3A_49 = tpu.memref_slice %arg3[%mul3A_30] : memref<320000xi32, #tpu.memory_space<hbm>> -> memref<20096xi32, #tpu.memory_space<hbm>>
      tpu.wait_dma2 semaphore(%run_scoped3A : memref<!tpu.dma_semaphore, #tpu.memory_space<semaphore_mem>>) src(%dma_wait3A_49 : memref<20096xi32, #tpu.memory_space<hbm>>) dst(%arg6 : memref<20096xi32, #tpu.memory_space<vmem>>)
      tpu.yield
    }) : () -> ()
    "tpu.region"() ({
      %run_scoped3A = tpu.sem_alloc : memref<!tpu.dma_semaphore, #tpu.memory_space<semaphore_mem>>
      %dma_start3A = tpu.memref_slice %arg4[%mul3A_30] : memref<320000xi32, #tpu.memory_space<hbm>> -> memref<20096xi32, #tpu.memory_space<hbm>>
      %dma_start3A_48 = tpu.memref_slice %arg4[%mul3A_30] : memref<320000xi32, #tpu.memory_space<hbm>> -> memref<20096xi32, #tpu.memory_space<hbm>>
      tpu.enqueue_dma source(%dma_start3A_48 : memref<20096xi32, #tpu.memory_space<hbm>>) target(%arg7 : memref<20096xi32, #tpu.memory_space<vmem>>) target_semaphore(%run_scoped3A : memref<!tpu.dma_semaphore, #tpu.memory_space<semaphore_mem>>)
      %dma_wait3A = tpu.memref_slice %arg4[%mul3A_30] : memref<320000xi32, #tpu.memory_space<hbm>> -> memref<20096xi32, #tpu.memory_space<hbm>>
      %dma_wait3A_49 = tpu.memref_slice %arg4[%mul3A_30] : memref<320000xi32, #tpu.memory_space<hbm>> -> memref<20096xi32, #tpu.memory_space<hbm>>
      tpu.wait_dma2 semaphore(%run_scoped3A : memref<!tpu.dma_semaphore, #tpu.memory_space<semaphore_mem>>) src(%dma_wait3A_49 : memref<20096xi32, #tpu.memory_space<hbm>>) dst(%arg7 : memref<20096xi32, #tpu.memory_space<vmem>>)
      tpu.yield
    }) : () -> ()
    %barrier3A = arith.constant 0 : index
    tpu.barrier barrier_id(%barrier3A)
    %scan3A_34 = arith.constant 0 : i32
    %scan3A_35 = arith.constant 0 : i32
    %scan3A_36 = arith.constant 627 : i32
    %scan3A_37 = arith.addi %scan3A_35, %scan3A_36 : i32
    %scan3A_38 = arith.constant 1 : i32
    scf.for %scan3A_48 = %scan3A_35 to %scan3A_37 step %scan3A_38  : i32 {
      %ge3A = arith.constant 2 : i32
      %ge3A_49 = arith.cmpi sge, %scan3A_48, %ge3A : i32
      %convert_element_type3A_50 = arith.extui %ge3A_49 : i1 to i32
      %cond3A_51 = arith.constant 0 : i32
      %cond3A_52 = arith.cmpi ne, %convert_element_type3A_50, %cond3A_51 : i32
      scf.if %cond3A_52 {
        %and3A_64 = arith.constant 1 : i32
        %and3A_65 = arith.andi %scan3A_48, %and3A_64 : i32
        %sub3A_66 = arith.constant 2 : i32
        %sub3A_67 = arith.subi %scan3A_48, %sub3A_66 : i32
        %and3A_68 = arith.constant 1 : i32
        %and3A_69 = arith.andi %sub3A_67, %and3A_68 : i32
        %dma_wait3A = arith.constant 0 : i32
        %dma_wait3A_70 = arith.constant 0 : i32
        %dma_wait3A_71 = tpu.memref_slice %arg9[%and3A_65, %dma_wait3A, %dma_wait3A_70] : memref<2x32x128xf32, #tpu.memory_space<vmem>> -> memref<1x32x128xf32, #tpu.memory_space<vmem>>
        %dma_wait3A_72 = tpu.memref_squeeze %dma_wait3A_71 : memref<1x32x128xf32, #tpu.memory_space<vmem>> -> memref<32x128xf32, #tpu.memory_space<vmem>>
        %dma_wait3A_73 = arith.constant 0 : i32
        %dma_wait3A_74 = tpu.memref_slice %arg8[%and3A_69, %dma_wait3A_73] : memref<2x32xi32, #tpu.memory_space<vmem>> -> memref<1x32xi32, #tpu.memory_space<vmem>>
        %dma_wait3A_75 = tpu.memref_squeeze %dma_wait3A_74 : memref<1x32xi32, #tpu.memory_space<vmem>> -> memref<32xi32, #tpu.memory_space<vmem>>
        %dma_wait3A_76 = arith.constant 0 : i32
        %dma_wait3A_77 = arith.constant 0 : i32
        %dma_wait3A_78 = tpu.memref_slice %arg11[%dma_wait3A_76, %dma_wait3A_77] : memref<5008x128xf32, #tpu.memory_space<vmem_shared>> -> memref<5008x128xf32, #tpu.memory_space<vmem_shared>>
        tpu.wait_indirect_dma semaphore(%arg13 : memref<!tpu.dma_semaphore, #tpu.memory_space<semaphore_mem>>) src(%dma_wait3A_72 : memref<32x128xf32, #tpu.memory_space<vmem>>) dst(%dma_wait3A_78 : memref<5008x128xf32, #tpu.memory_space<vmem_shared>>)
      } else {
      }
      %lt3A = arith.constant 625 : i32
      %lt3A_53 = arith.cmpi slt, %scan3A_48, %lt3A : i32
      %convert_element_type3A_54 = arith.extui %lt3A_53 : i1 to i32
      %cond3A_55 = arith.constant 0 : i32
      %cond3A_56 = arith.cmpi ne, %convert_element_type3A_54, %cond3A_55 : i32
      scf.if %cond3A_56 {
        %mul3A_64 = arith.constant 32 : i32
        %mul3A_65 = arith.muli %scan3A_48, %mul3A_64 : i32
        %add3A = arith.addi %sub3A_33, %mul3A_65 : i32
        %and3A_66 = arith.constant 1 : i32
        %and3A_67 = arith.andi %scan3A_48, %and3A_66 : i32
        %dma_start3A = arith.constant 0 : i32
        %dma_start3A_68 = arith.constant 0 : i32
        %dma_start3A_69 = tpu.memref_slice %arg9[%and3A_67, %dma_start3A, %dma_start3A_68] : memref<2x32x128xf32, #tpu.memory_space<vmem>> -> memref<1x32x128xf32, #tpu.memory_space<vmem>>
        %dma_start3A_70 = tpu.memref_squeeze %dma_start3A_69 : memref<1x32x128xf32, #tpu.memory_space<vmem>> -> memref<32x128xf32, #tpu.memory_space<vmem>>
        %dma_start3A_71 = tpu.memref_slice %arg6[%add3A] : memref<20096xi32, #tpu.memory_space<vmem>> -> memref<32xi32, #tpu.memory_space<vmem>>
        %dma_start3A_72 = arith.constant 0 : i32
        %dma_start3A_73 = arith.constant 0 : i32
        %dma_start3A_74 = tpu.memref_slice %arg2[%dma_start3A_72, %dma_start3A_73] : memref<10000x128xf32, #tpu.memory_space<hbm>> -> memref<10000x128xf32, #tpu.memory_space<hbm>>
        tpu.enqueue_indirect_dma source(%dma_start3A_74 : memref<10000x128xf32, #tpu.memory_space<hbm>>) target(%dma_start3A_70 : memref<32x128xf32, #tpu.memory_space<vmem>>) offsets(%dma_start3A_71 : memref<32xi32, #tpu.memory_space<vmem>>) semaphore(%arg12 : memref<!tpu.dma_semaphore, #tpu.memory_space<semaphore_mem>>)
      } else {
      }
      %ge3A_57 = arith.constant 1 : i32
      %ge3A_58 = arith.cmpi sge, %scan3A_48, %ge3A_57 : i32
      %le3A = arith.constant 625 : i32
      %le3A_59 = arith.cmpi sle, %scan3A_48, %le3A : i32
      %and3A_60 = arith.andi %ge3A_58, %le3A_59 : i1
      %convert_element_type3A_61 = arith.extui %and3A_60 : i1 to i32
      %cond3A_62 = arith.constant 0 : i32
      %cond3A_63 = arith.cmpi ne, %convert_element_type3A_61, %cond3A_62 : i32
      scf.if %cond3A_63 {
        %sub3A_64 = arith.constant 1 : i32
        %sub3A_65 = arith.subi %scan3A_48, %sub3A_64 : i32
        %and3A_66 = arith.constant 1 : i32
        %and3A_67 = arith.andi %sub3A_65, %and3A_66 : i32
        %mul3A_68 = arith.constant 32 : i32
        %mul3A_69 = arith.muli %sub3A_65, %mul3A_68 : i32
        %add3A = arith.addi %sub3A_33, %mul3A_69 : i32
        %add3A_70 = arith.constant 0 : i32
        %add3A_71 = arith.addi %add3A, %add3A_70 : i32
        %get3A = arith.index_cast %add3A_71 : i32 to index
        %get3A_72 = tpu.vector_load %arg7[%get3A] {strides = array<i32>} : memref<20096xi32, #tpu.memory_space<vmem>>, vector<16xi32>,
        %get3A_73 = vector.shape_cast %get3A_72 : vector<16xi32> to vector<16xi32>
        %sub3A_74 = vector.broadcast %mul3A_1 : i32 to vector<16xi32>
        %sub3A_75 = arith.subi %get3A_73, %sub3A_74 : vector<16xi32>
        %ge3A_76 = arith.constant 0 : i32
        %ge3A_77 = vector.broadcast %ge3A_76 : i32 to vector<16xi32>
        %ge3A_78 = arith.cmpi sge, %sub3A_75, %ge3A_77 : vector<16xi32>
        %lt3A_79 = arith.constant 5000 : i32
        %lt3A_80 = vector.broadcast %lt3A_79 : i32 to vector<16xi32>
        %lt3A_81 = arith.cmpi slt, %sub3A_75, %lt3A_80 : vector<16xi32>
        %and3A_82 = arith.andi %ge3A_78, %lt3A_81 : vector<16xi1>
        %and3A_83 = arith.constant 7 : i32
        %and3A_84 = vector.broadcast %and3A_83 : i32 to vector<16xi32>
        %and3A_85 = arith.andi %get3A_73, %and3A_84 : vector<16xi32>
        %add3A_86 = arith.constant 5000 : i32
        %add3A_87 = vector.broadcast %add3A_86 : i32 to vector<16xi32>
        %add3A_88 = arith.addi %add3A_87, %and3A_85 : vector<16xi32>
        %select_n3A_89 = arith.select %and3A_82, %sub3A_75, %add3A_88 : vector<16xi1>, vector<16xi32>
        %swap3A = arith.index_cast %and3A_67 : i32 to index
        %swap3A_90 = arith.constant 0 : index
        %swap3A_91 = tpu.vector_load %arg8[%swap3A, %swap3A_90] {strides = array<i32>} : memref<2x32xi32, #tpu.memory_space<vmem>>, vector<1x16xi32>,
        %swap3A_92 = vector.shape_cast %swap3A_91 : vector<1x16xi32> to vector<16xi32>
        %swap3A_93 = vector.shape_cast %select_n3A_89 : vector<16xi32> to vector<1x16xi32>
        tpu.vector_store %arg8[%swap3A, %swap3A_90], %swap3A_93 {strides = array<i32>} : memref<2x32xi32, #tpu.memory_space<vmem>>, vector<1x16xi32>,
        %mul3A_94 = arith.constant 32 : i32
        %mul3A_95 = arith.muli %sub3A_65, %mul3A_94 : i32
        %add3A_96 = arith.addi %sub3A_33, %mul3A_95 : i32
        %add3A_97 = arith.constant 16 : i32
        %add3A_98 = arith.addi %add3A_96, %add3A_97 : i32
        %get3A_99 = arith.index_cast %add3A_98 : i32 to index
        %get3A_100 = tpu.vector_load %arg7[%get3A_99] {strides = array<i32>} : memref<20096xi32, #tpu.memory_space<vmem>>, vector<16xi32>,
        %get3A_101 = vector.shape_cast %get3A_100 : vector<16xi32> to vector<16xi32>
        %sub3A_102 = vector.broadcast %mul3A_1 : i32 to vector<16xi32>
        %sub3A_103 = arith.subi %get3A_101, %sub3A_102 : vector<16xi32>
        %ge3A_104 = arith.constant 0 : i32
        %ge3A_105 = vector.broadcast %ge3A_104 : i32 to vector<16xi32>
        %ge3A_106 = arith.cmpi sge, %sub3A_103, %ge3A_105 : vector<16xi32>
        %lt3A_107 = arith.constant 5000 : i32
        %lt3A_108 = vector.broadcast %lt3A_107 : i32 to vector<16xi32>
        %lt3A_109 = arith.cmpi slt, %sub3A_103, %lt3A_108 : vector<16xi32>
        %and3A_110 = arith.andi %ge3A_106, %lt3A_109 : vector<16xi1>
        %and3A_111 = arith.constant 7 : i32
        %and3A_112 = vector.broadcast %and3A_111 : i32 to vector<16xi32>
        %and3A_113 = arith.andi %get3A_101, %and3A_112 : vector<16xi32>
        %add3A_114 = arith.constant 5000 : i32
        %add3A_115 = vector.broadcast %add3A_114 : i32 to vector<16xi32>
        %add3A_116 = arith.addi %add3A_115, %and3A_113 : vector<16xi32>
        %select_n3A_117 = arith.select %and3A_110, %sub3A_103, %add3A_116 : vector<16xi1>, vector<16xi32>
        %swap3A_118 = arith.index_cast %and3A_67 : i32 to index
        %swap3A_119 = arith.constant 16 : index
        %swap3A_120 = tpu.vector_load %arg8[%swap3A_118, %swap3A_119] {strides = array<i32>} : memref<2x32xi32, #tpu.memory_space<vmem>>, vector<1x16xi32>,
        %swap3A_121 = vector.shape_cast %swap3A_120 : vector<1x16xi32> to vector<16xi32>
        %swap3A_122 = vector.shape_cast %select_n3A_117 : vector<16xi32> to vector<1x16xi32>
        tpu.vector_store %arg8[%swap3A_118, %swap3A_119], %swap3A_122 {strides = array<i32>} : memref<2x32xi32, #tpu.memory_space<vmem>>, vector<1x16xi32>,
        %mul3A_123 = arith.constant 32 : i32
        %mul3A_124 = arith.muli %sub3A_65, %mul3A_123 : i32
        %add3A_125 = arith.addi %sub3A_33, %mul3A_124 : i32
        %and3A_126 = arith.constant 1 : i32
        %and3A_127 = arith.andi %sub3A_65, %and3A_126 : i32
        %dma_wait3A = arith.constant 0 : i32
        %dma_wait3A_128 = arith.constant 0 : i32
        %dma_wait3A_129 = tpu.memref_slice %arg9[%and3A_127, %dma_wait3A, %dma_wait3A_128] : memref<2x32x128xf32, #tpu.memory_space<vmem>> -> memref<1x32x128xf32, #tpu.memory_space<vmem>>
        %dma_wait3A_130 = tpu.memref_squeeze %dma_wait3A_129 : memref<1x32x128xf32, #tpu.memory_space<vmem>> -> memref<32x128xf32, #tpu.memory_space<vmem>>
        %dma_wait3A_131 = tpu.memref_slice %arg6[%add3A_125] : memref<20096xi32, #tpu.memory_space<vmem>> -> memref<32xi32, #tpu.memory_space<vmem>>
        %dma_wait3A_132 = arith.constant 0 : i32
        %dma_wait3A_133 = arith.constant 0 : i32
        %dma_wait3A_134 = tpu.memref_slice %arg2[%dma_wait3A_132, %dma_wait3A_133] : memref<10000x128xf32, #tpu.memory_space<hbm>> -> memref<10000x128xf32, #tpu.memory_space<hbm>>
        tpu.wait_indirect_dma semaphore(%arg12 : memref<!tpu.dma_semaphore, #tpu.memory_space<semaphore_mem>>) src(%dma_wait3A_134 : memref<10000x128xf32, #tpu.memory_space<hbm>>) dst(%dma_wait3A_130 : memref<32x128xf32, #tpu.memory_space<vmem>>)
        %and3A_135 = arith.constant 1 : i32
        %and3A_136 = arith.andi %sub3A_65, %and3A_135 : i32
        %and3A_137 = arith.constant 1 : i32
        %and3A_138 = arith.andi %sub3A_65, %and3A_137 : i32
        %dma_start3A = arith.constant 0 : i32
        %dma_start3A_139 = arith.constant 0 : i32
        %dma_start3A_140 = tpu.memref_slice %arg9[%and3A_136, %dma_start3A, %dma_start3A_139] : memref<2x32x128xf32, #tpu.memory_space<vmem>> -> memref<1x32x128xf32, #tpu.memory_space<vmem>>
        %dma_start3A_141 = tpu.memref_squeeze %dma_start3A_140 : memref<1x32x128xf32, #tpu.memory_space<vmem>> -> memref<32x128xf32, #tpu.memory_space<vmem>>
        %dma_start3A_142 = arith.constant 0 : i32
        %dma_start3A_143 = tpu.memref_slice %arg8[%and3A_138, %dma_start3A_142] : memref<2x32xi32, #tpu.memory_space<vmem>> -> memref<1x32xi32, #tpu.memory_space<vmem>>
        %dma_start3A_144 = tpu.memref_squeeze %dma_start3A_143 : memref<1x32xi32, #tpu.memory_space<vmem>> -> memref<32xi32, #tpu.memory_space<vmem>>
        %dma_start3A_145 = arith.constant 0 : i32
        %dma_start3A_146 = arith.constant 0 : i32
        %dma_start3A_147 = tpu.memref_slice %arg11[%dma_start3A_145, %dma_start3A_146] : memref<5008x128xf32, #tpu.memory_space<vmem_shared>> -> memref<5008x128xf32, #tpu.memory_space<vmem_shared>>
        tpu.enqueue_indirect_dma source(%dma_start3A_141 : memref<32x128xf32, #tpu.memory_space<vmem>>) target(%dma_start3A_147 : memref<5008x128xf32, #tpu.memory_space<vmem_shared>>) offsets(%dma_start3A_144 : memref<32xi32, #tpu.memory_space<vmem>>) semaphore(%arg13 : memref<!tpu.dma_semaphore, #tpu.memory_space<semaphore_mem>>) {add = true}
      } else {
      }
    }
    %scan3A_39 = arith.constant 627 : i32
    %barrier3A_40 = arith.constant 0 : index
    tpu.barrier barrier_id(%barrier3A_40)
    %mul3A_41 = arith.constant 312 : i32
    %mul3A_42 = arith.muli %arg1, %mul3A_41 : i32
    "tpu.region"() ({
      %run_scoped3A = tpu.sem_alloc : memref<!tpu.dma_semaphore, #tpu.memory_space<semaphore_mem>>
      %dma_start3A = arith.constant 0 : i32
      %dma_start3A_48 = tpu.memref_slice %arg5[%arg0, %mul3A_42, %dma_start3A] : memref<2x5000x128xf32, #tpu.memory_space<hbm>> -> memref<1x312x128xf32, #tpu.memory_space<hbm>>
      %dma_start3A_49 = tpu.memref_squeeze %dma_start3A_48 : memref<1x312x128xf32, #tpu.memory_space<hbm>> -> memref<312x128xf32, #tpu.memory_space<hbm>>
      %dma_start3A_50 = arith.constant 0 : i32
      %dma_start3A_51 = tpu.memref_slice %arg11[%mul3A_42, %dma_start3A_50] : memref<5008x128xf32, #tpu.memory_space<vmem_shared>> -> memref<312x128xf32, #tpu.memory_space<vmem_shared>>
      tpu.enqueue_dma source(%dma_start3A_51 : memref<312x128xf32, #tpu.memory_space<vmem_shared>>) target(%dma_start3A_49 : memref<312x128xf32, #tpu.memory_space<hbm>>) target_semaphore(%run_scoped3A : memref<!tpu.dma_semaphore, #tpu.memory_space<semaphore_mem>>)
      %dma_wait3A = arith.constant 0 : i32
      %dma_wait3A_52 = tpu.memref_slice %arg5[%arg0, %mul3A_42, %dma_wait3A] : memref<2x5000x128xf32, #tpu.memory_space<hbm>> -> memref<1x312x128xf32, #tpu.memory_space<hbm>>
      %dma_wait3A_53 = tpu.memref_squeeze %dma_wait3A_52 : memref<1x312x128xf32, #tpu.memory_space<hbm>> -> memref<312x128xf32, #tpu.memory_space<hbm>>
      %dma_wait3A_54 = arith.constant 0 : i32
      %dma_wait3A_55 = tpu.memref_slice %arg11[%mul3A_42, %dma_wait3A_54] : memref<5008x128xf32, #tpu.memory_space<vmem_shared>> -> memref<312x128xf32, #tpu.memory_space<vmem_shared>>
      tpu.wait_dma2 semaphore(%run_scoped3A : memref<!tpu.dma_semaphore, #tpu.memory_space<semaphore_mem>>) src(%dma_wait3A_55 : memref<312x128xf32, #tpu.memory_space<vmem_shared>>) dst(%dma_wait3A_53 : memref<312x128xf32, #tpu.memory_space<hbm>>)
      tpu.yield
    }) : () -> ()
    %eq3A_43 = arith.constant 0 : i32
    %eq3A_44 = arith.cmpi eq, %arg1, %eq3A_43 : i32
    %convert_element_type3A_45 = arith.extui %eq3A_44 : i1 to i32
    %cond3A_46 = arith.constant 0 : i32
    %cond3A_47 = arith.cmpi ne, %convert_element_type3A_45, %cond3A_46 : i32
    scf.if %cond3A_47 {
      "tpu.region"() ({
        %run_scoped3A = tpu.sem_alloc : memref<!tpu.dma_semaphore, #tpu.memory_space<semaphore_mem>>
        %dma_start3A = arith.constant 4992 : i32
        %dma_start3A_48 = arith.constant 0 : i32
        %dma_start3A_49 = tpu.memref_slice %arg5[%arg0, %dma_start3A, %dma_start3A_48] : memref<2x5000x128xf32, #tpu.memory_space<hbm>> -> memref<1x8x128xf32, #tpu.memory_space<hbm>>
        %dma_start3A_50 = tpu.memref_squeeze %dma_start3A_49 : memref<1x8x128xf32, #tpu.memory_space<hbm>> -> memref<8x128xf32, #tpu.memory_space<hbm>>
        %dma_start3A_51 = arith.constant 4992 : i32
        %dma_start3A_52 = arith.constant 0 : i32
        %dma_start3A_53 = tpu.memref_slice %arg11[%dma_start3A_51, %dma_start3A_52] : memref<5008x128xf32, #tpu.memory_space<vmem_shared>> -> memref<8x128xf32, #tpu.memory_space<vmem_shared>>
        tpu.enqueue_dma source(%dma_start3A_53 : memref<8x128xf32, #tpu.memory_space<vmem_shared>>) target(%dma_start3A_50 : memref<8x128xf32, #tpu.memory_space<hbm>>) target_semaphore(%run_scoped3A : memref<!tpu.dma_semaphore, #tpu.memory_space<semaphore_mem>>)
        %dma_wait3A = arith.constant 4992 : i32
        %dma_wait3A_54 = arith.constant 0 : i32
        %dma_wait3A_55 = tpu.memref_slice %arg5[%arg0, %dma_wait3A, %dma_wait3A_54] : memref<2x5000x128xf32, #tpu.memory_space<hbm>> -> memref<1x8x128xf32, #tpu.memory_space<hbm>>
        %dma_wait3A_56 = tpu.memref_squeeze %dma_wait3A_55 : memref<1x8x128xf32, #tpu.memory_space<hbm>> -> memref<8x128xf32, #tpu.memory_space<hbm>>
        %dma_wait3A_57 = arith.constant 4992 : i32
        %dma_wait3A_58 = arith.constant 0 : i32
        %dma_wait3A_59 = tpu.memref_slice %arg11[%dma_wait3A_57, %dma_wait3A_58] : memref<5008x128xf32, #tpu.memory_space<vmem_shared>> -> memref<8x128xf32, #tpu.memory_space<vmem_shared>>
        tpu.wait_dma2 semaphore(%run_scoped3A : memref<!tpu.dma_semaphore, #tpu.memory_space<semaphore_mem>>) src(%dma_wait3A_59 : memref<8x128xf32, #tpu.memory_space<vmem_shared>>) dst(%dma_wait3A_56 : memref<8x128xf32, #tpu.memory_space<hbm>>)
        tpu.yield
      }) : () -> ()
    } else {
    }
    return
  }
}

#map = affine_map<(d0, d1) -> (0, 0)>
#map1 = affine_map<(d0, d1) -> (0)>
#map2 = affine_map<(d0, d1) -> (0, 0, 0)>
module attributes {stable_mosaic.version = 14 : i64} {
  func.func @body(%arg0: i32, %arg1: i32, %arg2: memref<10000x128xf32, #tpu.memory_space<hbm>>, %arg3: memref<320000xi32, #tpu.memory_space<hbm>>, %arg4: memref<320000xi32, #tpu.memory_space<hbm>>, %arg5: memref<2x5000x128xf32, #tpu.memory_space<hbm>>, %arg6: memref<20096xi32, #tpu.memory_space<vmem>>, %arg7: memref<20096xi32, #tpu.memory_space<vmem>>, %arg8: memref<2x32xi32, #tpu.memory_space<vmem>>, %arg9: memref<2x32x128xf32, #tpu.memory_space<vmem>>, %arg10: memref<312x128xf32, #tpu.memory_space<vmem>>, %arg11: memref<5008x128xf32, #tpu.memory_space<vmem_shared>>, %arg12: memref<!tpu.dma_semaphore, #tpu.memory_space<semaphore_mem>>, %arg13: memref<!tpu.dma_semaphore, #tpu.memory_space<semaphore_mem>>) attributes {dimension_semantics = [#tpu.dimension_semantics<core_parallel>, #tpu.dimension_semantics<subcore_parallel>], iteration_bounds = array<i64: 2, 16>, scalar_prefetch = 0 : i64, scratch_operands = 8 : i64, tpu.core_type = #tpu.core_type<sc_vector_subcore>, window_params = [{transform_indices = #map}, {transform_indices = #map1}, {transform_indices = #map1}, {transform_indices = #map2}]} {
    %broadcast_in_dim3A = arith.constant 0.000000e+00 : f32
    %broadcast_in_dim3A_0 = vector.broadcast %broadcast_in_dim3A : f32 to vector<16xf32>
    %mul3A = arith.constant 5000 : i32
    %mul3A_1 = arith.muli %arg0, %mul3A : i32
    %scan3A = arith.constant 0 : i32
    %scan3A_2 = arith.constant 0 : i32
    %scan3A_3 = arith.constant 312 : i32
    %scan3A_4 = arith.addi %scan3A_2, %scan3A_3 : i32
    %scan3A_5 = arith.constant 1 : i32
    scf.for %scan3A_48 = %scan3A_2 to %scan3A_4 step %scan3A_5  : i32 {
      %swap3A = arith.index_cast %scan3A_48 : i32 to index
      %swap3A_49 = arith.constant 0 : index
      %swap3A_50 = tpu.vector_load %arg10[%swap3A, %swap3A_49] {strides = array<i32>} : memref<312x128xf32, #tpu.memory_space<vmem>>, vector<1x16xf32>,
      %swap3A_51 = vector.shape_cast %swap3A_50 : vector<1x16xf32> to vector<16xf32>
      %swap3A_52 = vector.shape_cast %broadcast_in_dim3A_0 : vector<16xf32> to vector<1x16xf32>
      tpu.vector_store %arg10[%swap3A, %swap3A_49], %swap3A_52 {strides = array<i32>} : memref<312x128xf32, #tpu.memory_space<vmem>>, vector<1x16xf32>,
      %swap3A_53 = arith.index_cast %scan3A_48 : i32 to index
      %swap3A_54 = arith.constant 16 : index
      %swap3A_55 = tpu.vector_load %arg10[%swap3A_53, %swap3A_54] {strides = array<i32>} : memref<312x128xf32, #tpu.memory_space<vmem>>, vector<1x16xf32>,
      %swap3A_56 = vector.shape_cast %swap3A_55 : vector<1x16xf32> to vector<16xf32>
      %swap3A_57 = vector.shape_cast %broadcast_in_dim3A_0 : vector<16xf32> to vector<1x16xf32>
      tpu.vector_store %arg10[%swap3A_53, %swap3A_54], %swap3A_57 {strides = array<i32>} : memref<312x128xf32, #tpu.memory_space<vmem>>, vector<1x16xf32>,
      %swap3A_58 = arith.index_cast %scan3A_48 : i32 to index
      %swap3A_59 = arith.constant 32 : index
      %swap3A_60 = tpu.vector_load %arg10[%swap3A_58, %swap3A_59] {strides = array<i32>} : memref<312x128xf32, #tpu.memory_space<vmem>>, vector<1x16xf32>,
      %swap3A_61 = vector.shape_cast %swap3A_60 : vector<1x16xf32> to vector<16xf32>
      %swap3A_62 = vector.shape_cast %broadcast_in_dim3A_0 : vector<16xf32> to vector<1x16xf32>
      tpu.vector_store %arg10[%swap3A_58, %swap3A_59], %swap3A_62 {strides = array<i32>} : memref<312x128xf32, #tpu.memory_space<vmem>>, vector<1x16xf32>,
      %swap3A_63 = arith.index_cast %scan3A_48 : i32 to index
      %swap3A_64 = arith.constant 48 : index
      %swap3A_65 = tpu.vector_load %arg10[%swap3A_63, %swap3A_64] {strides = array<i32>} : memref<312x128xf32, #tpu.memory_space<vmem>>, vector<1x16xf32>,
      %swap3A_66 = vector.shape_cast %swap3A_65 : vector<1x16xf32> to vector<16xf32>
      %swap3A_67 = vector.shape_cast %broadcast_in_dim3A_0 : vector<16xf32> to vector<1x16xf32>
      tpu.vector_store %arg10[%swap3A_63, %swap3A_64], %swap3A_67 {strides = array<i32>} : memref<312x128xf32, #tpu.memory_space<vmem>>, vector<1x16xf32>,
      %swap3A_68 = arith.index_cast %scan3A_48 : i32 to index
      %swap3A_69 = arith.constant 64 : index
      %swap3A_70 = tpu.vector_load %arg10[%swap3A_68, %swap3A_69] {strides = array<i32>} : memref<312x128xf32, #tpu.memory_space<vmem>>, vector<1x16xf32>,
      %swap3A_71 = vector.shape_cast %swap3A_70 : vector<1x16xf32> to vector<16xf32>
      %swap3A_72 = vector.shape_cast %broadcast_in_dim3A_0 : vector<16xf32> to vector<1x16xf32>
      tpu.vector_store %arg10[%swap3A_68, %swap3A_69], %swap3A_72 {strides = array<i32>} : memref<312x128xf32, #tpu.memory_space<vmem>>, vector<1x16xf32>,
      %swap3A_73 = arith.index_cast %scan3A_48 : i32 to index
      %swap3A_74 = arith.constant 80 : index
      %swap3A_75 = tpu.vector_load %arg10[%swap3A_73, %swap3A_74] {strides = array<i32>} : memref<312x128xf32, #tpu.memory_space<vmem>>, vector<1x16xf32>,
      %swap3A_76 = vector.shape_cast %swap3A_75 : vector<1x16xf32> to vector<16xf32>
      %swap3A_77 = vector.shape_cast %broadcast_in_dim3A_0 : vector<16xf32> to vector<1x16xf32>
      tpu.vector_store %arg10[%swap3A_73, %swap3A_74], %swap3A_77 {strides = array<i32>} : memref<312x128xf32, #tpu.memory_space<vmem>>, vector<1x16xf32>,
      %swap3A_78 = arith.index_cast %scan3A_48 : i32 to index
      %swap3A_79 = arith.constant 96 : index
      %swap3A_80 = tpu.vector_load %arg10[%swap3A_78, %swap3A_79] {strides = array<i32>} : memref<312x128xf32, #tpu.memory_space<vmem>>, vector<1x16xf32>,
      %swap3A_81 = vector.shape_cast %swap3A_80 : vector<1x16xf32> to vector<16xf32>
      %swap3A_82 = vector.shape_cast %broadcast_in_dim3A_0 : vector<16xf32> to vector<1x16xf32>
      tpu.vector_store %arg10[%swap3A_78, %swap3A_79], %swap3A_82 {strides = array<i32>} : memref<312x128xf32, #tpu.memory_space<vmem>>, vector<1x16xf32>,
      %swap3A_83 = arith.index_cast %scan3A_48 : i32 to index
      %swap3A_84 = arith.constant 112 : index
      %swap3A_85 = tpu.vector_load %arg10[%swap3A_83, %swap3A_84] {strides = array<i32>} : memref<312x128xf32, #tpu.memory_space<vmem>>, vector<1x16xf32>,
      %swap3A_86 = vector.shape_cast %swap3A_85 : vector<1x16xf32> to vector<16xf32>
      %swap3A_87 = vector.shape_cast %broadcast_in_dim3A_0 : vector<16xf32> to vector<1x16xf32>
      tpu.vector_store %arg10[%swap3A_83, %swap3A_84], %swap3A_87 {strides = array<i32>} : memref<312x128xf32, #tpu.memory_space<vmem>>, vector<1x16xf32>,
    }
    %scan3A_6 = arith.constant 312 : i32
    %mul3A_7 = arith.constant 312 : i32
    %mul3A_8 = arith.muli %arg1, %mul3A_7 : i32
    "tpu.region"() ({
      %run_scoped3A = tpu.sem_alloc : memref<!tpu.dma_semaphore, #tpu.memory_space<semaphore_mem>>
      %dma_start3A = arith.constant 0 : i32
      %dma_start3A_48 = tpu.memref_slice %arg11[%mul3A_8, %dma_start3A] : memref<5008x128xf32, #tpu.memory_space<vmem_shared>> -> memref<312x128xf32, #tpu.memory_space<vmem_shared>>
      %dma_start3A_49 = arith.constant 0 : i32
      %dma_start3A_50 = tpu.memref_slice %arg11[%mul3A_8, %dma_start3A_49] : memref<5008x128xf32, #tpu.memory_space<vmem_shared>> -> memref<312x128xf32, #tpu.memory_space<vmem_shared>>
      tpu.enqueue_dma source(%arg10 : memref<312x128xf32, #tpu.memory_space<vmem>>) target(%dma_start3A_50 : memref<312x128xf32, #tpu.memory_space<vmem_shared>>) target_semaphore(%run_scoped3A : memref<!tpu.dma_semaphore, #tpu.memory_space<semaphore_mem>>)
      %dma_wait3A = arith.constant 0 : i32
      %dma_wait3A_51 = tpu.memref_slice %arg11[%mul3A_8, %dma_wait3A] : memref<5008x128xf32, #tpu.memory_space<vmem_shared>> -> memref<312x128xf32, #tpu.memory_space<vmem_shared>>
      %dma_wait3A_52 = arith.constant 0 : i32
      %dma_wait3A_53 = tpu.memref_slice %arg11[%mul3A_8, %dma_wait3A_52] : memref<5008x128xf32, #tpu.memory_space<vmem_shared>> -> memref<312x128xf32, #tpu.memory_space<vmem_shared>>
      tpu.wait_dma2 semaphore(%run_scoped3A : memref<!tpu.dma_semaphore, #tpu.memory_space<semaphore_mem>>) src(%arg10 : memref<312x128xf32, #tpu.memory_space<vmem>>) dst(%dma_wait3A_53 : memref<312x128xf32, #tpu.memory_space<vmem_shared>>)
      tpu.yield
    }) : () -> ()
    %eq3A = arith.constant 0 : i32
    %eq3A_9 = arith.cmpi eq, %arg1, %eq3A : i32
    %convert_element_type3A = arith.extui %eq3A_9 : i1 to i32
    %cond3A = arith.constant 0 : i32
    %cond3A_10 = arith.cmpi ne, %convert_element_type3A, %cond3A : i32
    scf.if %cond3A_10 {
      "tpu.region"() ({
        %run_scoped3A = tpu.sem_alloc : memref<!tpu.dma_semaphore, #tpu.memory_space<semaphore_mem>>
        %dma_start3A = arith.constant 0 : i32
        %dma_start3A_48 = arith.constant 0 : i32
        %dma_start3A_49 = tpu.memref_slice %arg10[%dma_start3A, %dma_start3A_48] : memref<312x128xf32, #tpu.memory_space<vmem>> -> memref<16x128xf32, #tpu.memory_space<vmem>>
        %dma_start3A_50 = arith.constant 4992 : i32
        %dma_start3A_51 = arith.constant 0 : i32
        %dma_start3A_52 = tpu.memref_slice %arg11[%dma_start3A_50, %dma_start3A_51] : memref<5008x128xf32, #tpu.memory_space<vmem_shared>> -> memref<16x128xf32, #tpu.memory_space<vmem_shared>>
        %dma_start3A_53 = arith.constant 4992 : i32
        %dma_start3A_54 = arith.constant 0 : i32
        %dma_start3A_55 = tpu.memref_slice %arg11[%dma_start3A_53, %dma_start3A_54] : memref<5008x128xf32, #tpu.memory_space<vmem_shared>> -> memref<16x128xf32, #tpu.memory_space<vmem_shared>>
        %dma_start3A_56 = arith.constant 0 : i32
        %dma_start3A_57 = arith.constant 0 : i32
        %dma_start3A_58 = tpu.memref_slice %arg10[%dma_start3A_56, %dma_start3A_57] : memref<312x128xf32, #tpu.memory_space<vmem>> -> memref<16x128xf32, #tpu.memory_space<vmem>>
        tpu.enqueue_dma source(%dma_start3A_58 : memref<16x128xf32, #tpu.memory_space<vmem>>) target(%dma_start3A_55 : memref<16x128xf32, #tpu.memory_space<vmem_shared>>) target_semaphore(%run_scoped3A : memref<!tpu.dma_semaphore, #tpu.memory_space<semaphore_mem>>)
        %dma_wait3A = arith.constant 0 : i32
        %dma_wait3A_59 = arith.constant 0 : i32
        %dma_wait3A_60 = tpu.memref_slice %arg10[%dma_wait3A, %dma_wait3A_59] : memref<312x128xf32, #tpu.memory_space<vmem>> -> memref<16x128xf32, #tpu.memory_space<vmem>>
        %dma_wait3A_61 = arith.constant 4992 : i32
        %dma_wait3A_62 = arith.constant 0 : i32
        %dma_wait3A_63 = tpu.memref_slice %arg11[%dma_wait3A_61, %dma_wait3A_62] : memref<5008x128xf32, #tpu.memory_space<vmem_shared>> -> memref<16x128xf32, #tpu.memory_space<vmem_shared>>
        %dma_wait3A_64 = arith.constant 4992 : i32
        %dma_wait3A_65 = arith.constant 0 : i32
        %dma_wait3A_66 = tpu.memref_slice %arg11[%dma_wait3A_64, %dma_wait3A_65] : memref<5008x128xf32, #tpu.memory_space<vmem_shared>> -> memref<16x128xf32, #tpu.memory_space<vmem_shared>>
        %dma_wait3A_67 = arith.constant 0 : i32
        %dma_wait3A_68 = arith.constant 0 : i32
        %dma_wait3A_69 = tpu.memref_slice %arg10[%dma_wait3A_67, %dma_wait3A_68] : memref<312x128xf32, #tpu.memory_space<vmem>> -> memref<16x128xf32, #tpu.memory_space<vmem>>
        tpu.wait_dma2 semaphore(%run_scoped3A : memref<!tpu.dma_semaphore, #tpu.memory_space<semaphore_mem>>) src(%dma_wait3A_69 : memref<16x128xf32, #tpu.memory_space<vmem>>) dst(%dma_wait3A_66 : memref<16x128xf32, #tpu.memory_space<vmem_shared>>)
        tpu.yield
      }) : () -> ()
    } else {
    }
    %mul3A_11 = arith.constant 20000 : i32
    %mul3A_12 = arith.muli %arg1, %mul3A_11 : i32
    %jit3A = arith.constant 128 : i32
    %div3A = arith.divsi %mul3A_12, %jit3A : i32
    %sign3A = arith.constant 0 : i32
    %sign3A_13 = arith.cmpi sgt, %mul3A_12, %sign3A : i32
    %sign3A_14 = arith.extui %sign3A_13 : i1 to i32
    %sign3A_15 = arith.constant 0 : i32
    %sign3A_16 = arith.cmpi slt, %mul3A_12, %sign3A_15 : i32
    %sign3A_17 = arith.extui %sign3A_16 : i1 to i32
    %sign3A_18 = arith.subi %sign3A_14, %sign3A_17 : i32
    %sign3A_19 = arith.constant 0 : i32
    %sign3A_20 = arith.cmpi sgt, %jit3A, %sign3A_19 : i32
    %sign3A_21 = arith.extui %sign3A_20 : i1 to i32
    %sign3A_22 = arith.constant 0 : i32
    %sign3A_23 = arith.cmpi slt, %jit3A, %sign3A_22 : i32
    %sign3A_24 = arith.extui %sign3A_23 : i1 to i32
    %sign3A_25 = arith.subi %sign3A_21, %sign3A_24 : i32
    %ne3A = arith.cmpi ne, %sign3A_18, %sign3A_25 : i32
    %rem3A = arith.remsi %mul3A_12, %jit3A : i32
    %ne3A_26 = arith.constant 0 : i32
    %ne3A_27 = arith.cmpi ne, %rem3A, %ne3A_26 : i32
    %and3A = arith.andi %ne3A, %ne3A_27 : i1
    %sub3A = arith.constant 1 : i32
    %sub3A_28 = arith.subi %div3A, %sub3A : i32
    %select_n3A = arith.select %and3A, %sub3A_28, %div3A : i32
    %mul3A_29 = arith.constant 128 : i32
    %mul3A_30 = arith.muli %select_n3A, %mul3A_29 : i32
    %mul3A_31 = arith.constant 20000 : i32
    %mul3A_32 = arith.muli %arg1, %mul3A_31 : i32
    %sub3A_33 = arith.subi %mul3A_32, %mul3A_30 : i32
    "tpu.region"() ({
      %run_scoped3A = tpu.sem_alloc : memref<!tpu.dma_semaphore, #tpu.memory_space<semaphore_mem>>
      %dma_start3A = tpu.memref_slice %arg3[%mul3A_30] : memref<320000xi32, #tpu.memory_space<hbm>> -> memref<20096xi32, #tpu.memory_space<hbm>>
      %dma_start3A_48 = tpu.memref_slice %arg3[%mul3A_30] : memref<320000xi32, #tpu.memory_space<hbm>> -> memref<20096xi32, #tpu.memory_space<hbm>>
      tpu.enqueue_dma source(%dma_start3A_48 : memref<20096xi32, #tpu.memory_space<hbm>>) target(%arg6 : memref<20096xi32, #tpu.memory_space<vmem>>) target_semaphore(%run_scoped3A : memref<!tpu.dma_semaphore, #tpu.memory_space<semaphore_mem>>)
      %dma_wait3A = tpu.memref_slice %arg3[%mul3A_30] : memref<320000xi32, #tpu.memory_space<hbm>> -> memref<20096xi32, #tpu.memory_space<hbm>>
      %dma_wait3A_49 = tpu.memref_slice %arg3[%mul3A_30] : memref<320000xi32, #tpu.memory_space<hbm>> -> memref<20096xi32, #tpu.memory_space<hbm>>
      tpu.wait_dma2 semaphore(%run_scoped3A : memref<!tpu.dma_semaphore, #tpu.memory_space<semaphore_mem>>) src(%dma_wait3A_49 : memref<20096xi32, #tpu.memory_space<hbm>>) dst(%arg6 : memref<20096xi32, #tpu.memory_space<vmem>>)
      tpu.yield
    }) : () -> ()
    "tpu.region"() ({
      %run_scoped3A = tpu.sem_alloc : memref<!tpu.dma_semaphore, #tpu.memory_space<semaphore_mem>>
      %dma_start3A = tpu.memref_slice %arg4[%mul3A_30] : memref<320000xi32, #tpu.memory_space<hbm>> -> memref<20096xi32, #tpu.memory_space<hbm>>
      %dma_start3A_48 = tpu.memref_slice %arg4[%mul3A_30] : memref<320000xi32, #tpu.memory_space<hbm>> -> memref<20096xi32, #tpu.memory_space<hbm>>
      tpu.enqueue_dma source(%dma_start3A_48 : memref<20096xi32, #tpu.memory_space<hbm>>) target(%arg7 : memref<20096xi32, #tpu.memory_space<vmem>>) target_semaphore(%run_scoped3A : memref<!tpu.dma_semaphore, #tpu.memory_space<semaphore_mem>>)
      %dma_wait3A = tpu.memref_slice %arg4[%mul3A_30] : memref<320000xi32, #tpu.memory_space<hbm>> -> memref<20096xi32, #tpu.memory_space<hbm>>
      %dma_wait3A_49 = tpu.memref_slice %arg4[%mul3A_30] : memref<320000xi32, #tpu.memory_space<hbm>> -> memref<20096xi32, #tpu.memory_space<hbm>>
      tpu.wait_dma2 semaphore(%run_scoped3A : memref<!tpu.dma_semaphore, #tpu.memory_space<semaphore_mem>>) src(%dma_wait3A_49 : memref<20096xi32, #tpu.memory_space<hbm>>) dst(%arg7 : memref<20096xi32, #tpu.memory_space<vmem>>)
      tpu.yield
    }) : () -> ()
    %barrier3A = arith.constant 0 : index
    tpu.barrier barrier_id(%barrier3A)
    %scan3A_34 = arith.constant 0 : i32
    %scan3A_35 = arith.constant 0 : i32
    %scan3A_36 = arith.constant 627 : i32
    %scan3A_37 = arith.addi %scan3A_35, %scan3A_36 : i32
    %scan3A_38 = arith.constant 1 : i32
    scf.for %scan3A_48 = %scan3A_35 to %scan3A_37 step %scan3A_38  : i32 {
      %ge3A = arith.constant 2 : i32
      %ge3A_49 = arith.cmpi sge, %scan3A_48, %ge3A : i32
      %convert_element_type3A_50 = arith.extui %ge3A_49 : i1 to i32
      %cond3A_51 = arith.constant 0 : i32
      %cond3A_52 = arith.cmpi ne, %convert_element_type3A_50, %cond3A_51 : i32
      scf.if %cond3A_52 {
        %and3A_64 = arith.constant 1 : i32
        %and3A_65 = arith.andi %scan3A_48, %and3A_64 : i32
        %sub3A_66 = arith.constant 2 : i32
        %sub3A_67 = arith.subi %scan3A_48, %sub3A_66 : i32
        %and3A_68 = arith.constant 1 : i32
        %and3A_69 = arith.andi %sub3A_67, %and3A_68 : i32
        %dma_wait3A = arith.constant 0 : i32
        %dma_wait3A_70 = arith.constant 0 : i32
        %dma_wait3A_71 = tpu.memref_slice %arg9[%and3A_65, %dma_wait3A, %dma_wait3A_70] : memref<2x32x128xf32, #tpu.memory_space<vmem>> -> memref<1x32x128xf32, #tpu.memory_space<vmem>>
        %dma_wait3A_72 = tpu.memref_squeeze %dma_wait3A_71 : memref<1x32x128xf32, #tpu.memory_space<vmem>> -> memref<32x128xf32, #tpu.memory_space<vmem>>
        %dma_wait3A_73 = arith.constant 0 : i32
        %dma_wait3A_74 = tpu.memref_slice %arg8[%and3A_69, %dma_wait3A_73] : memref<2x32xi32, #tpu.memory_space<vmem>> -> memref<1x32xi32, #tpu.memory_space<vmem>>
        %dma_wait3A_75 = tpu.memref_squeeze %dma_wait3A_74 : memref<1x32xi32, #tpu.memory_space<vmem>> -> memref<32xi32, #tpu.memory_space<vmem>>
        %dma_wait3A_76 = arith.constant 0 : i32
        %dma_wait3A_77 = arith.constant 0 : i32
        %dma_wait3A_78 = tpu.memref_slice %arg11[%dma_wait3A_76, %dma_wait3A_77] : memref<5008x128xf32, #tpu.memory_space<vmem_shared>> -> memref<5008x128xf32, #tpu.memory_space<vmem_shared>>
        tpu.wait_indirect_dma semaphore(%arg13 : memref<!tpu.dma_semaphore, #tpu.memory_space<semaphore_mem>>) src(%dma_wait3A_72 : memref<32x128xf32, #tpu.memory_space<vmem>>) dst(%dma_wait3A_78 : memref<5008x128xf32, #tpu.memory_space<vmem_shared>>)
      } else {
      }
      %lt3A = arith.constant 625 : i32
      %lt3A_53 = arith.cmpi slt, %scan3A_48, %lt3A : i32
      %convert_element_type3A_54 = arith.extui %lt3A_53 : i1 to i32
      %cond3A_55 = arith.constant 0 : i32
      %cond3A_56 = arith.cmpi ne, %convert_element_type3A_54, %cond3A_55 : i32
      scf.if %cond3A_56 {
        %mul3A_64 = arith.constant 32 : i32
        %mul3A_65 = arith.muli %scan3A_48, %mul3A_64 : i32
        %add3A = arith.addi %sub3A_33, %mul3A_65 : i32
        %and3A_66 = arith.constant 1 : i32
        %and3A_67 = arith.andi %scan3A_48, %and3A_66 : i32
        %dma_start3A = arith.constant 0 : i32
        %dma_start3A_68 = arith.constant 0 : i32
        %dma_start3A_69 = tpu.memref_slice %arg9[%and3A_67, %dma_start3A, %dma_start3A_68] : memref<2x32x128xf32, #tpu.memory_space<vmem>> -> memref<1x32x128xf32, #tpu.memory_space<vmem>>
        %dma_start3A_70 = tpu.memref_squeeze %dma_start3A_69 : memref<1x32x128xf32, #tpu.memory_space<vmem>> -> memref<32x128xf32, #tpu.memory_space<vmem>>
        %dma_start3A_71 = tpu.memref_slice %arg6[%add3A] : memref<20096xi32, #tpu.memory_space<vmem>> -> memref<32xi32, #tpu.memory_space<vmem>>
        %dma_start3A_72 = arith.constant 0 : i32
        %dma_start3A_73 = arith.constant 0 : i32
        %dma_start3A_74 = tpu.memref_slice %arg2[%dma_start3A_72, %dma_start3A_73] : memref<10000x128xf32, #tpu.memory_space<hbm>> -> memref<10000x128xf32, #tpu.memory_space<hbm>>
        tpu.enqueue_indirect_dma source(%dma_start3A_74 : memref<10000x128xf32, #tpu.memory_space<hbm>>) target(%dma_start3A_70 : memref<32x128xf32, #tpu.memory_space<vmem>>) offsets(%dma_start3A_71 : memref<32xi32, #tpu.memory_space<vmem>>) semaphore(%arg12 : memref<!tpu.dma_semaphore, #tpu.memory_space<semaphore_mem>>)
      } else {
      }
      %ge3A_57 = arith.constant 1 : i32
      %ge3A_58 = arith.cmpi sge, %scan3A_48, %ge3A_57 : i32
      %le3A = arith.constant 625 : i32
      %le3A_59 = arith.cmpi sle, %scan3A_48, %le3A : i32
      %and3A_60 = arith.andi %ge3A_58, %le3A_59 : i1
      %convert_element_type3A_61 = arith.extui %and3A_60 : i1 to i32
      %cond3A_62 = arith.constant 0 : i32
      %cond3A_63 = arith.cmpi ne, %convert_element_type3A_61, %cond3A_62 : i32
      scf.if %cond3A_63 {
        %sub3A_64 = arith.constant 1 : i32
        %sub3A_65 = arith.subi %scan3A_48, %sub3A_64 : i32
        %and3A_66 = arith.constant 1 : i32
        %and3A_67 = arith.andi %sub3A_65, %and3A_66 : i32
        %mul3A_68 = arith.constant 32 : i32
        %mul3A_69 = arith.muli %sub3A_65, %mul3A_68 : i32
        %add3A = arith.addi %sub3A_33, %mul3A_69 : i32
        %add3A_70 = arith.constant 0 : i32
        %add3A_71 = arith.addi %add3A, %add3A_70 : i32
        %get3A = arith.index_cast %add3A_71 : i32 to index
        %get3A_72 = tpu.vector_load %arg7[%get3A] {strides = array<i32>} : memref<20096xi32, #tpu.memory_space<vmem>>, vector<16xi32>,
        %get3A_73 = vector.shape_cast %get3A_72 : vector<16xi32> to vector<16xi32>
        %sub3A_74 = vector.broadcast %mul3A_1 : i32 to vector<16xi32>
        %sub3A_75 = arith.subi %get3A_73, %sub3A_74 : vector<16xi32>
        %ge3A_76 = arith.constant 0 : i32
        %ge3A_77 = vector.broadcast %ge3A_76 : i32 to vector<16xi32>
        %ge3A_78 = arith.cmpi sge, %sub3A_75, %ge3A_77 : vector<16xi32>
        %lt3A_79 = arith.constant 5000 : i32
        %lt3A_80 = vector.broadcast %lt3A_79 : i32 to vector<16xi32>
        %lt3A_81 = arith.cmpi slt, %sub3A_75, %lt3A_80 : vector<16xi32>
        %and3A_82 = arith.andi %ge3A_78, %lt3A_81 : vector<16xi1>
        %and3A_83 = arith.constant 7 : i32
        %and3A_84 = vector.broadcast %and3A_83 : i32 to vector<16xi32>
        %and3A_85 = arith.andi %get3A_73, %and3A_84 : vector<16xi32>
        %add3A_86 = arith.constant 5000 : i32
        %add3A_87 = vector.broadcast %add3A_86 : i32 to vector<16xi32>
        %add3A_88 = arith.addi %add3A_87, %and3A_85 : vector<16xi32>
        %select_n3A_89 = arith.select %and3A_82, %sub3A_75, %add3A_88 : vector<16xi1>, vector<16xi32>
        %swap3A = arith.index_cast %and3A_67 : i32 to index
        %swap3A_90 = arith.constant 0 : index
        %swap3A_91 = tpu.vector_load %arg8[%swap3A, %swap3A_90] {strides = array<i32>} : memref<2x32xi32, #tpu.memory_space<vmem>>, vector<1x16xi32>,
        %swap3A_92 = vector.shape_cast %swap3A_91 : vector<1x16xi32> to vector<16xi32>
        %swap3A_93 = vector.shape_cast %select_n3A_89 : vector<16xi32> to vector<1x16xi32>
        tpu.vector_store %arg8[%swap3A, %swap3A_90], %swap3A_93 {strides = array<i32>} : memref<2x32xi32, #tpu.memory_space<vmem>>, vector<1x16xi32>,
        %mul3A_94 = arith.constant 32 : i32
        %mul3A_95 = arith.muli %sub3A_65, %mul3A_94 : i32
        %add3A_96 = arith.addi %sub3A_33, %mul3A_95 : i32
        %add3A_97 = arith.constant 16 : i32
        %add3A_98 = arith.addi %add3A_96, %add3A_97 : i32
        %get3A_99 = arith.index_cast %add3A_98 : i32 to index
        %get3A_100 = tpu.vector_load %arg7[%get3A_99] {strides = array<i32>} : memref<20096xi32, #tpu.memory_space<vmem>>, vector<16xi32>,
        %get3A_101 = vector.shape_cast %get3A_100 : vector<16xi32> to vector<16xi32>
        %sub3A_102 = vector.broadcast %mul3A_1 : i32 to vector<16xi32>
        %sub3A_103 = arith.subi %get3A_101, %sub3A_102 : vector<16xi32>
        %ge3A_104 = arith.constant 0 : i32
        %ge3A_105 = vector.broadcast %ge3A_104 : i32 to vector<16xi32>
        %ge3A_106 = arith.cmpi sge, %sub3A_103, %ge3A_105 : vector<16xi32>
        %lt3A_107 = arith.constant 5000 : i32
        %lt3A_108 = vector.broadcast %lt3A_107 : i32 to vector<16xi32>
        %lt3A_109 = arith.cmpi slt, %sub3A_103, %lt3A_108 : vector<16xi32>
        %and3A_110 = arith.andi %ge3A_106, %lt3A_109 : vector<16xi1>
        %and3A_111 = arith.constant 7 : i32
        %and3A_112 = vector.broadcast %and3A_111 : i32 to vector<16xi32>
        %and3A_113 = arith.andi %get3A_101, %and3A_112 : vector<16xi32>
        %add3A_114 = arith.constant 5000 : i32
        %add3A_115 = vector.broadcast %add3A_114 : i32 to vector<16xi32>
        %add3A_116 = arith.addi %add3A_115, %and3A_113 : vector<16xi32>
        %select_n3A_117 = arith.select %and3A_110, %sub3A_103, %add3A_116 : vector<16xi1>, vector<16xi32>
        %swap3A_118 = arith.index_cast %and3A_67 : i32 to index
        %swap3A_119 = arith.constant 16 : index
        %swap3A_120 = tpu.vector_load %arg8[%swap3A_118, %swap3A_119] {strides = array<i32>} : memref<2x32xi32, #tpu.memory_space<vmem>>, vector<1x16xi32>,
        %swap3A_121 = vector.shape_cast %swap3A_120 : vector<1x16xi32> to vector<16xi32>
        %swap3A_122 = vector.shape_cast %select_n3A_117 : vector<16xi32> to vector<1x16xi32>
        tpu.vector_store %arg8[%swap3A_118, %swap3A_119], %swap3A_122 {strides = array<i32>} : memref<2x32xi32, #tpu.memory_space<vmem>>, vector<1x16xi32>,
        %mul3A_123 = arith.constant 32 : i32
        %mul3A_124 = arith.muli %sub3A_65, %mul3A_123 : i32
        %add3A_125 = arith.addi %sub3A_33, %mul3A_124 : i32
        %and3A_126 = arith.constant 1 : i32
        %and3A_127 = arith.andi %sub3A_65, %and3A_126 : i32
        %dma_wait3A = arith.constant 0 : i32
        %dma_wait3A_128 = arith.constant 0 : i32
        %dma_wait3A_129 = tpu.memref_slice %arg9[%and3A_127, %dma_wait3A, %dma_wait3A_128] : memref<2x32x128xf32, #tpu.memory_space<vmem>> -> memref<1x32x128xf32, #tpu.memory_space<vmem>>
        %dma_wait3A_130 = tpu.memref_squeeze %dma_wait3A_129 : memref<1x32x128xf32, #tpu.memory_space<vmem>> -> memref<32x128xf32, #tpu.memory_space<vmem>>
        %dma_wait3A_131 = tpu.memref_slice %arg6[%add3A_125] : memref<20096xi32, #tpu.memory_space<vmem>> -> memref<32xi32, #tpu.memory_space<vmem>>
        %dma_wait3A_132 = arith.constant 0 : i32
        %dma_wait3A_133 = arith.constant 0 : i32
        %dma_wait3A_134 = tpu.memref_slice %arg2[%dma_wait3A_132, %dma_wait3A_133] : memref<10000x128xf32, #tpu.memory_space<hbm>> -> memref<10000x128xf32, #tpu.memory_space<hbm>>
        tpu.wait_indirect_dma semaphore(%arg12 : memref<!tpu.dma_semaphore, #tpu.memory_space<semaphore_mem>>) src(%dma_wait3A_134 : memref<10000x128xf32, #tpu.memory_space<hbm>>) dst(%dma_wait3A_130 : memref<32x128xf32, #tpu.memory_space<vmem>>)
        %and3A_135 = arith.constant 1 : i32
        %and3A_136 = arith.andi %sub3A_65, %and3A_135 : i32
        %and3A_137 = arith.constant 1 : i32
        %and3A_138 = arith.andi %sub3A_65, %and3A_137 : i32
        %dma_start3A = arith.constant 0 : i32
        %dma_start3A_139 = arith.constant 0 : i32
        %dma_start3A_140 = tpu.memref_slice %arg9[%and3A_136, %dma_start3A, %dma_start3A_139] : memref<2x32x128xf32, #tpu.memory_space<vmem>> -> memref<1x32x128xf32, #tpu.memory_space<vmem>>
        %dma_start3A_141 = tpu.memref_squeeze %dma_start3A_140 : memref<1x32x128xf32, #tpu.memory_space<vmem>> -> memref<32x128xf32, #tpu.memory_space<vmem>>
        %dma_start3A_142 = arith.constant 0 : i32
        %dma_start3A_143 = tpu.memref_slice %arg8[%and3A_138, %dma_start3A_142] : memref<2x32xi32, #tpu.memory_space<vmem>> -> memref<1x32xi32, #tpu.memory_space<vmem>>
        %dma_start3A_144 = tpu.memref_squeeze %dma_start3A_143 : memref<1x32xi32, #tpu.memory_space<vmem>> -> memref<32xi32, #tpu.memory_space<vmem>>
        %dma_start3A_145 = arith.constant 0 : i32
        %dma_start3A_146 = arith.constant 0 : i32
        %dma_start3A_147 = tpu.memref_slice %arg11[%dma_start3A_145, %dma_start3A_146] : memref<5008x128xf32, #tpu.memory_space<vmem_shared>> -> memref<5008x128xf32, #tpu.memory_space<vmem_shared>>
        tpu.enqueue_indirect_dma source(%dma_start3A_141 : memref<32x128xf32, #tpu.memory_space<vmem>>) target(%dma_start3A_147 : memref<5008x128xf32, #tpu.memory_space<vmem_shared>>) offsets(%dma_start3A_144 : memref<32xi32, #tpu.memory_space<vmem>>) semaphore(%arg13 : memref<!tpu.dma_semaphore, #tpu.memory_space<semaphore_mem>>) {add = true}
      } else {
      }
    }
    %scan3A_39 = arith.constant 627 : i32
    %barrier3A_40 = arith.constant 0 : index
    tpu.barrier barrier_id(%barrier3A_40)
    %mul3A_41 = arith.constant 312 : i32
    %mul3A_42 = arith.muli %arg1, %mul3A_41 : i32
    "tpu.region"() ({
      %run_scoped3A = tpu.sem_alloc : memref<!tpu.dma_semaphore, #tpu.memory_space<semaphore_mem>>
      %dma_start3A = arith.constant 0 : i32
      %dma_start3A_48 = tpu.memref_slice %arg5[%arg0, %mul3A_42, %dma_start3A] : memref<2x5000x128xf32, #tpu.memory_space<hbm>> -> memref<1x312x128xf32, #tpu.memory_space<hbm>>
      %dma_start3A_49 = tpu.memref_squeeze %dma_start3A_48 : memref<1x312x128xf32, #tpu.memory_space<hbm>> -> memref<312x128xf32, #tpu.memory_space<hbm>>
      %dma_start3A_50 = arith.constant 0 : i32
      %dma_start3A_51 = tpu.memref_slice %arg11[%mul3A_42, %dma_start3A_50] : memref<5008x128xf32, #tpu.memory_space<vmem_shared>> -> memref<312x128xf32, #tpu.memory_space<vmem_shared>>
      tpu.enqueue_dma source(%dma_start3A_51 : memref<312x128xf32, #tpu.memory_space<vmem_shared>>) target(%dma_start3A_49 : memref<312x128xf32, #tpu.memory_space<hbm>>) target_semaphore(%run_scoped3A : memref<!tpu.dma_semaphore, #tpu.memory_space<semaphore_mem>>)
      %dma_wait3A = arith.constant 0 : i32
      %dma_wait3A_52 = tpu.memref_slice %arg5[%arg0, %mul3A_42, %dma_wait3A] : memref<2x5000x128xf32, #tpu.memory_space<hbm>> -> memref<1x312x128xf32, #tpu.memory_space<hbm>>
      %dma_wait3A_53 = tpu.memref_squeeze %dma_wait3A_52 : memref<1x312x128xf32, #tpu.memory_space<hbm>> -> memref<312x128xf32, #tpu.memory_space<hbm>>
      %dma_wait3A_54 = arith.constant 0 : i32
      %dma_wait3A_55 = tpu.memref_slice %arg11[%mul3A_42, %dma_wait3A_54] : memref<5008x128xf32, #tpu.memory_space<vmem_shared>> -> memref<312x128xf32, #tpu.memory_space<vmem_shared>>
      tpu.wait_dma2 semaphore(%run_scoped3A : memref<!tpu.dma_semaphore, #tpu.memory_space<semaphore_mem>>) src(%dma_wait3A_55 : memref<312x128xf32, #tpu.memory_space<vmem_shared>>) dst(%dma_wait3A_53 : memref<312x128xf32, #tpu.memory_space<hbm>>)
      tpu.yield
    }) : () -> ()
    %eq3A_43 = arith.constant 0 : i32
    %eq3A_44 = arith.cmpi eq, %arg1, %eq3A_43 : i32
    %convert_element_type3A_45 = arith.extui %eq3A_44 : i1 to i32
    %cond3A_46 = arith.constant 0 : i32
    %cond3A_47 = arith.cmpi ne, %convert_element_type3A_45, %cond3A_46 : i32
    scf.if %cond3A_47 {
      "tpu.region"() ({
        %run_scoped3A = tpu.sem_alloc : memref<!tpu.dma_semaphore, #tpu.memory_space<semaphore_mem>>
        %dma_start3A = arith.constant 4992 : i32
        %dma_start3A_48 = arith.constant 0 : i32
        %dma_start3A_49 = tpu.memref_slice %arg5[%arg0, %dma_start3A, %dma_start3A_48] : memref<2x5000x128xf32, #tpu.memory_space<hbm>> -> memref<1x8x128xf32, #tpu.memory_space<hbm>>
        %dma_start3A_50 = tpu.memref_squeeze %dma_start3A_49 : memref<1x8x128xf32, #tpu.memory_space<hbm>> -> memref<8x128xf32, #tpu.memory_space<hbm>>
        %dma_start3A_51 = arith.constant 4992 : i32
        %dma_start3A_52 = arith.constant 0 : i32
        %dma_start3A_53 = tpu.memref_slice %arg11[%dma_start3A_51, %dma_start3A_52] : memref<5008x128xf32, #tpu.memory_space<vmem_shared>> -> memref<8x128xf32, #tpu.memory_space<vmem_shared>>
        tpu.enqueue_dma source(%dma_start3A_53 : memref<8x128xf32, #tpu.memory_space<vmem_shared>>) target(%dma_start3A_50 : memref<8x128xf32, #tpu.memory_space<hbm>>) target_semaphore(%run_scoped3A : memref<!tpu.dma_semaphore, #tpu.memory_space<semaphore_mem>>)
        %dma_wait3A = arith.constant 4992 : i32
        %dma_wait3A_54 = arith.constant 0 : i32
        %dma_wait3A_55 = tpu.memref_slice %arg5[%arg0, %dma_wait3A, %dma_wait3A_54] : memref<2x5000x128xf32, #tpu.memory_space<hbm>> -> memref<1x8x128xf32, #tpu.memory_space<hbm>>
        %dma_wait3A_56 = tpu.memref_squeeze %dma_wait3A_55 : memref<1x8x128xf32, #tpu.memory_space<hbm>> -> memref<8x128xf32, #tpu.memory_space<hbm>>
        %dma_wait3A_57 = arith.constant 4992 : i32
        %dma_wait3A_58 = arith.constant 0 : i32
        %dma_wait3A_59 = tpu.memref_slice %arg11[%dma_wait3A_57, %dma_wait3A_58] : memref<5008x128xf32, #tpu.memory_space<vmem_shared>> -> memref<8x128xf32, #tpu.memory_space<vmem_shared>>
        tpu.wait_dma2 semaphore(%run_scoped3A : memref<!tpu.dma_semaphore, #tpu.memory_space<semaphore_mem>>) src(%dma_wait3A_59 : memref<8x128xf32, #tpu.memory_space<vmem_shared>>) dst(%dma_wait3A_56 : memref<8x128xf32, #tpu.memory_space<hbm>>)
        tpu.yield
      }) : () -> ()
    } else {
    }
    return
  }
}

#map = affine_map<(d0, d1) -> (0, 0)>
#map1 = affine_map<(d0, d1) -> (0)>
#map2 = affine_map<(d0, d1) -> (0, 0, 0)>
module attributes {stable_mosaic.version = 14 : i64} {
  func.func @body(%arg0: i32, %arg1: i32, %arg2: memref<10000x128xf32, #tpu.memory_space<hbm>>, %arg3: memref<320000xi32, #tpu.memory_space<hbm>>, %arg4: memref<320000xi32, #tpu.memory_space<hbm>>, %arg5: memref<2x5000x128xf32, #tpu.memory_space<hbm>>, %arg6: memref<20096xi32, #tpu.memory_space<vmem>>, %arg7: memref<20096xi32, #tpu.memory_space<vmem>>, %arg8: memref<2x32xi32, #tpu.memory_space<vmem>>, %arg9: memref<2x32x128xf32, #tpu.memory_space<vmem>>, %arg10: memref<312x128xf32, #tpu.memory_space<vmem>>, %arg11: memref<5008x128xf32, #tpu.memory_space<vmem_shared>>, %arg12: memref<!tpu.dma_semaphore, #tpu.memory_space<semaphore_mem>>, %arg13: memref<!tpu.dma_semaphore, #tpu.memory_space<semaphore_mem>>) attributes {dimension_semantics = [#tpu.dimension_semantics<core_parallel>, #tpu.dimension_semantics<subcore_parallel>], iteration_bounds = array<i64: 2, 16>, scalar_prefetch = 0 : i64, scratch_operands = 8 : i64, tpu.core_type = #tpu.core_type<sc_vector_subcore>, window_params = [{transform_indices = #map}, {transform_indices = #map1}, {transform_indices = #map1}, {transform_indices = #map2}]} {
    %broadcast_in_dim3A = arith.constant 0.000000e+00 : f32
    %broadcast_in_dim3A_0 = vector.broadcast %broadcast_in_dim3A : f32 to vector<16xf32>
    %mul3A = arith.constant 5000 : i32
    %mul3A_1 = arith.muli %arg0, %mul3A : i32
    %scan3A = arith.constant 0 : i32
    %scan3A_2 = arith.constant 0 : i32
    %scan3A_3 = arith.constant 312 : i32
    %scan3A_4 = arith.addi %scan3A_2, %scan3A_3 : i32
    %scan3A_5 = arith.constant 1 : i32
    scf.for %scan3A_48 = %scan3A_2 to %scan3A_4 step %scan3A_5  : i32 {
      %swap3A = arith.index_cast %scan3A_48 : i32 to index
      %swap3A_49 = arith.constant 0 : index
      %swap3A_50 = tpu.vector_load %arg10[%swap3A, %swap3A_49] {strides = array<i32>} : memref<312x128xf32, #tpu.memory_space<vmem>>, vector<1x16xf32>,
      %swap3A_51 = vector.shape_cast %swap3A_50 : vector<1x16xf32> to vector<16xf32>
      %swap3A_52 = vector.shape_cast %broadcast_in_dim3A_0 : vector<16xf32> to vector<1x16xf32>
      tpu.vector_store %arg10[%swap3A, %swap3A_49], %swap3A_52 {strides = array<i32>} : memref<312x128xf32, #tpu.memory_space<vmem>>, vector<1x16xf32>,
      %swap3A_53 = arith.index_cast %scan3A_48 : i32 to index
      %swap3A_54 = arith.constant 16 : index
      %swap3A_55 = tpu.vector_load %arg10[%swap3A_53, %swap3A_54] {strides = array<i32>} : memref<312x128xf32, #tpu.memory_space<vmem>>, vector<1x16xf32>,
      %swap3A_56 = vector.shape_cast %swap3A_55 : vector<1x16xf32> to vector<16xf32>
      %swap3A_57 = vector.shape_cast %broadcast_in_dim3A_0 : vector<16xf32> to vector<1x16xf32>
      tpu.vector_store %arg10[%swap3A_53, %swap3A_54], %swap3A_57 {strides = array<i32>} : memref<312x128xf32, #tpu.memory_space<vmem>>, vector<1x16xf32>,
      %swap3A_58 = arith.index_cast %scan3A_48 : i32 to index
      %swap3A_59 = arith.constant 32 : index
      %swap3A_60 = tpu.vector_load %arg10[%swap3A_58, %swap3A_59] {strides = array<i32>} : memref<312x128xf32, #tpu.memory_space<vmem>>, vector<1x16xf32>,
      %swap3A_61 = vector.shape_cast %swap3A_60 : vector<1x16xf32> to vector<16xf32>
      %swap3A_62 = vector.shape_cast %broadcast_in_dim3A_0 : vector<16xf32> to vector<1x16xf32>
      tpu.vector_store %arg10[%swap3A_58, %swap3A_59], %swap3A_62 {strides = array<i32>} : memref<312x128xf32, #tpu.memory_space<vmem>>, vector<1x16xf32>,
      %swap3A_63 = arith.index_cast %scan3A_48 : i32 to index
      %swap3A_64 = arith.constant 48 : index
      %swap3A_65 = tpu.vector_load %arg10[%swap3A_63, %swap3A_64] {strides = array<i32>} : memref<312x128xf32, #tpu.memory_space<vmem>>, vector<1x16xf32>,
      %swap3A_66 = vector.shape_cast %swap3A_65 : vector<1x16xf32> to vector<16xf32>
      %swap3A_67 = vector.shape_cast %broadcast_in_dim3A_0 : vector<16xf32> to vector<1x16xf32>
      tpu.vector_store %arg10[%swap3A_63, %swap3A_64], %swap3A_67 {strides = array<i32>} : memref<312x128xf32, #tpu.memory_space<vmem>>, vector<1x16xf32>,
      %swap3A_68 = arith.index_cast %scan3A_48 : i32 to index
      %swap3A_69 = arith.constant 64 : index
      %swap3A_70 = tpu.vector_load %arg10[%swap3A_68, %swap3A_69] {strides = array<i32>} : memref<312x128xf32, #tpu.memory_space<vmem>>, vector<1x16xf32>,
      %swap3A_71 = vector.shape_cast %swap3A_70 : vector<1x16xf32> to vector<16xf32>
      %swap3A_72 = vector.shape_cast %broadcast_in_dim3A_0 : vector<16xf32> to vector<1x16xf32>
      tpu.vector_store %arg10[%swap3A_68, %swap3A_69], %swap3A_72 {strides = array<i32>} : memref<312x128xf32, #tpu.memory_space<vmem>>, vector<1x16xf32>,
      %swap3A_73 = arith.index_cast %scan3A_48 : i32 to index
      %swap3A_74 = arith.constant 80 : index
      %swap3A_75 = tpu.vector_load %arg10[%swap3A_73, %swap3A_74] {strides = array<i32>} : memref<312x128xf32, #tpu.memory_space<vmem>>, vector<1x16xf32>,
      %swap3A_76 = vector.shape_cast %swap3A_75 : vector<1x16xf32> to vector<16xf32>
      %swap3A_77 = vector.shape_cast %broadcast_in_dim3A_0 : vector<16xf32> to vector<1x16xf32>
      tpu.vector_store %arg10[%swap3A_73, %swap3A_74], %swap3A_77 {strides = array<i32>} : memref<312x128xf32, #tpu.memory_space<vmem>>, vector<1x16xf32>,
      %swap3A_78 = arith.index_cast %scan3A_48 : i32 to index
      %swap3A_79 = arith.constant 96 : index
      %swap3A_80 = tpu.vector_load %arg10[%swap3A_78, %swap3A_79] {strides = array<i32>} : memref<312x128xf32, #tpu.memory_space<vmem>>, vector<1x16xf32>,
      %swap3A_81 = vector.shape_cast %swap3A_80 : vector<1x16xf32> to vector<16xf32>
      %swap3A_82 = vector.shape_cast %broadcast_in_dim3A_0 : vector<16xf32> to vector<1x16xf32>
      tpu.vector_store %arg10[%swap3A_78, %swap3A_79], %swap3A_82 {strides = array<i32>} : memref<312x128xf32, #tpu.memory_space<vmem>>, vector<1x16xf32>,
      %swap3A_83 = arith.index_cast %scan3A_48 : i32 to index
      %swap3A_84 = arith.constant 112 : index
      %swap3A_85 = tpu.vector_load %arg10[%swap3A_83, %swap3A_84] {strides = array<i32>} : memref<312x128xf32, #tpu.memory_space<vmem>>, vector<1x16xf32>,
      %swap3A_86 = vector.shape_cast %swap3A_85 : vector<1x16xf32> to vector<16xf32>
      %swap3A_87 = vector.shape_cast %broadcast_in_dim3A_0 : vector<16xf32> to vector<1x16xf32>
      tpu.vector_store %arg10[%swap3A_83, %swap3A_84], %swap3A_87 {strides = array<i32>} : memref<312x128xf32, #tpu.memory_space<vmem>>, vector<1x16xf32>,
    }
    %scan3A_6 = arith.constant 312 : i32
    %mul3A_7 = arith.constant 312 : i32
    %mul3A_8 = arith.muli %arg1, %mul3A_7 : i32
    "tpu.region"() ({
      %run_scoped3A = tpu.sem_alloc : memref<!tpu.dma_semaphore, #tpu.memory_space<semaphore_mem>>
      %dma_start3A = arith.constant 0 : i32
      %dma_start3A_48 = tpu.memref_slice %arg11[%mul3A_8, %dma_start3A] : memref<5008x128xf32, #tpu.memory_space<vmem_shared>> -> memref<312x128xf32, #tpu.memory_space<vmem_shared>>
      %dma_start3A_49 = arith.constant 0 : i32
      %dma_start3A_50 = tpu.memref_slice %arg11[%mul3A_8, %dma_start3A_49] : memref<5008x128xf32, #tpu.memory_space<vmem_shared>> -> memref<312x128xf32, #tpu.memory_space<vmem_shared>>
      tpu.enqueue_dma source(%arg10 : memref<312x128xf32, #tpu.memory_space<vmem>>) target(%dma_start3A_50 : memref<312x128xf32, #tpu.memory_space<vmem_shared>>) target_semaphore(%run_scoped3A : memref<!tpu.dma_semaphore, #tpu.memory_space<semaphore_mem>>)
      %dma_wait3A = arith.constant 0 : i32
      %dma_wait3A_51 = tpu.memref_slice %arg11[%mul3A_8, %dma_wait3A] : memref<5008x128xf32, #tpu.memory_space<vmem_shared>> -> memref<312x128xf32, #tpu.memory_space<vmem_shared>>
      %dma_wait3A_52 = arith.constant 0 : i32
      %dma_wait3A_53 = tpu.memref_slice %arg11[%mul3A_8, %dma_wait3A_52] : memref<5008x128xf32, #tpu.memory_space<vmem_shared>> -> memref<312x128xf32, #tpu.memory_space<vmem_shared>>
      tpu.wait_dma2 semaphore(%run_scoped3A : memref<!tpu.dma_semaphore, #tpu.memory_space<semaphore_mem>>) src(%arg10 : memref<312x128xf32, #tpu.memory_space<vmem>>) dst(%dma_wait3A_53 : memref<312x128xf32, #tpu.memory_space<vmem_shared>>)
      tpu.yield
    }) : () -> ()
    %eq3A = arith.constant 0 : i32
    %eq3A_9 = arith.cmpi eq, %arg1, %eq3A : i32
    %convert_element_type3A = arith.extui %eq3A_9 : i1 to i32
    %cond3A = arith.constant 0 : i32
    %cond3A_10 = arith.cmpi ne, %convert_element_type3A, %cond3A : i32
    scf.if %cond3A_10 {
      "tpu.region"() ({
        %run_scoped3A = tpu.sem_alloc : memref<!tpu.dma_semaphore, #tpu.memory_space<semaphore_mem>>
        %dma_start3A = arith.constant 0 : i32
        %dma_start3A_48 = arith.constant 0 : i32
        %dma_start3A_49 = tpu.memref_slice %arg10[%dma_start3A, %dma_start3A_48] : memref<312x128xf32, #tpu.memory_space<vmem>> -> memref<16x128xf32, #tpu.memory_space<vmem>>
        %dma_start3A_50 = arith.constant 4992 : i32
        %dma_start3A_51 = arith.constant 0 : i32
        %dma_start3A_52 = tpu.memref_slice %arg11[%dma_start3A_50, %dma_start3A_51] : memref<5008x128xf32, #tpu.memory_space<vmem_shared>> -> memref<16x128xf32, #tpu.memory_space<vmem_shared>>
        %dma_start3A_53 = arith.constant 4992 : i32
        %dma_start3A_54 = arith.constant 0 : i32
        %dma_start3A_55 = tpu.memref_slice %arg11[%dma_start3A_53, %dma_start3A_54] : memref<5008x128xf32, #tpu.memory_space<vmem_shared>> -> memref<16x128xf32, #tpu.memory_space<vmem_shared>>
        %dma_start3A_56 = arith.constant 0 : i32
        %dma_start3A_57 = arith.constant 0 : i32
        %dma_start3A_58 = tpu.memref_slice %arg10[%dma_start3A_56, %dma_start3A_57] : memref<312x128xf32, #tpu.memory_space<vmem>> -> memref<16x128xf32, #tpu.memory_space<vmem>>
        tpu.enqueue_dma source(%dma_start3A_58 : memref<16x128xf32, #tpu.memory_space<vmem>>) target(%dma_start3A_55 : memref<16x128xf32, #tpu.memory_space<vmem_shared>>) target_semaphore(%run_scoped3A : memref<!tpu.dma_semaphore, #tpu.memory_space<semaphore_mem>>)
        %dma_wait3A = arith.constant 0 : i32
        %dma_wait3A_59 = arith.constant 0 : i32
        %dma_wait3A_60 = tpu.memref_slice %arg10[%dma_wait3A, %dma_wait3A_59] : memref<312x128xf32, #tpu.memory_space<vmem>> -> memref<16x128xf32, #tpu.memory_space<vmem>>
        %dma_wait3A_61 = arith.constant 4992 : i32
        %dma_wait3A_62 = arith.constant 0 : i32
        %dma_wait3A_63 = tpu.memref_slice %arg11[%dma_wait3A_61, %dma_wait3A_62] : memref<5008x128xf32, #tpu.memory_space<vmem_shared>> -> memref<16x128xf32, #tpu.memory_space<vmem_shared>>
        %dma_wait3A_64 = arith.constant 4992 : i32
        %dma_wait3A_65 = arith.constant 0 : i32
        %dma_wait3A_66 = tpu.memref_slice %arg11[%dma_wait3A_64, %dma_wait3A_65] : memref<5008x128xf32, #tpu.memory_space<vmem_shared>> -> memref<16x128xf32, #tpu.memory_space<vmem_shared>>
        %dma_wait3A_67 = arith.constant 0 : i32
        %dma_wait3A_68 = arith.constant 0 : i32
        %dma_wait3A_69 = tpu.memref_slice %arg10[%dma_wait3A_67, %dma_wait3A_68] : memref<312x128xf32, #tpu.memory_space<vmem>> -> memref<16x128xf32, #tpu.memory_space<vmem>>
        tpu.wait_dma2 semaphore(%run_scoped3A : memref<!tpu.dma_semaphore, #tpu.memory_space<semaphore_mem>>) src(%dma_wait3A_69 : memref<16x128xf32, #tpu.memory_space<vmem>>) dst(%dma_wait3A_66 : memref<16x128xf32, #tpu.memory_space<vmem_shared>>)
        tpu.yield
      }) : () -> ()
    } else {
    }
    %mul3A_11 = arith.constant 20000 : i32
    %mul3A_12 = arith.muli %arg1, %mul3A_11 : i32
    %jit3A = arith.constant 128 : i32
    %div3A = arith.divsi %mul3A_12, %jit3A : i32
    %sign3A = arith.constant 0 : i32
    %sign3A_13 = arith.cmpi sgt, %mul3A_12, %sign3A : i32
    %sign3A_14 = arith.extui %sign3A_13 : i1 to i32
    %sign3A_15 = arith.constant 0 : i32
    %sign3A_16 = arith.cmpi slt, %mul3A_12, %sign3A_15 : i32
    %sign3A_17 = arith.extui %sign3A_16 : i1 to i32
    %sign3A_18 = arith.subi %sign3A_14, %sign3A_17 : i32
    %sign3A_19 = arith.constant 0 : i32
    %sign3A_20 = arith.cmpi sgt, %jit3A, %sign3A_19 : i32
    %sign3A_21 = arith.extui %sign3A_20 : i1 to i32
    %sign3A_22 = arith.constant 0 : i32
    %sign3A_23 = arith.cmpi slt, %jit3A, %sign3A_22 : i32
    %sign3A_24 = arith.extui %sign3A_23 : i1 to i32
    %sign3A_25 = arith.subi %sign3A_21, %sign3A_24 : i32
    %ne3A = arith.cmpi ne, %sign3A_18, %sign3A_25 : i32
    %rem3A = arith.remsi %mul3A_12, %jit3A : i32
    %ne3A_26 = arith.constant 0 : i32
    %ne3A_27 = arith.cmpi ne, %rem3A, %ne3A_26 : i32
    %and3A = arith.andi %ne3A, %ne3A_27 : i1
    %sub3A = arith.constant 1 : i32
    %sub3A_28 = arith.subi %div3A, %sub3A : i32
    %select_n3A = arith.select %and3A, %sub3A_28, %div3A : i32
    %mul3A_29 = arith.constant 128 : i32
    %mul3A_30 = arith.muli %select_n3A, %mul3A_29 : i32
    %mul3A_31 = arith.constant 20000 : i32
    %mul3A_32 = arith.muli %arg1, %mul3A_31 : i32
    %sub3A_33 = arith.subi %mul3A_32, %mul3A_30 : i32
    "tpu.region"() ({
      %run_scoped3A = tpu.sem_alloc : memref<!tpu.dma_semaphore, #tpu.memory_space<semaphore_mem>>
      %dma_start3A = tpu.memref_slice %arg3[%mul3A_30] : memref<320000xi32, #tpu.memory_space<hbm>> -> memref<20096xi32, #tpu.memory_space<hbm>>
      %dma_start3A_48 = tpu.memref_slice %arg3[%mul3A_30] : memref<320000xi32, #tpu.memory_space<hbm>> -> memref<20096xi32, #tpu.memory_space<hbm>>
      tpu.enqueue_dma source(%dma_start3A_48 : memref<20096xi32, #tpu.memory_space<hbm>>) target(%arg6 : memref<20096xi32, #tpu.memory_space<vmem>>) target_semaphore(%run_scoped3A : memref<!tpu.dma_semaphore, #tpu.memory_space<semaphore_mem>>)
      %dma_wait3A = tpu.memref_slice %arg3[%mul3A_30] : memref<320000xi32, #tpu.memory_space<hbm>> -> memref<20096xi32, #tpu.memory_space<hbm>>
      %dma_wait3A_49 = tpu.memref_slice %arg3[%mul3A_30] : memref<320000xi32, #tpu.memory_space<hbm>> -> memref<20096xi32, #tpu.memory_space<hbm>>
      tpu.wait_dma2 semaphore(%run_scoped3A : memref<!tpu.dma_semaphore, #tpu.memory_space<semaphore_mem>>) src(%dma_wait3A_49 : memref<20096xi32, #tpu.memory_space<hbm>>) dst(%arg6 : memref<20096xi32, #tpu.memory_space<vmem>>)
      tpu.yield
    }) : () -> ()
    "tpu.region"() ({
      %run_scoped3A = tpu.sem_alloc : memref<!tpu.dma_semaphore, #tpu.memory_space<semaphore_mem>>
      %dma_start3A = tpu.memref_slice %arg4[%mul3A_30] : memref<320000xi32, #tpu.memory_space<hbm>> -> memref<20096xi32, #tpu.memory_space<hbm>>
      %dma_start3A_48 = tpu.memref_slice %arg4[%mul3A_30] : memref<320000xi32, #tpu.memory_space<hbm>> -> memref<20096xi32, #tpu.memory_space<hbm>>
      tpu.enqueue_dma source(%dma_start3A_48 : memref<20096xi32, #tpu.memory_space<hbm>>) target(%arg7 : memref<20096xi32, #tpu.memory_space<vmem>>) target_semaphore(%run_scoped3A : memref<!tpu.dma_semaphore, #tpu.memory_space<semaphore_mem>>)
      %dma_wait3A = tpu.memref_slice %arg4[%mul3A_30] : memref<320000xi32, #tpu.memory_space<hbm>> -> memref<20096xi32, #tpu.memory_space<hbm>>
      %dma_wait3A_49 = tpu.memref_slice %arg4[%mul3A_30] : memref<320000xi32, #tpu.memory_space<hbm>> -> memref<20096xi32, #tpu.memory_space<hbm>>
      tpu.wait_dma2 semaphore(%run_scoped3A : memref<!tpu.dma_semaphore, #tpu.memory_space<semaphore_mem>>) src(%dma_wait3A_49 : memref<20096xi32, #tpu.memory_space<hbm>>) dst(%arg7 : memref<20096xi32, #tpu.memory_space<vmem>>)
      tpu.yield
    }) : () -> ()
    %barrier3A = arith.constant 0 : index
    tpu.barrier barrier_id(%barrier3A)
    %scan3A_34 = arith.constant 0 : i32
    %scan3A_35 = arith.constant 0 : i32
    %scan3A_36 = arith.constant 627 : i32
    %scan3A_37 = arith.addi %scan3A_35, %scan3A_36 : i32
    %scan3A_38 = arith.constant 1 : i32
    scf.for %scan3A_48 = %scan3A_35 to %scan3A_37 step %scan3A_38  : i32 {
      %ge3A = arith.constant 2 : i32
      %ge3A_49 = arith.cmpi sge, %scan3A_48, %ge3A : i32
      %convert_element_type3A_50 = arith.extui %ge3A_49 : i1 to i32
      %cond3A_51 = arith.constant 0 : i32
      %cond3A_52 = arith.cmpi ne, %convert_element_type3A_50, %cond3A_51 : i32
      scf.if %cond3A_52 {
        %and3A_64 = arith.constant 1 : i32
        %and3A_65 = arith.andi %scan3A_48, %and3A_64 : i32
        %sub3A_66 = arith.constant 2 : i32
        %sub3A_67 = arith.subi %scan3A_48, %sub3A_66 : i32
        %and3A_68 = arith.constant 1 : i32
        %and3A_69 = arith.andi %sub3A_67, %and3A_68 : i32
        %dma_wait3A = arith.constant 0 : i32
        %dma_wait3A_70 = arith.constant 0 : i32
        %dma_wait3A_71 = tpu.memref_slice %arg9[%and3A_65, %dma_wait3A, %dma_wait3A_70] : memref<2x32x128xf32, #tpu.memory_space<vmem>> -> memref<1x32x128xf32, #tpu.memory_space<vmem>>
        %dma_wait3A_72 = tpu.memref_squeeze %dma_wait3A_71 : memref<1x32x128xf32, #tpu.memory_space<vmem>> -> memref<32x128xf32, #tpu.memory_space<vmem>>
        %dma_wait3A_73 = arith.constant 0 : i32
        %dma_wait3A_74 = tpu.memref_slice %arg8[%and3A_69, %dma_wait3A_73] : memref<2x32xi32, #tpu.memory_space<vmem>> -> memref<1x32xi32, #tpu.memory_space<vmem>>
        %dma_wait3A_75 = tpu.memref_squeeze %dma_wait3A_74 : memref<1x32xi32, #tpu.memory_space<vmem>> -> memref<32xi32, #tpu.memory_space<vmem>>
        %dma_wait3A_76 = arith.constant 0 : i32
        %dma_wait3A_77 = arith.constant 0 : i32
        %dma_wait3A_78 = tpu.memref_slice %arg11[%dma_wait3A_76, %dma_wait3A_77] : memref<5008x128xf32, #tpu.memory_space<vmem_shared>> -> memref<5008x128xf32, #tpu.memory_space<vmem_shared>>
        tpu.wait_indirect_dma semaphore(%arg13 : memref<!tpu.dma_semaphore, #tpu.memory_space<semaphore_mem>>) src(%dma_wait3A_72 : memref<32x128xf32, #tpu.memory_space<vmem>>) dst(%dma_wait3A_78 : memref<5008x128xf32, #tpu.memory_space<vmem_shared>>)
      } else {
      }
      %lt3A = arith.constant 625 : i32
      %lt3A_53 = arith.cmpi slt, %scan3A_48, %lt3A : i32
      %convert_element_type3A_54 = arith.extui %lt3A_53 : i1 to i32
      %cond3A_55 = arith.constant 0 : i32
      %cond3A_56 = arith.cmpi ne, %convert_element_type3A_54, %cond3A_55 : i32
      scf.if %cond3A_56 {
        %mul3A_64 = arith.constant 32 : i32
        %mul3A_65 = arith.muli %scan3A_48, %mul3A_64 : i32
        %add3A = arith.addi %sub3A_33, %mul3A_65 : i32
        %and3A_66 = arith.constant 1 : i32
        %and3A_67 = arith.andi %scan3A_48, %and3A_66 : i32
        %dma_start3A = arith.constant 0 : i32
        %dma_start3A_68 = arith.constant 0 : i32
        %dma_start3A_69 = tpu.memref_slice %arg9[%and3A_67, %dma_start3A, %dma_start3A_68] : memref<2x32x128xf32, #tpu.memory_space<vmem>> -> memref<1x32x128xf32, #tpu.memory_space<vmem>>
        %dma_start3A_70 = tpu.memref_squeeze %dma_start3A_69 : memref<1x32x128xf32, #tpu.memory_space<vmem>> -> memref<32x128xf32, #tpu.memory_space<vmem>>
        %dma_start3A_71 = tpu.memref_slice %arg6[%add3A] : memref<20096xi32, #tpu.memory_space<vmem>> -> memref<32xi32, #tpu.memory_space<vmem>>
        %dma_start3A_72 = arith.constant 0 : i32
        %dma_start3A_73 = arith.constant 0 : i32
        %dma_start3A_74 = tpu.memref_slice %arg2[%dma_start3A_72, %dma_start3A_73] : memref<10000x128xf32, #tpu.memory_space<hbm>> -> memref<10000x128xf32, #tpu.memory_space<hbm>>
        tpu.enqueue_indirect_dma source(%dma_start3A_74 : memref<10000x128xf32, #tpu.memory_space<hbm>>) target(%dma_start3A_70 : memref<32x128xf32, #tpu.memory_space<vmem>>) offsets(%dma_start3A_71 : memref<32xi32, #tpu.memory_space<vmem>>) semaphore(%arg12 : memref<!tpu.dma_semaphore, #tpu.memory_space<semaphore_mem>>)
      } else {
      }
      %ge3A_57 = arith.constant 1 : i32
      %ge3A_58 = arith.cmpi sge, %scan3A_48, %ge3A_57 : i32
      %le3A = arith.constant 625 : i32
      %le3A_59 = arith.cmpi sle, %scan3A_48, %le3A : i32
      %and3A_60 = arith.andi %ge3A_58, %le3A_59 : i1
      %convert_element_type3A_61 = arith.extui %and3A_60 : i1 to i32
      %cond3A_62 = arith.constant 0 : i32
      %cond3A_63 = arith.cmpi ne, %convert_element_type3A_61, %cond3A_62 : i32
      scf.if %cond3A_63 {
        %sub3A_64 = arith.constant 1 : i32
        %sub3A_65 = arith.subi %scan3A_48, %sub3A_64 : i32
        %and3A_66 = arith.constant 1 : i32
        %and3A_67 = arith.andi %sub3A_65, %and3A_66 : i32
        %mul3A_68 = arith.constant 32 : i32
        %mul3A_69 = arith.muli %sub3A_65, %mul3A_68 : i32
        %add3A = arith.addi %sub3A_33, %mul3A_69 : i32
        %add3A_70 = arith.constant 0 : i32
        %add3A_71 = arith.addi %add3A, %add3A_70 : i32
        %get3A = arith.index_cast %add3A_71 : i32 to index
        %get3A_72 = tpu.vector_load %arg7[%get3A] {strides = array<i32>} : memref<20096xi32, #tpu.memory_space<vmem>>, vector<16xi32>,
        %get3A_73 = vector.shape_cast %get3A_72 : vector<16xi32> to vector<16xi32>
        %sub3A_74 = vector.broadcast %mul3A_1 : i32 to vector<16xi32>
        %sub3A_75 = arith.subi %get3A_73, %sub3A_74 : vector<16xi32>
        %ge3A_76 = arith.constant 0 : i32
        %ge3A_77 = vector.broadcast %ge3A_76 : i32 to vector<16xi32>
        %ge3A_78 = arith.cmpi sge, %sub3A_75, %ge3A_77 : vector<16xi32>
        %lt3A_79 = arith.constant 5000 : i32
        %lt3A_80 = vector.broadcast %lt3A_79 : i32 to vector<16xi32>
        %lt3A_81 = arith.cmpi slt, %sub3A_75, %lt3A_80 : vector<16xi32>
        %and3A_82 = arith.andi %ge3A_78, %lt3A_81 : vector<16xi1>
        %and3A_83 = arith.constant 7 : i32
        %and3A_84 = vector.broadcast %and3A_83 : i32 to vector<16xi32>
        %and3A_85 = arith.andi %get3A_73, %and3A_84 : vector<16xi32>
        %add3A_86 = arith.constant 5000 : i32
        %add3A_87 = vector.broadcast %add3A_86 : i32 to vector<16xi32>
        %add3A_88 = arith.addi %add3A_87, %and3A_85 : vector<16xi32>
        %select_n3A_89 = arith.select %and3A_82, %sub3A_75, %add3A_88 : vector<16xi1>, vector<16xi32>
        %swap3A = arith.index_cast %and3A_67 : i32 to index
        %swap3A_90 = arith.constant 0 : index
        %swap3A_91 = tpu.vector_load %arg8[%swap3A, %swap3A_90] {strides = array<i32>} : memref<2x32xi32, #tpu.memory_space<vmem>>, vector<1x16xi32>,
        %swap3A_92 = vector.shape_cast %swap3A_91 : vector<1x16xi32> to vector<16xi32>
        %swap3A_93 = vector.shape_cast %select_n3A_89 : vector<16xi32> to vector<1x16xi32>
        tpu.vector_store %arg8[%swap3A, %swap3A_90], %swap3A_93 {strides = array<i32>} : memref<2x32xi32, #tpu.memory_space<vmem>>, vector<1x16xi32>,
        %mul3A_94 = arith.constant 32 : i32
        %mul3A_95 = arith.muli %sub3A_65, %mul3A_94 : i32
        %add3A_96 = arith.addi %sub3A_33, %mul3A_95 : i32
        %add3A_97 = arith.constant 16 : i32
        %add3A_98 = arith.addi %add3A_96, %add3A_97 : i32
        %get3A_99 = arith.index_cast %add3A_98 : i32 to index
        %get3A_100 = tpu.vector_load %arg7[%get3A_99] {strides = array<i32>} : memref<20096xi32, #tpu.memory_space<vmem>>, vector<16xi32>,
        %get3A_101 = vector.shape_cast %get3A_100 : vector<16xi32> to vector<16xi32>
        %sub3A_102 = vector.broadcast %mul3A_1 : i32 to vector<16xi32>
        %sub3A_103 = arith.subi %get3A_101, %sub3A_102 : vector<16xi32>
        %ge3A_104 = arith.constant 0 : i32
        %ge3A_105 = vector.broadcast %ge3A_104 : i32 to vector<16xi32>
        %ge3A_106 = arith.cmpi sge, %sub3A_103, %ge3A_105 : vector<16xi32>
        %lt3A_107 = arith.constant 5000 : i32
        %lt3A_108 = vector.broadcast %lt3A_107 : i32 to vector<16xi32>
        %lt3A_109 = arith.cmpi slt, %sub3A_103, %lt3A_108 : vector<16xi32>
        %and3A_110 = arith.andi %ge3A_106, %lt3A_109 : vector<16xi1>
        %and3A_111 = arith.constant 7 : i32
        %and3A_112 = vector.broadcast %and3A_111 : i32 to vector<16xi32>
        %and3A_113 = arith.andi %get3A_101, %and3A_112 : vector<16xi32>
        %add3A_114 = arith.constant 5000 : i32
        %add3A_115 = vector.broadcast %add3A_114 : i32 to vector<16xi32>
        %add3A_116 = arith.addi %add3A_115, %and3A_113 : vector<16xi32>
        %select_n3A_117 = arith.select %and3A_110, %sub3A_103, %add3A_116 : vector<16xi1>, vector<16xi32>
        %swap3A_118 = arith.index_cast %and3A_67 : i32 to index
        %swap3A_119 = arith.constant 16 : index
        %swap3A_120 = tpu.vector_load %arg8[%swap3A_118, %swap3A_119] {strides = array<i32>} : memref<2x32xi32, #tpu.memory_space<vmem>>, vector<1x16xi32>,
        %swap3A_121 = vector.shape_cast %swap3A_120 : vector<1x16xi32> to vector<16xi32>
        %swap3A_122 = vector.shape_cast %select_n3A_117 : vector<16xi32> to vector<1x16xi32>
        tpu.vector_store %arg8[%swap3A_118, %swap3A_119], %swap3A_122 {strides = array<i32>} : memref<2x32xi32, #tpu.memory_space<vmem>>, vector<1x16xi32>,
        %mul3A_123 = arith.constant 32 : i32
        %mul3A_124 = arith.muli %sub3A_65, %mul3A_123 : i32
        %add3A_125 = arith.addi %sub3A_33, %mul3A_124 : i32
        %and3A_126 = arith.constant 1 : i32
        %and3A_127 = arith.andi %sub3A_65, %and3A_126 : i32
        %dma_wait3A = arith.constant 0 : i32
        %dma_wait3A_128 = arith.constant 0 : i32
        %dma_wait3A_129 = tpu.memref_slice %arg9[%and3A_127, %dma_wait3A, %dma_wait3A_128] : memref<2x32x128xf32, #tpu.memory_space<vmem>> -> memref<1x32x128xf32, #tpu.memory_space<vmem>>
        %dma_wait3A_130 = tpu.memref_squeeze %dma_wait3A_129 : memref<1x32x128xf32, #tpu.memory_space<vmem>> -> memref<32x128xf32, #tpu.memory_space<vmem>>
        %dma_wait3A_131 = tpu.memref_slice %arg6[%add3A_125] : memref<20096xi32, #tpu.memory_space<vmem>> -> memref<32xi32, #tpu.memory_space<vmem>>
        %dma_wait3A_132 = arith.constant 0 : i32
        %dma_wait3A_133 = arith.constant 0 : i32
        %dma_wait3A_134 = tpu.memref_slice %arg2[%dma_wait3A_132, %dma_wait3A_133] : memref<10000x128xf32, #tpu.memory_space<hbm>> -> memref<10000x128xf32, #tpu.memory_space<hbm>>
        tpu.wait_indirect_dma semaphore(%arg12 : memref<!tpu.dma_semaphore, #tpu.memory_space<semaphore_mem>>) src(%dma_wait3A_134 : memref<10000x128xf32, #tpu.memory_space<hbm>>) dst(%dma_wait3A_130 : memref<32x128xf32, #tpu.memory_space<vmem>>)
        %and3A_135 = arith.constant 1 : i32
        %and3A_136 = arith.andi %sub3A_65, %and3A_135 : i32
        %and3A_137 = arith.constant 1 : i32
        %and3A_138 = arith.andi %sub3A_65, %and3A_137 : i32
        %dma_start3A = arith.constant 0 : i32
        %dma_start3A_139 = arith.constant 0 : i32
        %dma_start3A_140 = tpu.memref_slice %arg9[%and3A_136, %dma_start3A, %dma_start3A_139] : memref<2x32x128xf32, #tpu.memory_space<vmem>> -> memref<1x32x128xf32, #tpu.memory_space<vmem>>
        %dma_start3A_141 = tpu.memref_squeeze %dma_start3A_140 : memref<1x32x128xf32, #tpu.memory_space<vmem>> -> memref<32x128xf32, #tpu.memory_space<vmem>>
        %dma_start3A_142 = arith.constant 0 : i32
        %dma_start3A_143 = tpu.memref_slice %arg8[%and3A_138, %dma_start3A_142] : memref<2x32xi32, #tpu.memory_space<vmem>> -> memref<1x32xi32, #tpu.memory_space<vmem>>
        %dma_start3A_144 = tpu.memref_squeeze %dma_start3A_143 : memref<1x32xi32, #tpu.memory_space<vmem>> -> memref<32xi32, #tpu.memory_space<vmem>>
        %dma_start3A_145 = arith.constant 0 : i32
        %dma_start3A_146 = arith.constant 0 : i32
        %dma_start3A_147 = tpu.memref_slice %arg11[%dma_start3A_145, %dma_start3A_146] : memref<5008x128xf32, #tpu.memory_space<vmem_shared>> -> memref<5008x128xf32, #tpu.memory_space<vmem_shared>>
        tpu.enqueue_indirect_dma source(%dma_start3A_141 : memref<32x128xf32, #tpu.memory_space<vmem>>) target(%dma_start3A_147 : memref<5008x128xf32, #tpu.memory_space<vmem_shared>>) offsets(%dma_start3A_144 : memref<32xi32, #tpu.memory_space<vmem>>) semaphore(%arg13 : memref<!tpu.dma_semaphore, #tpu.memory_space<semaphore_mem>>) {add = true}
      } else {
      }
    }
    %scan3A_39 = arith.constant 627 : i32
    %barrier3A_40 = arith.constant 0 : index
    tpu.barrier barrier_id(%barrier3A_40)
    %mul3A_41 = arith.constant 312 : i32
    %mul3A_42 = arith.muli %arg1, %mul3A_41 : i32
    "tpu.region"() ({
      %run_scoped3A = tpu.sem_alloc : memref<!tpu.dma_semaphore, #tpu.memory_space<semaphore_mem>>
      %dma_start3A = arith.constant 0 : i32
      %dma_start3A_48 = tpu.memref_slice %arg5[%arg0, %mul3A_42, %dma_start3A] : memref<2x5000x128xf32, #tpu.memory_space<hbm>> -> memref<1x312x128xf32, #tpu.memory_space<hbm>>
      %dma_start3A_49 = tpu.memref_squeeze %dma_start3A_48 : memref<1x312x128xf32, #tpu.memory_space<hbm>> -> memref<312x128xf32, #tpu.memory_space<hbm>>
      %dma_start3A_50 = arith.constant 0 : i32
      %dma_start3A_51 = tpu.memref_slice %arg11[%mul3A_42, %dma_start3A_50] : memref<5008x128xf32, #tpu.memory_space<vmem_shared>> -> memref<312x128xf32, #tpu.memory_space<vmem_shared>>
      tpu.enqueue_dma source(%dma_start3A_51 : memref<312x128xf32, #tpu.memory_space<vmem_shared>>) target(%dma_start3A_49 : memref<312x128xf32, #tpu.memory_space<hbm>>) target_semaphore(%run_scoped3A : memref<!tpu.dma_semaphore, #tpu.memory_space<semaphore_mem>>)
      %dma_wait3A = arith.constant 0 : i32
      %dma_wait3A_52 = tpu.memref_slice %arg5[%arg0, %mul3A_42, %dma_wait3A] : memref<2x5000x128xf32, #tpu.memory_space<hbm>> -> memref<1x312x128xf32, #tpu.memory_space<hbm>>
      %dma_wait3A_53 = tpu.memref_squeeze %dma_wait3A_52 : memref<1x312x128xf32, #tpu.memory_space<hbm>> -> memref<312x128xf32, #tpu.memory_space<hbm>>
      %dma_wait3A_54 = arith.constant 0 : i32
      %dma_wait3A_55 = tpu.memref_slice %arg11[%mul3A_42, %dma_wait3A_54] : memref<5008x128xf32, #tpu.memory_space<vmem_shared>> -> memref<312x128xf32, #tpu.memory_space<vmem_shared>>
      tpu.wait_dma2 semaphore(%run_scoped3A : memref<!tpu.dma_semaphore, #tpu.memory_space<semaphore_mem>>) src(%dma_wait3A_55 : memref<312x128xf32, #tpu.memory_space<vmem_shared>>) dst(%dma_wait3A_53 : memref<312x128xf32, #tpu.memory_space<hbm>>)
      tpu.yield
    }) : () -> ()
    %eq3A_43 = arith.constant 0 : i32
    %eq3A_44 = arith.cmpi eq, %arg1, %eq3A_43 : i32
    %convert_element_type3A_45 = arith.extui %eq3A_44 : i1 to i32
    %cond3A_46 = arith.constant 0 : i32
    %cond3A_47 = arith.cmpi ne, %convert_element_type3A_45, %cond3A_46 : i32
    scf.if %cond3A_47 {
      "tpu.region"() ({
        %run_scoped3A = tpu.sem_alloc : memref<!tpu.dma_semaphore, #tpu.memory_space<semaphore_mem>>
        %dma_start3A = arith.constant 4992 : i32
        %dma_start3A_48 = arith.constant 0 : i32
        %dma_start3A_49 = tpu.memref_slice %arg5[%arg0, %dma_start3A, %dma_start3A_48] : memref<2x5000x128xf32, #tpu.memory_space<hbm>> -> memref<1x8x128xf32, #tpu.memory_space<hbm>>
        %dma_start3A_50 = tpu.memref_squeeze %dma_start3A_49 : memref<1x8x128xf32, #tpu.memory_space<hbm>> -> memref<8x128xf32, #tpu.memory_space<hbm>>
        %dma_start3A_51 = arith.constant 4992 : i32
        %dma_start3A_52 = arith.constant 0 : i32
        %dma_start3A_53 = tpu.memref_slice %arg11[%dma_start3A_51, %dma_start3A_52] : memref<5008x128xf32, #tpu.memory_space<vmem_shared>> -> memref<8x128xf32, #tpu.memory_space<vmem_shared>>
        tpu.enqueue_dma source(%dma_start3A_53 : memref<8x128xf32, #tpu.memory_space<vmem_shared>>) target(%dma_start3A_50 : memref<8x128xf32, #tpu.memory_space<hbm>>) target_semaphore(%run_scoped3A : memref<!tpu.dma_semaphore, #tpu.memory_space<semaphore_mem>>)
        %dma_wait3A = arith.constant 4992 : i32
        %dma_wait3A_54 = arith.constant 0 : i32
        %dma_wait3A_55 = tpu.memref_slice %arg5[%arg0, %dma_wait3A, %dma_wait3A_54] : memref<2x5000x128xf32, #tpu.memory_space<hbm>> -> memref<1x8x128xf32, #tpu.memory_space<hbm>>
        %dma_wait3A_56 = tpu.memref_squeeze %dma_wait3A_55 : memref<1x8x128xf32, #tpu.memory_space<hbm>> -> memref<8x128xf32, #tpu.memory_space<hbm>>
        %dma_wait3A_57 = arith.constant 4992 : i32
        %dma_wait3A_58 = arith.constant 0 : i32
        %dma_wait3A_59 = tpu.memref_slice %arg11[%dma_wait3A_57, %dma_wait3A_58] : memref<5008x128xf32, #tpu.memory_space<vmem_shared>> -> memref<8x128xf32, #tpu.memory_space<vmem_shared>>
        tpu.wait_dma2 semaphore(%run_scoped3A : memref<!tpu.dma_semaphore, #tpu.memory_space<semaphore_mem>>) src(%dma_wait3A_59 : memref<8x128xf32, #tpu.memory_space<vmem_shared>>) dst(%dma_wait3A_56 : memref<8x128xf32, #tpu.memory_space<hbm>>)
        tpu.yield
      }) : () -> ()
    } else {
    }
    return
  }
}

module attributes {stable_mosaic.version = 14 : i64} {
  func.func @tc_body(%arg0: memref<2x5000x128xf32, #tpu.memory_space<vmem>>, %arg1: memref<2x5000x128xf32, #tpu.memory_space<vmem>>, %arg2: memref<10000x128xf32, #tpu.memory_space<vmem>>, %arg3: memref<128x128xf32, #tpu.memory_space<vmem>>, %arg4: memref<128x128xf32, #tpu.memory_space<vmem>>, %arg5: memref<1x128xf32, #tpu.memory_space<vmem>>, %arg6: memref<1x128xf32, #tpu.memory_space<vmem>>, %arg7: memref<1x128xf32, #tpu.memory_space<vmem>>, %arg8: memref<10000x128xf32, #tpu.memory_space<vmem>>, %arg9: memref<10000x1xf32, #tpu.memory_space<vmem>>) attributes {dimension_semantics = [], scalar_prefetch = 0 : i64, scratch_operands = 0 : i64, tpu.core_type = #tpu.core_type<tc>} {
    %get3A = arith.constant 0 : index
    %get3A_0 = arith.constant 0 : index
    %get3A_1 = arith.constant 0 : index
    %get3A_2 = vector.load %arg1[%get3A, %get3A_0, %get3A_1] : memref<2x5000x128xf32, #tpu.memory_space<vmem>>, vector<1x5000x128xf32>
    %get3A_3 = vector.shape_cast %get3A_2 : vector<1x5000x128xf32> to vector<5000x128xf32>
    %get3A_4 = arith.constant 1 : index
    %get3A_5 = arith.constant 0 : index
    %get3A_6 = arith.constant 0 : index
    %get3A_7 = vector.load %arg1[%get3A_4, %get3A_5, %get3A_6] : memref<2x5000x128xf32, #tpu.memory_space<vmem>>, vector<1x5000x128xf32>
    %get3A_8 = vector.shape_cast %get3A_7 : vector<1x5000x128xf32> to vector<5000x128xf32>
    %concatenate3A = tpu.concatenate %get3A_3, %get3A_8 in 0 : vector<5000x128xf32>, vector<5000x128xf32> -> vector<10000x128xf32>
    %slice3A = vector.extract_strided_slice %concatenate3A {offsets = [0, 0], sizes = [10000, 1], strides = [1, 1]} : vector<10000x128xf32> to vector<10000x1xf32>
    %max3A = arith.constant 1.000000e+00 : f32
    %max3A_9 = vector.broadcast %max3A : f32 to vector<10000x1xf32>
    %max3A_10 = arith.maximumf %slice3A, %max3A_9 : vector<10000x1xf32>
    %div3A = arith.constant 1.000000e+00 : f32
    %div3A_11 = vector.broadcast %div3A : f32 to vector<10000x1xf32>
    %div3A_12 = arith.divf %div3A_11, %max3A_10 : vector<10000x1xf32>
    %get3A_13 = arith.constant 0 : index
    %get3A_14 = arith.constant 0 : index
    %get3A_15 = arith.constant 0 : index
    %get3A_16 = vector.load %arg0[%get3A_13, %get3A_14, %get3A_15] : memref<2x5000x128xf32, #tpu.memory_space<vmem>>, vector<1x5000x128xf32>
    %get3A_17 = vector.shape_cast %get3A_16 : vector<1x5000x128xf32> to vector<5000x128xf32>
    %get3A_18 = arith.constant 1 : index
    %get3A_19 = arith.constant 0 : index
    %get3A_20 = arith.constant 0 : index
    %get3A_21 = vector.load %arg0[%get3A_18, %get3A_19, %get3A_20] : memref<2x5000x128xf32, #tpu.memory_space<vmem>>, vector<1x5000x128xf32>
    %get3A_22 = vector.shape_cast %get3A_21 : vector<1x5000x128xf32> to vector<5000x128xf32>
    %concatenate3A_23 = tpu.concatenate %get3A_17, %get3A_22 in 0 : vector<5000x128xf32>, vector<5000x128xf32> -> vector<10000x128xf32>
    %mul3A = vector.broadcast %div3A_12 : vector<10000x1xf32> to vector<10000x128xf32>
    %mul3A_24 = arith.mulf %concatenate3A_23, %mul3A : vector<10000x128xf32>
    %get3A_25 = arith.constant 0 : index
    %get3A_26 = arith.constant 0 : index
    %get3A_27 = vector.load %arg3[%get3A_25, %get3A_26] : memref<128x128xf32, #tpu.memory_space<vmem>>, vector<128x128xf32>
    %dot_general3A = arith.constant dense<0.000000e+00> : vector<10000x128xf32>
    %dot_general3A_28 = tpu.matmul %mul3A_24, %get3A_27, %dot_general3A {dimension_numbers = #tpu.dot_dimension_numbers<[1], [1], [0], [0], [0, 0, 1, 0], [], []>, transpose_lhs_hint = false} : vector<10000x128xf32>, vector<128x128xf32>, vector<10000x128xf32> -> vector<10000x128xf32>
    %get3A_29 = arith.constant 0 : index
    %get3A_30 = arith.constant 0 : index
    %get3A_31 = vector.load %arg2[%get3A_29, %get3A_30] : memref<10000x128xf32, #tpu.memory_space<vmem>>, vector<10000x128xf32>
    %get3A_32 = arith.constant 0 : index
    %get3A_33 = arith.constant 0 : index
    %get3A_34 = vector.load %arg4[%get3A_32, %get3A_33] : memref<128x128xf32, #tpu.memory_space<vmem>>, vector<128x128xf32>
    %dot_general3A_35 = arith.constant dense<0.000000e+00> : vector<10000x128xf32>
    %dot_general3A_36 = tpu.matmul %get3A_31, %get3A_34, %dot_general3A_35 {dimension_numbers = #tpu.dot_dimension_numbers<[1], [1], [0], [0], [0, 0, 1, 0], [], []>, transpose_lhs_hint = false} : vector<10000x128xf32>, vector<128x128xf32>, vector<10000x128xf32> -> vector<10000x128xf32>
    %add3A = arith.addf %dot_general3A_28, %dot_general3A_36 : vector<10000x128xf32>
    %get3A_37 = arith.constant 0 : index
    %get3A_38 = arith.constant 0 : index
    %get3A_39 = vector.load %arg5[%get3A_37, %get3A_38] : memref<1x128xf32, #tpu.memory_space<vmem>>, vector<1x128xf32>
    %add3A_40 = vector.broadcast %get3A_39 : vector<1x128xf32> to vector<10000x128xf32>
    %add3A_41 = arith.addf %add3A, %add3A_40 : vector<10000x128xf32>
    %get3A_42 = arith.constant 0 : index
    %get3A_43 = arith.constant 0 : index
    %get3A_44 = vector.load %arg6[%get3A_42, %get3A_43] : memref<1x128xf32, #tpu.memory_space<vmem>>, vector<1x128xf32>
    %get3A_45 = arith.constant 0 : index
    %get3A_46 = arith.constant 0 : index
    %get3A_47 = vector.load %arg7[%get3A_45, %get3A_46] : memref<1x128xf32, #tpu.memory_space<vmem>>, vector<1x128xf32>
    %max3A_48 = arith.constant 0.000000e+00 : f32
    %max3A_49 = vector.broadcast %max3A_48 : f32 to vector<10000x128xf32>
    %max3A_50 = arith.maximumf %add3A_41, %max3A_49 : vector<10000x128xf32>
    %reduce_sum3A = arith.constant dense<0.000000e+00> : vector<128xf32>
    %reduce_sum3A_51 = vector.multi_reduction <add>, %max3A_50, %reduce_sum3A [0] : vector<10000x128xf32> to vector<128xf32>
    %broadcast_in_dim3A = vector.shape_cast %reduce_sum3A_51 : vector<128xf32> to vector<1x128xf32>
    %div3A_52 = arith.constant 1.000000e+04 : f32
    %div3A_53 = vector.broadcast %div3A_52 : f32 to vector<1x128xf32>
    %div3A_54 = arith.divf %broadcast_in_dim3A, %div3A_53 : vector<1x128xf32>
    %sub3A = vector.broadcast %div3A_54 : vector<1x128xf32> to vector<10000x128xf32>
    %sub3A_55 = arith.subf %max3A_50, %sub3A : vector<10000x128xf32>
    %integer_pow3A = arith.mulf %sub3A_55, %sub3A_55 : vector<10000x128xf32>
    %reduce_sum3A_56 = arith.constant dense<0.000000e+00> : vector<128xf32>
    %reduce_sum3A_57 = vector.multi_reduction <add>, %integer_pow3A, %reduce_sum3A_56 [0] : vector<10000x128xf32> to vector<128xf32>
    %broadcast_in_dim3A_58 = vector.shape_cast %reduce_sum3A_57 : vector<128xf32> to vector<1x128xf32>
    %div3A_59 = arith.constant 1.000000e+04 : f32
    %div3A_60 = vector.broadcast %div3A_59 : f32 to vector<1x128xf32>
    %div3A_61 = arith.divf %broadcast_in_dim3A_58, %div3A_60 : vector<1x128xf32>
    %sub3A_62 = vector.broadcast %div3A_54 : vector<1x128xf32> to vector<10000x128xf32>
    %sub3A_63 = arith.subf %max3A_50, %sub3A_62 : vector<10000x128xf32>
    %add3A_64 = arith.constant 9.99999974E-6 : f32
    %add3A_65 = vector.broadcast %add3A_64 : f32 to vector<1x128xf32>
    %add3A_66 = arith.addf %div3A_61, %add3A_65 : vector<1x128xf32>
    %rsqrt3A = math.rsqrt %add3A_66 : vector<1x128xf32>
    %mul3A_67 = vector.broadcast %rsqrt3A : vector<1x128xf32> to vector<10000x128xf32>
    %mul3A_68 = arith.mulf %sub3A_63, %mul3A_67 : vector<10000x128xf32>
    %mul3A_69 = vector.broadcast %get3A_44 : vector<1x128xf32> to vector<10000x128xf32>
    %mul3A_70 = arith.mulf %mul3A_68, %mul3A_69 : vector<10000x128xf32>
    %add3A_71 = vector.broadcast %get3A_47 : vector<1x128xf32> to vector<10000x128xf32>
    %add3A_72 = arith.addf %mul3A_70, %add3A_71 : vector<10000x128xf32>
    %swap3A = arith.constant 0 : index
    %swap3A_73 = arith.constant 0 : index
    %swap3A_74 = vector.load %arg8[%swap3A, %swap3A_73] : memref<10000x128xf32, #tpu.memory_space<vmem>>, vector<10000x128xf32>
    tpu.vector_store %arg8[%swap3A, %swap3A_73], %add3A_72 {strides = array<i32>} : memref<10000x128xf32, #tpu.memory_space<vmem>>, vector<10000x128xf32>,
    %swap3A_75 = arith.constant 0 : index
    %swap3A_76 = arith.constant 0 : index
    %swap3A_77 = vector.load %arg9[%swap3A_75, %swap3A_76] : memref<10000x1xf32, #tpu.memory_space<vmem>>, vector<10000x1xf32>
    tpu.vector_store %arg9[%swap3A_75, %swap3A_76], %div3A_12 {strides = array<i32>} : memref<10000x1xf32, #tpu.memory_space<vmem>>, vector<10000x1xf32>,
    return
  }
}

module attributes {stable_mosaic.version = 14 : i64} {
  func.func @tc_body(%arg0: memref<2x5000x128xf32, #tpu.memory_space<vmem>>, %arg1: memref<10000x128xf32, #tpu.memory_space<vmem>>, %arg2: memref<10000x1xf32, #tpu.memory_space<vmem>>, %arg3: memref<128x128xf32, #tpu.memory_space<vmem>>, %arg4: memref<128x128xf32, #tpu.memory_space<vmem>>, %arg5: memref<1x128xf32, #tpu.memory_space<vmem>>, %arg6: memref<1x128xf32, #tpu.memory_space<vmem>>, %arg7: memref<1x128xf32, #tpu.memory_space<vmem>>, %arg8: memref<10000x128xf32, #tpu.memory_space<vmem>>) attributes {dimension_semantics = [], scalar_prefetch = 0 : i64, scratch_operands = 0 : i64, tpu.core_type = #tpu.core_type<tc>} {
    %get3A = arith.constant 0 : index
    %get3A_0 = arith.constant 0 : index
    %get3A_1 = arith.constant 0 : index
    %get3A_2 = vector.load %arg0[%get3A, %get3A_0, %get3A_1] : memref<2x5000x128xf32, #tpu.memory_space<vmem>>, vector<1x5000x128xf32>
    %get3A_3 = vector.shape_cast %get3A_2 : vector<1x5000x128xf32> to vector<5000x128xf32>
    %get3A_4 = arith.constant 1 : index
    %get3A_5 = arith.constant 0 : index
    %get3A_6 = arith.constant 0 : index
    %get3A_7 = vector.load %arg0[%get3A_4, %get3A_5, %get3A_6] : memref<2x5000x128xf32, #tpu.memory_space<vmem>>, vector<1x5000x128xf32>
    %get3A_8 = vector.shape_cast %get3A_7 : vector<1x5000x128xf32> to vector<5000x128xf32>
    %concatenate3A = tpu.concatenate %get3A_3, %get3A_8 in 0 : vector<5000x128xf32>, vector<5000x128xf32> -> vector<10000x128xf32>
    %get3A_9 = arith.constant 0 : index
    %get3A_10 = arith.constant 0 : index
    %get3A_11 = vector.load %arg2[%get3A_9, %get3A_10] : memref<10000x1xf32, #tpu.memory_space<vmem>>, vector<10000x1xf32>
    %mul3A = vector.broadcast %get3A_11 : vector<10000x1xf32> to vector<10000x128xf32>
    %mul3A_12 = arith.mulf %concatenate3A, %mul3A : vector<10000x128xf32>
    %get3A_13 = arith.constant 0 : index
    %get3A_14 = arith.constant 0 : index
    %get3A_15 = vector.load %arg3[%get3A_13, %get3A_14] : memref<128x128xf32, #tpu.memory_space<vmem>>, vector<128x128xf32>
    %dot_general3A = arith.constant dense<0.000000e+00> : vector<10000x128xf32>
    %dot_general3A_16 = tpu.matmul %mul3A_12, %get3A_15, %dot_general3A {dimension_numbers = #tpu.dot_dimension_numbers<[1], [1], [0], [0], [0, 0, 1, 0], [], []>, transpose_lhs_hint = false} : vector<10000x128xf32>, vector<128x128xf32>, vector<10000x128xf32> -> vector<10000x128xf32>
    %get3A_17 = arith.constant 0 : index
    %get3A_18 = arith.constant 0 : index
    %get3A_19 = vector.load %arg1[%get3A_17, %get3A_18] : memref<10000x128xf32, #tpu.memory_space<vmem>>, vector<10000x128xf32>
    %get3A_20 = arith.constant 0 : index
    %get3A_21 = arith.constant 0 : index
    %get3A_22 = vector.load %arg4[%get3A_20, %get3A_21] : memref<128x128xf32, #tpu.memory_space<vmem>>, vector<128x128xf32>
    %dot_general3A_23 = arith.constant dense<0.000000e+00> : vector<10000x128xf32>
    %dot_general3A_24 = tpu.matmul %get3A_19, %get3A_22, %dot_general3A_23 {dimension_numbers = #tpu.dot_dimension_numbers<[1], [1], [0], [0], [0, 0, 1, 0], [], []>, transpose_lhs_hint = false} : vector<10000x128xf32>, vector<128x128xf32>, vector<10000x128xf32> -> vector<10000x128xf32>
    %add3A = arith.addf %dot_general3A_16, %dot_general3A_24 : vector<10000x128xf32>
    %get3A_25 = arith.constant 0 : index
    %get3A_26 = arith.constant 0 : index
    %get3A_27 = vector.load %arg5[%get3A_25, %get3A_26] : memref<1x128xf32, #tpu.memory_space<vmem>>, vector<1x128xf32>
    %add3A_28 = vector.broadcast %get3A_27 : vector<1x128xf32> to vector<10000x128xf32>
    %add3A_29 = arith.addf %add3A, %add3A_28 : vector<10000x128xf32>
    %get3A_30 = arith.constant 0 : index
    %get3A_31 = arith.constant 0 : index
    %get3A_32 = vector.load %arg6[%get3A_30, %get3A_31] : memref<1x128xf32, #tpu.memory_space<vmem>>, vector<1x128xf32>
    %get3A_33 = arith.constant 0 : index
    %get3A_34 = arith.constant 0 : index
    %get3A_35 = vector.load %arg7[%get3A_33, %get3A_34] : memref<1x128xf32, #tpu.memory_space<vmem>>, vector<1x128xf32>
    %max3A = arith.constant 0.000000e+00 : f32
    %max3A_36 = vector.broadcast %max3A : f32 to vector<10000x128xf32>
    %max3A_37 = arith.maximumf %add3A_29, %max3A_36 : vector<10000x128xf32>
    %reduce_sum3A = arith.constant dense<0.000000e+00> : vector<128xf32>
    %reduce_sum3A_38 = vector.multi_reduction <add>, %max3A_37, %reduce_sum3A [0] : vector<10000x128xf32> to vector<128xf32>
    %broadcast_in_dim3A = vector.shape_cast %reduce_sum3A_38 : vector<128xf32> to vector<1x128xf32>
    %div3A = arith.constant 1.000000e+04 : f32
    %div3A_39 = vector.broadcast %div3A : f32 to vector<1x128xf32>
    %div3A_40 = arith.divf %broadcast_in_dim3A, %div3A_39 : vector<1x128xf32>
    %sub3A = vector.broadcast %div3A_40 : vector<1x128xf32> to vector<10000x128xf32>
    %sub3A_41 = arith.subf %max3A_37, %sub3A : vector<10000x128xf32>
    %integer_pow3A = arith.mulf %sub3A_41, %sub3A_41 : vector<10000x128xf32>
    %reduce_sum3A_42 = arith.constant dense<0.000000e+00> : vector<128xf32>
    %reduce_sum3A_43 = vector.multi_reduction <add>, %integer_pow3A, %reduce_sum3A_42 [0] : vector<10000x128xf32> to vector<128xf32>
    %broadcast_in_dim3A_44 = vector.shape_cast %reduce_sum3A_43 : vector<128xf32> to vector<1x128xf32>
    %div3A_45 = arith.constant 1.000000e+04 : f32
    %div3A_46 = vector.broadcast %div3A_45 : f32 to vector<1x128xf32>
    %div3A_47 = arith.divf %broadcast_in_dim3A_44, %div3A_46 : vector<1x128xf32>
    %sub3A_48 = vector.broadcast %div3A_40 : vector<1x128xf32> to vector<10000x128xf32>
    %sub3A_49 = arith.subf %max3A_37, %sub3A_48 : vector<10000x128xf32>
    %add3A_50 = arith.constant 9.99999974E-6 : f32
    %add3A_51 = vector.broadcast %add3A_50 : f32 to vector<1x128xf32>
    %add3A_52 = arith.addf %div3A_47, %add3A_51 : vector<1x128xf32>
    %rsqrt3A = math.rsqrt %add3A_52 : vector<1x128xf32>
    %mul3A_53 = vector.broadcast %rsqrt3A : vector<1x128xf32> to vector<10000x128xf32>
    %mul3A_54 = arith.mulf %sub3A_49, %mul3A_53 : vector<10000x128xf32>
    %mul3A_55 = vector.broadcast %get3A_32 : vector<1x128xf32> to vector<10000x128xf32>
    %mul3A_56 = arith.mulf %mul3A_54, %mul3A_55 : vector<10000x128xf32>
    %add3A_57 = vector.broadcast %get3A_35 : vector<1x128xf32> to vector<10000x128xf32>
    %add3A_58 = arith.addf %mul3A_56, %add3A_57 : vector<10000x128xf32>
    %swap3A = arith.constant 0 : index
    %swap3A_59 = arith.constant 0 : index
    %swap3A_60 = vector.load %arg8[%swap3A, %swap3A_59] : memref<10000x128xf32, #tpu.memory_space<vmem>>, vector<10000x128xf32>
    tpu.vector_store %arg8[%swap3A, %swap3A_59], %add3A_58 {strides = array<i32>} : memref<10000x128xf32, #tpu.memory_space<vmem>>, vector<10000x128xf32>,
    return
  }
}

module attributes {stable_mosaic.version = 14 : i64} {
  func.func @tc_body(%arg0: memref<2x5000x128xf32, #tpu.memory_space<vmem>>, %arg1: memref<10000x128xf32, #tpu.memory_space<vmem>>, %arg2: memref<10000x1xf32, #tpu.memory_space<vmem>>, %arg3: memref<40x128xf32, #tpu.memory_space<vmem>>, %arg4: memref<40x128xf32, #tpu.memory_space<vmem>>, %arg5: memref<1x40xf32, #tpu.memory_space<vmem>>, %arg6: memref<10000x40xf32, #tpu.memory_space<vmem>>) attributes {dimension_semantics = [], scalar_prefetch = 0 : i64, scratch_operands = 0 : i64, tpu.core_type = #tpu.core_type<tc>} {
    %get3A = arith.constant 0 : index
    %get3A_0 = arith.constant 0 : index
    %get3A_1 = arith.constant 0 : index
    %get3A_2 = vector.load %arg0[%get3A, %get3A_0, %get3A_1] : memref<2x5000x128xf32, #tpu.memory_space<vmem>>, vector<1x5000x128xf32>
    %get3A_3 = vector.shape_cast %get3A_2 : vector<1x5000x128xf32> to vector<5000x128xf32>
    %get3A_4 = arith.constant 1 : index
    %get3A_5 = arith.constant 0 : index
    %get3A_6 = arith.constant 0 : index
    %get3A_7 = vector.load %arg0[%get3A_4, %get3A_5, %get3A_6] : memref<2x5000x128xf32, #tpu.memory_space<vmem>>, vector<1x5000x128xf32>
    %get3A_8 = vector.shape_cast %get3A_7 : vector<1x5000x128xf32> to vector<5000x128xf32>
    %concatenate3A = tpu.concatenate %get3A_3, %get3A_8 in 0 : vector<5000x128xf32>, vector<5000x128xf32> -> vector<10000x128xf32>
    %get3A_9 = arith.constant 0 : index
    %get3A_10 = arith.constant 0 : index
    %get3A_11 = vector.load %arg2[%get3A_9, %get3A_10] : memref<10000x1xf32, #tpu.memory_space<vmem>>, vector<10000x1xf32>
    %mul3A = vector.broadcast %get3A_11 : vector<10000x1xf32> to vector<10000x128xf32>
    %mul3A_12 = arith.mulf %concatenate3A, %mul3A : vector<10000x128xf32>
    %get3A_13 = arith.constant 0 : index
    %get3A_14 = arith.constant 0 : index
    %get3A_15 = vector.load %arg3[%get3A_13, %get3A_14] : memref<40x128xf32, #tpu.memory_space<vmem>>, vector<40x128xf32>
    %dot_general3A = arith.constant dense<0.000000e+00> : vector<10000x40xf32>
    %dot_general3A_16 = tpu.matmul %mul3A_12, %get3A_15, %dot_general3A {dimension_numbers = #tpu.dot_dimension_numbers<[1], [1], [0], [0], [0, 0, 1, 0], [], []>, transpose_lhs_hint = false} : vector<10000x128xf32>, vector<40x128xf32>, vector<10000x40xf32> -> vector<10000x40xf32>
    %get3A_17 = arith.constant 0 : index
    %get3A_18 = arith.constant 0 : index
    %get3A_19 = vector.load %arg1[%get3A_17, %get3A_18] : memref<10000x128xf32, #tpu.memory_space<vmem>>, vector<10000x128xf32>
    %get3A_20 = arith.constant 0 : index
    %get3A_21 = arith.constant 0 : index
    %get3A_22 = vector.load %arg4[%get3A_20, %get3A_21] : memref<40x128xf32, #tpu.memory_space<vmem>>, vector<40x128xf32>
    %dot_general3A_23 = arith.constant dense<0.000000e+00> : vector<10000x40xf32>
    %dot_general3A_24 = tpu.matmul %get3A_19, %get3A_22, %dot_general3A_23 {dimension_numbers = #tpu.dot_dimension_numbers<[1], [1], [0], [0], [0, 0, 1, 0], [], []>, transpose_lhs_hint = false} : vector<10000x128xf32>, vector<40x128xf32>, vector<10000x40xf32> -> vector<10000x40xf32>
    %add3A = arith.addf %dot_general3A_16, %dot_general3A_24 : vector<10000x40xf32>
    %get3A_25 = arith.constant 0 : index
    %get3A_26 = arith.constant 0 : index
    %get3A_27 = vector.load %arg5[%get3A_25, %get3A_26] : memref<1x40xf32, #tpu.memory_space<vmem>>, vector<1x40xf32>
    %add3A_28 = vector.broadcast %get3A_27 : vector<1x40xf32> to vector<10000x40xf32>
    %add3A_29 = arith.addf %add3A, %add3A_28 : vector<10000x40xf32>
    %reduce_max3A = arith.constant dense<0xFF800000> : vector<10000xf32>
    %reduce_max3A_30 = vector.multi_reduction <maximumf>, %add3A_29, %reduce_max3A [1] : vector<10000x40xf32> to vector<10000xf32>
    %broadcast_in_dim3A = vector.shape_cast %reduce_max3A_30 : vector<10000xf32> to vector<10000x1xf32>
    %sub3A = vector.broadcast %broadcast_in_dim3A : vector<10000x1xf32> to vector<10000x40xf32>
    %sub3A_31 = arith.subf %add3A_29, %sub3A : vector<10000x40xf32>
    %exp3A = math.exp %sub3A_31 : vector<10000x40xf32>
    %reduce_sum3A = arith.constant dense<0.000000e+00> : vector<10000xf32>
    %reduce_sum3A_32 = vector.multi_reduction <add>, %exp3A, %reduce_sum3A [1] : vector<10000x40xf32> to vector<10000xf32>
    %broadcast_in_dim3A_33 = vector.shape_cast %reduce_sum3A_32 : vector<10000xf32> to vector<10000x1xf32>
    %log3A = math.log %broadcast_in_dim3A_33 : vector<10000x1xf32>
    %sub3A_34 = vector.broadcast %log3A : vector<10000x1xf32> to vector<10000x40xf32>
    %sub3A_35 = arith.subf %sub3A_31, %sub3A_34 : vector<10000x40xf32>
    %swap3A = arith.constant 0 : index
    %swap3A_36 = arith.constant 0 : index
    %swap3A_37 = vector.load %arg6[%swap3A, %swap3A_36] : memref<10000x40xf32, #tpu.memory_space<vmem>>, vector<10000x40xf32>
    tpu.vector_store %arg6[%swap3A, %swap3A_36], %sub3A_35 {strides = array<i32>} : memref<10000x40xf32, #tpu.memory_space<vmem>>, vector<10000x40xf32>,
    return
  }
}

</mosaic_0001>

<sc_bundles>
// kernel: kernel.13.cloned.1.call-start
scs
__scs_entry_jumppad:
0x0: {  	(pc) =	sbr.rel $0x88, $3  }
0x1: {  	(tag) =	ssettag $0x0;
	lr =	simm.s32 $0x1  }
0x2: {  	[smem:$0x3F88] =	sst lr;
	_ =	strace $0xD0000000  }
0x3: {  	_ = 	snop  }
0x4: {  	_ = 	snop  }
0x5: {  	_ = 	snop  }
0x6: {  	_ = 	snop  }
0x7: {  	_ = 	snop  }
__scs_overlays_trampoline_lowered:
0x8: {  	[smem:$0x3F97] =	sst s0  }
0x9: {  	[smem:$0x3F98] =	sst s1  }
0xa: {  	[smem:$0x3F99] =	sst s2  }
0xb: {  	[smem:$0x3F9A] =	sst s3  }
0xc: {  	[smem:$0x3F9B] =	sst s4  }
0xd: {  	[smem:$0x3F9C] =	sst s5  }
0xe: {  	[smem:$0x3F9D] =	sst s6  }
0xf: {  	[smem:$0x3F9E] =	sst s7  }
0x10: {  	[smem:$0x3F9F] =	sst s8  }
0x11: {  	[smem:$0x3FA0] =	sst s9;
	s0 =	simm.s32 @!p0 $0x0  }
0x12: {  	s1 =	sld [smem:$0x3F86];
	s0 =	simm.s32 @p0 $0x1  }
0x13: {  	[smem:$0x3FA1] =	sst s0;
	s0 =	simm.s32 @!p1 $0x0  }
0x14: {  	s2 =	sld [smem:$0x3F85];
	s0 =	simm.s32 @p1 $0x1  }
0x15: {  	[smem:$0x3FA2] =	sst s0;
	s0 =	simm.s32 @!p2 $0x0  }
0x16: {  	s3 =	sld [smem:$0x3FDB];
	s0 =	simm.s32 @p2 $0x1  }
0x17: {  	s4 =	simm.s32 $0x1BF5;
	[smem:$0x3FA4] =	sst s0  }
0x18: {  	s0 =	sld [smem:$0x3F87];
	_ =	swait.ge [sflag:s4], $0x0  }
0x19: {  	s7 =	sld [smem:$0x3F88]  }
0x1a: {  	s8 =	sadd.s32 $0xFFFFE003, lr  }
0x1b: {  	s9 =	sadd.s32 $0xFFFFFEF7, lr;
	s5 =	simm.s32 $0xFFFFFFFF;
	p2 =	slt.u32 s8, $0xFFFFF086  }
0x1c: {  	p1 =	slt.u32 s9, $0xF7A;
	s5 =	simm.s32 @!p2 $0x0  }
0x1d: {  	s5 =	simm.s32 @p1 $0x1;
	p0 =	seq.s32 s7, s2  }
0x1e: {  	s7 =	smul.u32 @!p0 $0xF7A, s2;
	p2 =	seq.s32 @!p0 s5, $0x0  }
0x1f: {  	s9 =	smul.u32 $0xF7A, s1;
	s8 =	simm.s32 @!p0 $0x1BF5;
	p2 =	por !p2, p0  }
0x20: {  	[sflag:s8] =	ssyncset.s32 @!p0 $0xFFFFF086;
	s6 =	sadd.s32 @!p0 s3, s7;
	s7 =	simm.s32 @!p0 $0x108  }
0x21: {  	s3 =	sadd.s32 s3, s9;
	s6 =	sadd.s32 @!p0 $0x88, s6;
	s7 =	simm.s32 @p2 $0x1082  }
0x22: {  	[simem:s7], [sflag:s8] =	dma.local @!p0 [hbm:s6], $0xF7A  }
0x23: {  	s9 =	sor.u32 $0xD0000000, s2;
	s6 =	simm.s32 $0x108;
	_ =	swait.ge @!p0 [sflag:s8], $0x0  }
0x24: {  	s3 =	sadd.s32 $0x88, s3;
	s6 =	simm.s32 @!p1 $0x1082;
	[sflag:s4] =	ssyncset.s32 $0xFFFFF086  }
0x25: {  	[simem:s6], [sflag:s4] =	dma.local [hbm:s3], $0xF7A  }
0x26: {  	[smem:$0x3F88] =	sst s1;
	(tag) =	ssettag s2;
	_ =	strace s9  }
0x27: {  	s1 =	sld [smem:$0x3F98]  }
0x28: {  	s2 =	sld [smem:$0x3F99]  }
0x29: {  	s4 =	sld [smem:$0x3F9B]  }
0x2a: {  	p0 =	seq.s32 s5, $0x0;
	s5 =	sld [smem:$0x3F9C]  }
0x2b: {  	s6 =	sld [smem:$0x3F9D]  }
0x2c: {  	s7 =	sld [smem:$0x3F9E]  }
0x2d: {  	s3 =	simm.s32 $0x108;
	s8 =	sld [smem:$0x3F9F]  }
0x2e: {  	s3 =	simm.s32 @!p0 $0x1082;
	s9 =	sld [smem:$0x3FA0]  }
0x2f: {  	lr =	sadd.s32 s0, s3;
	s0 =	sld [smem:$0x3F97]  }
0x30: {  	s3 =	sld [smem:$0x3F9A]  }
0x31: {  	[smem:$0x3FA3] =	sst s10  }
0x32: {  	s10 =	sld [smem:$0x3FA1];
	_ =	sdelay $0x3  }
0x33: {  	p0 =	seq.s32 s10, $0x1;
	s10 =	sld [smem:$0x3FA3];
	_ =	sdelay $0x3  }
0x34: {  	[smem:$0x3FA3] =	sst s10  }
0x35: {  	s10 =	sld [smem:$0x3FA2];
	_ =	sdelay $0x3  }
0x36: {  	p1 =	seq.s32 s10, $0x1;
	s10 =	sld [smem:$0x3FA3];
	_ =	sdelay $0x3  }
0x37: {  	[smem:$0x3FA3] =	sst s10  }
0x38: {  	s10 =	sld [smem:$0x3FA4]  }
0x39: {  	_ = 	snop;
	(pc) =	sbr.ind lr, $3  }
0x3a: {  	_ = 	snop  }
0x3b: {  	_ = 	snop  }
0x3c: {  	p2 =	seq.s32 s10, $0x1;
	s10 =	sld [smem:$0x3FA3]  }
0x3d: {  	_ =	shalt  }
0x3e: {  	_ =	shalt  }
0x3f: {  	_ =	shalt  }
0x40: {  	_ =	shalt  }
0x41: {  	_ =	shalt  }
0x42: {  	_ =	shalt  }
0x43: {  	_ =	shalt  }
0x44: {  	_ =	shalt  }
0x45: {  	_ =	shalt  }
0x46: {  	_ =	shalt  }
0x47: {  	_ =	shalt  }
0x48: {  	_ =	shalt  }
0x49: {  	_ =	shalt  }
0x4a: {  	_ =	shalt  }
0x4b: {  	_ =	shalt  }
0x4c: {  	_ =	shalt  }
0x4d: {  	_ =	shalt  }
0x4e: {  	_ =	shalt  }
0x4f: {  	_ =	shalt  }
0x50: {  	_ =	shalt  }
0x51: {  	_ =	shalt  }
0x52: {  	_ =	shalt  }
0x53: {  	_ =	shalt  }
0x54: {  	_ =	shalt  }
0x55: {  	_ =	shalt  }
0x56: {  	_ =	shalt  }
0x57: {  	_ =	shalt  }
0x58: {  	_ =	shalt  }
0x59: {  	_ =	shalt  }
0x5a: {  	_ =	shalt  }
0x5b: {  	_ =	shalt  }
0x5c: {  	_ =	shalt  }
0x5d: {  	_ =	shalt  }
0x5e: {  	_ =	shalt  }
0x5f: {  	_ =	shalt  }
0x60: {  	_ =	shalt  }
0x61: {  	_ =	shalt  }
0x62: {  	_ =	shalt  }
0x63: {  	_ =	shalt  }
0x64: {  	_ =	shalt  }
0x65: {  	_ =	shalt  }
0x66: {  	_ =	shalt  }
0x67: {  	_ =	shalt  }
0x68: {  	_ =	shalt  }
0x69: {  	_ =	shalt  }
0x6a: {  	_ =	shalt  }
0x6b: {  	_ =	shalt  }
0x6c: {  	_ =	shalt  }
0x6d: {  	_ =	shalt  }
0x6e: {  	_ =	shalt  }
0x6f: {  	_ =	shalt  }
0x70: {  	_ =	shalt  }
0x71: {  	_ =	shalt  }
0x72: {  	_ =	shalt  }
0x73: {  	_ =	shalt  }
0x74: {  	_ =	shalt  }
0x75: {  	_ =	shalt  }
0x76: {  	_ =	shalt  }
0x77: {  	_ =	shalt  }
0x78: {  	_ =	shalt  }
0x79: {  	_ =	shalt  }
0x7a: {  	_ =	shalt  }
0x7b: {  	_ =	shalt  }
0x7c: {  	_ =	shalt  }
0x7d: {  	_ =	shalt  }
0x7e: {  	_ =	shalt  }
0x7f: {  	_ =	shalt  }
0x80: {  	_ =	shalt  }
0x81: {  	_ =	shalt  }
0x82: {  	_ =	shalt  }
0x83: {  	_ =	shalt  }
0x84: {  	_ =	shalt  }
0x85: {  	_ =	shalt  }
0x86: {  	_ =	shalt  }
0x87: {  	_ =	shalt  }
.Lfunc_end0:
.L_simem_size_0:
called_computation_lowered:
.L_overlay_start_0:
0x88: {  	s2 =	sld [smem:$0x3FD9]  }
0x89: {  	s3 =	sld [smem:$0x3FFE];
	_ =	sdelay $0x1  }
0x8a: {  	s1 =	srdreg.scid  }
0x8b: {  	s0 =	sand.u32 $0x1, s1  }
0x8c: {  	s17 =	sshll.u32 s0, $0xA;
	s2 =	sadd.s32 s3, s2  }
0x8d: {  	s2 =	sadd.s32 s2, s17  }
0x8e: {  	[smem:$0x3FAF] =	sst s2  }
0x8f: {  	_ = 	snop  }
0x90: {  	s18 =	sld [smem:$0x3FD0];
	(tm) =	ssettm $0x1  }
0x91: {  	s19 =	sld [smem:$0x3FFB];
	_ =	sdelay $0x3  }
0x92: {  	_ =	strace s19  }
0x93: {  	s2 =	sld [smem:$0x3FFC];
	_ =	sdelay $0x3  }
0x94: {  	_ =	strace s2  }
0x95: {  	s2 =	sld [smem:$0x3FFD];
	_ =	sdelay $0x3  }
0x96: {  	_ =	strace s2  }
0x97: {  	_ =	strace $0x8FFFFFFF  }
0x98: {  	s20 =	sld [smem:$0x3FDB];
	_ =	sdelay $0x1  }
0x99: {  	s4 =	simm.s32 $_scs_section_size  }
0x9a: {  	s5 =	simm.s32 $_size__tile_overlayer_lowered;
	s6 =	simm.s32 $_tile_overlayer_lowered  }
0x9b: {  	s7 =	simm.s32 $0x1BFF;
	s21 =	sshll.u32 s6, $0x1;
	s4 =	sadd.s32 s4, s20  }
0x9c: {  	s22 =	simm.s32 $0x0;
	s5 =	sshll.u32 s5, $0x1;
	s6 =	sadd.s32 s21, s4  }
0x9d: {  	[timem:s22], [sflag:s7] =	dma.local [hbm:s6], s5  }
0x9e: {  	_ =	swait.ge [sflag:s7], s5  }
0x9f: {  	s5 =	ssub.s32 $0x0, s5;
	[sflag:s7] =	ssyncset.done $0x0  }
0xa0: {  	[sflag:s7] =	ssyncadd.s32 s5;
	_ =	sdelay $0x1  }
0xa1: {  	s23 =	simm.s32 $0x1B8B  }
0xa2: {  	_ =	swait.ge [sflag:s23], $0x1  }
0xa3: {  	[sflag:s23] =	ssyncset.done $0x0  }
0xa4: {  	[sflag:s23] =	ssyncadd.s32 $0xFFFFFFFF  }
0xa5: {  	s5 =	sld [smem:$0x0]  }
0xa6: {  	s6 =	sand.u32 $0xFFFFFFFE, s1  }
0xa7: {  	p0 =	sne.s32 s1, s6  }
0xa8: {  	s6 =	sshll.u32 @p0 s6, $0xE  }
0xa9: {  	s6 =	sadd.s32 @p0 $0x11B8D, s6;
	s7 =	sshll.u32 @p0 s5, $0x11  }
0xaa: {  	s6 =	sor.u32 @p0 s7, s6  }
0xab: {  	[sflag:s6] =	ssyncadd.remote.s32 @p0 $0x1;
	_ =	sdelay $0x1  }
0xac: {  	s6 =	simm.s32 @p0 $0x1B8D  }
0xad: {  	_ =	swait.eq @p0 [sflag:s6], $0x1  }
0xae: {  	[sflag:s6] =	ssyncadd.s32 @p0 $0xFFFFFFFF  }
0xaf: {  	s7 =	sshll.u32 @!p0 s1, $0xE  }
0xb0: {  	s7 =	sor.u32 @!p0 $0x4000, s7;
	s6 =	simm.s32 @!p0 $0x1B8D  }
0xb1: {  	s5 =	sshll.u32 @!p0 s5, $0x11;
	s7 =	sadd.s32 @!p0 $0x11B8D, s7;
	_ =	swait.eq @!p0 [sflag:s6], $0x1  }
0xb2: {  	s5 =	sor.u32 @!p0 s5, s7;
	[sflag:s6] =	ssyncadd.s32 @!p0 $0xFFFFFFFF  }
0xb3: {  	s25 =	simm.s32 $0x1B8E;
	s24 =	sld [smem:$0x3FFE];
	[sflag:s5] =	ssyncadd.remote.s32 @!p0 $0x1  }
0xb4: {  	s26 =	simm.s32 $execute0_lowered;
	[smem:$0x3FD2] =	sst s25  }
0xb5: {  	s6 =	sshll.u32 s26, $0x1;
	_ =	strace $0x80000049;
	[dreg:$0x1] =	wrdreg $0xFFFFFFFF  }
0xb6: {  	s28 =	simm.s32 $_size_execute0_lowered;
	s4 =	sadd.s32 s4, s6;
	[dreg:$0x0] =	wrdreg $0x0  }
0xb7: {  	s6 =	sshll.u32 s28, $0x1;
	[dreg:$0x2] =	wrdreg s4  }
0xb8: {  	[dreg:$0x3] =	wrdreg s6  }
0xb9: {  	[dreg:$0x4] =	wrdreg $0xC0  }
0xba: {  	_ =	task [dreg:s22], $0x5FFFF  }
0xbb: {  	[dreg:$0x1] =	wrdreg $0xFFFFFFFF  }
0xbc: {  	[dreg:$0x0] =	wrdreg $0x60  }
0xbd: {  	[dreg:$0x2] =	wrdreg s18  }
0xbe: {  	[dreg:$0x3] =	wrdreg s24  }
0xbf: {  	[dreg:$0x4] =	wrdreg $0xFB800  }
0xc0: {  	[dreg:$0x5] =	wrdreg $0x9  }
0xc1: {  	_ =	task.clear_ibuf [dreg:s22], $0x6FFFF;
	_ =	strace $0x90000049  }
0xc2: {  	s29 =	simm.s32 $0x9;
	_ =	strace $0x8000004B  }
0xc3: {  	_ =	swait.ge [sflag:s29], $0x1  }
0xc4: {  	[sflag:s29] =	ssyncadd.s32 $0xFFFFFFFF  }
0xc5: {  	_ =	strace $0x9000004B  }
0xc6: {  	_ =	sfence  }
0xc7: {  	s30 =	sld [smem:$0x0];
	_ =	sdelay $0x2  }
0xc8: {  	s31 =	sshll.u32 s1, $0xD;
	s1 =	sshrl.u32 s1, $0x2  }
0xc9: {  	s4 =	sand.u32 $0x4000, s31;
	s1 =	sadd.s32 s1, s30  }
0xca: {  	s0 =	sor.u32 s4, s0;
	s1 =	sshll.u32 s1, $0x11  }
0xcb: {  	s0 =	sor.u32 s1, s0  }
0xcc: {  	s0 =	sadd.s32 $0x8F2B, s0  }
0xcd: {  	[sflag:s0] =	ssyncadd.remote.s32 $0x1  }
0xce: {  	_ =	sfence.sel $0xFFFF  }
0xcf: {  	[dreg:$0x0] =	wrdreg $0xFFFFFFFF;
	(pc) =	sbr.abs _section_cstart, $3  }
0xd0: {  	[dreg:$0x1] =	wrdreg $0xFFFFFFFF  }
0xd1: {  	_ =	task.clear_ibuf [dreg:s22], $0x2FFFF;
	_ =	strace $0x9FFFFFFF  }
0xd2: {  	(tm) =	ssettm $0x7FFFFFFF  }
0xd3: {  	_ =	shalt  }
tec
execute0_lowered:
.L_overlay_start_1:
0x0: {  	(tag) =	ssettag $0x1  }
0x1: {  	s7 =	rddreg [dreg:$0x0]  }
0x2: {  	s4 =	rddreg [dreg:$0x1]  }
0x3: {  	s1 =	rddreg [dreg:$0x2]  }
0x4: {  	s2 =	srdreg.scid;
	s0 =	rddreg [dreg:$0x3]  }
0x5: {  	s3 =	stileid.u32;
	s14 =	simm.s32 $0x4E80;
	s15 =	simm.s32 $0x4F80  }
0x6: {  	s16 =	simm.s32 $0x4F00;
	s17 =	simm.s32 $0x1;
	s6 =	smul.u32 $0x27000, s3  }
0x7: {  	s5 =	sand.u32 $0x1, s2;
	s2 =	simm.s32 $0x0;
	s9 =	smul.u32 $0x4E20, s3  }
0x8: {  	s10 =	sadd.s32 $0x36C00, s4;
	s31 =	smul.u32 $0x9C00, s3;
	p0 =	sne.s32 s3, $0x0  }
0x9: {  	s12 =	smul.u32 $0x1388, s5;
	[smem:$0x7FF] =	sst s2;
	s8 =	ssub.s32 $0x2, s5  }
0xa: {  	s11 =	smul.u32 $0x9C400, s5;
	s5 =	sadd.s32 $0x9C000, s1;
	_ =	strace $0x8000004A  }
0xb: {  	s29 =	sshrl.u32 s8, $0x1;
	s30 =	sshrl.u32 s6, $0x2;
	s6 =	sand.u32 $0x60, s9  }
0xc: {  	s9 =	sshrl.u32 s9, $0x3;
	s13 =	ssub.s32 s8, s29;
	s4 =	sadd.s32 s30, s1  }
0xd: {  	s8 =	sadd.s32 s31, s11;
	s11 =	sshrl.u32 s11, $0x3;
	s9 =	sand.u32 $0xFFF0, s9  }
0xe: {  	v0 =	vmov s12;
	s12 =	simm.s32 $0x2;
	s8 =	sshrl.u32 s8, $0x3;
	s11 =	sadd.s32 s10, s11  }
0xf: {  	s7 =	sadd.s32 s7, s9;
	s8 =	sadd.s32 s10, s8;
	s9 =	sadd.s32 $0x13800, s11  }
0x10: {  	v1 =	vimm.f32 $1.000000000e+00;
	v2 =	vimm.f32 $0.0e+00;
	v3 =	vmov s6;
	s10 =	smax.u32 s13, $0x1;
	s11 =	simm.s32 $0x5F80;
	s13 =	simm.s32 $0x20  }
.LBB2_1:
0x11: {  	s18 =	simm.s32 $0x0;
	s19 =	simm.s32 $0x200  }
.LBB2_2:
0x12: {  	p1 =	sne.s32 s19, $0x3E00;
	[tilespmem:s18+$0x4FF0] =	vst v1  }
0x13: {  	[tilespmem:s18+$0x4F80] =	vst v1  }
0x14: {  	[tilespmem:s18+$0x4F90] =	vst v1  }
.Ltmp0:
0x15: {  	[tilespmem:s18+$0x4FA0] =	vst v1;
	(pc) =	sbr.rel @p1 .LBB2_2-.Ltmp0, $4  }
0x16: {  	[tilespmem:s18+$0x4FB0] =	vst v1  }
0x17: {  	[tilespmem:s18+$0x4FC0] =	vst v1  }
0x18: {  	[tilespmem:s18+$0x4FD0] =	vst v1  }
0x19: {  	[tilespmem:s18+$0x4FE0] =	vst v1;
	s18 =	sshra.s32 s19, $0x2;
	s19 =	sadd.s32 $0x200, s19  }
0x1a: {  	[tilespmem:s18+$0x4FF0] =	vst v1  }
0x1b: {  	[tilespmem:s18+$0x4F80] =	vst v1  }
0x1c: {  	[tilespmem:s18+$0x4F90] =	vst v1  }
0x1d: {  	[tilespmem:s18+$0x4FA0] =	vst v1  }
0x1e: {  	[tilespmem:s18+$0x4FB0] =	vst v1  }
0x1f: {  	[tilespmem:s18+$0x4FC0] =	vst v1  }
0x20: {  	[tilespmem:s18+$0x4FD0] =	vst v1  }
0x21: {  	[tilespmem:s18+$0x4FE0] =	vst v1;
	s18 =	simm.s32 $0x0;
	s19 =	simm.s32 $0x200  }
.LBB2_4:
0x22: {  	p1 =	sne.s32 s19, $0x26E00;
	[tilespmem:s18+$0x5FF0] =	vst v2  }
0x23: {  	[tilespmem:s18+$0x5F80] =	vst v2  }
0x24: {  	[tilespmem:s18+$0x5F90] =	vst v2  }
.Ltmp1:
0x25: {  	[tilespmem:s18+$0x5FA0] =	vst v2;
	(pc) =	sbr.rel @p1 .LBB2_4-.Ltmp1, $4  }
0x26: {  	[tilespmem:s18+$0x5FB0] =	vst v2  }
0x27: {  	[tilespmem:s18+$0x5FC0] =	vst v2  }
0x28: {  	[tilespmem:s18+$0x5FD0] =	vst v2  }
0x29: {  	[tilespmem:s18+$0x5FE0] =	vst v2;
	s18 =	sshra.s32 s19, $0x2;
	s19 =	sadd.s32 $0x200, s19  }
0x2a: {  	[tilespmem:s18+$0x5FF0] =	vst v2  }
0x2b: {  	[tilespmem:s18+$0x5F80] =	vst v2  }
0x2c: {  	[tilespmem:s18+$0x5F90] =	vst v2  }
0x2d: {  	[tilespmem:s18+$0x5FA0] =	vst v2  }
0x2e: {  	[tilespmem:s18+$0x5FB0] =	vst v2  }
0x2f: {  	[tilespmem:s18+$0x5FC0] =	vst v2  }
0x30: {  	[tilespmem:s18+$0x5FD0] =	vst v2  }
0x31: {  	[tilespmem:s18+$0x5FE0] =	vst v2  }
0x32: {  	[spmem:s4] =	stream.linear.scatter [tilespmem:s11], [sflag:$0x2], $0x9C00, $0x38;
	[tilespmem:$0x19800] =	vst v63  }
0x33: {  	_ =	swait.ge [sflag:s12], $0x9C00  }
0x34: {  	[sflag:s12] =	ssyncset.done $0x0  }
0x35: {  	s18 =	simm.s32 @!p0 $0x5F80;
	[sflag:s12] =	ssyncadd.s32 $0xFFFF6400  }
0x36: {  	[spmem:s5] =	stream.linear.scatter @!p0 [tilespmem:s18], [sflag:$0x2], $0x800, $0x38;
	[tilespmem:$0x19800] =	vst v63  }
0x37: {  	s18 =	simm.s32 @!p0 $0x2  }
0x38: {  	_ =	swait.ge @!p0 [sflag:s18], $0x800  }
0x39: {  	[sflag:s18] =	ssyncset.done @!p0 $0x0  }
0x3a: {  	s30 =	simm.s32 $0x0;
	s31 =	simm.s32 $0x2;
	[sflag:s18] =	ssyncadd.s32 @!p0 $0xFFFFF800  }
0x3b: {  	[tilespmem:s30], [sflag:$0x2] =	stream.linear.gather [hbm4b:s7+s30], $0x4E80, $0x38;
	[tilespmem:$0x19800] =	vst v63  }
0x3c: {  	_ =	swait.ge [sflag:s31], $0x4E80  }
0x3d: {  	[sflag:s31] =	ssyncset.done $0x0  }
0x3e: {  	[sflag:s31] =	ssyncadd.s32 $0xFFFFB180  }
0x3f: {  	[bflag:$0x0] =	sbarrier.arrive $0xFFFF  }
0x40: {  	v4 =	vld [tilespmem:s6+$0x0];
	_ =	sdelay $0x4  }
0x41: {  	v5 =	vsub.s32 v4, v0;
	v4 =	vand.u32 $0x7, v4  }
0x42: {  	vm0 =	vlt.u32 v5, $0x1388;
	v4 =	vor.u32 $0x1388, v4  }
0x43: {  	v4 =	vsel vm0, v5, v4  }
0x44: {  	[tilespmem:$0x4E80] =	vst v4  }
0x45: {  	v4 =	vld [tilespmem:s6+$0x10];
	_ =	sdelay $0x4  }
0x46: {  	v5 =	vsub.s32 v4, v0;
	v4 =	vand.u32 $0x7, v4  }
0x47: {  	vm13 =	vlt.u32 v5, $0x1388;
	v4 =	vor.u32 $0x1388, v4  }
0x48: {  	v4 =	vsel vm13, v5, v4  }
0x49: {  	[tilespmem:$0x4E90] =	vst v4  }
0x4a: {  	[spmem:s1] =	stream.indirect.scatter.add.f32 [tilespmem:s15], [sflag:$0x1], $0x80, s14, s13, $0xb8;
	[tilespmem:$0x19800] =	vst v63  }
0x4b: {  	v4 =	vld [tilespmem:s6+$0x20];
	_ =	sdelay $0x4  }
0x4c: {  	v5 =	vsub.s32 v4, v0;
	v4 =	vand.u32 $0x7, v4  }
0x4d: {  	vm14 =	vlt.u32 v5, $0x1388;
	v4 =	vor.u32 $0x1388, v4  }
0x4e: {  	v4 =	vsel vm14, v5, v4  }
0x4f: {  	[tilespmem:$0x4F00] =	vst v4  }
0x50: {  	v4 =	vld [tilespmem:s6+$0x30];
	_ =	sdelay $0x4  }
0x51: {  	v5 =	vsub.s32 v4, v0;
	v4 =	vand.u32 $0x7, v4  }
0x52: {  	vm15 =	vlt.u32 v5, $0x1388;
	v4 =	vor.u32 $0x1388, v4  }
0x53: {  	v4 =	vsel vm15, v5, v4  }
0x54: {  	[tilespmem:$0x4F10] =	vst v4  }
0x55: {  	[spmem:s1] =	stream.indirect.scatter.add.f32 [tilespmem:s15], [sflag:$0x1], $0x80, s16, s13, $0xb8;
	[tilespmem:$0x19800] =	vst v63  }
0x56: {  	_ =	swait.ge [sflag:s17], $0x1000  }
0x57: {  	p1 =	por $0x0, $0x0;
	[sflag:s17] =	ssyncset.done $0x0  }
0x58: {  	s18 =	simm.s32 @!p1 $0x0;
	[sflag:s17] =	ssyncadd.s32 $0xFFFFF000  }
0x59: {  	v4 =	vld.idx.msk @!p1 [tilespmem:v3+s18+$0x40 ss:$0x1], $0xffff;
	_ =	sdelay $0x4  }
0x5a: {  	v5 =	vsub.s32 @!p1 v4, v0;
	v4 =	vand.u32 @!p1 $0x7, v4  }
0x5b: {  	s19 =	simm.s32 @!p1 $0x100;
	vm0 =	vlt.u32 @!p1 v5, $0x1388;
	v4 =	vor.u32 @!p1 $0x1388, v4  }
0x5c: {  	s19 =	sand.u32 @!p1 $0x80, s19;
	v4 =	vsel @!p1 vm0, v5, v4  }
0x5d: {  	[tilespmem:s19+$0x4E80] =	vst @!p1 v4  }
0x5e: {  	v4 =	vld.idx.msk @!p1 [tilespmem:v3+s18+$0x50 ss:$0x1], $0xffff;
	_ =	sdelay $0x4  }
0x5f: {  	v5 =	vsub.s32 @!p1 v4, v0;
	v4 =	vand.u32 @!p1 $0x7, v4  }
0x60: {  	vm0 =	vlt.u32 @!p1 v5, $0x1388;
	v4 =	vor.u32 @!p1 $0x1388, v4  }
0x61: {  	s21 =	simm.s32 @!p1 $0x20;
	s22 =	simm.s32 @!p1 $0x4F80;
	v4 =	vsel @!p1 vm0, v5, v4  }
0x62: {  	s20 =	sadd.s32 @!p1 $0x4E80, s19;
	s18 =	simm.s32 $0x3;
	[tilespmem:s19+$0x4E90] =	vst @!p1 v4;
	s19 =	simm.s32 $0x80  }
.LBB2_6:
0x63: {  	[spmem:s1] =	stream.indirect.scatter.add.f32 @!p1 [tilespmem:s22], [sflag:$0x1], $0x80, s20, s21, $0xb8;
	[tilespmem:$0x19800] =	vst v63  }
0x64: {  	s20 =	smov.u32 s18;
	s18 =	sadd.s32 $0x1, s18;
	_ =	swait.ge [sflag:s17], $0x1000  }
0x65: {  	p1 =	sgt.u32 s20, $0x270;
	p2 =	sne.s32 s18, $0x273;
	[sflag:s17] =	ssyncset.done $0x0  }
0x66: {  	s20 =	sadd.s32 @!p1 $0x100, s19;
	s21 =	sshra.s32 @!p1 s19, $0x2;
	[sflag:s17] =	ssyncadd.s32 $0xFFFFF000  }
0x67: {  	v4 =	vld.idx.msk @!p1 [tilespmem:v3+s21+$0x40 ss:$0x1], $0xffff;
	_ =	sdelay $0x5  }
0x68: {  	v5 =	vsub.s32 @!p1 v4, v0;
	v4 =	vand.u32 @!p1 $0x7, v4  }
0x69: {  	vm0 =	vlt.u32 @!p1 v5, $0x1388;
	v4 =	vor.u32 @!p1 $0x1388, v4  }
0x6a: {  	s22 =	sand.u32 @!p1 $0x80, s20;
	v4 =	vsel @!p1 vm0, v5, v4  }
0x6b: {  	s20 =	sadd.s32 @!p1 $0x4E80, s22;
	[tilespmem:s22+$0x4E80] =	vst @!p1 v4  }
0x6c: {  	v4 =	vld.idx.msk @!p1 [tilespmem:v3+s21+$0x50 ss:$0x1], $0xffff;
	_ =	sdelay $0x4  }
.Ltmp2:
0x6d: {  	(pc) =	sbr.rel @p2 .LBB2_6-.Ltmp2, $4  }
0x6e: {  	v5 =	vsub.s32 @!p1 v4, v0;
	v4 =	vand.u32 @!p1 $0x7, v4  }
0x6f: {  	vm0 =	vlt.u32 @!p1 v5, $0x1388;
	v4 =	vor.u32 @!p1 $0x1388, v4  }
0x70: {  	v4 =	vsel @!p1 vm0, v5, v4  }
0x71: {  	s19 =	sadd.s32 $0x80, s19;
	s21 =	simm.s32 @!p1 $0x20;
	[tilespmem:s22+$0x4E90] =	vst @!p1 v4;
	s22 =	simm.s32 @!p1 $0x4F80  }
0x72: {  	[spmem:s1] =	stream.indirect.scatter.add.f32 @!p1 [tilespmem:s22], [sflag:$0x1], $0x80, s20, s21, $0xb8;
	[tilespmem:$0x19800] =	vst v63  }
0x73: {  	s18 =	sshll.u32 s3, $0x6  }
0x74: {  	s19 =	sshrl.u32 s4, $0x3;
	[bflag:$0x0] =	sbarrier.arrive $0xFFFF;
	s18 =	sor.u32 $0x1C02, s18  }
0x75: {  	[hbm:s8], [sflag:s18] =	dma.local [spmem:s19], $0x1380  }
0x76: {  	_ =	swait.ge [sflag:s12], $0x1380  }
0x77: {  	s2 =	sadd.s32 $0x1, s2;
	[sflag:s12] =	ssyncset.done $0x0  }
0x78: {  	p1 =	sne.s32 s2, s10;
	s19 =	sshrl.u32 @!p0 s5, $0x3;
	[sflag:s12] =	ssyncadd.s32 $0xFFFFEC80  }
0x79: {  	[hbm:s9], [sflag:s18] =	dma.local @!p0 [spmem:s19], $0x80  }
.Ltmp3:
0x7a: {  	_ = 	snop;
	(pc) =	sbr.rel @p1 .LBB2_1-.Ltmp3, $4  }
0x7b: {  	s18 =	simm.s32 @!p0 $0x2  }
0x7c: {  	_ =	swait.ge @!p0 [sflag:s18], $0x80  }
0x7d: {  	[sflag:s18] =	ssyncset.done @!p0 $0x0  }
0x7e: {  	[sflag:s18] =	ssyncadd.s32 @!p0 $0xFFFFFF80  }
0x7f: {  	_ =	sfence.sel $0x180000  }
0x80: {  	[bflag:$0x0] =	sbarrier.arrive $0xFFFF  }
0x81: {  	_ =	strace $0x9000004A  }
0x82: {  	s0 =	sadd.s32 @!p0 $0x100000, s0;
	[bflag:$0x2] =	sbarrier.arrive $0xFFFF  }
0x83: {  	[sflag:s0] =	ssyncadd.tile.s32 @!p0 $0x1;
	_ =	shalt  }
.Lfunc_end2:
_tile_overlayer_lowered:
.L_overlay_start_2:
0x84: {  	(tag) =	ssettag $0x2  }
0x85: {  	s0 =	rddreg [dreg:$0x0];
	s2 =	stileid.u32  }
0x86: {  	s1 =	rddreg [dreg:$0x1];
	p0 =	sne.s32 s2, $0x0  }
0x87: {  	s3 =	rddreg [dreg:$0x2];
	[bflag:$0x3] =	sbarrier.arrive $0xFFFF;
	s2 =	simm.s32 @!p0 $0x1C02  }
0x88: {  	[timem:s3], [sflag:s2] =	dma.local @!p0 [hbm:s0], s1  }
0x89: {  	s0 =	simm.s32 @!p0 $0x2  }
0x8a: {  	_ =	swait.ge @!p0 [sflag:s0], s1  }
0x8b: {  	s1 =	ssub.s32 @!p0 $0x0, s1;
	[sflag:s0] =	ssyncset.done @!p0 $0x0  }
0x8c: {  	[sflag:s0] =	ssyncadd.s32 @!p0 s1  }
0x8d: {  	[bflag:$0x3] =	sbarrier.arrive $0xFFFF  }
0x8e: {  	_ =	shalt  }

// kernel: kernel.16.cloned.1.call-start
scs
__scs_entry_jumppad:
0x0: {  	(pc) =	sbr.rel $0x88, $3  }
0x1: {  	(tag) =	ssettag $0x0;
	lr =	simm.s32 $0x1  }
0x2: {  	[smem:$0x3F88] =	sst lr;
	_ =	strace $0xD0000000  }
0x3: {  	_ = 	snop  }
0x4: {  	_ = 	snop  }
0x5: {  	_ = 	snop  }
0x6: {  	_ = 	snop  }
0x7: {  	_ = 	snop  }
__scs_overlays_trampoline_lowered:
0x8: {  	[smem:$0x3F97] =	sst s0  }
0x9: {  	[smem:$0x3F98] =	sst s1  }
0xa: {  	[smem:$0x3F99] =	sst s2  }
0xb: {  	[smem:$0x3F9A] =	sst s3  }
0xc: {  	[smem:$0x3F9B] =	sst s4  }
0xd: {  	[smem:$0x3F9C] =	sst s5  }
0xe: {  	[smem:$0x3F9D] =	sst s6  }
0xf: {  	[smem:$0x3F9E] =	sst s7  }
0x10: {  	[smem:$0x3F9F] =	sst s8  }
0x11: {  	[smem:$0x3FA0] =	sst s9;
	s0 =	simm.s32 @!p0 $0x0  }
0x12: {  	s1 =	sld [smem:$0x3F86];
	s0 =	simm.s32 @p0 $0x1  }
0x13: {  	[smem:$0x3FA1] =	sst s0;
	s0 =	simm.s32 @!p1 $0x0  }
0x14: {  	s2 =	sld [smem:$0x3F85];
	s0 =	simm.s32 @p1 $0x1  }
0x15: {  	[smem:$0x3FA2] =	sst s0;
	s0 =	simm.s32 @!p2 $0x0  }
0x16: {  	s3 =	sld [smem:$0x3FDB];
	s0 =	simm.s32 @p2 $0x1  }
0x17: {  	s4 =	simm.s32 $0x1BF5;
	[smem:$0x3FA4] =	sst s0  }
0x18: {  	s0 =	sld [smem:$0x3F87];
	_ =	swait.ge [sflag:s4], $0x0  }
0x19: {  	s7 =	sld [smem:$0x3F88]  }
0x1a: {  	s8 =	sadd.s32 $0xFFFFE003, lr  }
0x1b: {  	s9 =	sadd.s32 $0xFFFFFEF7, lr;
	s5 =	simm.s32 $0xFFFFFFFF;
	p2 =	slt.u32 s8, $0xFFFFF086  }
0x1c: {  	p1 =	slt.u32 s9, $0xF7A;
	s5 =	simm.s32 @!p2 $0x0  }
0x1d: {  	s5 =	simm.s32 @p1 $0x1;
	p0 =	seq.s32 s7, s2  }
0x1e: {  	s7 =	smul.u32 @!p0 $0xF7A, s2;
	p2 =	seq.s32 @!p0 s5, $0x0  }
0x1f: {  	s9 =	smul.u32 $0xF7A, s1;
	s8 =	simm.s32 @!p0 $0x1BF5;
	p2 =	por !p2, p0  }
0x20: {  	[sflag:s8] =	ssyncset.s32 @!p0 $0xFFFFF086;
	s6 =	sadd.s32 @!p0 s3, s7;
	s7 =	simm.s32 @!p0 $0x108  }
0x21: {  	s3 =	sadd.s32 s3, s9;
	s6 =	sadd.s32 @!p0 $0x88, s6;
	s7 =	simm.s32 @p2 $0x1082  }
0x22: {  	[simem:s7], [sflag:s8] =	dma.local @!p0 [hbm:s6], $0xF7A  }
0x23: {  	s9 =	sor.u32 $0xD0000000, s2;
	s6 =	simm.s32 $0x108;
	_ =	swait.ge @!p0 [sflag:s8], $0x0  }
0x24: {  	s3 =	sadd.s32 $0x88, s3;
	s6 =	simm.s32 @!p1 $0x1082;
	[sflag:s4] =	ssyncset.s32 $0xFFFFF086  }
0x25: {  	[simem:s6], [sflag:s4] =	dma.local [hbm:s3], $0xF7A  }
0x26: {  	[smem:$0x3F88] =	sst s1;
	(tag) =	ssettag s2;
	_ =	strace s9  }
0x27: {  	s1 =	sld [smem:$0x3F98]  }
0x28: {  	s2 =	sld [smem:$0x3F99]  }
0x29: {  	s4 =	sld [smem:$0x3F9B]  }
0x2a: {  	p0 =	seq.s32 s5, $0x0;
	s5 =	sld [smem:$0x3F9C]  }
0x2b: {  	s6 =	sld [smem:$0x3F9D]  }
0x2c: {  	s7 =	sld [smem:$0x3F9E]  }
0x2d: {  	s3 =	simm.s32 $0x108;
	s8 =	sld [smem:$0x3F9F]  }
0x2e: {  	s3 =	simm.s32 @!p0 $0x1082;
	s9 =	sld [smem:$0x3FA0]  }
0x2f: {  	lr =	sadd.s32 s0, s3;
	s0 =	sld [smem:$0x3F97]  }
0x30: {  	s3 =	sld [smem:$0x3F9A]  }
0x31: {  	[smem:$0x3FA3] =	sst s10  }
0x32: {  	s10 =	sld [smem:$0x3FA1];
	_ =	sdelay $0x3  }
0x33: {  	p0 =	seq.s32 s10, $0x1;
	s10 =	sld [smem:$0x3FA3];
	_ =	sdelay $0x3  }
0x34: {  	[smem:$0x3FA3] =	sst s10  }
0x35: {  	s10 =	sld [smem:$0x3FA2];
	_ =	sdelay $0x3  }
0x36: {  	p1 =	seq.s32 s10, $0x1;
	s10 =	sld [smem:$0x3FA3];
	_ =	sdelay $0x3  }
0x37: {  	[smem:$0x3FA3] =	sst s10  }
0x38: {  	s10 =	sld [smem:$0x3FA4]  }
0x39: {  	_ = 	snop;
	(pc) =	sbr.ind lr, $3  }
0x3a: {  	_ = 	snop  }
0x3b: {  	_ = 	snop  }
0x3c: {  	p2 =	seq.s32 s10, $0x1;
	s10 =	sld [smem:$0x3FA3]  }
0x3d: {  	_ =	shalt  }
0x3e: {  	_ =	shalt  }
0x3f: {  	_ =	shalt  }
0x40: {  	_ =	shalt  }
0x41: {  	_ =	shalt  }
0x42: {  	_ =	shalt  }
0x43: {  	_ =	shalt  }
0x44: {  	_ =	shalt  }
0x45: {  	_ =	shalt  }
0x46: {  	_ =	shalt  }
0x47: {  	_ =	shalt  }
0x48: {  	_ =	shalt  }
0x49: {  	_ =	shalt  }
0x4a: {  	_ =	shalt  }
0x4b: {  	_ =	shalt  }
0x4c: {  	_ =	shalt  }
0x4d: {  	_ =	shalt  }
0x4e: {  	_ =	shalt  }
0x4f: {  	_ =	shalt  }
0x50: {  	_ =	shalt  }
0x51: {  	_ =	shalt  }
0x52: {  	_ =	shalt  }
0x53: {  	_ =	shalt  }
0x54: {  	_ =	shalt  }
0x55: {  	_ =	shalt  }
0x56: {  	_ =	shalt  }
0x57: {  	_ =	shalt  }
0x58: {  	_ =	shalt  }
0x59: {  	_ =	shalt  }
0x5a: {  	_ =	shalt  }
0x5b: {  	_ =	shalt  }
0x5c: {  	_ =	shalt  }
0x5d: {  	_ =	shalt  }
0x5e: {  	_ =	shalt  }
0x5f: {  	_ =	shalt  }
0x60: {  	_ =	shalt  }
0x61: {  	_ =	shalt  }
0x62: {  	_ =	shalt  }
0x63: {  	_ =	shalt  }
0x64: {  	_ =	shalt  }
0x65: {  	_ =	shalt  }
0x66: {  	_ =	shalt  }
0x67: {  	_ =	shalt  }
0x68: {  	_ =	shalt  }
0x69: {  	_ =	shalt  }
0x6a: {  	_ =	shalt  }
0x6b: {  	_ =	shalt  }
0x6c: {  	_ =	shalt  }
0x6d: {  	_ =	shalt  }
0x6e: {  	_ =	shalt  }
0x6f: {  	_ =	shalt  }
0x70: {  	_ =	shalt  }
0x71: {  	_ =	shalt  }
0x72: {  	_ =	shalt  }
0x73: {  	_ =	shalt  }
0x74: {  	_ =	shalt  }
0x75: {  	_ =	shalt  }
0x76: {  	_ =	shalt  }
0x77: {  	_ =	shalt  }
0x78: {  	_ =	shalt  }
0x79: {  	_ =	shalt  }
0x7a: {  	_ =	shalt  }
0x7b: {  	_ =	shalt  }
0x7c: {  	_ =	shalt  }
0x7d: {  	_ =	shalt  }
0x7e: {  	_ =	shalt  }
0x7f: {  	_ =	shalt  }
0x80: {  	_ =	shalt  }
0x81: {  	_ =	shalt  }
0x82: {  	_ =	shalt  }
0x83: {  	_ =	shalt  }
0x84: {  	_ =	shalt  }
0x85: {  	_ =	shalt  }
0x86: {  	_ =	shalt  }
0x87: {  	_ =	shalt  }
.Lfunc_end0:
.L_simem_size_0:
called_computation.1_lowered:
.L_overlay_start_0:
0x88: {  	s2 =	sld [smem:$0x3FD9]  }
0x89: {  	s3 =	sld [smem:$0x3FFE];
	_ =	sdelay $0x1  }
0x8a: {  	s1 =	srdreg.scid  }
0x8b: {  	s0 =	sand.u32 $0x1, s1  }
0x8c: {  	s17 =	sshll.u32 s0, $0xA;
	s2 =	sadd.s32 s3, s2  }
0x8d: {  	s2 =	sadd.s32 s2, s17  }
0x8e: {  	[smem:$0x3FAF] =	sst s2  }
0x8f: {  	_ = 	snop  }
0x90: {  	s2 =	sld [smem:$0x3FC9]  }
0x91: {  	s18 =	sld [smem:$0x3FD0];
	(tm) =	ssettm $0x1  }
0x92: {  	s4 =	sld [smem:$0x3FFB];
	_ =	sdelay $0x3  }
0x93: {  	_ =	strace s4  }
0x94: {  	s4 =	sld [smem:$0x3FFC];
	_ =	sdelay $0x3  }
0x95: {  	_ =	strace s4  }
0x96: {  	s4 =	sld [smem:$0x3FFD];
	_ =	sdelay $0x3  }
0x97: {  	_ =	strace s4  }
0x98: {  	_ =	strace $0x8FFFFFFF  }
0x99: {  	s19 =	sld [smem:$0x3FDB];
	_ =	sdelay $0x1  }
0x9a: {  	s5 =	simm.s32 $_scs_section_size  }
0x9b: {  	s6 =	simm.s32 $_size__tile_overlayer_lowered;
	s7 =	simm.s32 $_tile_overlayer_lowered  }
0x9c: {  	s22 =	simm.s32 $0x1BFF;
	s21 =	sshll.u32 s7, $0x1;
	s4 =	sadd.s32 s5, s19  }
0x9d: {  	s8 =	simm.s32 $0x0;
	s20 =	sshll.u32 s6, $0x1;
	s6 =	sadd.s32 s21, s4  }
0x9e: {  	[timem:s8], [sflag:s22] =	dma.local [hbm:s6], s20  }
0x9f: {  	_ =	swait.ge [sflag:s22], s20  }
0xa0: {  	s5 =	ssub.s32 $0x0, s20;
	[sflag:s22] =	ssyncset.done $0x0  }
0xa1: {  	[sflag:s22] =	ssyncadd.s32 s5;
	_ =	sdelay $0x1  }
0xa2: {  	s23 =	simm.s32 $0x1B8B  }
0xa3: {  	_ =	swait.ge [sflag:s23], $0x1  }
0xa4: {  	[sflag:s23] =	ssyncset.done $0x0  }
0xa5: {  	s25 =	simm.s32 $0x1B8E;
	s24 =	sld [smem:$0x3FFE];
	[sflag:s23] =	ssyncadd.s32 $0xFFFFFFFF  }
0xa6: {  	s26 =	simm.s32 $execute0_lowered;
	[smem:$0x3FD2] =	sst s25  }
0xa7: {  	s6 =	sshll.u32 s26, $0x1;
	_ =	strace $0x80000046;
	[dreg:$0x1] =	wrdreg $0xFFFFFFFF  }
0xa8: {  	s28 =	simm.s32 $_size_execute0_lowered;
	s4 =	sadd.s32 s4, s6;
	[dreg:$0x0] =	wrdreg $0x0  }
0xa9: {  	s6 =	sshll.u32 s28, $0x1;
	[dreg:$0x2] =	wrdreg s4  }
0xaa: {  	[dreg:$0x3] =	wrdreg s6  }
0xab: {  	[dreg:$0x4] =	wrdreg $0xC0  }
0xac: {  	_ =	task [dreg:s8], $0x5FFFF  }
0xad: {  	[dreg:$0x1] =	wrdreg $0xFFFFFFFF  }
0xae: {  	[dreg:$0x0] =	wrdreg $0x60  }
0xaf: {  	[dreg:$0x2] =	wrdreg s2  }
0xb0: {  	[dreg:$0x3] =	wrdreg s24  }
0xb1: {  	[dreg:$0x4] =	wrdreg s18  }
0xb2: {  	[dreg:$0x5] =	wrdreg $0x15A000  }
0xb3: {  	[dreg:$0x6] =	wrdreg $0xA  }
0xb4: {  	_ =	task.clear_ibuf [dreg:s8], $0x7FFFF;
	_ =	strace $0x90000046  }
0xb5: {  	s29 =	simm.s32 $0xA;
	_ =	strace $0x80000048  }
0xb6: {  	_ =	swait.ge [sflag:s29], $0x1  }
0xb7: {  	[sflag:s29] =	ssyncadd.s32 $0xFFFFFFFF  }
0xb8: {  	_ =	strace $0x90000048  }
0xb9: {  	_ =	sfence  }
0xba: {  	s30 =	sld [smem:$0x0];
	_ =	sdelay $0x2  }
0xbb: {  	s31 =	sshll.u32 s1, $0xD;
	s1 =	sshrl.u32 s1, $0x2  }
0xbc: {  	s3 =	sand.u32 $0x4000, s31;
	s1 =	sadd.s32 s1, s30  }
0xbd: {  	s0 =	sor.u32 s3, s0;
	s1 =	sshll.u32 s1, $0x11  }
0xbe: {  	s0 =	sor.u32 s1, s0  }
0xbf: {  	s0 =	sadd.s32 $0x8F2B, s0  }
0xc0: {  	[sflag:s0] =	ssyncadd.remote.s32 $0x1  }
0xc1: {  	_ =	sfence.sel $0xFFFF  }
0xc2: {  	[dreg:$0x0] =	wrdreg $0xFFFFFFFF;
	(pc) =	sbr.abs _section_cstart, $3  }
0xc3: {  	[dreg:$0x1] =	wrdreg $0xFFFFFFFF  }
0xc4: {  	_ =	task.clear_ibuf [dreg:s8], $0x2FFFF;
	_ =	strace $0x9FFFFFFF  }
0xc5: {  	(tm) =	ssettm $0x7FFFFFFF  }
tec
execute0_lowered:
.L_overlay_start_1:
0x0: {  	(tag) =	ssettag $0x1  }
0x1: {  	s0 =	rddreg [dreg:$0x0]  }
0x2: {  	s1 =	rddreg [dreg:$0x1]  }
0x3: {  	s2 =	rddreg [dreg:$0x2]  }
0x4: {  	s17 =	stileid.u32;
	s3 =	rddreg [dreg:$0x3];
	s4 =	simm.s32 $0x0  }
0x5: {  	s24 =	srdreg.scid;
	s19 =	simm.s32 $0x20;
	s7 =	smul.u32 $0x4E20, s17  }
0x6: {  	s20 =	simm.s32 $0x9E00;
	s22 =	simm.s32 $0x1;
	s6 =	smul.u32 $0x27000, s17  }
0x7: {  	s23 =	simm.s32 $0x9D00;
	[smem:$0x7FF] =	sst s4;
	s25 =	smul.u32 $0x9C00, s17  }
0x8: {  	s30 =	sand.u32 $0x3, s17;
	p0 =	sne.s32 s17, $0x0;
	s17 =	simm.s32 $0x3  }
0x9: {  	_ =	strace $0x80000047;
	s31 =	sshll.u32 s30, $0x5;
	s5 =	sshrl.u32 s7, $0x3  }
0xa: {  	s6 =	sshrl.u32 s6, $0x2;
	s7 =	sand.u32 $0x60, s7;
	s14 =	sadd.s32 $0x40, s31  }
0xb: {  	s15 =	sadd.s32 $0x4EB0, s31;
	s9 =	sand.u32 $0xFFF0, s5;
	s5 =	sand.u32 $0x1, s24  }
0xc: {  	s24 =	simm.s32 $0x2;
	s8 =	sadd.s32 s9, s1;
	s16 =	smul.u32 $0x1388, s5  }
0xd: {  	s1 =	sadd.s32 $0xFA00, s1;
	s10 =	ssub.s32 $0x2, s5;
	s12 =	smul.u32 $0x9C400, s5  }
0xe: {  	s5 =	sadd.s32 s6, s3;
	s6 =	sadd.s32 $0x9C000, s3;
	s11 =	sshrl.u32 s10, $0x1  }
0xf: {  	s9 =	sadd.s32 s2, s9;
	s8 =	sadd.s32 $0x5C00, s8;
	s13 =	ssub.s32 s10, s11  }
0x10: {  	s26 =	sadd.s32 s25, s12;
	s28 =	sshrl.u32 s12, $0x3;
	s25 =	simm.s32 $0x0  }
0x11: {  	s2 =	sshrl.u32 s26, $0x3;
	s29 =	sadd.s32 s1, s28;
	s12 =	smax.u32 s13, $0x1  }
0x12: {  	v1 =	vimm.f32 $0.0e+00;
	v0 =	vmov s16;
	s13 =	sadd.s32 $0x20, s7;
	s10 =	sadd.s32 s1, s2;
	s11 =	sadd.s32 $0x13800, s29  }
.LBB2_1:
0x13: {  	s1 =	simm.s32 $0x0;
	s2 =	simm.s32 $0x200  }
.LBB2_2:
0x14: {  	p1 =	sne.s32 s2, $0x26E00;
	[tilespmem:s1+$0xBE70] =	vst v1  }
0x15: {  	[tilespmem:s1+$0xBE00] =	vst v1  }
0x16: {  	[tilespmem:s1+$0xBE10] =	vst v1  }
.Ltmp0:
0x17: {  	[tilespmem:s1+$0xBE20] =	vst v1;
	(pc) =	sbr.rel @p1 .LBB2_2-.Ltmp0, $4  }
0x18: {  	[tilespmem:s1+$0xBE30] =	vst v1  }
0x19: {  	[tilespmem:s1+$0xBE40] =	vst v1  }
0x1a: {  	[tilespmem:s1+$0xBE50] =	vst v1  }
0x1b: {  	[tilespmem:s1+$0xBE60] =	vst v1;
	s1 =	sshra.s32 s2, $0x2;
	s2 =	sadd.s32 $0x200, s2  }
0x1c: {  	[tilespmem:s1+$0xBE70] =	vst v1  }
0x1d: {  	[tilespmem:s1+$0xBE00] =	vst v1  }
0x1e: {  	[tilespmem:s1+$0xBE10] =	vst v1  }
0x1f: {  	[tilespmem:s1+$0xBE20] =	vst v1  }
0x20: {  	[tilespmem:s1+$0xBE30] =	vst v1  }
0x21: {  	[tilespmem:s1+$0xBE40] =	vst v1  }
0x22: {  	[tilespmem:s1+$0xBE50] =	vst v1  }
0x23: {  	[tilespmem:s1+$0xBE60] =	vst v1;
	s18 =	simm.s32 $0xBE00  }
0x24: {  	[spmem:s5] =	stream.linear.scatter [tilespmem:s18], [sflag:$0x3], $0x9C00, $0x38;
	[tilespmem:$0x1F680] =	vst v63  }
0x25: {  	_ =	swait.ge [sflag:s17], $0x9C00  }
0x26: {  	[sflag:s17] =	ssyncset.done $0x0  }
0x27: {  	s1 =	simm.s32 @!p0 $0xBE00;
	[sflag:s17] =	ssyncadd.s32 $0xFFFF6400  }
0x28: {  	[spmem:s6] =	stream.linear.scatter @!p0 [tilespmem:s1], [sflag:$0x3], $0x800, $0x38;
	[tilespmem:$0x1F680] =	vst v63  }
0x29: {  	s1 =	simm.s32 @!p0 $0x3  }
0x2a: {  	_ =	swait.ge @!p0 [sflag:s1], $0x800  }
0x2b: {  	[sflag:s1] =	ssyncset.done @!p0 $0x0  }
0x2c: {  	[sflag:s1] =	ssyncadd.s32 @!p0 $0xFFFFF800  }
0x2d: {  	[tilespmem:s4], [sflag:$0x3] =	stream.linear.gather [hbm4b:s8+s4], $0x4E80, $0x38;
	[tilespmem:$0x1F680] =	vst v63  }
0x2e: {  	_ =	swait.ge [sflag:s17], $0x4E80  }
0x2f: {  	[sflag:s17] =	ssyncset.done $0x0  }
0x30: {  	s21 =	simm.s32 $0x4E80;
	[sflag:s17] =	ssyncadd.s32 $0xFFFFB180  }
0x31: {  	[tilespmem:s21], [sflag:$0x3] =	stream.linear.gather [hbm4b:s9+s4], $0x4E80, $0x38;
	[tilespmem:$0x1F680] =	vst v63  }
0x32: {  	_ =	swait.ge [sflag:s17], $0x4E80  }
0x33: {  	[sflag:s17] =	ssyncset.done $0x0  }
0x34: {  	[sflag:s17] =	ssyncadd.s32 $0xFFFFB180  }
0x35: {  	[bflag:$0x0] =	sbarrier.arrive $0xFFFF  }
0x36: {  	[tilespmem:s20], [sflag:$0x1] =	stream.indirect.gather [hbm4b:s0+s19], $0x80, s7, s19, $0xb8;
	[tilespmem:$0x1F680] =	vst v63  }
0x37: {  	s26 =	simm.s32 $0xAE00  }
0x38: {  	[tilespmem:s26], [sflag:$0x1] =	stream.indirect.gather [hbm4b:s0+s19], $0x80, s13, s19, $0xb8;
	[tilespmem:$0x1F680] =	vst v63  }
0x39: {  	v2 =	vld [tilespmem:s7+$0x4E80];
	_ =	sdelay $0x4  }
0x3a: {  	v3 =	vsub.s32 v2, v0;
	v2 =	vand.u32 $0x7, v2  }
0x3b: {  	vm0 =	vlt.u32 v3, $0x1388;
	v2 =	vor.u32 $0x1388, v2  }
0x3c: {  	v2 =	vsel vm0, v3, v2  }
0x3d: {  	[tilespmem:$0x9D00] =	vst v2  }
0x3e: {  	v2 =	vld [tilespmem:s7+$0x4E90];
	_ =	sdelay $0x4  }
0x3f: {  	v3 =	vsub.s32 v2, v0;
	v2 =	vand.u32 $0x7, v2  }
0x40: {  	vm15 =	vlt.u32 v3, $0x1388;
	v2 =	vor.u32 $0x1388, v2  }
0x41: {  	v2 =	vsel vm15, v3, v2  }
0x42: {  	[tilespmem:$0x9D10] =	vst v2  }
0x43: {  	_ =	swait.ge [sflag:s22], $0x1000  }
0x44: {  	[sflag:s22] =	ssyncset.done $0x0  }
0x45: {  	p2 =	por $0x0, $0x0;
	p1 =	por $0x0, $0x0;
	[sflag:s22] =	ssyncadd.s32 $0xFFFFF000  }
0x46: {  	[spmem:s3] =	stream.indirect.scatter.add.f32 [tilespmem:s20], [sflag:$0x2], $0x80, s23, s19, $0xb8;
	[tilespmem:$0x1F680] =	vst v63  }
0x47: {  	s2 =	simm.s32 @!p2 $0x20;
	s1 =	simm.s32 $0x2000;
	_ =	swait.ge [sflag:s24], $0x1000  }
0x48: {  	p3 =	por @!p1 $0x0, $0x0;
	s1 =	sand.u32 @!p2 $0x1000, s1;
	[sflag:s24] =	ssyncset.done $0x0  }
0x49: {  	p1 =	por p3, p1;
	s1 =	sadd.s32 @!p2 $0x9E00, s1;
	[sflag:s24] =	ssyncadd.s32 $0xFFFFF000  }
0x4a: {  	[tilespmem:s1], [sflag:$0x1] =	stream.indirect.gather @!p2 [hbm4b:s0+s2], $0x80, s14, s2, $0xb8;
	[tilespmem:$0x1F680] =	vst v63  }
0x4b: {  	v2 =	vld @!p1 [tilespmem:s15+$0xFFFFFFF0];
	_ =	sdelay $0x4  }
0x4c: {  	s1 =	simm.s32 @!p1 $0x1;
	v3 =	vsub.s32 @!p1 v2, v0;
	v2 =	vand.u32 @!p1 $0x7, v2  }
0x4d: {  	s1 =	sand.u32 @!p1 $0x1, s1;
	vm0 =	vlt.u32 @!p1 v3, $0x1388;
	v2 =	vor.u32 @!p1 $0x1388, v2  }
0x4e: {  	s16 =	sshll.u32 @!p1 s1, $0x7;
	v2 =	vsel @!p1 vm0, v3, v2  }
0x4f: {  	[tilespmem:s16+$0x9D00] =	vst @!p1 v2  }
0x50: {  	v2 =	vld @!p1 [tilespmem:s15+$0x0];
	_ =	sdelay $0x4  }
0x51: {  	v3 =	vsub.s32 @!p1 v2, v0;
	v2 =	vand.u32 @!p1 $0x7, v2  }
0x52: {  	s28 =	sadd.s32 $0x20, s15;
	vm0 =	vlt.u32 @!p1 v3, $0x1388;
	v2 =	vor.u32 @!p1 $0x1388, v2  }
0x53: {  	s29 =	simm.s32 $0x3;
	s31 =	sadd.s32 $0x20, s14;
	s30 =	simm.s32 @!p1 $0x20;
	v2 =	vsel @!p1 vm0, v3, v2  }
0x54: {  	s1 =	sshll.u32 @!p1 s1, $0xC;
	s2 =	sor.u32 @!p1 $0x9D00, s16;
	[tilespmem:s16+$0x9D10] =	vst @!p1 v2;
	s16 =	simm.s32 @!p1 $0x1  }
0x55: {  	s26 =	simm.s32 $0x3000;
	s1 =	sadd.s32 @!p1 $0x9E00, s1;
	_ =	swait.ge @!p1 [sflag:s16], $0x1000  }
.LBB2_4:
0x56: {  	p2 =	sgt.u32 s29, $0x270;
	p3 =	seq.s32 s29, $0x0;
	[sflag:s16] =	ssyncset.done @!p1 $0x0  }
0x57: {  	s18 =	sand.u32 @!p2 $0x1000, s26;
	s21 =	simm.s32 @!p2 $0x20;
	[sflag:s16] =	ssyncadd.s32 @!p1 $0xFFFFF000  }
0x58: {  	[spmem:s3] =	stream.indirect.scatter.add.f32 @!p1 [tilespmem:s1], [sflag:$0x2], $0x80, s2, s30, $0xb8;
	[tilespmem:$0x1F680] =	vst v63  }
0x59: {  	s1 =	sadd.s32 @!p2 $0x9E00, s18;
	p1 =	seq.s32 @!p3 s29, $0x272;
	_ =	swait.ge [sflag:s24], $0x1000  }
0x5a: {  	s26 =	sadd.s32 $0x1000, s26;
	p1 =	por p1, p3;
	[sflag:s24] =	ssyncset.done $0x0  }
0x5b: {  	s2 =	sadd.s32 @!p1 $0xFFFFFFFF, s29;
	s30 =	simm.s32 @!p1 $0x20;
	[sflag:s24] =	ssyncadd.s32 $0xFFFFF000  }
0x5c: {  	[tilespmem:s1], [sflag:$0x1] =	stream.indirect.gather @!p2 [hbm4b:s0+s21], $0x80, s31, s21, $0xb8;
	[tilespmem:$0x1F680] =	vst v63  }
0x5d: {  	s2 =	sand.u32 @!p1 $0x1, s2;
	p2 =	sne.s32 s26, $0x273000;
	v2 =	vld @!p1 [tilespmem:s28+$0xFFFFFFF0]  }
0x5e: {  	s1 =	sshll.u32 @!p1 s2, $0xC  }
0x5f: {  	s1 =	sadd.s32 @!p1 $0x9E00, s1;
	_ =	sdelay $0x2  }
0x60: {  	v3 =	vsub.s32 @!p1 v2, v0;
	v2 =	vand.u32 @!p1 $0x7, v2  }
0x61: {  	vm0 =	vlt.u32 @!p1 v3, $0x1388;
	v2 =	vor.u32 @!p1 $0x1388, v2  }
0x62: {  	s16 =	sshll.u32 @!p1 s2, $0x7;
	v2 =	vsel @!p1 vm0, v3, v2  }
0x63: {  	s2 =	sor.u32 @!p1 $0x9D00, s16;
	[tilespmem:s16+$0x9D00] =	vst @!p1 v2  }
0x64: {  	v2 =	vld @!p1 [tilespmem:s28+$0x0];
	_ =	sdelay $0x4  }
.Ltmp1:
0x65: {  	v3 =	vsub.s32 @!p1 v2, v0;
	v2 =	vand.u32 @!p1 $0x7, v2;
	(pc) =	sbr.rel @p2 .LBB2_4-.Ltmp1, $4  }
0x66: {  	vm0 =	vlt.u32 @!p1 v3, $0x1388;
	v2 =	vor.u32 @!p1 $0x1388, v2  }
0x67: {  	v2 =	vsel @!p1 vm0, v3, v2  }
0x68: {  	s28 =	sadd.s32 $0x20, s28;
	[tilespmem:s16+$0x9D10] =	vst @!p1 v2;
	s16 =	simm.s32 @!p1 $0x1  }
0x69: {  	s29 =	sadd.s32 $0x1, s29;
	s31 =	sadd.s32 $0x20, s31;
	_ =	swait.ge @!p1 [sflag:s16], $0x1000  }
0x6a: {  	[sflag:s16] =	ssyncset.done @!p1 $0x0  }
0x6b: {  	[sflag:s16] =	ssyncadd.s32 @!p1 $0xFFFFF000  }
0x6c: {  	[spmem:s3] =	stream.indirect.scatter.add.f32 @!p1 [tilespmem:s1], [sflag:$0x2], $0x80, s2, s30, $0xb8;
	[tilespmem:$0x1F680] =	vst v63  }
0x6d: {  	s30 =	stileid.u32  }
0x6e: {  	s1 =	sshll.u32 s30, $0x6  }
0x6f: {  	s31 =	sshrl.u32 s5, $0x3;
	[bflag:$0x0] =	sbarrier.arrive $0xFFFF;
	s1 =	sor.u32 $0x1C03, s1  }
0x70: {  	[hbm:s10], [sflag:s1] =	dma.local [spmem:s31], $0x1380  }
0x71: {  	_ =	swait.ge [sflag:s17], $0x1380  }
0x72: {  	s25 =	sadd.s32 $0x1, s25;
	[sflag:s17] =	ssyncset.done $0x0  }
0x73: {  	s2 =	sshrl.u32 @!p0 s6, $0x3;
	p1 =	sne.s32 s25, s12;
	[sflag:s17] =	ssyncadd.s32 $0xFFFFEC80  }
0x74: {  	[hbm:s11], [sflag:s1] =	dma.local @!p0 [spmem:s2], $0x80  }
.Ltmp2:
0x75: {  	_ = 	snop;
	(pc) =	sbr.rel @p1 .LBB2_1-.Ltmp2, $4  }
0x76: {  	s1 =	simm.s32 @!p0 $0x3  }
0x77: {  	_ =	swait.ge @!p0 [sflag:s1], $0x80  }
0x78: {  	[sflag:s1] =	ssyncset.done @!p0 $0x0  }
0x79: {  	[sflag:s1] =	ssyncadd.s32 @!p0 $0xFFFFFF80  }
0x7a: {  	_ =	sfence.sel $0x180000  }
0x7b: {  	[bflag:$0x0] =	sbarrier.arrive $0xFFFF  }
0x7c: {  	_ =	strace $0x90000047  }
0x7d: {  	[bflag:$0x2] =	sbarrier.arrive $0xFFFF  }
0x7e: {  	s0 =	rddreg [dreg:$0x4]  }
0x7f: {  	s0 =	sadd.s32 @!p0 $0x100000, s0  }
0x80: {  	[sflag:s0] =	ssyncadd.tile.s32 @!p0 $0x1;
	_ =	shalt  }
.Lfunc_end2:
_tile_overlayer_lowered:
.L_overlay_start_2:
0x81: {  	(tag) =	ssettag $0x2  }
0x82: {  	s0 =	rddreg [dreg:$0x0];
	s2 =	stileid.u32  }
0x83: {  	s1 =	rddreg [dreg:$0x1];
	p0 =	sne.s32 s2, $0x0  }
0x84: {  	s3 =	rddreg [dreg:$0x2];
	[bflag:$0x3] =	sbarrier.arrive $0xFFFF;
	s2 =	simm.s32 @!p0 $0x1C03  }
0x85: {  	[timem:s3], [sflag:s2] =	dma.local @!p0 [hbm:s0], s1  }
0x86: {  	s0 =	simm.s32 @!p0 $0x3  }
0x87: {  	_ =	swait.ge @!p0 [sflag:s0], s1  }
0x88: {  	s1 =	ssub.s32 @!p0 $0x0, s1;
	[sflag:s0] =	ssyncset.done @!p0 $0x0  }
0x89: {  	[sflag:s0] =	ssyncadd.s32 @!p0 s1  }
0x8a: {  	[bflag:$0x3] =	sbarrier.arrive $0xFFFF  }
0x8b: {  	_ =	shalt  }

// kernel: kernel.19.cloned.1.call-start
scs
__scs_entry_jumppad:
0x0: {  	(pc) =	sbr.rel $0x88, $3  }
0x1: {  	(tag) =	ssettag $0x0;
	lr =	simm.s32 $0x1  }
0x2: {  	[smem:$0x3F88] =	sst lr;
	_ =	strace $0xD0000000  }
0x3: {  	_ = 	snop  }
0x4: {  	_ = 	snop  }
0x5: {  	_ = 	snop  }
0x6: {  	_ = 	snop  }
0x7: {  	_ = 	snop  }
__scs_overlays_trampoline_lowered:
0x8: {  	[smem:$0x3F97] =	sst s0  }
0x9: {  	[smem:$0x3F98] =	sst s1  }
0xa: {  	[smem:$0x3F99] =	sst s2  }
0xb: {  	[smem:$0x3F9A] =	sst s3  }
0xc: {  	[smem:$0x3F9B] =	sst s4  }
0xd: {  	[smem:$0x3F9C] =	sst s5  }
0xe: {  	[smem:$0x3F9D] =	sst s6  }
0xf: {  	[smem:$0x3F9E] =	sst s7  }
0x10: {  	[smem:$0x3F9F] =	sst s8  }
0x11: {  	[smem:$0x3FA0] =	sst s9;
	s0 =	simm.s32 @!p0 $0x0  }
0x12: {  	s1 =	sld [smem:$0x3F86];
	s0 =	simm.s32 @p0 $0x1  }
0x13: {  	[smem:$0x3FA1] =	sst s0;
	s0 =	simm.s32 @!p1 $0x0  }
0x14: {  	s2 =	sld [smem:$0x3F85];
	s0 =	simm.s32 @p1 $0x1  }
0x15: {  	[smem:$0x3FA2] =	sst s0;
	s0 =	simm.s32 @!p2 $0x0  }
0x16: {  	s3 =	sld [smem:$0x3FDB];
	s0 =	simm.s32 @p2 $0x1  }
0x17: {  	s4 =	simm.s32 $0x1BF5;
	[smem:$0x3FA4] =	sst s0  }
0x18: {  	s0 =	sld [smem:$0x3F87];
	_ =	swait.ge [sflag:s4], $0x0  }
0x19: {  	s7 =	sld [smem:$0x3F88]  }
0x1a: {  	s8 =	sadd.s32 $0xFFFFE003, lr  }
0x1b: {  	s9 =	sadd.s32 $0xFFFFFEF7, lr;
	s5 =	simm.s32 $0xFFFFFFFF;
	p2 =	slt.u32 s8, $0xFFFFF086  }
0x1c: {  	p1 =	slt.u32 s9, $0xF7A;
	s5 =	simm.s32 @!p2 $0x0  }
0x1d: {  	s5 =	simm.s32 @p1 $0x1;
	p0 =	seq.s32 s7, s2  }
0x1e: {  	s7 =	smul.u32 @!p0 $0xF7A, s2;
	p2 =	seq.s32 @!p0 s5, $0x0  }
0x1f: {  	s9 =	smul.u32 $0xF7A, s1;
	s8 =	simm.s32 @!p0 $0x1BF5;
	p2 =	por !p2, p0  }
0x20: {  	[sflag:s8] =	ssyncset.s32 @!p0 $0xFFFFF086;
	s6 =	sadd.s32 @!p0 s3, s7;
	s7 =	simm.s32 @!p0 $0x108  }
0x21: {  	s3 =	sadd.s32 s3, s9;
	s6 =	sadd.s32 @!p0 $0x88, s6;
	s7 =	simm.s32 @p2 $0x1082  }
0x22: {  	[simem:s7], [sflag:s8] =	dma.local @!p0 [hbm:s6], $0xF7A  }
0x23: {  	s9 =	sor.u32 $0xD0000000, s2;
	s6 =	simm.s32 $0x108;
	_ =	swait.ge @!p0 [sflag:s8], $0x0  }
0x24: {  	s3 =	sadd.s32 $0x88, s3;
	s6 =	simm.s32 @!p1 $0x1082;
	[sflag:s4] =	ssyncset.s32 $0xFFFFF086  }
0x25: {  	[simem:s6], [sflag:s4] =	dma.local [hbm:s3], $0xF7A  }
0x26: {  	[smem:$0x3F88] =	sst s1;
	(tag) =	ssettag s2;
	_ =	strace s9  }
0x27: {  	s1 =	sld [smem:$0x3F98]  }
0x28: {  	s2 =	sld [smem:$0x3F99]  }
0x29: {  	s4 =	sld [smem:$0x3F9B]  }
0x2a: {  	p0 =	seq.s32 s5, $0x0;
	s5 =	sld [smem:$0x3F9C]  }
0x2b: {  	s6 =	sld [smem:$0x3F9D]  }
0x2c: {  	s7 =	sld [smem:$0x3F9E]  }
0x2d: {  	s3 =	simm.s32 $0x108;
	s8 =	sld [smem:$0x3F9F]  }
0x2e: {  	s3 =	simm.s32 @!p0 $0x1082;
	s9 =	sld [smem:$0x3FA0]  }
0x2f: {  	lr =	sadd.s32 s0, s3;
	s0 =	sld [smem:$0x3F97]  }
0x30: {  	s3 =	sld [smem:$0x3F9A]  }
0x31: {  	[smem:$0x3FA3] =	sst s10  }
0x32: {  	s10 =	sld [smem:$0x3FA1];
	_ =	sdelay $0x3  }
0x33: {  	p0 =	seq.s32 s10, $0x1;
	s10 =	sld [smem:$0x3FA3];
	_ =	sdelay $0x3  }
0x34: {  	[smem:$0x3FA3] =	sst s10  }
0x35: {  	s10 =	sld [smem:$0x3FA2];
	_ =	sdelay $0x3  }
0x36: {  	p1 =	seq.s32 s10, $0x1;
	s10 =	sld [smem:$0x3FA3];
	_ =	sdelay $0x3  }
0x37: {  	[smem:$0x3FA3] =	sst s10  }
0x38: {  	s10 =	sld [smem:$0x3FA4]  }
0x39: {  	_ = 	snop;
	(pc) =	sbr.ind lr, $3  }
0x3a: {  	_ = 	snop  }
0x3b: {  	_ = 	snop  }
0x3c: {  	p2 =	seq.s32 s10, $0x1;
	s10 =	sld [smem:$0x3FA3]  }
0x3d: {  	_ =	shalt  }
0x3e: {  	_ =	shalt  }
0x3f: {  	_ =	shalt  }
0x40: {  	_ =	shalt  }
0x41: {  	_ =	shalt  }
0x42: {  	_ =	shalt  }
0x43: {  	_ =	shalt  }
0x44: {  	_ =	shalt  }
0x45: {  	_ =	shalt  }
0x46: {  	_ =	shalt  }
0x47: {  	_ =	shalt  }
0x48: {  	_ =	shalt  }
0x49: {  	_ =	shalt  }
0x4a: {  	_ =	shalt  }
0x4b: {  	_ =	shalt  }
0x4c: {  	_ =	shalt  }
0x4d: {  	_ =	shalt  }
0x4e: {  	_ =	shalt  }
0x4f: {  	_ =	shalt  }
0x50: {  	_ =	shalt  }
0x51: {  	_ =	shalt  }
0x52: {  	_ =	shalt  }
0x53: {  	_ =	shalt  }
0x54: {  	_ =	shalt  }
0x55: {  	_ =	shalt  }
0x56: {  	_ =	shalt  }
0x57: {  	_ =	shalt  }
0x58: {  	_ =	shalt  }
0x59: {  	_ =	shalt  }
0x5a: {  	_ =	shalt  }
0x5b: {  	_ =	shalt  }
0x5c: {  	_ =	shalt  }
0x5d: {  	_ =	shalt  }
0x5e: {  	_ =	shalt  }
0x5f: {  	_ =	shalt  }
0x60: {  	_ =	shalt  }
0x61: {  	_ =	shalt  }
0x62: {  	_ =	shalt  }
0x63: {  	_ =	shalt  }
0x64: {  	_ =	shalt  }
0x65: {  	_ =	shalt  }
0x66: {  	_ =	shalt  }
0x67: {  	_ =	shalt  }
0x68: {  	_ =	shalt  }
0x69: {  	_ =	shalt  }
0x6a: {  	_ =	shalt  }
0x6b: {  	_ =	shalt  }
0x6c: {  	_ =	shalt  }
0x6d: {  	_ =	shalt  }
0x6e: {  	_ =	shalt  }
0x6f: {  	_ =	shalt  }
0x70: {  	_ =	shalt  }
0x71: {  	_ =	shalt  }
0x72: {  	_ =	shalt  }
0x73: {  	_ =	shalt  }
0x74: {  	_ =	shalt  }
0x75: {  	_ =	shalt  }
0x76: {  	_ =	shalt  }
0x77: {  	_ =	shalt  }
0x78: {  	_ =	shalt  }
0x79: {  	_ =	shalt  }
0x7a: {  	_ =	shalt  }
0x7b: {  	_ =	shalt  }
0x7c: {  	_ =	shalt  }
0x7d: {  	_ =	shalt  }
0x7e: {  	_ =	shalt  }
0x7f: {  	_ =	shalt  }
0x80: {  	_ =	shalt  }
0x81: {  	_ =	shalt  }
0x82: {  	_ =	shalt  }
0x83: {  	_ =	shalt  }
0x84: {  	_ =	shalt  }
0x85: {  	_ =	shalt  }
0x86: {  	_ =	shalt  }
0x87: {  	_ =	shalt  }
.Lfunc_end0:
.L_simem_size_0:
called_computation.2_lowered:
.L_overlay_start_0:
0x88: {  	s2 =	sld [smem:$0x3FD9]  }
0x89: {  	s3 =	sld [smem:$0x3FFE];
	_ =	sdelay $0x1  }
0x8a: {  	s1 =	srdreg.scid  }
0x8b: {  	s0 =	sand.u32 $0x1, s1  }
0x8c: {  	s17 =	sshll.u32 s0, $0xA;
	s2 =	sadd.s32 s3, s2  }
0x8d: {  	s2 =	sadd.s32 s2, s17  }
0x8e: {  	[smem:$0x3FAF] =	sst s2  }
0x8f: {  	_ = 	snop  }
0x90: {  	s2 =	sld [smem:$0x3FD0];
	(tm) =	ssettm $0x1  }
0x91: {  	s18 =	sld [smem:$0x3FFB];
	_ =	sdelay $0x3  }
0x92: {  	_ =	strace s18  }
0x93: {  	s3 =	sld [smem:$0x3FFC];
	_ =	sdelay $0x3  }
0x94: {  	_ =	strace s3  }
0x95: {  	s3 =	sld [smem:$0x3FFD];
	_ =	sdelay $0x3  }
0x96: {  	_ =	strace s3  }
0x97: {  	_ =	strace $0x8FFFFFFF  }
0x98: {  	s19 =	sld [smem:$0x3FDB];
	_ =	sdelay $0x1  }
0x99: {  	s4 =	simm.s32 $_scs_section_size  }
0x9a: {  	s5 =	simm.s32 $_size__tile_overlayer_lowered;
	s6 =	simm.s32 $_tile_overlayer_lowered  }
0x9b: {  	s22 =	simm.s32 $0x1BFF;
	s21 =	sshll.u32 s6, $0x1;
	s3 =	sadd.s32 s4, s19  }
0x9c: {  	s7 =	simm.s32 $0x0;
	s20 =	sshll.u32 s5, $0x1;
	s5 =	sadd.s32 s21, s3  }
0x9d: {  	[timem:s7], [sflag:s22] =	dma.local [hbm:s5], s20  }
0x9e: {  	_ =	swait.ge [sflag:s22], s20  }
0x9f: {  	s4 =	ssub.s32 $0x0, s20;
	[sflag:s22] =	ssyncset.done $0x0  }
0xa0: {  	[sflag:s22] =	ssyncadd.s32 s4;
	_ =	sdelay $0x1  }
0xa1: {  	s23 =	simm.s32 $0x1B8B  }
0xa2: {  	_ =	swait.ge [sflag:s23], $0x1  }
0xa3: {  	[sflag:s23] =	ssyncset.done $0x0  }
0xa4: {  	s25 =	simm.s32 $0x1B8E;
	s24 =	sld [smem:$0x3FFE];
	[sflag:s23] =	ssyncadd.s32 $0xFFFFFFFF  }
0xa5: {  	s26 =	simm.s32 $execute0_lowered;
	[smem:$0x3FD2] =	sst s25  }
0xa6: {  	s5 =	sshll.u32 s26, $0x1;
	_ =	strace $0x8000004C;
	[dreg:$0x1] =	wrdreg $0xFFFFFFFF  }
0xa7: {  	s28 =	simm.s32 $_size_execute0_lowered;
	s3 =	sadd.s32 s3, s5;
	[dreg:$0x0] =	wrdreg $0x0  }
0xa8: {  	s5 =	sshll.u32 s28, $0x1;
	[dreg:$0x2] =	wrdreg s3  }
0xa9: {  	[dreg:$0x3] =	wrdreg s5  }
0xaa: {  	[dreg:$0x4] =	wrdreg $0xC0  }
0xab: {  	_ =	task [dreg:s7], $0x5FFFF  }
0xac: {  	[dreg:$0x1] =	wrdreg $0xFFFFFFFF  }
0xad: {  	[dreg:$0x0] =	wrdreg $0x60  }
0xae: {  	[dreg:$0x2] =	wrdreg s24  }
0xaf: {  	[dreg:$0x3] =	wrdreg s2  }
0xb0: {  	[dreg:$0x4] =	wrdreg $0x15A000  }
0xb1: {  	[dreg:$0x5] =	wrdreg $0x9  }
0xb2: {  	_ =	task.clear_ibuf [dreg:s7], $0x6FFFF;
	_ =	strace $0x9000004C  }
0xb3: {  	s29 =	simm.s32 $0x9;
	_ =	strace $0x8000004E  }
0xb4: {  	_ =	swait.ge [sflag:s29], $0x1  }
0xb5: {  	[sflag:s29] =	ssyncadd.s32 $0xFFFFFFFF  }
0xb6: {  	_ =	strace $0x9000004E  }
0xb7: {  	_ =	sfence  }
0xb8: {  	s30 =	sld [smem:$0x0];
	_ =	sdelay $0x2  }
0xb9: {  	s31 =	sshll.u32 s1, $0xD;
	s1 =	sshrl.u32 s1, $0x2  }
0xba: {  	s3 =	sand.u32 $0x4000, s31;
	s1 =	sadd.s32 s1, s30  }
0xbb: {  	s0 =	sor.u32 s3, s0;
	s1 =	sshll.u32 s1, $0x11  }
0xbc: {  	s0 =	sor.u32 s1, s0  }
0xbd: {  	s0 =	sadd.s32 $0x8F2B, s0  }
0xbe: {  	[sflag:s0] =	ssyncadd.remote.s32 $0x1  }
0xbf: {  	_ =	sfence.sel $0xFFFF  }
0xc0: {  	[dreg:$0x0] =	wrdreg $0xFFFFFFFF;
	(pc) =	sbr.abs _section_cstart, $3  }
0xc1: {  	[dreg:$0x1] =	wrdreg $0xFFFFFFFF  }
0xc2: {  	_ =	task.clear_ibuf [dreg:s7], $0x2FFFF;
	_ =	strace $0x9FFFFFFF  }
0xc3: {  	(tm) =	ssettm $0x7FFFFFFF  }
tec
execute0_lowered:
.L_overlay_start_1:
0x0: {  	(tag) =	ssettag $0x1  }
0x1: {  	s0 =	rddreg [dreg:$0x0]  }
0x2: {  	s2 =	rddreg [dreg:$0x1]  }
0x3: {  	s1 =	rddreg [dreg:$0x2]  }
0x4: {  	s17 =	stileid.u32;
	s3 =	simm.s32 $0x0;
	s24 =	srdreg.scid  }
0x5: {  	s19 =	simm.s32 $0x20;
	s20 =	simm.s32 $0x9E00;
	s7 =	smul.u32 $0x4E20, s17  }
0x6: {  	s22 =	simm.s32 $0x1;
	s23 =	simm.s32 $0x9D00;
	s6 =	smul.u32 $0x27000, s17  }
0x7: {  	[smem:$0x7FF] =	sst s3;
	s4 =	sadd.s32 $0xFA00, s0;
	s25 =	smul.u32 $0x9C00, s17  }
0x8: {  	s30 =	sand.u32 $0x3, s17;
	p0 =	sne.s32 s17, $0x0;
	s17 =	simm.s32 $0x3  }
0x9: {  	_ =	strace $0x8000004D;
	s31 =	sshll.u32 s30, $0x5;
	s5 =	sshrl.u32 s7, $0x3  }
0xa: {  	s6 =	sshrl.u32 s6, $0x2;
	s7 =	sand.u32 $0x60, s7;
	s14 =	sadd.s32 $0x40, s31  }
0xb: {  	s15 =	sadd.s32 $0x4EB0, s31;
	s9 =	sand.u32 $0xFFF0, s5;
	s5 =	sand.u32 $0x1, s24  }
0xc: {  	s24 =	simm.s32 $0x2;
	s8 =	sadd.s32 s9, s0;
	s16 =	smul.u32 $0x1388, s5  }
0xd: {  	s0 =	sadd.s32 $0x36C00, s0;
	s10 =	ssub.s32 $0x2, s5;
	s12 =	smul.u32 $0x9C400, s5  }
0xe: {  	s5 =	sadd.s32 s6, s1;
	s6 =	sadd.s32 $0x9C000, s1;
	s11 =	sshrl.u32 s10, $0x1  }
0xf: {  	s9 =	sadd.s32 s2, s9;
	s8 =	sadd.s32 $0x5C00, s8;
	s13 =	ssub.s32 s10, s11  }
0x10: {  	s26 =	sadd.s32 s25, s12;
	s28 =	sshrl.u32 s12, $0x3;
	s25 =	simm.s32 $0x0  }
0x11: {  	s2 =	sshrl.u32 s26, $0x3;
	s29 =	sadd.s32 s0, s28;
	s12 =	smax.u32 s13, $0x1  }
0x12: {  	v1 =	vimm.f32 $0.0e+00;
	v0 =	vmov s16;
	s13 =	sadd.s32 $0x20, s7;
	s10 =	sadd.s32 s0, s2;
	s11 =	sadd.s32 $0x13800, s29  }
.LBB2_1:
0x13: {  	s0 =	simm.s32 $0x0;
	s2 =	simm.s32 $0x200  }
.LBB2_2:
0x14: {  	p1 =	sne.s32 s2, $0x26E00;
	[tilespmem:s0+$0xBE70] =	vst v1  }
0x15: {  	[tilespmem:s0+$0xBE00] =	vst v1  }
0x16: {  	[tilespmem:s0+$0xBE10] =	vst v1  }
.Ltmp0:
0x17: {  	[tilespmem:s0+$0xBE20] =	vst v1;
	(pc) =	sbr.rel @p1 .LBB2_2-.Ltmp0, $4  }
0x18: {  	[tilespmem:s0+$0xBE30] =	vst v1  }
0x19: {  	[tilespmem:s0+$0xBE40] =	vst v1  }
0x1a: {  	[tilespmem:s0+$0xBE50] =	vst v1  }
0x1b: {  	[tilespmem:s0+$0xBE60] =	vst v1;
	s0 =	sshra.s32 s2, $0x2;
	s2 =	sadd.s32 $0x200, s2  }
0x1c: {  	[tilespmem:s0+$0xBE70] =	vst v1  }
0x1d: {  	[tilespmem:s0+$0xBE00] =	vst v1  }
0x1e: {  	[tilespmem:s0+$0xBE10] =	vst v1  }
0x1f: {  	[tilespmem:s0+$0xBE20] =	vst v1  }
0x20: {  	[tilespmem:s0+$0xBE30] =	vst v1  }
0x21: {  	[tilespmem:s0+$0xBE40] =	vst v1  }
0x22: {  	[tilespmem:s0+$0xBE50] =	vst v1  }
0x23: {  	[tilespmem:s0+$0xBE60] =	vst v1;
	s18 =	simm.s32 $0xBE00  }
0x24: {  	[spmem:s5] =	stream.linear.scatter [tilespmem:s18], [sflag:$0x3], $0x9C00, $0x38;
	[tilespmem:$0x1F680] =	vst v63  }
0x25: {  	_ =	swait.ge [sflag:s17], $0x9C00  }
0x26: {  	[sflag:s17] =	ssyncset.done $0x0  }
0x27: {  	s0 =	simm.s32 @!p0 $0xBE00;
	[sflag:s17] =	ssyncadd.s32 $0xFFFF6400  }
0x28: {  	[spmem:s6] =	stream.linear.scatter @!p0 [tilespmem:s0], [sflag:$0x3], $0x800, $0x38;
	[tilespmem:$0x1F680] =	vst v63  }
0x29: {  	s0 =	simm.s32 @!p0 $0x3  }
0x2a: {  	_ =	swait.ge @!p0 [sflag:s0], $0x800  }
0x2b: {  	[sflag:s0] =	ssyncset.done @!p0 $0x0  }
0x2c: {  	[sflag:s0] =	ssyncadd.s32 @!p0 $0xFFFFF800  }
0x2d: {  	[tilespmem:s3], [sflag:$0x3] =	stream.linear.gather [hbm4b:s8+s3], $0x4E80, $0x38;
	[tilespmem:$0x1F680] =	vst v63  }
0x2e: {  	_ =	swait.ge [sflag:s17], $0x4E80  }
0x2f: {  	[sflag:s17] =	ssyncset.done $0x0  }
0x30: {  	s21 =	simm.s32 $0x4E80;
	[sflag:s17] =	ssyncadd.s32 $0xFFFFB180  }
0x31: {  	[tilespmem:s21], [sflag:$0x3] =	stream.linear.gather [hbm4b:s9+s3], $0x4E80, $0x38;
	[tilespmem:$0x1F680] =	vst v63  }
0x32: {  	_ =	swait.ge [sflag:s17], $0x4E80  }
0x33: {  	[sflag:s17] =	ssyncset.done $0x0  }
0x34: {  	[sflag:s17] =	ssyncadd.s32 $0xFFFFB180  }
0x35: {  	[bflag:$0x0] =	sbarrier.arrive $0xFFFF  }
0x36: {  	[tilespmem:s20], [sflag:$0x1] =	stream.indirect.gather [hbm4b:s4+s19], $0x80, s7, s19, $0xb8;
	[tilespmem:$0x1F680] =	vst v63  }
0x37: {  	s26 =	simm.s32 $0xAE00  }
0x38: {  	[tilespmem:s26], [sflag:$0x1] =	stream.indirect.gather [hbm4b:s4+s19], $0x80, s13, s19, $0xb8;
	[tilespmem:$0x1F680] =	vst v63  }
0x39: {  	v2 =	vld [tilespmem:s7+$0x4E80];
	_ =	sdelay $0x4  }
0x3a: {  	v3 =	vsub.s32 v2, v0;
	v2 =	vand.u32 $0x7, v2  }
0x3b: {  	vm0 =	vlt.u32 v3, $0x1388;
	v2 =	vor.u32 $0x1388, v2  }
0x3c: {  	v2 =	vsel vm0, v3, v2  }
0x3d: {  	[tilespmem:$0x9D00] =	vst v2  }
0x3e: {  	v2 =	vld [tilespmem:s7+$0x4E90];
	_ =	sdelay $0x4  }
0x3f: {  	v3 =	vsub.s32 v2, v0;
	v2 =	vand.u32 $0x7, v2  }
0x40: {  	vm15 =	vlt.u32 v3, $0x1388;
	v2 =	vor.u32 $0x1388, v2  }
0x41: {  	v2 =	vsel vm15, v3, v2  }
0x42: {  	[tilespmem:$0x9D10] =	vst v2  }
0x43: {  	_ =	swait.ge [sflag:s22], $0x1000  }
0x44: {  	[sflag:s22] =	ssyncset.done $0x0  }
0x45: {  	p2 =	por $0x0, $0x0;
	p1 =	por $0x0, $0x0;
	[sflag:s22] =	ssyncadd.s32 $0xFFFFF000  }
0x46: {  	[spmem:s1] =	stream.indirect.scatter.add.f32 [tilespmem:s20], [sflag:$0x2], $0x80, s23, s19, $0xb8;
	[tilespmem:$0x1F680] =	vst v63  }
0x47: {  	s2 =	simm.s32 @!p2 $0x20;
	s0 =	simm.s32 $0x2000;
	_ =	swait.ge [sflag:s24], $0x1000  }
0x48: {  	p3 =	por @!p1 $0x0, $0x0;
	s0 =	sand.u32 @!p2 $0x1000, s0;
	[sflag:s24] =	ssyncset.done $0x0  }
0x49: {  	p1 =	por p3, p1;
	s0 =	sadd.s32 @!p2 $0x9E00, s0;
	[sflag:s24] =	ssyncadd.s32 $0xFFFFF000  }
0x4a: {  	[tilespmem:s0], [sflag:$0x1] =	stream.indirect.gather @!p2 [hbm4b:s4+s2], $0x80, s14, s2, $0xb8;
	[tilespmem:$0x1F680] =	vst v63  }
0x4b: {  	v2 =	vld @!p1 [tilespmem:s15+$0xFFFFFFF0];
	_ =	sdelay $0x4  }
0x4c: {  	s0 =	simm.s32 @!p1 $0x1;
	v3 =	vsub.s32 @!p1 v2, v0;
	v2 =	vand.u32 @!p1 $0x7, v2  }
0x4d: {  	s0 =	sand.u32 @!p1 $0x1, s0;
	vm0 =	vlt.u32 @!p1 v3, $0x1388;
	v2 =	vor.u32 @!p1 $0x1388, v2  }
0x4e: {  	s16 =	sshll.u32 @!p1 s0, $0x7;
	v2 =	vsel @!p1 vm0, v3, v2  }
0x4f: {  	[tilespmem:s16+$0x9D00] =	vst @!p1 v2  }
0x50: {  	v2 =	vld @!p1 [tilespmem:s15+$0x0];
	_ =	sdelay $0x4  }
0x51: {  	v3 =	vsub.s32 @!p1 v2, v0;
	v2 =	vand.u32 @!p1 $0x7, v2  }
0x52: {  	s28 =	sadd.s32 $0x20, s15;
	vm0 =	vlt.u32 @!p1 v3, $0x1388;
	v2 =	vor.u32 @!p1 $0x1388, v2  }
0x53: {  	s29 =	simm.s32 $0x3;
	s31 =	sadd.s32 $0x20, s14;
	s30 =	simm.s32 @!p1 $0x20;
	v2 =	vsel @!p1 vm0, v3, v2  }
0x54: {  	s0 =	sshll.u32 @!p1 s0, $0xC;
	s2 =	sor.u32 @!p1 $0x9D00, s16;
	[tilespmem:s16+$0x9D10] =	vst @!p1 v2;
	s16 =	simm.s32 @!p1 $0x1  }
0x55: {  	s26 =	simm.s32 $0x3000;
	s0 =	sadd.s32 @!p1 $0x9E00, s0;
	_ =	swait.ge @!p1 [sflag:s16], $0x1000  }
.LBB2_4:
0x56: {  	p2 =	sgt.u32 s29, $0x270;
	p3 =	seq.s32 s29, $0x0;
	[sflag:s16] =	ssyncset.done @!p1 $0x0  }
0x57: {  	s18 =	sand.u32 @!p2 $0x1000, s26;
	s21 =	simm.s32 @!p2 $0x20;
	[sflag:s16] =	ssyncadd.s32 @!p1 $0xFFFFF000  }
0x58: {  	[spmem:s1] =	stream.indirect.scatter.add.f32 @!p1 [tilespmem:s0], [sflag:$0x2], $0x80, s2, s30, $0xb8;
	[tilespmem:$0x1F680] =	vst v63  }
0x59: {  	s0 =	sadd.s32 @!p2 $0x9E00, s18;
	p1 =	seq.s32 @!p3 s29, $0x272;
	_ =	swait.ge [sflag:s24], $0x1000  }
0x5a: {  	s26 =	sadd.s32 $0x1000, s26;
	p1 =	por p1, p3;
	[sflag:s24] =	ssyncset.done $0x0  }
0x5b: {  	s2 =	sadd.s32 @!p1 $0xFFFFFFFF, s29;
	s30 =	simm.s32 @!p1 $0x20;
	[sflag:s24] =	ssyncadd.s32 $0xFFFFF000  }
0x5c: {  	[tilespmem:s0], [sflag:$0x1] =	stream.indirect.gather @!p2 [hbm4b:s4+s21], $0x80, s31, s21, $0xb8;
	[tilespmem:$0x1F680] =	vst v63  }
0x5d: {  	s2 =	sand.u32 @!p1 $0x1, s2;
	p2 =	sne.s32 s26, $0x273000;
	v2 =	vld @!p1 [tilespmem:s28+$0xFFFFFFF0]  }
0x5e: {  	s0 =	sshll.u32 @!p1 s2, $0xC  }
0x5f: {  	s0 =	sadd.s32 @!p1 $0x9E00, s0;
	_ =	sdelay $0x2  }
0x60: {  	v3 =	vsub.s32 @!p1 v2, v0;
	v2 =	vand.u32 @!p1 $0x7, v2  }
0x61: {  	vm0 =	vlt.u32 @!p1 v3, $0x1388;
	v2 =	vor.u32 @!p1 $0x1388, v2  }
0x62: {  	s16 =	sshll.u32 @!p1 s2, $0x7;
	v2 =	vsel @!p1 vm0, v3, v2  }
0x63: {  	s2 =	sor.u32 @!p1 $0x9D00, s16;
	[tilespmem:s16+$0x9D00] =	vst @!p1 v2  }
0x64: {  	v2 =	vld @!p1 [tilespmem:s28+$0x0];
	_ =	sdelay $0x4  }
.Ltmp1:
0x65: {  	v3 =	vsub.s32 @!p1 v2, v0;
	v2 =	vand.u32 @!p1 $0x7, v2;
	(pc) =	sbr.rel @p2 .LBB2_4-.Ltmp1, $4  }
0x66: {  	vm0 =	vlt.u32 @!p1 v3, $0x1388;
	v2 =	vor.u32 @!p1 $0x1388, v2  }
0x67: {  	v2 =	vsel @!p1 vm0, v3, v2  }
0x68: {  	s28 =	sadd.s32 $0x20, s28;
	[tilespmem:s16+$0x9D10] =	vst @!p1 v2;
	s16 =	simm.s32 @!p1 $0x1  }
0x69: {  	s29 =	sadd.s32 $0x1, s29;
	s31 =	sadd.s32 $0x20, s31;
	_ =	swait.ge @!p1 [sflag:s16], $0x1000  }
0x6a: {  	[sflag:s16] =	ssyncset.done @!p1 $0x0  }
0x6b: {  	[sflag:s16] =	ssyncadd.s32 @!p1 $0xFFFFF000  }
0x6c: {  	[spmem:s1] =	stream.indirect.scatter.add.f32 @!p1 [tilespmem:s0], [sflag:$0x2], $0x80, s2, s30, $0xb8;
	[tilespmem:$0x1F680] =	vst v63  }
0x6d: {  	s30 =	stileid.u32  }
0x6e: {  	s0 =	sshll.u32 s30, $0x6  }
0x6f: {  	s31 =	sshrl.u32 s5, $0x3;
	[bflag:$0x0] =	sbarrier.arrive $0xFFFF;
	s0 =	sor.u32 $0x1C03, s0  }
0x70: {  	[hbm:s10], [sflag:s0] =	dma.local [spmem:s31], $0x1380  }
0x71: {  	_ =	swait.ge [sflag:s17], $0x1380  }
0x72: {  	s25 =	sadd.s32 $0x1, s25;
	[sflag:s17] =	ssyncset.done $0x0  }
0x73: {  	s2 =	sshrl.u32 @!p0 s6, $0x3;
	p1 =	sne.s32 s25, s12;
	[sflag:s17] =	ssyncadd.s32 $0xFFFFEC80  }
0x74: {  	[hbm:s11], [sflag:s0] =	dma.local @!p0 [spmem:s2], $0x80  }
.Ltmp2:
0x75: {  	_ = 	snop;
	(pc) =	sbr.rel @p1 .LBB2_1-.Ltmp2, $4  }
0x76: {  	s0 =	simm.s32 @!p0 $0x3  }
0x77: {  	_ =	swait.ge @!p0 [sflag:s0], $0x80  }
0x78: {  	[sflag:s0] =	ssyncset.done @!p0 $0x0  }
0x79: {  	[sflag:s0] =	ssyncadd.s32 @!p0 $0xFFFFFF80  }
0x7a: {  	_ =	sfence.sel $0x180000  }
0x7b: {  	[bflag:$0x0] =	sbarrier.arrive $0xFFFF  }
0x7c: {  	_ =	strace $0x9000004D  }
0x7d: {  	[bflag:$0x2] =	sbarrier.arrive $0xFFFF  }
0x7e: {  	s0 =	rddreg [dreg:$0x3]  }
0x7f: {  	s0 =	sadd.s32 @!p0 $0x100000, s0  }
0x80: {  	[sflag:s0] =	ssyncadd.tile.s32 @!p0 $0x1;
	_ =	shalt  }
.Lfunc_end2:
_tile_overlayer_lowered:
.L_overlay_start_2:
0x81: {  	(tag) =	ssettag $0x2  }
0x82: {  	s0 =	rddreg [dreg:$0x0];
	s2 =	stileid.u32  }
0x83: {  	s1 =	rddreg [dreg:$0x1];
	p0 =	sne.s32 s2, $0x0  }
0x84: {  	s3 =	rddreg [dreg:$0x2];
	[bflag:$0x3] =	sbarrier.arrive $0xFFFF;
	s2 =	simm.s32 @!p0 $0x1C03  }
0x85: {  	[timem:s3], [sflag:s2] =	dma.local @!p0 [hbm:s0], s1  }
0x86: {  	s0 =	simm.s32 @!p0 $0x3  }
0x87: {  	_ =	swait.ge @!p0 [sflag:s0], s1  }
0x88: {  	s1 =	ssub.s32 @!p0 $0x0, s1;
	[sflag:s0] =	ssyncset.done @!p0 $0x0  }
0x89: {  	[sflag:s0] =	ssyncadd.s32 @!p0 s1  }
0x8a: {  	[bflag:$0x3] =	sbarrier.arrive $0xFFFF  }
0x8b: {  	_ =	shalt  }

// kernel: kernel.22.cloned.1.call-start
scs
__scs_entry_jumppad:
0x0: {  	(pc) =	sbr.rel $0x88, $3  }
0x1: {  	(tag) =	ssettag $0x0;
	lr =	simm.s32 $0x1  }
0x2: {  	[smem:$0x3F88] =	sst lr;
	_ =	strace $0xD0000000  }
0x3: {  	_ = 	snop  }
0x4: {  	_ = 	snop  }
0x5: {  	_ = 	snop  }
0x6: {  	_ = 	snop  }
0x7: {  	_ = 	snop  }
__scs_overlays_trampoline_lowered:
0x8: {  	[smem:$0x3F97] =	sst s0  }
0x9: {  	[smem:$0x3F98] =	sst s1  }
0xa: {  	[smem:$0x3F99] =	sst s2  }
0xb: {  	[smem:$0x3F9A] =	sst s3  }
0xc: {  	[smem:$0x3F9B] =	sst s4  }
0xd: {  	[smem:$0x3F9C] =	sst s5  }
0xe: {  	[smem:$0x3F9D] =	sst s6  }
0xf: {  	[smem:$0x3F9E] =	sst s7  }
0x10: {  	[smem:$0x3F9F] =	sst s8  }
0x11: {  	[smem:$0x3FA0] =	sst s9;
	s0 =	simm.s32 @!p0 $0x0  }
0x12: {  	s1 =	sld [smem:$0x3F86];
	s0 =	simm.s32 @p0 $0x1  }
0x13: {  	[smem:$0x3FA1] =	sst s0;
	s0 =	simm.s32 @!p1 $0x0  }
0x14: {  	s2 =	sld [smem:$0x3F85];
	s0 =	simm.s32 @p1 $0x1  }
0x15: {  	[smem:$0x3FA2] =	sst s0;
	s0 =	simm.s32 @!p2 $0x0  }
0x16: {  	s3 =	sld [smem:$0x3FDB];
	s0 =	simm.s32 @p2 $0x1  }
0x17: {  	s4 =	simm.s32 $0x1BF5;
	[smem:$0x3FA4] =	sst s0  }
0x18: {  	s0 =	sld [smem:$0x3F87];
	_ =	swait.ge [sflag:s4], $0x0  }
0x19: {  	s7 =	sld [smem:$0x3F88]  }
0x1a: {  	s8 =	sadd.s32 $0xFFFFE003, lr  }
0x1b: {  	s9 =	sadd.s32 $0xFFFFFEF7, lr;
	s5 =	simm.s32 $0xFFFFFFFF;
	p2 =	slt.u32 s8, $0xFFFFF086  }
0x1c: {  	p1 =	slt.u32 s9, $0xF7A;
	s5 =	simm.s32 @!p2 $0x0  }
0x1d: {  	s5 =	simm.s32 @p1 $0x1;
	p0 =	seq.s32 s7, s2  }
0x1e: {  	s7 =	smul.u32 @!p0 $0xF7A, s2;
	p2 =	seq.s32 @!p0 s5, $0x0  }
0x1f: {  	s9 =	smul.u32 $0xF7A, s1;
	s8 =	simm.s32 @!p0 $0x1BF5;
	p2 =	por !p2, p0  }
0x20: {  	[sflag:s8] =	ssyncset.s32 @!p0 $0xFFFFF086;
	s6 =	sadd.s32 @!p0 s3, s7;
	s7 =	simm.s32 @!p0 $0x108  }
0x21: {  	s3 =	sadd.s32 s3, s9;
	s6 =	sadd.s32 @!p0 $0x88, s6;
	s7 =	simm.s32 @p2 $0x1082  }
0x22: {  	[simem:s7], [sflag:s8] =	dma.local @!p0 [hbm:s6], $0xF7A  }
0x23: {  	s9 =	sor.u32 $0xD0000000, s2;
	s6 =	simm.s32 $0x108;
	_ =	swait.ge @!p0 [sflag:s8], $0x0  }
0x24: {  	s3 =	sadd.s32 $0x88, s3;
	s6 =	simm.s32 @!p1 $0x1082;
	[sflag:s4] =	ssyncset.s32 $0xFFFFF086  }
0x25: {  	[simem:s6], [sflag:s4] =	dma.local [hbm:s3], $0xF7A  }
0x26: {  	[smem:$0x3F88] =	sst s1;
	(tag) =	ssettag s2;
	_ =	strace s9  }
0x27: {  	s1 =	sld [smem:$0x3F98]  }
0x28: {  	s2 =	sld [smem:$0x3F99]  }
0x29: {  	s4 =	sld [smem:$0x3F9B]  }
0x2a: {  	p0 =	seq.s32 s5, $0x0;
	s5 =	sld [smem:$0x3F9C]  }
0x2b: {  	s6 =	sld [smem:$0x3F9D]  }
0x2c: {  	s7 =	sld [smem:$0x3F9E]  }
0x2d: {  	s3 =	simm.s32 $0x108;
	s8 =	sld [smem:$0x3F9F]  }
0x2e: {  	s3 =	simm.s32 @!p0 $0x1082;
	s9 =	sld [smem:$0x3FA0]  }
0x2f: {  	lr =	sadd.s32 s0, s3;
	s0 =	sld [smem:$0x3F97]  }
0x30: {  	s3 =	sld [smem:$0x3F9A]  }
0x31: {  	[smem:$0x3FA3] =	sst s10  }
0x32: {  	s10 =	sld [smem:$0x3FA1];
	_ =	sdelay $0x3  }
0x33: {  	p0 =	seq.s32 s10, $0x1;
	s10 =	sld [smem:$0x3FA3];
	_ =	sdelay $0x3  }
0x34: {  	[smem:$0x3FA3] =	sst s10  }
0x35: {  	s10 =	sld [smem:$0x3FA2];
	_ =	sdelay $0x3  }
0x36: {  	p1 =	seq.s32 s10, $0x1;
	s10 =	sld [smem:$0x3FA3];
	_ =	sdelay $0x3  }
0x37: {  	[smem:$0x3FA3] =	sst s10  }
0x38: {  	s10 =	sld [smem:$0x3FA4]  }
0x39: {  	_ = 	snop;
	(pc) =	sbr.ind lr, $3  }
0x3a: {  	_ = 	snop  }
0x3b: {  	_ = 	snop  }
0x3c: {  	p2 =	seq.s32 s10, $0x1;
	s10 =	sld [smem:$0x3FA3]  }
0x3d: {  	_ =	shalt  }
0x3e: {  	_ =	shalt  }
0x3f: {  	_ =	shalt  }
0x40: {  	_ =	shalt  }
0x41: {  	_ =	shalt  }
0x42: {  	_ =	shalt  }
0x43: {  	_ =	shalt  }
0x44: {  	_ =	shalt  }
0x45: {  	_ =	shalt  }
0x46: {  	_ =	shalt  }
0x47: {  	_ =	shalt  }
0x48: {  	_ =	shalt  }
0x49: {  	_ =	shalt  }
0x4a: {  	_ =	shalt  }
0x4b: {  	_ =	shalt  }
0x4c: {  	_ =	shalt  }
0x4d: {  	_ =	shalt  }
0x4e: {  	_ =	shalt  }
0x4f: {  	_ =	shalt  }
0x50: {  	_ =	shalt  }
0x51: {  	_ =	shalt  }
0x52: {  	_ =	shalt  }
0x53: {  	_ =	shalt  }
0x54: {  	_ =	shalt  }
0x55: {  	_ =	shalt  }
0x56: {  	_ =	shalt  }
0x57: {  	_ =	shalt  }
0x58: {  	_ =	shalt  }
0x59: {  	_ =	shalt  }
0x5a: {  	_ =	shalt  }
0x5b: {  	_ =	shalt  }
0x5c: {  	_ =	shalt  }
0x5d: {  	_ =	shalt  }
0x5e: {  	_ =	shalt  }
0x5f: {  	_ =	shalt  }
0x60: {  	_ =	shalt  }
0x61: {  	_ =	shalt  }
0x62: {  	_ =	shalt  }
0x63: {  	_ =	shalt  }
0x64: {  	_ =	shalt  }
0x65: {  	_ =	shalt  }
0x66: {  	_ =	shalt  }
0x67: {  	_ =	shalt  }
0x68: {  	_ =	shalt  }
0x69: {  	_ =	shalt  }
0x6a: {  	_ =	shalt  }
0x6b: {  	_ =	shalt  }
0x6c: {  	_ =	shalt  }
0x6d: {  	_ =	shalt  }
0x6e: {  	_ =	shalt  }
0x6f: {  	_ =	shalt  }
0x70: {  	_ =	shalt  }
0x71: {  	_ =	shalt  }
0x72: {  	_ =	shalt  }
0x73: {  	_ =	shalt  }
0x74: {  	_ =	shalt  }
0x75: {  	_ =	shalt  }
0x76: {  	_ =	shalt  }
0x77: {  	_ =	shalt  }
0x78: {  	_ =	shalt  }
0x79: {  	_ =	shalt  }
0x7a: {  	_ =	shalt  }
0x7b: {  	_ =	shalt  }
0x7c: {  	_ =	shalt  }
0x7d: {  	_ =	shalt  }
0x7e: {  	_ =	shalt  }
0x7f: {  	_ =	shalt  }
0x80: {  	_ =	shalt  }
0x81: {  	_ =	shalt  }
0x82: {  	_ =	shalt  }
0x83: {  	_ =	shalt  }
0x84: {  	_ =	shalt  }
0x85: {  	_ =	shalt  }
0x86: {  	_ =	shalt  }
0x87: {  	_ =	shalt  }
.Lfunc_end0:
.L_simem_size_0:
called_computation.3_lowered:
.L_overlay_start_0:
0x88: {  	s2 =	sld [smem:$0x3FD9]  }
0x89: {  	s3 =	sld [smem:$0x3FFE];
	_ =	sdelay $0x1  }
0x8a: {  	s1 =	srdreg.scid  }
0x8b: {  	s0 =	sand.u32 $0x1, s1  }
0x8c: {  	s17 =	sshll.u32 s0, $0xA;
	s2 =	sadd.s32 s3, s2  }
0x8d: {  	s2 =	sadd.s32 s2, s17  }
0x8e: {  	[smem:$0x3FAF] =	sst s2  }
0x8f: {  	_ = 	snop  }
0x90: {  	s2 =	sld [smem:$0x3FD0];
	(tm) =	ssettm $0x1  }
0x91: {  	s18 =	sld [smem:$0x3FFB];
	_ =	sdelay $0x3  }
0x92: {  	_ =	strace s18  }
0x93: {  	s3 =	sld [smem:$0x3FFC];
	_ =	sdelay $0x3  }
0x94: {  	_ =	strace s3  }
0x95: {  	s3 =	sld [smem:$0x3FFD];
	_ =	sdelay $0x3  }
0x96: {  	_ =	strace s3  }
0x97: {  	_ =	strace $0x8FFFFFFF  }
0x98: {  	s19 =	sld [smem:$0x3FDB];
	_ =	sdelay $0x1  }
0x99: {  	s4 =	simm.s32 $_scs_section_size  }
0x9a: {  	s5 =	simm.s32 $_size__tile_overlayer_lowered;
	s6 =	simm.s32 $_tile_overlayer_lowered  }
0x9b: {  	s22 =	simm.s32 $0x1BFF;
	s21 =	sshll.u32 s6, $0x1;
	s3 =	sadd.s32 s4, s19  }
0x9c: {  	s7 =	simm.s32 $0x0;
	s20 =	sshll.u32 s5, $0x1;
	s5 =	sadd.s32 s21, s3  }
0x9d: {  	[timem:s7], [sflag:s22] =	dma.local [hbm:s5], s20  }
0x9e: {  	_ =	swait.ge [sflag:s22], s20  }
0x9f: {  	s4 =	ssub.s32 $0x0, s20;
	[sflag:s22] =	ssyncset.done $0x0  }
0xa0: {  	[sflag:s22] =	ssyncadd.s32 s4;
	_ =	sdelay $0x1  }
0xa1: {  	s23 =	simm.s32 $0x1B8B  }
0xa2: {  	_ =	swait.ge [sflag:s23], $0x1  }
0xa3: {  	[sflag:s23] =	ssyncset.done $0x0  }
0xa4: {  	s25 =	simm.s32 $0x1B8E;
	s24 =	sld [smem:$0x3FFE];
	[sflag:s23] =	ssyncadd.s32 $0xFFFFFFFF  }
0xa5: {  	s26 =	simm.s32 $execute0_lowered;
	[smem:$0x3FD2] =	sst s25  }
0xa6: {  	s5 =	sshll.u32 s26, $0x1;
	_ =	strace $0x8000004F;
	[dreg:$0x1] =	wrdreg $0xFFFFFFFF  }
0xa7: {  	s28 =	simm.s32 $_size_execute0_lowered;
	s3 =	sadd.s32 s3, s5;
	[dreg:$0x0] =	wrdreg $0x0  }
0xa8: {  	s5 =	sshll.u32 s28, $0x1;
	[dreg:$0x2] =	wrdreg s3  }
0xa9: {  	[dreg:$0x3] =	wrdreg s5  }
0xaa: {  	[dreg:$0x4] =	wrdreg $0xC0  }
0xab: {  	_ =	task [dreg:s7], $0x5FFFF  }
0xac: {  	[dreg:$0x1] =	wrdreg $0xFFFFFFFF  }
0xad: {  	[dreg:$0x0] =	wrdreg $0x60  }
0xae: {  	[dreg:$0x2] =	wrdreg s24  }
0xaf: {  	[dreg:$0x3] =	wrdreg s2  }
0xb0: {  	[dreg:$0x4] =	wrdreg $0x15A000  }
0xb1: {  	[dreg:$0x5] =	wrdreg $0x9  }
0xb2: {  	_ =	task.clear_ibuf [dreg:s7], $0x6FFFF;
	_ =	strace $0x9000004F  }
0xb3: {  	s29 =	simm.s32 $0x9;
	_ =	strace $0x80000051  }
0xb4: {  	_ =	swait.ge [sflag:s29], $0x1  }
0xb5: {  	[sflag:s29] =	ssyncadd.s32 $0xFFFFFFFF  }
0xb6: {  	_ =	strace $0x90000051  }
0xb7: {  	_ =	sfence  }
0xb8: {  	s30 =	sld [smem:$0x0];
	_ =	sdelay $0x2  }
0xb9: {  	s31 =	sshll.u32 s1, $0xD;
	s1 =	sshrl.u32 s1, $0x2  }
0xba: {  	s3 =	sand.u32 $0x4000, s31;
	s1 =	sadd.s32 s1, s30  }
0xbb: {  	s0 =	sor.u32 s3, s0;
	s1 =	sshll.u32 s1, $0x11  }
0xbc: {  	s0 =	sor.u32 s1, s0  }
0xbd: {  	s0 =	sadd.s32 $0x8F2B, s0  }
0xbe: {  	[sflag:s0] =	ssyncadd.remote.s32 $0x1  }
0xbf: {  	_ =	sfence.sel $0xFFFF  }
0xc0: {  	[dreg:$0x0] =	wrdreg $0xFFFFFFFF;
	(pc) =	sbr.abs _section_cstart, $3  }
0xc1: {  	[dreg:$0x1] =	wrdreg $0xFFFFFFFF  }
0xc2: {  	_ =	task.clear_ibuf [dreg:s7], $0x2FFFF;
	_ =	strace $0x9FFFFFFF  }
0xc3: {  	(tm) =	ssettm $0x7FFFFFFF  }
tec
execute0_lowered:
.L_overlay_start_1:
0x0: {  	(tag) =	ssettag $0x1  }
0x1: {  	s0 =	rddreg [dreg:$0x0]  }
0x2: {  	s2 =	rddreg [dreg:$0x1]  }
0x3: {  	s1 =	rddreg [dreg:$0x2]  }
0x4: {  	s17 =	stileid.u32;
	s3 =	simm.s32 $0x0;
	s24 =	srdreg.scid  }
0x5: {  	s19 =	simm.s32 $0x20;
	s20 =	simm.s32 $0x9E00;
	s7 =	smul.u32 $0x4E20, s17  }
0x6: {  	s22 =	simm.s32 $0x1;
	s23 =	simm.s32 $0x9D00;
	s6 =	smul.u32 $0x27000, s17  }
0x7: {  	[smem:$0x7FF] =	sst s3;
	s4 =	sadd.s32 $0xFA00, s0;
	s25 =	smul.u32 $0x9C00, s17  }
0x8: {  	s30 =	sand.u32 $0x3, s17;
	p0 =	sne.s32 s17, $0x0;
	s17 =	simm.s32 $0x3  }
0x9: {  	_ =	strace $0x80000050;
	s31 =	sshll.u32 s30, $0x5;
	s5 =	sshrl.u32 s7, $0x3  }
0xa: {  	s6 =	sshrl.u32 s6, $0x2;
	s7 =	sand.u32 $0x60, s7;
	s14 =	sadd.s32 $0x40, s31  }
0xb: {  	s15 =	sadd.s32 $0x4EB0, s31;
	s9 =	sand.u32 $0xFFF0, s5;
	s5 =	sand.u32 $0x1, s24  }
0xc: {  	s24 =	simm.s32 $0x2;
	s8 =	sadd.s32 s9, s0;
	s16 =	smul.u32 $0x1388, s5  }
0xd: {  	s0 =	sadd.s32 $0x36C00, s0;
	s10 =	ssub.s32 $0x2, s5;
	s12 =	smul.u32 $0x9C400, s5  }
0xe: {  	s5 =	sadd.s32 s6, s1;
	s6 =	sadd.s32 $0x9C000, s1;
	s11 =	sshrl.u32 s10, $0x1  }
0xf: {  	s9 =	sadd.s32 s2, s9;
	s8 =	sadd.s32 $0x5C00, s8;
	s13 =	ssub.s32 s10, s11  }
0x10: {  	s26 =	sadd.s32 s25, s12;
	s28 =	sshrl.u32 s12, $0x3;
	s25 =	simm.s32 $0x0  }
0x11: {  	s2 =	sshrl.u32 s26, $0x3;
	s29 =	sadd.s32 s0, s28;
	s12 =	smax.u32 s13, $0x1  }
0x12: {  	v1 =	vimm.f32 $0.0e+00;
	v0 =	vmov s16;
	s13 =	sadd.s32 $0x20, s7;
	s10 =	sadd.s32 s0, s2;
	s11 =	sadd.s32 $0x13800, s29  }
.LBB2_1:
0x13: {  	s0 =	simm.s32 $0x0;
	s2 =	simm.s32 $0x200  }
.LBB2_2:
0x14: {  	p1 =	sne.s32 s2, $0x26E00;
	[tilespmem:s0+$0xBE70] =	vst v1  }
0x15: {  	[tilespmem:s0+$0xBE00] =	vst v1  }
0x16: {  	[tilespmem:s0+$0xBE10] =	vst v1  }
.Ltmp0:
0x17: {  	[tilespmem:s0+$0xBE20] =	vst v1;
	(pc) =	sbr.rel @p1 .LBB2_2-.Ltmp0, $4  }
0x18: {  	[tilespmem:s0+$0xBE30] =	vst v1  }
0x19: {  	[tilespmem:s0+$0xBE40] =	vst v1  }
0x1a: {  	[tilespmem:s0+$0xBE50] =	vst v1  }
0x1b: {  	[tilespmem:s0+$0xBE60] =	vst v1;
	s0 =	sshra.s32 s2, $0x2;
	s2 =	sadd.s32 $0x200, s2  }
0x1c: {  	[tilespmem:s0+$0xBE70] =	vst v1  }
0x1d: {  	[tilespmem:s0+$0xBE00] =	vst v1  }
0x1e: {  	[tilespmem:s0+$0xBE10] =	vst v1  }
0x1f: {  	[tilespmem:s0+$0xBE20] =	vst v1  }
0x20: {  	[tilespmem:s0+$0xBE30] =	vst v1  }
0x21: {  	[tilespmem:s0+$0xBE40] =	vst v1  }
0x22: {  	[tilespmem:s0+$0xBE50] =	vst v1  }
0x23: {  	[tilespmem:s0+$0xBE60] =	vst v1;
	s18 =	simm.s32 $0xBE00  }
0x24: {  	[spmem:s5] =	stream.linear.scatter [tilespmem:s18], [sflag:$0x3], $0x9C00, $0x38;
	[tilespmem:$0x1F680] =	vst v63  }
0x25: {  	_ =	swait.ge [sflag:s17], $0x9C00  }
0x26: {  	[sflag:s17] =	ssyncset.done $0x0  }
0x27: {  	s0 =	simm.s32 @!p0 $0xBE00;
	[sflag:s17] =	ssyncadd.s32 $0xFFFF6400  }
0x28: {  	[spmem:s6] =	stream.linear.scatter @!p0 [tilespmem:s0], [sflag:$0x3], $0x800, $0x38;
	[tilespmem:$0x1F680] =	vst v63  }
0x29: {  	s0 =	simm.s32 @!p0 $0x3  }
0x2a: {  	_ =	swait.ge @!p0 [sflag:s0], $0x800  }
0x2b: {  	[sflag:s0] =	ssyncset.done @!p0 $0x0  }
0x2c: {  	[sflag:s0] =	ssyncadd.s32 @!p0 $0xFFFFF800  }
0x2d: {  	[tilespmem:s3], [sflag:$0x3] =	stream.linear.gather [hbm4b:s8+s3], $0x4E80, $0x38;
	[tilespmem:$0x1F680] =	vst v63  }
0x2e: {  	_ =	swait.ge [sflag:s17], $0x4E80  }
0x2f: {  	[sflag:s17] =	ssyncset.done $0x0  }
0x30: {  	s21 =	simm.s32 $0x4E80;
	[sflag:s17] =	ssyncadd.s32 $0xFFFFB180  }
0x31: {  	[tilespmem:s21], [sflag:$0x3] =	stream.linear.gather [hbm4b:s9+s3], $0x4E80, $0x38;
	[tilespmem:$0x1F680] =	vst v63  }
0x32: {  	_ =	swait.ge [sflag:s17], $0x4E80  }
0x33: {  	[sflag:s17] =	ssyncset.done $0x0  }
0x34: {  	[sflag:s17] =	ssyncadd.s32 $0xFFFFB180  }
0x35: {  	[bflag:$0x0] =	sbarrier.arrive $0xFFFF  }
0x36: {  	[tilespmem:s20], [sflag:$0x1] =	stream.indirect.gather [hbm4b:s4+s19], $0x80, s7, s19, $0xb8;
	[tilespmem:$0x1F680] =	vst v63  }
0x37: {  	s26 =	simm.s32 $0xAE00  }
0x38: {  	[tilespmem:s26], [sflag:$0x1] =	stream.indirect.gather [hbm4b:s4+s19], $0x80, s13, s19, $0xb8;
	[tilespmem:$0x1F680] =	vst v63  }
0x39: {  	v2 =	vld [tilespmem:s7+$0x4E80];
	_ =	sdelay $0x4  }
0x3a: {  	v3 =	vsub.s32 v2, v0;
	v2 =	vand.u32 $0x7, v2  }
0x3b: {  	vm0 =	vlt.u32 v3, $0x1388;
	v2 =	vor.u32 $0x1388, v2  }
0x3c: {  	v2 =	vsel vm0, v3, v2  }
0x3d: {  	[tilespmem:$0x9D00] =	vst v2  }
0x3e: {  	v2 =	vld [tilespmem:s7+$0x4E90];
	_ =	sdelay $0x4  }
0x3f: {  	v3 =	vsub.s32 v2, v0;
	v2 =	vand.u32 $0x7, v2  }
0x40: {  	vm15 =	vlt.u32 v3, $0x1388;
	v2 =	vor.u32 $0x1388, v2  }
0x41: {  	v2 =	vsel vm15, v3, v2  }
0x42: {  	[tilespmem:$0x9D10] =	vst v2  }
0x43: {  	_ =	swait.ge [sflag:s22], $0x1000  }
0x44: {  	[sflag:s22] =	ssyncset.done $0x0  }
0x45: {  	p2 =	por $0x0, $0x0;
	p1 =	por $0x0, $0x0;
	[sflag:s22] =	ssyncadd.s32 $0xFFFFF000  }
0x46: {  	[spmem:s1] =	stream.indirect.scatter.add.f32 [tilespmem:s20], [sflag:$0x2], $0x80, s23, s19, $0xb8;
	[tilespmem:$0x1F680] =	vst v63  }
0x47: {  	s2 =	simm.s32 @!p2 $0x20;
	s0 =	simm.s32 $0x2000;
	_ =	swait.ge [sflag:s24], $0x1000  }
0x48: {  	p3 =	por @!p1 $0x0, $0x0;
	s0 =	sand.u32 @!p2 $0x1000, s0;
	[sflag:s24] =	ssyncset.done $0x0  }
0x49: {  	p1 =	por p3, p1;
	s0 =	sadd.s32 @!p2 $0x9E00, s0;
	[sflag:s24] =	ssyncadd.s32 $0xFFFFF000  }
0x4a: {  	[tilespmem:s0], [sflag:$0x1] =	stream.indirect.gather @!p2 [hbm4b:s4+s2], $0x80, s14, s2, $0xb8;
	[tilespmem:$0x1F680] =	vst v63  }
0x4b: {  	v2 =	vld @!p1 [tilespmem:s15+$0xFFFFFFF0];
	_ =	sdelay $0x4  }
0x4c: {  	s0 =	simm.s32 @!p1 $0x1;
	v3 =	vsub.s32 @!p1 v2, v0;
	v2 =	vand.u32 @!p1 $0x7, v2  }
0x4d: {  	s0 =	sand.u32 @!p1 $0x1, s0;
	vm0 =	vlt.u32 @!p1 v3, $0x1388;
	v2 =	vor.u32 @!p1 $0x1388, v2  }
0x4e: {  	s16 =	sshll.u32 @!p1 s0, $0x7;
	v2 =	vsel @!p1 vm0, v3, v2  }
0x4f: {  	[tilespmem:s16+$0x9D00] =	vst @!p1 v2  }
0x50: {  	v2 =	vld @!p1 [tilespmem:s15+$0x0];
	_ =	sdelay $0x4  }
0x51: {  	v3 =	vsub.s32 @!p1 v2, v0;
	v2 =	vand.u32 @!p1 $0x7, v2  }
0x52: {  	s28 =	sadd.s32 $0x20, s15;
	vm0 =	vlt.u32 @!p1 v3, $0x1388;
	v2 =	vor.u32 @!p1 $0x1388, v2  }
0x53: {  	s29 =	simm.s32 $0x3;
	s31 =	sadd.s32 $0x20, s14;
	s30 =	simm.s32 @!p1 $0x20;
	v2 =	vsel @!p1 vm0, v3, v2  }
0x54: {  	s0 =	sshll.u32 @!p1 s0, $0xC;
	s2 =	sor.u32 @!p1 $0x9D00, s16;
	[tilespmem:s16+$0x9D10] =	vst @!p1 v2;
	s16 =	simm.s32 @!p1 $0x1  }
0x55: {  	s26 =	simm.s32 $0x3000;
	s0 =	sadd.s32 @!p1 $0x9E00, s0;
	_ =	swait.ge @!p1 [sflag:s16], $0x1000  }
.LBB2_4:
0x56: {  	p2 =	sgt.u32 s29, $0x270;
	p3 =	seq.s32 s29, $0x0;
	[sflag:s16] =	ssyncset.done @!p1 $0x0  }
0x57: {  	s18 =	sand.u32 @!p2 $0x1000, s26;
	s21 =	simm.s32 @!p2 $0x20;
	[sflag:s16] =	ssyncadd.s32 @!p1 $0xFFFFF000  }
0x58: {  	[spmem:s1] =	stream.indirect.scatter.add.f32 @!p1 [tilespmem:s0], [sflag:$0x2], $0x80, s2, s30, $0xb8;
	[tilespmem:$0x1F680] =	vst v63  }
0x59: {  	s0 =	sadd.s32 @!p2 $0x9E00, s18;
	p1 =	seq.s32 @!p3 s29, $0x272;
	_ =	swait.ge [sflag:s24], $0x1000  }
0x5a: {  	s26 =	sadd.s32 $0x1000, s26;
	p1 =	por p1, p3;
	[sflag:s24] =	ssyncset.done $0x0  }
0x5b: {  	s2 =	sadd.s32 @!p1 $0xFFFFFFFF, s29;
	s30 =	simm.s32 @!p1 $0x20;
	[sflag:s24] =	ssyncadd.s32 $0xFFFFF000  }
0x5c: {  	[tilespmem:s0], [sflag:$0x1] =	stream.indirect.gather @!p2 [hbm4b:s4+s21], $0x80, s31, s21, $0xb8;
	[tilespmem:$0x1F680] =	vst v63  }
0x5d: {  	s2 =	sand.u32 @!p1 $0x1, s2;
	p2 =	sne.s32 s26, $0x273000;
	v2 =	vld @!p1 [tilespmem:s28+$0xFFFFFFF0]  }
0x5e: {  	s0 =	sshll.u32 @!p1 s2, $0xC  }
0x5f: {  	s0 =	sadd.s32 @!p1 $0x9E00, s0;
	_ =	sdelay $0x2  }
0x60: {  	v3 =	vsub.s32 @!p1 v2, v0;
	v2 =	vand.u32 @!p1 $0x7, v2  }
0x61: {  	vm0 =	vlt.u32 @!p1 v3, $0x1388;
	v2 =	vor.u32 @!p1 $0x1388, v2  }
0x62: {  	s16 =	sshll.u32 @!p1 s2, $0x7;
	v2 =	vsel @!p1 vm0, v3, v2  }
0x63: {  	s2 =	sor.u32 @!p1 $0x9D00, s16;
	[tilespmem:s16+$0x9D00] =	vst @!p1 v2  }
0x64: {  	v2 =	vld @!p1 [tilespmem:s28+$0x0];
	_ =	sdelay $0x4  }
.Ltmp1:
0x65: {  	v3 =	vsub.s32 @!p1 v2, v0;
	v2 =	vand.u32 @!p1 $0x7, v2;
	(pc) =	sbr.rel @p2 .LBB2_4-.Ltmp1, $4  }
0x66: {  	vm0 =	vlt.u32 @!p1 v3, $0x1388;
	v2 =	vor.u32 @!p1 $0x1388, v2  }
0x67: {  	v2 =	vsel @!p1 vm0, v3, v2  }
0x68: {  	s28 =	sadd.s32 $0x20, s28;
	[tilespmem:s16+$0x9D10] =	vst @!p1 v2;
	s16 =	simm.s32 @!p1 $0x1  }
0x69: {  	s29 =	sadd.s32 $0x1, s29;
	s31 =	sadd.s32 $0x20, s31;
	_ =	swait.ge @!p1 [sflag:s16], $0x1000  }
0x6a: {  	[sflag:s16] =	ssyncset.done @!p1 $0x0  }
0x6b: {  	[sflag:s16] =	ssyncadd.s32 @!p1 $0xFFFFF000  }
0x6c: {  	[spmem:s1] =	stream.indirect.scatter.add.f32 @!p1 [tilespmem:s0], [sflag:$0x2], $0x80, s2, s30, $0xb8;
	[tilespmem:$0x1F680] =	vst v63  }
0x6d: {  	s30 =	stileid.u32  }
0x6e: {  	s0 =	sshll.u32 s30, $0x6  }
0x6f: {  	s31 =	sshrl.u32 s5, $0x3;
	[bflag:$0x0] =	sbarrier.arrive $0xFFFF;
	s0 =	sor.u32 $0x1C03, s0  }
0x70: {  	[hbm:s10], [sflag:s0] =	dma.local [spmem:s31], $0x1380  }
0x71: {  	_ =	swait.ge [sflag:s17], $0x1380  }
0x72: {  	s25 =	sadd.s32 $0x1, s25;
	[sflag:s17] =	ssyncset.done $0x0  }
0x73: {  	s2 =	sshrl.u32 @!p0 s6, $0x3;
	p1 =	sne.s32 s25, s12;
	[sflag:s17] =	ssyncadd.s32 $0xFFFFEC80  }
0x74: {  	[hbm:s11], [sflag:s0] =	dma.local @!p0 [spmem:s2], $0x80  }
.Ltmp2:
0x75: {  	_ = 	snop;
	(pc) =	sbr.rel @p1 .LBB2_1-.Ltmp2, $4  }
0x76: {  	s0 =	simm.s32 @!p0 $0x3  }
0x77: {  	_ =	swait.ge @!p0 [sflag:s0], $0x80  }
0x78: {  	[sflag:s0] =	ssyncset.done @!p0 $0x0  }
0x79: {  	[sflag:s0] =	ssyncadd.s32 @!p0 $0xFFFFFF80  }
0x7a: {  	_ =	sfence.sel $0x180000  }
0x7b: {  	[bflag:$0x0] =	sbarrier.arrive $0xFFFF  }
0x7c: {  	_ =	strace $0x90000050  }
0x7d: {  	[bflag:$0x2] =	sbarrier.arrive $0xFFFF  }
0x7e: {  	s0 =	rddreg [dreg:$0x3]  }
0x7f: {  	s0 =	sadd.s32 @!p0 $0x100000, s0  }
0x80: {  	[sflag:s0] =	ssyncadd.tile.s32 @!p0 $0x1;
	_ =	shalt  }
.Lfunc_end2:
_tile_overlayer_lowered:
.L_overlay_start_2:
0x81: {  	(tag) =	ssettag $0x2  }
0x82: {  	s0 =	rddreg [dreg:$0x0];
	s2 =	stileid.u32  }
0x83: {  	s1 =	rddreg [dreg:$0x1];
	p0 =	sne.s32 s2, $0x0  }
0x84: {  	s3 =	rddreg [dreg:$0x2];
	[bflag:$0x3] =	sbarrier.arrive $0xFFFF;
	s2 =	simm.s32 @!p0 $0x1C03  }
0x85: {  	[timem:s3], [sflag:s2] =	dma.local @!p0 [hbm:s0], s1  }
0x86: {  	s0 =	simm.s32 @!p0 $0x3  }
0x87: {  	_ =	swait.ge @!p0 [sflag:s0], s1  }
0x88: {  	s1 =	ssub.s32 @!p0 $0x0, s1;
	[sflag:s0] =	ssyncset.done @!p0 $0x0  }
0x89: {  	[sflag:s0] =	ssyncadd.s32 @!p0 s1  }
0x8a: {  	[bflag:$0x3] =	sbarrier.arrive $0xFFFF  }
0x8b: {  	_ =	shalt  }

// kernel: kernel.25.cloned.1.call-start
scs
__scs_entry_jumppad:
0x0: {  	(pc) =	sbr.rel $0x88, $3  }
0x1: {  	(tag) =	ssettag $0x0;
	lr =	simm.s32 $0x1  }
0x2: {  	[smem:$0x3F88] =	sst lr;
	_ =	strace $0xD0000000  }
0x3: {  	_ = 	snop  }
0x4: {  	_ = 	snop  }
0x5: {  	_ = 	snop  }
0x6: {  	_ = 	snop  }
0x7: {  	_ = 	snop  }
__scs_overlays_trampoline_lowered:
0x8: {  	[smem:$0x3F97] =	sst s0  }
0x9: {  	[smem:$0x3F98] =	sst s1  }
0xa: {  	[smem:$0x3F99] =	sst s2  }
0xb: {  	[smem:$0x3F9A] =	sst s3  }
0xc: {  	[smem:$0x3F9B] =	sst s4  }
0xd: {  	[smem:$0x3F9C] =	sst s5  }
0xe: {  	[smem:$0x3F9D] =	sst s6  }
0xf: {  	[smem:$0x3F9E] =	sst s7  }
0x10: {  	[smem:$0x3F9F] =	sst s8  }
0x11: {  	[smem:$0x3FA0] =	sst s9;
	s0 =	simm.s32 @!p0 $0x0  }
0x12: {  	s1 =	sld [smem:$0x3F86];
	s0 =	simm.s32 @p0 $0x1  }
0x13: {  	[smem:$0x3FA1] =	sst s0;
	s0 =	simm.s32 @!p1 $0x0  }
0x14: {  	s2 =	sld [smem:$0x3F85];
	s0 =	simm.s32 @p1 $0x1  }
0x15: {  	[smem:$0x3FA2] =	sst s0;
	s0 =	simm.s32 @!p2 $0x0  }
0x16: {  	s3 =	sld [smem:$0x3FDB];
	s0 =	simm.s32 @p2 $0x1  }
0x17: {  	s4 =	simm.s32 $0x1BF5;
	[smem:$0x3FA4] =	sst s0  }
0x18: {  	s0 =	sld [smem:$0x3F87];
	_ =	swait.ge [sflag:s4], $0x0  }
0x19: {  	s7 =	sld [smem:$0x3F88]  }
0x1a: {  	s8 =	sadd.s32 $0xFFFFE003, lr  }
0x1b: {  	s9 =	sadd.s32 $0xFFFFFEF7, lr;
	s5 =	simm.s32 $0xFFFFFFFF;
	p2 =	slt.u32 s8, $0xFFFFF086  }
0x1c: {  	p1 =	slt.u32 s9, $0xF7A;
	s5 =	simm.s32 @!p2 $0x0  }
0x1d: {  	s5 =	simm.s32 @p1 $0x1;
	p0 =	seq.s32 s7, s2  }
0x1e: {  	s7 =	smul.u32 @!p0 $0xF7A, s2;
	p2 =	seq.s32 @!p0 s5, $0x0  }
0x1f: {  	s9 =	smul.u32 $0xF7A, s1;
	s8 =	simm.s32 @!p0 $0x1BF5;
	p2 =	por !p2, p0  }
0x20: {  	[sflag:s8] =	ssyncset.s32 @!p0 $0xFFFFF086;
	s6 =	sadd.s32 @!p0 s3, s7;
	s7 =	simm.s32 @!p0 $0x108  }
0x21: {  	s3 =	sadd.s32 s3, s9;
	s6 =	sadd.s32 @!p0 $0x88, s6;
	s7 =	simm.s32 @p2 $0x1082  }
0x22: {  	[simem:s7], [sflag:s8] =	dma.local @!p0 [hbm:s6], $0xF7A  }
0x23: {  	s9 =	sor.u32 $0xD0000000, s2;
	s6 =	simm.s32 $0x108;
	_ =	swait.ge @!p0 [sflag:s8], $0x0  }
0x24: {  	s3 =	sadd.s32 $0x88, s3;
	s6 =	simm.s32 @!p1 $0x1082;
	[sflag:s4] =	ssyncset.s32 $0xFFFFF086  }
0x25: {  	[simem:s6], [sflag:s4] =	dma.local [hbm:s3], $0xF7A  }
0x26: {  	[smem:$0x3F88] =	sst s1;
	(tag) =	ssettag s2;
	_ =	strace s9  }
0x27: {  	s1 =	sld [smem:$0x3F98]  }
0x28: {  	s2 =	sld [smem:$0x3F99]  }
0x29: {  	s4 =	sld [smem:$0x3F9B]  }
0x2a: {  	p0 =	seq.s32 s5, $0x0;
	s5 =	sld [smem:$0x3F9C]  }
0x2b: {  	s6 =	sld [smem:$0x3F9D]  }
0x2c: {  	s7 =	sld [smem:$0x3F9E]  }
0x2d: {  	s3 =	simm.s32 $0x108;
	s8 =	sld [smem:$0x3F9F]  }
0x2e: {  	s3 =	simm.s32 @!p0 $0x1082;
	s9 =	sld [smem:$0x3FA0]  }
0x2f: {  	lr =	sadd.s32 s0, s3;
	s0 =	sld [smem:$0x3F97]  }
0x30: {  	s3 =	sld [smem:$0x3F9A]  }
0x31: {  	[smem:$0x3FA3] =	sst s10  }
0x32: {  	s10 =	sld [smem:$0x3FA1];
	_ =	sdelay $0x3  }
0x33: {  	p0 =	seq.s32 s10, $0x1;
	s10 =	sld [smem:$0x3FA3];
	_ =	sdelay $0x3  }
0x34: {  	[smem:$0x3FA3] =	sst s10  }
0x35: {  	s10 =	sld [smem:$0x3FA2];
	_ =	sdelay $0x3  }
0x36: {  	p1 =	seq.s32 s10, $0x1;
	s10 =	sld [smem:$0x3FA3];
	_ =	sdelay $0x3  }
0x37: {  	[smem:$0x3FA3] =	sst s10  }
0x38: {  	s10 =	sld [smem:$0x3FA4]  }
0x39: {  	_ = 	snop;
	(pc) =	sbr.ind lr, $3  }
0x3a: {  	_ = 	snop  }
0x3b: {  	_ = 	snop  }
0x3c: {  	p2 =	seq.s32 s10, $0x1;
	s10 =	sld [smem:$0x3FA3]  }
0x3d: {  	_ =	shalt  }
0x3e: {  	_ =	shalt  }
0x3f: {  	_ =	shalt  }
0x40: {  	_ =	shalt  }
0x41: {  	_ =	shalt  }
0x42: {  	_ =	shalt  }
0x43: {  	_ =	shalt  }
0x44: {  	_ =	shalt  }
0x45: {  	_ =	shalt  }
0x46: {  	_ =	shalt  }
0x47: {  	_ =	shalt  }
0x48: {  	_ =	shalt  }
0x49: {  	_ =	shalt  }
0x4a: {  	_ =	shalt  }
0x4b: {  	_ =	shalt  }
0x4c: {  	_ =	shalt  }
0x4d: {  	_ =	shalt  }
0x4e: {  	_ =	shalt  }
0x4f: {  	_ =	shalt  }
0x50: {  	_ =	shalt  }
0x51: {  	_ =	shalt  }
0x52: {  	_ =	shalt  }
0x53: {  	_ =	shalt  }
0x54: {  	_ =	shalt  }
0x55: {  	_ =	shalt  }
0x56: {  	_ =	shalt  }
0x57: {  	_ =	shalt  }
0x58: {  	_ =	shalt  }
0x59: {  	_ =	shalt  }
0x5a: {  	_ =	shalt  }
0x5b: {  	_ =	shalt  }
0x5c: {  	_ =	shalt  }
0x5d: {  	_ =	shalt  }
0x5e: {  	_ =	shalt  }
0x5f: {  	_ =	shalt  }
0x60: {  	_ =	shalt  }
0x61: {  	_ =	shalt  }
0x62: {  	_ =	shalt  }
0x63: {  	_ =	shalt  }
0x64: {  	_ =	shalt  }
0x65: {  	_ =	shalt  }
0x66: {  	_ =	shalt  }
0x67: {  	_ =	shalt  }
0x68: {  	_ =	shalt  }
0x69: {  	_ =	shalt  }
0x6a: {  	_ =	shalt  }
0x6b: {  	_ =	shalt  }
0x6c: {  	_ =	shalt  }
0x6d: {  	_ =	shalt  }
0x6e: {  	_ =	shalt  }
0x6f: {  	_ =	shalt  }
0x70: {  	_ =	shalt  }
0x71: {  	_ =	shalt  }
0x72: {  	_ =	shalt  }
0x73: {  	_ =	shalt  }
0x74: {  	_ =	shalt  }
0x75: {  	_ =	shalt  }
0x76: {  	_ =	shalt  }
0x77: {  	_ =	shalt  }
0x78: {  	_ =	shalt  }
0x79: {  	_ =	shalt  }
0x7a: {  	_ =	shalt  }
0x7b: {  	_ =	shalt  }
0x7c: {  	_ =	shalt  }
0x7d: {  	_ =	shalt  }
0x7e: {  	_ =	shalt  }
0x7f: {  	_ =	shalt  }
0x80: {  	_ =	shalt  }
0x81: {  	_ =	shalt  }
0x82: {  	_ =	shalt  }
0x83: {  	_ =	shalt  }
0x84: {  	_ =	shalt  }
0x85: {  	_ =	shalt  }
0x86: {  	_ =	shalt  }
0x87: {  	_ =	shalt  }
.Lfunc_end0:
.L_simem_size_0:
called_computation.4_lowered:
.L_overlay_start_0:
0x88: {  	s2 =	sld [smem:$0x3FD9]  }
0x89: {  	s3 =	sld [smem:$0x3FFE];
	_ =	sdelay $0x1  }
0x8a: {  	s1 =	srdreg.scid  }
0x8b: {  	s0 =	sand.u32 $0x1, s1  }
0x8c: {  	s17 =	sshll.u32 s0, $0xA;
	s2 =	sadd.s32 s3, s2  }
0x8d: {  	s2 =	sadd.s32 s2, s17  }
0x8e: {  	[smem:$0x3FAF] =	sst s2  }
0x8f: {  	_ = 	snop  }
0x90: {  	s2 =	sld [smem:$0x3FD0];
	(tm) =	ssettm $0x1  }
0x91: {  	s18 =	sld [smem:$0x3FFB];
	_ =	sdelay $0x3  }
0x92: {  	_ =	strace s18  }
0x93: {  	s3 =	sld [smem:$0x3FFC];
	_ =	sdelay $0x3  }
0x94: {  	_ =	strace s3  }
0x95: {  	s3 =	sld [smem:$0x3FFD];
	_ =	sdelay $0x3  }
0x96: {  	_ =	strace s3  }
0x97: {  	_ =	strace $0x8FFFFFFF  }
0x98: {  	s19 =	sld [smem:$0x3FDB];
	_ =	sdelay $0x1  }
0x99: {  	s4 =	simm.s32 $_scs_section_size  }
0x9a: {  	s5 =	simm.s32 $_size__tile_overlayer_lowered;
	s6 =	simm.s32 $_tile_overlayer_lowered  }
0x9b: {  	s22 =	simm.s32 $0x1BFF;
	s21 =	sshll.u32 s6, $0x1;
	s3 =	sadd.s32 s4, s19  }
0x9c: {  	s7 =	simm.s32 $0x0;
	s20 =	sshll.u32 s5, $0x1;
	s5 =	sadd.s32 s21, s3  }
0x9d: {  	[timem:s7], [sflag:s22] =	dma.local [hbm:s5], s20  }
0x9e: {  	_ =	swait.ge [sflag:s22], s20  }
0x9f: {  	s4 =	ssub.s32 $0x0, s20;
	[sflag:s22] =	ssyncset.done $0x0  }
0xa0: {  	[sflag:s22] =	ssyncadd.s32 s4;
	_ =	sdelay $0x1  }
0xa1: {  	s23 =	simm.s32 $0x1B8B  }
0xa2: {  	_ =	swait.ge [sflag:s23], $0x1  }
0xa3: {  	[sflag:s23] =	ssyncset.done $0x0  }
0xa4: {  	s25 =	simm.s32 $0x1B8E;
	s24 =	sld [smem:$0x3FFE];
	[sflag:s23] =	ssyncadd.s32 $0xFFFFFFFF  }
0xa5: {  	s26 =	simm.s32 $execute0_lowered;
	[smem:$0x3FD2] =	sst s25  }
0xa6: {  	s5 =	sshll.u32 s26, $0x1;
	_ =	strace $0x80000052;
	[dreg:$0x1] =	wrdreg $0xFFFFFFFF  }
0xa7: {  	s28 =	simm.s32 $_size_execute0_lowered;
	s3 =	sadd.s32 s3, s5;
	[dreg:$0x0] =	wrdreg $0x0  }
0xa8: {  	s5 =	sshll.u32 s28, $0x1;
	[dreg:$0x2] =	wrdreg s3  }
0xa9: {  	[dreg:$0x3] =	wrdreg s5  }
0xaa: {  	[dreg:$0x4] =	wrdreg $0xC0  }
0xab: {  	_ =	task [dreg:s7], $0x5FFFF  }
0xac: {  	[dreg:$0x1] =	wrdreg $0xFFFFFFFF  }
0xad: {  	[dreg:$0x0] =	wrdreg $0x60  }
0xae: {  	[dreg:$0x2] =	wrdreg s24  }
0xaf: {  	[dreg:$0x3] =	wrdreg s2  }
0xb0: {  	[dreg:$0x4] =	wrdreg $0x15A000  }
0xb1: {  	[dreg:$0x5] =	wrdreg $0x9  }
0xb2: {  	_ =	task.clear_ibuf [dreg:s7], $0x6FFFF;
	_ =	strace $0x90000052  }
0xb3: {  	s29 =	simm.s32 $0x9;
	_ =	strace $0x80000054  }
0xb4: {  	_ =	swait.ge [sflag:s29], $0x1  }
0xb5: {  	[sflag:s29] =	ssyncadd.s32 $0xFFFFFFFF  }
0xb6: {  	_ =	strace $0x90000054  }
0xb7: {  	_ =	sfence  }
0xb8: {  	s30 =	sld [smem:$0x0];
	_ =	sdelay $0x2  }
0xb9: {  	s31 =	sshll.u32 s1, $0xD;
	s1 =	sshrl.u32 s1, $0x2  }
0xba: {  	s3 =	sand.u32 $0x4000, s31;
	s1 =	sadd.s32 s1, s30  }
0xbb: {  	s0 =	sor.u32 s3, s0;
	s1 =	sshll.u32 s1, $0x11  }
0xbc: {  	s0 =	sor.u32 s1, s0  }
0xbd: {  	s0 =	sadd.s32 $0x8F2B, s0  }
0xbe: {  	[sflag:s0] =	ssyncadd.remote.s32 $0x1  }
0xbf: {  	_ =	sfence.sel $0xFFFF  }
0xc0: {  	[dreg:$0x0] =	wrdreg $0xFFFFFFFF;
	(pc) =	sbr.abs _section_cstart, $3  }
0xc1: {  	[dreg:$0x1] =	wrdreg $0xFFFFFFFF  }
0xc2: {  	_ =	task.clear_ibuf [dreg:s7], $0x2FFFF;
	_ =	strace $0x9FFFFFFF  }
0xc3: {  	(tm) =	ssettm $0x7FFFFFFF  }
tec
execute0_lowered:
.L_overlay_start_1:
0x0: {  	(tag) =	ssettag $0x1  }
0x1: {  	s0 =	rddreg [dreg:$0x0]  }
0x2: {  	s2 =	rddreg [dreg:$0x1]  }
0x3: {  	s1 =	rddreg [dreg:$0x2]  }
0x4: {  	s17 =	stileid.u32;
	s3 =	simm.s32 $0x0;
	s24 =	srdreg.scid  }
0x5: {  	s19 =	simm.s32 $0x20;
	s20 =	simm.s32 $0x9E00;
	s7 =	smul.u32 $0x4E20, s17  }
0x6: {  	s22 =	simm.s32 $0x1;
	s23 =	simm.s32 $0x9D00;
	s6 =	smul.u32 $0x27000, s17  }
0x7: {  	[smem:$0x7FF] =	sst s3;
	s4 =	sadd.s32 $0xFA00, s0;
	s25 =	smul.u32 $0x9C00, s17  }
0x8: {  	s30 =	sand.u32 $0x3, s17;
	p0 =	sne.s32 s17, $0x0;
	s17 =	simm.s32 $0x3  }
0x9: {  	_ =	strace $0x80000053;
	s31 =	sshll.u32 s30, $0x5;
	s5 =	sshrl.u32 s7, $0x3  }
0xa: {  	s6 =	sshrl.u32 s6, $0x2;
	s7 =	sand.u32 $0x60, s7;
	s14 =	sadd.s32 $0x40, s31  }
0xb: {  	s15 =	sadd.s32 $0x4EB0, s31;
	s9 =	sand.u32 $0xFFF0, s5;
	s5 =	sand.u32 $0x1, s24  }
0xc: {  	s24 =	simm.s32 $0x2;
	s8 =	sadd.s32 s9, s0;
	s16 =	smul.u32 $0x1388, s5  }
0xd: {  	s0 =	sadd.s32 $0x36C00, s0;
	s10 =	ssub.s32 $0x2, s5;
	s12 =	smul.u32 $0x9C400, s5  }
0xe: {  	s5 =	sadd.s32 s6, s1;
	s6 =	sadd.s32 $0x9C000, s1;
	s11 =	sshrl.u32 s10, $0x1  }
0xf: {  	s9 =	sadd.s32 s2, s9;
	s8 =	sadd.s32 $0x5C00, s8;
	s13 =	ssub.s32 s10, s11  }
0x10: {  	s26 =	sadd.s32 s25, s12;
	s28 =	sshrl.u32 s12, $0x3;
	s25 =	simm.s32 $0x0  }
0x11: {  	s2 =	sshrl.u32 s26, $0x3;
	s29 =	sadd.s32 s0, s28;
	s12 =	smax.u32 s13, $0x1  }
0x12: {  	v1 =	vimm.f32 $0.0e+00;
	v0 =	vmov s16;
	s13 =	sadd.s32 $0x20, s7;
	s10 =	sadd.s32 s0, s2;
	s11 =	sadd.s32 $0x13800, s29  }
.LBB2_1:
0x13: {  	s0 =	simm.s32 $0x0;
	s2 =	simm.s32 $0x200  }
.LBB2_2:
0x14: {  	p1 =	sne.s32 s2, $0x26E00;
	[tilespmem:s0+$0xBE70] =	vst v1  }
0x15: {  	[tilespmem:s0+$0xBE00] =	vst v1  }
0x16: {  	[tilespmem:s0+$0xBE10] =	vst v1  }
.Ltmp0:
0x17: {  	[tilespmem:s0+$0xBE20] =	vst v1;
	(pc) =	sbr.rel @p1 .LBB2_2-.Ltmp0, $4  }
0x18: {  	[tilespmem:s0+$0xBE30] =	vst v1  }
0x19: {  	[tilespmem:s0+$0xBE40] =	vst v1  }
0x1a: {  	[tilespmem:s0+$0xBE50] =	vst v1  }
0x1b: {  	[tilespmem:s0+$0xBE60] =	vst v1;
	s0 =	sshra.s32 s2, $0x2;
	s2 =	sadd.s32 $0x200, s2  }
0x1c: {  	[tilespmem:s0+$0xBE70] =	vst v1  }
0x1d: {  	[tilespmem:s0+$0xBE00] =	vst v1  }
0x1e: {  	[tilespmem:s0+$0xBE10] =	vst v1  }
0x1f: {  	[tilespmem:s0+$0xBE20] =	vst v1  }
0x20: {  	[tilespmem:s0+$0xBE30] =	vst v1  }
0x21: {  	[tilespmem:s0+$0xBE40] =	vst v1  }
0x22: {  	[tilespmem:s0+$0xBE50] =	vst v1  }
0x23: {  	[tilespmem:s0+$0xBE60] =	vst v1;
	s18 =	simm.s32 $0xBE00  }
0x24: {  	[spmem:s5] =	stream.linear.scatter [tilespmem:s18], [sflag:$0x3], $0x9C00, $0x38;
	[tilespmem:$0x1F680] =	vst v63  }
0x25: {  	_ =	swait.ge [sflag:s17], $0x9C00  }
0x26: {  	[sflag:s17] =	ssyncset.done $0x0  }
0x27: {  	s0 =	simm.s32 @!p0 $0xBE00;
	[sflag:s17] =	ssyncadd.s32 $0xFFFF6400  }
0x28: {  	[spmem:s6] =	stream.linear.scatter @!p0 [tilespmem:s0], [sflag:$0x3], $0x800, $0x38;
	[tilespmem:$0x1F680] =	vst v63  }
0x29: {  	s0 =	simm.s32 @!p0 $0x3  }
0x2a: {  	_ =	swait.ge @!p0 [sflag:s0], $0x800  }
0x2b: {  	[sflag:s0] =	ssyncset.done @!p0 $0x0  }
0x2c: {  	[sflag:s0] =	ssyncadd.s32 @!p0 $0xFFFFF800  }
0x2d: {  	[tilespmem:s3], [sflag:$0x3] =	stream.linear.gather [hbm4b:s8+s3], $0x4E80, $0x38;
	[tilespmem:$0x1F680] =	vst v63  }
0x2e: {  	_ =	swait.ge [sflag:s17], $0x4E80  }
0x2f: {  	[sflag:s17] =	ssyncset.done $0x0  }
0x30: {  	s21 =	simm.s32 $0x4E80;
	[sflag:s17] =	ssyncadd.s32 $0xFFFFB180  }
0x31: {  	[tilespmem:s21], [sflag:$0x3] =	stream.linear.gather [hbm4b:s9+s3], $0x4E80, $0x38;
	[tilespmem:$0x1F680] =	vst v63  }
0x32: {  	_ =	swait.ge [sflag:s17], $0x4E80  }
0x33: {  	[sflag:s17] =	ssyncset.done $0x0  }
0x34: {  	[sflag:s17] =	ssyncadd.s32 $0xFFFFB180  }
0x35: {  	[bflag:$0x0] =	sbarrier.arrive $0xFFFF  }
0x36: {  	[tilespmem:s20], [sflag:$0x1] =	stream.indirect.gather [hbm4b:s4+s19], $0x80, s7, s19, $0xb8;
	[tilespmem:$0x1F680] =	vst v63  }
0x37: {  	s26 =	simm.s32 $0xAE00  }
0x38: {  	[tilespmem:s26], [sflag:$0x1] =	stream.indirect.gather [hbm4b:s4+s19], $0x80, s13, s19, $0xb8;
	[tilespmem:$0x1F680] =	vst v63  }
0x39: {  	v2 =	vld [tilespmem:s7+$0x4E80];
	_ =	sdelay $0x4  }
0x3a: {  	v3 =	vsub.s32 v2, v0;
	v2 =	vand.u32 $0x7, v2  }
0x3b: {  	vm0 =	vlt.u32 v3, $0x1388;
	v2 =	vor.u32 $0x1388, v2  }
0x3c: {  	v2 =	vsel vm0, v3, v2  }
0x3d: {  	[tilespmem:$0x9D00] =	vst v2  }
0x3e: {  	v2 =	vld [tilespmem:s7+$0x4E90];
	_ =	sdelay $0x4  }
0x3f: {  	v3 =	vsub.s32 v2, v0;
	v2 =	vand.u32 $0x7, v2  }
0x40: {  	vm15 =	vlt.u32 v3, $0x1388;
	v2 =	vor.u32 $0x1388, v2  }
0x41: {  	v2 =	vsel vm15, v3, v2  }
0x42: {  	[tilespmem:$0x9D10] =	vst v2  }
0x43: {  	_ =	swait.ge [sflag:s22], $0x1000  }
0x44: {  	[sflag:s22] =	ssyncset.done $0x0  }
0x45: {  	p2 =	por $0x0, $0x0;
	p1 =	por $0x0, $0x0;
	[sflag:s22] =	ssyncadd.s32 $0xFFFFF000  }
0x46: {  	[spmem:s1] =	stream.indirect.scatter.add.f32 [tilespmem:s20], [sflag:$0x2], $0x80, s23, s19, $0xb8;
	[tilespmem:$0x1F680] =	vst v63  }
0x47: {  	s2 =	simm.s32 @!p2 $0x20;
	s0 =	simm.s32 $0x2000;
	_ =	swait.ge [sflag:s24], $0x1000  }
0x48: {  	p3 =	por @!p1 $0x0, $0x0;
	s0 =	sand.u32 @!p2 $0x1000, s0;
	[sflag:s24] =	ssyncset.done $0x0  }
0x49: {  	p1 =	por p3, p1;
	s0 =	sadd.s32 @!p2 $0x9E00, s0;
	[sflag:s24] =	ssyncadd.s32 $0xFFFFF000  }
0x4a: {  	[tilespmem:s0], [sflag:$0x1] =	stream.indirect.gather @!p2 [hbm4b:s4+s2], $0x80, s14, s2, $0xb8;
	[tilespmem:$0x1F680] =	vst v63  }
0x4b: {  	v2 =	vld @!p1 [tilespmem:s15+$0xFFFFFFF0];
	_ =	sdelay $0x4  }
0x4c: {  	s0 =	simm.s32 @!p1 $0x1;
	v3 =	vsub.s32 @!p1 v2, v0;
	v2 =	vand.u32 @!p1 $0x7, v2  }
0x4d: {  	s0 =	sand.u32 @!p1 $0x1, s0;
	vm0 =	vlt.u32 @!p1 v3, $0x1388;
	v2 =	vor.u32 @!p1 $0x1388, v2  }
0x4e: {  	s16 =	sshll.u32 @!p1 s0, $0x7;
	v2 =	vsel @!p1 vm0, v3, v2  }
0x4f: {  	[tilespmem:s16+$0x9D00] =	vst @!p1 v2  }
0x50: {  	v2 =	vld @!p1 [tilespmem:s15+$0x0];
	_ =	sdelay $0x4  }
0x51: {  	v3 =	vsub.s32 @!p1 v2, v0;
	v2 =	vand.u32 @!p1 $0x7, v2  }
0x52: {  	s28 =	sadd.s32 $0x20, s15;
	vm0 =	vlt.u32 @!p1 v3, $0x1388;
	v2 =	vor.u32 @!p1 $0x1388, v2  }
0x53: {  	s29 =	simm.s32 $0x3;
	s31 =	sadd.s32 $0x20, s14;
	s30 =	simm.s32 @!p1 $0x20;
	v2 =	vsel @!p1 vm0, v3, v2  }
0x54: {  	s0 =	sshll.u32 @!p1 s0, $0xC;
	s2 =	sor.u32 @!p1 $0x9D00, s16;
	[tilespmem:s16+$0x9D10] =	vst @!p1 v2;
	s16 =	simm.s32 @!p1 $0x1  }
0x55: {  	s26 =	simm.s32 $0x3000;
	s0 =	sadd.s32 @!p1 $0x9E00, s0;
	_ =	swait.ge @!p1 [sflag:s16], $0x1000  }
.LBB2_4:
0x56: {  	p2 =	sgt.u32 s29, $0x270;
	p3 =	seq.s32 s29, $0x0;
	[sflag:s16] =	ssyncset.done @!p1 $0x0  }
0x57: {  	s18 =	sand.u32 @!p2 $0x1000, s26;
	s21 =	simm.s32 @!p2 $0x20;
	[sflag:s16] =	ssyncadd.s32 @!p1 $0xFFFFF000  }
0x58: {  	[spmem:s1] =	stream.indirect.scatter.add.f32 @!p1 [tilespmem:s0], [sflag:$0x2], $0x80, s2, s30, $0xb8;
	[tilespmem:$0x1F680] =	vst v63  }
0x59: {  	s0 =	sadd.s32 @!p2 $0x9E00, s18;
	p1 =	seq.s32 @!p3 s29, $0x272;
	_ =	swait.ge [sflag:s24], $0x1000  }
0x5a: {  	s26 =	sadd.s32 $0x1000, s26;
	p1 =	por p1, p3;
	[sflag:s24] =	ssyncset.done $0x0  }
0x5b: {  	s2 =	sadd.s32 @!p1 $0xFFFFFFFF, s29;
	s30 =	simm.s32 @!p1 $0x20;
	[sflag:s24] =	ssyncadd.s32 $0xFFFFF000  }
0x5c: {  	[tilespmem:s0], [sflag:$0x1] =	stream.indirect.gather @!p2 [hbm4b:s4+s21], $0x80, s31, s21, $0xb8;
	[tilespmem:$0x1F680] =	vst v63  }
0x5d: {  	s2 =	sand.u32 @!p1 $0x1, s2;
	p2 =	sne.s32 s26, $0x273000;
	v2 =	vld @!p1 [tilespmem:s28+$0xFFFFFFF0]  }
0x5e: {  	s0 =	sshll.u32 @!p1 s2, $0xC  }
0x5f: {  	s0 =	sadd.s32 @!p1 $0x9E00, s0;
	_ =	sdelay $0x2  }
0x60: {  	v3 =	vsub.s32 @!p1 v2, v0;
	v2 =	vand.u32 @!p1 $0x7, v2  }
0x61: {  	vm0 =	vlt.u32 @!p1 v3, $0x1388;
	v2 =	vor.u32 @!p1 $0x1388, v2  }
0x62: {  	s16 =	sshll.u32 @!p1 s2, $0x7;
	v2 =	vsel @!p1 vm0, v3, v2  }
0x63: {  	s2 =	sor.u32 @!p1 $0x9D00, s16;
	[tilespmem:s16+$0x9D00] =	vst @!p1 v2  }
0x64: {  	v2 =	vld @!p1 [tilespmem:s28+$0x0];
	_ =	sdelay $0x4  }
.Ltmp1:
0x65: {  	v3 =	vsub.s32 @!p1 v2, v0;
	v2 =	vand.u32 @!p1 $0x7, v2;
	(pc) =	sbr.rel @p2 .LBB2_4-.Ltmp1, $4  }
0x66: {  	vm0 =	vlt.u32 @!p1 v3, $0x1388;
	v2 =	vor.u32 @!p1 $0x1388, v2  }
0x67: {  	v2 =	vsel @!p1 vm0, v3, v2  }
0x68: {  	s28 =	sadd.s32 $0x20, s28;
	[tilespmem:s16+$0x9D10] =	vst @!p1 v2;
	s16 =	simm.s32 @!p1 $0x1  }
0x69: {  	s29 =	sadd.s32 $0x1, s29;
	s31 =	sadd.s32 $0x20, s31;
	_ =	swait.ge @!p1 [sflag:s16], $0x1000  }
0x6a: {  	[sflag:s16] =	ssyncset.done @!p1 $0x0  }
0x6b: {  	[sflag:s16] =	ssyncadd.s32 @!p1 $0xFFFFF000  }
0x6c: {  	[spmem:s1] =	stream.indirect.scatter.add.f32 @!p1 [tilespmem:s0], [sflag:$0x2], $0x80, s2, s30, $0xb8;
	[tilespmem:$0x1F680] =	vst v63  }
0x6d: {  	s30 =	stileid.u32  }
0x6e: {  	s0 =	sshll.u32 s30, $0x6  }
0x6f: {  	s31 =	sshrl.u32 s5, $0x3;
	[bflag:$0x0] =	sbarrier.arrive $0xFFFF;
	s0 =	sor.u32 $0x1C03, s0  }
0x70: {  	[hbm:s10], [sflag:s0] =	dma.local [spmem:s31], $0x1380  }
0x71: {  	_ =	swait.ge [sflag:s17], $0x1380  }
0x72: {  	s25 =	sadd.s32 $0x1, s25;
	[sflag:s17] =	ssyncset.done $0x0  }
0x73: {  	s2 =	sshrl.u32 @!p0 s6, $0x3;
	p1 =	sne.s32 s25, s12;
	[sflag:s17] =	ssyncadd.s32 $0xFFFFEC80  }
0x74: {  	[hbm:s11], [sflag:s0] =	dma.local @!p0 [spmem:s2], $0x80  }
.Ltmp2:
0x75: {  	_ = 	snop;
	(pc) =	sbr.rel @p1 .LBB2_1-.Ltmp2, $4  }
0x76: {  	s0 =	simm.s32 @!p0 $0x3  }
0x77: {  	_ =	swait.ge @!p0 [sflag:s0], $0x80  }
0x78: {  	[sflag:s0] =	ssyncset.done @!p0 $0x0  }
0x79: {  	[sflag:s0] =	ssyncadd.s32 @!p0 $0xFFFFFF80  }
0x7a: {  	_ =	sfence.sel $0x180000  }
0x7b: {  	[bflag:$0x0] =	sbarrier.arrive $0xFFFF  }
0x7c: {  	_ =	strace $0x90000053  }
0x7d: {  	[bflag:$0x2] =	sbarrier.arrive $0xFFFF  }
0x7e: {  	s0 =	rddreg [dreg:$0x3]  }
0x7f: {  	s0 =	sadd.s32 @!p0 $0x100000, s0  }
0x80: {  	[sflag:s0] =	ssyncadd.tile.s32 @!p0 $0x1;
	_ =	shalt  }
.Lfunc_end2:
_tile_overlayer_lowered:
.L_overlay_start_2:
0x81: {  	(tag) =	ssettag $0x2  }
0x82: {  	s0 =	rddreg [dreg:$0x0];
	s2 =	stileid.u32  }
0x83: {  	s1 =	rddreg [dreg:$0x1];
	p0 =	sne.s32 s2, $0x0  }
0x84: {  	s3 =	rddreg [dreg:$0x2];
	[bflag:$0x3] =	sbarrier.arrive $0xFFFF;
	s2 =	simm.s32 @!p0 $0x1C03  }
0x85: {  	[timem:s3], [sflag:s2] =	dma.local @!p0 [hbm:s0], s1  }
0x86: {  	s0 =	simm.s32 @!p0 $0x3  }
0x87: {  	_ =	swait.ge @!p0 [sflag:s0], s1  }
0x88: {  	s1 =	ssub.s32 @!p0 $0x0, s1;
	[sflag:s0] =	ssyncset.done @!p0 $0x0  }
0x89: {  	[sflag:s0] =	ssyncadd.s32 @!p0 s1  }
0x8a: {  	[bflag:$0x3] =	sbarrier.arrive $0xFFFF  }
0x8b: {  	_ =	shalt  }

// kernel: kernel.28.cloned.1.call-start
scs
__scs_entry_jumppad:
0x0: {  	(pc) =	sbr.rel $0x88, $3  }
0x1: {  	(tag) =	ssettag $0x0;
	lr =	simm.s32 $0x1  }
0x2: {  	[smem:$0x3F88] =	sst lr;
	_ =	strace $0xD0000000  }
0x3: {  	_ = 	snop  }
0x4: {  	_ = 	snop  }
0x5: {  	_ = 	snop  }
0x6: {  	_ = 	snop  }
0x7: {  	_ = 	snop  }
__scs_overlays_trampoline_lowered:
0x8: {  	[smem:$0x3F97] =	sst s0  }
0x9: {  	[smem:$0x3F98] =	sst s1  }
0xa: {  	[smem:$0x3F99] =	sst s2  }
0xb: {  	[smem:$0x3F9A] =	sst s3  }
0xc: {  	[smem:$0x3F9B] =	sst s4  }
0xd: {  	[smem:$0x3F9C] =	sst s5  }
0xe: {  	[smem:$0x3F9D] =	sst s6  }
0xf: {  	[smem:$0x3F9E] =	sst s7  }
0x10: {  	[smem:$0x3F9F] =	sst s8  }
0x11: {  	[smem:$0x3FA0] =	sst s9;
	s0 =	simm.s32 @!p0 $0x0  }
0x12: {  	s1 =	sld [smem:$0x3F86];
	s0 =	simm.s32 @p0 $0x1  }
0x13: {  	[smem:$0x3FA1] =	sst s0;
	s0 =	simm.s32 @!p1 $0x0  }
0x14: {  	s2 =	sld [smem:$0x3F85];
	s0 =	simm.s32 @p1 $0x1  }
0x15: {  	[smem:$0x3FA2] =	sst s0;
	s0 =	simm.s32 @!p2 $0x0  }
0x16: {  	s3 =	sld [smem:$0x3FDB];
	s0 =	simm.s32 @p2 $0x1  }
0x17: {  	s4 =	simm.s32 $0x1BF5;
	[smem:$0x3FA4] =	sst s0  }
0x18: {  	s0 =	sld [smem:$0x3F87];
	_ =	swait.ge [sflag:s4], $0x0  }
0x19: {  	s7 =	sld [smem:$0x3F88]  }
0x1a: {  	s8 =	sadd.s32 $0xFFFFE003, lr  }
0x1b: {  	s9 =	sadd.s32 $0xFFFFFEF7, lr;
	s5 =	simm.s32 $0xFFFFFFFF;
	p2 =	slt.u32 s8, $0xFFFFF086  }
0x1c: {  	p1 =	slt.u32 s9, $0xF7A;
	s5 =	simm.s32 @!p2 $0x0  }
0x1d: {  	s5 =	simm.s32 @p1 $0x1;
	p0 =	seq.s32 s7, s2  }
0x1e: {  	s7 =	smul.u32 @!p0 $0xF7A, s2;
	p2 =	seq.s32 @!p0 s5, $0x0  }
0x1f: {  	s9 =	smul.u32 $0xF7A, s1;
	s8 =	simm.s32 @!p0 $0x1BF5;
	p2 =	por !p2, p0  }
0x20: {  	[sflag:s8] =	ssyncset.s32 @!p0 $0xFFFFF086;
	s6 =	sadd.s32 @!p0 s3, s7;
	s7 =	simm.s32 @!p0 $0x108  }
0x21: {  	s3 =	sadd.s32 s3, s9;
	s6 =	sadd.s32 @!p0 $0x88, s6;
	s7 =	simm.s32 @p2 $0x1082  }
0x22: {  	[simem:s7], [sflag:s8] =	dma.local @!p0 [hbm:s6], $0xF7A  }
0x23: {  	s9 =	sor.u32 $0xD0000000, s2;
	s6 =	simm.s32 $0x108;
	_ =	swait.ge @!p0 [sflag:s8], $0x0  }
0x24: {  	s3 =	sadd.s32 $0x88, s3;
	s6 =	simm.s32 @!p1 $0x1082;
	[sflag:s4] =	ssyncset.s32 $0xFFFFF086  }
0x25: {  	[simem:s6], [sflag:s4] =	dma.local [hbm:s3], $0xF7A  }
0x26: {  	[smem:$0x3F88] =	sst s1;
	(tag) =	ssettag s2;
	_ =	strace s9  }
0x27: {  	s1 =	sld [smem:$0x3F98]  }
0x28: {  	s2 =	sld [smem:$0x3F99]  }
0x29: {  	s4 =	sld [smem:$0x3F9B]  }
0x2a: {  	p0 =	seq.s32 s5, $0x0;
	s5 =	sld [smem:$0x3F9C]  }
0x2b: {  	s6 =	sld [smem:$0x3F9D]  }
0x2c: {  	s7 =	sld [smem:$0x3F9E]  }
0x2d: {  	s3 =	simm.s32 $0x108;
	s8 =	sld [smem:$0x3F9F]  }
0x2e: {  	s3 =	simm.s32 @!p0 $0x1082;
	s9 =	sld [smem:$0x3FA0]  }
0x2f: {  	lr =	sadd.s32 s0, s3;
	s0 =	sld [smem:$0x3F97]  }
0x30: {  	s3 =	sld [smem:$0x3F9A]  }
0x31: {  	[smem:$0x3FA3] =	sst s10  }
0x32: {  	s10 =	sld [smem:$0x3FA1];
	_ =	sdelay $0x3  }
0x33: {  	p0 =	seq.s32 s10, $0x1;
	s10 =	sld [smem:$0x3FA3];
	_ =	sdelay $0x3  }
0x34: {  	[smem:$0x3FA3] =	sst s10  }
0x35: {  	s10 =	sld [smem:$0x3FA2];
	_ =	sdelay $0x3  }
0x36: {  	p1 =	seq.s32 s10, $0x1;
	s10 =	sld [smem:$0x3FA3];
	_ =	sdelay $0x3  }
0x37: {  	[smem:$0x3FA3] =	sst s10  }
0x38: {  	s10 =	sld [smem:$0x3FA4]  }
0x39: {  	_ = 	snop;
	(pc) =	sbr.ind lr, $3  }
0x3a: {  	_ = 	snop  }
0x3b: {  	_ = 	snop  }
0x3c: {  	p2 =	seq.s32 s10, $0x1;
	s10 =	sld [smem:$0x3FA3]  }
0x3d: {  	_ =	shalt  }
0x3e: {  	_ =	shalt  }
0x3f: {  	_ =	shalt  }
0x40: {  	_ =	shalt  }
0x41: {  	_ =	shalt  }
0x42: {  	_ =	shalt  }
0x43: {  	_ =	shalt  }
0x44: {  	_ =	shalt  }
0x45: {  	_ =	shalt  }
0x46: {  	_ =	shalt  }
0x47: {  	_ =	shalt  }
0x48: {  	_ =	shalt  }
0x49: {  	_ =	shalt  }
0x4a: {  	_ =	shalt  }
0x4b: {  	_ =	shalt  }
0x4c: {  	_ =	shalt  }
0x4d: {  	_ =	shalt  }
0x4e: {  	_ =	shalt  }
0x4f: {  	_ =	shalt  }
0x50: {  	_ =	shalt  }
0x51: {  	_ =	shalt  }
0x52: {  	_ =	shalt  }
0x53: {  	_ =	shalt  }
0x54: {  	_ =	shalt  }
0x55: {  	_ =	shalt  }
0x56: {  	_ =	shalt  }
0x57: {  	_ =	shalt  }
0x58: {  	_ =	shalt  }
0x59: {  	_ =	shalt  }
0x5a: {  	_ =	shalt  }
0x5b: {  	_ =	shalt  }
0x5c: {  	_ =	shalt  }
0x5d: {  	_ =	shalt  }
0x5e: {  	_ =	shalt  }
0x5f: {  	_ =	shalt  }
0x60: {  	_ =	shalt  }
0x61: {  	_ =	shalt  }
0x62: {  	_ =	shalt  }
0x63: {  	_ =	shalt  }
0x64: {  	_ =	shalt  }
0x65: {  	_ =	shalt  }
0x66: {  	_ =	shalt  }
0x67: {  	_ =	shalt  }
0x68: {  	_ =	shalt  }
0x69: {  	_ =	shalt  }
0x6a: {  	_ =	shalt  }
0x6b: {  	_ =	shalt  }
0x6c: {  	_ =	shalt  }
0x6d: {  	_ =	shalt  }
0x6e: {  	_ =	shalt  }
0x6f: {  	_ =	shalt  }
0x70: {  	_ =	shalt  }
0x71: {  	_ =	shalt  }
0x72: {  	_ =	shalt  }
0x73: {  	_ =	shalt  }
0x74: {  	_ =	shalt  }
0x75: {  	_ =	shalt  }
0x76: {  	_ =	shalt  }
0x77: {  	_ =	shalt  }
0x78: {  	_ =	shalt  }
0x79: {  	_ =	shalt  }
0x7a: {  	_ =	shalt  }
0x7b: {  	_ =	shalt  }
0x7c: {  	_ =	shalt  }
0x7d: {  	_ =	shalt  }
0x7e: {  	_ =	shalt  }
0x7f: {  	_ =	shalt  }
0x80: {  	_ =	shalt  }
0x81: {  	_ =	shalt  }
0x82: {  	_ =	shalt  }
0x83: {  	_ =	shalt  }
0x84: {  	_ =	shalt  }
0x85: {  	_ =	shalt  }
0x86: {  	_ =	shalt  }
0x87: {  	_ =	shalt  }
.Lfunc_end0:
.L_simem_size_0:
called_computation.5_lowered:
.L_overlay_start_0:
0x88: {  	s2 =	sld [smem:$0x3FD9]  }
0x89: {  	s3 =	sld [smem:$0x3FFE];
	_ =	sdelay $0x1  }
0x8a: {  	s1 =	srdreg.scid  }
0x8b: {  	s0 =	sand.u32 $0x1, s1  }
0x8c: {  	s17 =	sshll.u32 s0, $0xA;
	s2 =	sadd.s32 s3, s2  }
0x8d: {  	s2 =	sadd.s32 s2, s17  }
0x8e: {  	[smem:$0x3FAF] =	sst s2  }
0x8f: {  	_ = 	snop  }
0x90: {  	s2 =	sld [smem:$0x3FD0];
	(tm) =	ssettm $0x1  }
0x91: {  	s18 =	sld [smem:$0x3FFB];
	_ =	sdelay $0x3  }
0x92: {  	_ =	strace s18  }
0x93: {  	s3 =	sld [smem:$0x3FFC];
	_ =	sdelay $0x3  }
0x94: {  	_ =	strace s3  }
0x95: {  	s3 =	sld [smem:$0x3FFD];
	_ =	sdelay $0x3  }
0x96: {  	_ =	strace s3  }
0x97: {  	_ =	strace $0x8FFFFFFF  }
0x98: {  	s19 =	sld [smem:$0x3FDB];
	_ =	sdelay $0x1  }
0x99: {  	s4 =	simm.s32 $_scs_section_size  }
0x9a: {  	s5 =	simm.s32 $_size__tile_overlayer_lowered;
	s6 =	simm.s32 $_tile_overlayer_lowered  }
0x9b: {  	s22 =	simm.s32 $0x1BFF;
	s21 =	sshll.u32 s6, $0x1;
	s3 =	sadd.s32 s4, s19  }
0x9c: {  	s7 =	simm.s32 $0x0;
	s20 =	sshll.u32 s5, $0x1;
	s5 =	sadd.s32 s21, s3  }
0x9d: {  	[timem:s7], [sflag:s22] =	dma.local [hbm:s5], s20  }
0x9e: {  	_ =	swait.ge [sflag:s22], s20  }
0x9f: {  	s4 =	ssub.s32 $0x0, s20;
	[sflag:s22] =	ssyncset.done $0x0  }
0xa0: {  	[sflag:s22] =	ssyncadd.s32 s4;
	_ =	sdelay $0x1  }
0xa1: {  	s23 =	simm.s32 $0x1B8B  }
0xa2: {  	_ =	swait.ge [sflag:s23], $0x1  }
0xa3: {  	[sflag:s23] =	ssyncset.done $0x0  }
0xa4: {  	s25 =	simm.s32 $0x1B8E;
	s24 =	sld [smem:$0x3FFE];
	[sflag:s23] =	ssyncadd.s32 $0xFFFFFFFF  }
0xa5: {  	s26 =	simm.s32 $execute0_lowered;
	[smem:$0x3FD2] =	sst s25  }
0xa6: {  	s5 =	sshll.u32 s26, $0x1;
	_ =	strace $0x80000055;
	[dreg:$0x1] =	wrdreg $0xFFFFFFFF  }
0xa7: {  	s28 =	simm.s32 $_size_execute0_lowered;
	s3 =	sadd.s32 s3, s5;
	[dreg:$0x0] =	wrdreg $0x0  }
0xa8: {  	s5 =	sshll.u32 s28, $0x1;
	[dreg:$0x2] =	wrdreg s3  }
0xa9: {  	[dreg:$0x3] =	wrdreg s5  }
0xaa: {  	[dreg:$0x4] =	wrdreg $0xC0  }
0xab: {  	_ =	task [dreg:s7], $0x5FFFF  }
0xac: {  	[dreg:$0x1] =	wrdreg $0xFFFFFFFF  }
0xad: {  	[dreg:$0x0] =	wrdreg $0x60  }
0xae: {  	[dreg:$0x2] =	wrdreg s24  }
0xaf: {  	[dreg:$0x3] =	wrdreg s2  }
0xb0: {  	[dreg:$0x4] =	wrdreg $0x15A000  }
0xb1: {  	[dreg:$0x5] =	wrdreg $0x9  }
0xb2: {  	_ =	task.clear_ibuf [dreg:s7], $0x6FFFF;
	_ =	strace $0x90000055  }
0xb3: {  	s29 =	simm.s32 $0x9;
	_ =	strace $0x80000057  }
0xb4: {  	_ =	swait.ge [sflag:s29], $0x1  }
0xb5: {  	[sflag:s29] =	ssyncadd.s32 $0xFFFFFFFF  }
0xb6: {  	_ =	strace $0x90000057  }
0xb7: {  	_ =	sfence  }
0xb8: {  	s30 =	sld [smem:$0x0];
	_ =	sdelay $0x2  }
0xb9: {  	s31 =	sshll.u32 s1, $0xD;
	s1 =	sshrl.u32 s1, $0x2  }
0xba: {  	s3 =	sand.u32 $0x4000, s31;
	s1 =	sadd.s32 s1, s30  }
0xbb: {  	s0 =	sor.u32 s3, s0;
	s1 =	sshll.u32 s1, $0x11  }
0xbc: {  	s0 =	sor.u32 s1, s0  }
0xbd: {  	s0 =	sadd.s32 $0x8F2B, s0  }
0xbe: {  	[sflag:s0] =	ssyncadd.remote.s32 $0x1  }
0xbf: {  	_ =	sfence.sel $0xFFFF  }
0xc0: {  	[dreg:$0x0] =	wrdreg $0xFFFFFFFF;
	(pc) =	sbr.abs _section_cstart, $3  }
0xc1: {  	[dreg:$0x1] =	wrdreg $0xFFFFFFFF  }
0xc2: {  	_ =	task.clear_ibuf [dreg:s7], $0x2FFFF;
	_ =	strace $0x9FFFFFFF  }
0xc3: {  	(tm) =	ssettm $0x7FFFFFFF  }
tec
execute0_lowered:
.L_overlay_start_1:
0x0: {  	(tag) =	ssettag $0x1  }
0x1: {  	s0 =	rddreg [dreg:$0x0]  }
0x2: {  	s2 =	rddreg [dreg:$0x1]  }
0x3: {  	s1 =	rddreg [dreg:$0x2]  }
0x4: {  	s17 =	stileid.u32;
	s3 =	simm.s32 $0x0;
	s24 =	srdreg.scid  }
0x5: {  	s19 =	simm.s32 $0x20;
	s20 =	simm.s32 $0x9E00;
	s7 =	smul.u32 $0x4E20, s17  }
0x6: {  	s22 =	simm.s32 $0x1;
	s23 =	simm.s32 $0x9D00;
	s6 =	smul.u32 $0x27000, s17  }
0x7: {  	[smem:$0x7FF] =	sst s3;
	s4 =	sadd.s32 $0xFA00, s0;
	s25 =	smul.u32 $0x9C00, s17  }
0x8: {  	s30 =	sand.u32 $0x3, s17;
	p0 =	sne.s32 s17, $0x0;
	s17 =	simm.s32 $0x3  }
0x9: {  	_ =	strace $0x80000056;
	s31 =	sshll.u32 s30, $0x5;
	s5 =	sshrl.u32 s7, $0x3  }
0xa: {  	s6 =	sshrl.u32 s6, $0x2;
	s7 =	sand.u32 $0x60, s7;
	s14 =	sadd.s32 $0x40, s31  }
0xb: {  	s15 =	sadd.s32 $0x4EB0, s31;
	s9 =	sand.u32 $0xFFF0, s5;
	s5 =	sand.u32 $0x1, s24  }
0xc: {  	s24 =	simm.s32 $0x2;
	s8 =	sadd.s32 s9, s0;
	s16 =	smul.u32 $0x1388, s5  }
0xd: {  	s0 =	sadd.s32 $0x36C00, s0;
	s10 =	ssub.s32 $0x2, s5;
	s12 =	smul.u32 $0x9C400, s5  }
0xe: {  	s5 =	sadd.s32 s6, s1;
	s6 =	sadd.s32 $0x9C000, s1;
	s11 =	sshrl.u32 s10, $0x1  }
0xf: {  	s9 =	sadd.s32 s2, s9;
	s8 =	sadd.s32 $0x5C00, s8;
	s13 =	ssub.s32 s10, s11  }
0x10: {  	s26 =	sadd.s32 s25, s12;
	s28 =	sshrl.u32 s12, $0x3;
	s25 =	simm.s32 $0x0  }
0x11: {  	s2 =	sshrl.u32 s26, $0x3;
	s29 =	sadd.s32 s0, s28;
	s12 =	smax.u32 s13, $0x1  }
0x12: {  	v1 =	vimm.f32 $0.0e+00;
	v0 =	vmov s16;
	s13 =	sadd.s32 $0x20, s7;
	s10 =	sadd.s32 s0, s2;
	s11 =	sadd.s32 $0x13800, s29  }
.LBB2_1:
0x13: {  	s0 =	simm.s32 $0x0;
	s2 =	simm.s32 $0x200  }
.LBB2_2:
0x14: {  	p1 =	sne.s32 s2, $0x26E00;
	[tilespmem:s0+$0xBE70] =	vst v1  }
0x15: {  	[tilespmem:s0+$0xBE00] =	vst v1  }
0x16: {  	[tilespmem:s0+$0xBE10] =	vst v1  }
.Ltmp0:
0x17: {  	[tilespmem:s0+$0xBE20] =	vst v1;
	(pc) =	sbr.rel @p1 .LBB2_2-.Ltmp0, $4  }
0x18: {  	[tilespmem:s0+$0xBE30] =	vst v1  }
0x19: {  	[tilespmem:s0+$0xBE40] =	vst v1  }
0x1a: {  	[tilespmem:s0+$0xBE50] =	vst v1  }
0x1b: {  	[tilespmem:s0+$0xBE60] =	vst v1;
	s0 =	sshra.s32 s2, $0x2;
	s2 =	sadd.s32 $0x200, s2  }
0x1c: {  	[tilespmem:s0+$0xBE70] =	vst v1  }
0x1d: {  	[tilespmem:s0+$0xBE00] =	vst v1  }
0x1e: {  	[tilespmem:s0+$0xBE10] =	vst v1  }
0x1f: {  	[tilespmem:s0+$0xBE20] =	vst v1  }
0x20: {  	[tilespmem:s0+$0xBE30] =	vst v1  }
0x21: {  	[tilespmem:s0+$0xBE40] =	vst v1  }
0x22: {  	[tilespmem:s0+$0xBE50] =	vst v1  }
0x23: {  	[tilespmem:s0+$0xBE60] =	vst v1;
	s18 =	simm.s32 $0xBE00  }
0x24: {  	[spmem:s5] =	stream.linear.scatter [tilespmem:s18], [sflag:$0x3], $0x9C00, $0x38;
	[tilespmem:$0x1F680] =	vst v63  }
0x25: {  	_ =	swait.ge [sflag:s17], $0x9C00  }
0x26: {  	[sflag:s17] =	ssyncset.done $0x0  }
0x27: {  	s0 =	simm.s32 @!p0 $0xBE00;
	[sflag:s17] =	ssyncadd.s32 $0xFFFF6400  }
0x28: {  	[spmem:s6] =	stream.linear.scatter @!p0 [tilespmem:s0], [sflag:$0x3], $0x800, $0x38;
	[tilespmem:$0x1F680] =	vst v63  }
0x29: {  	s0 =	simm.s32 @!p0 $0x3  }
0x2a: {  	_ =	swait.ge @!p0 [sflag:s0], $0x800  }
0x2b: {  	[sflag:s0] =	ssyncset.done @!p0 $0x0  }
0x2c: {  	[sflag:s0] =	ssyncadd.s32 @!p0 $0xFFFFF800  }
0x2d: {  	[tilespmem:s3], [sflag:$0x3] =	stream.linear.gather [hbm4b:s8+s3], $0x4E80, $0x38;
	[tilespmem:$0x1F680] =	vst v63  }
0x2e: {  	_ =	swait.ge [sflag:s17], $0x4E80  }
0x2f: {  	[sflag:s17] =	ssyncset.done $0x0  }
0x30: {  	s21 =	simm.s32 $0x4E80;
	[sflag:s17] =	ssyncadd.s32 $0xFFFFB180  }
0x31: {  	[tilespmem:s21], [sflag:$0x3] =	stream.linear.gather [hbm4b:s9+s3], $0x4E80, $0x38;
	[tilespmem:$0x1F680] =	vst v63  }
0x32: {  	_ =	swait.ge [sflag:s17], $0x4E80  }
0x33: {  	[sflag:s17] =	ssyncset.done $0x0  }
0x34: {  	[sflag:s17] =	ssyncadd.s32 $0xFFFFB180  }
0x35: {  	[bflag:$0x0] =	sbarrier.arrive $0xFFFF  }
0x36: {  	[tilespmem:s20], [sflag:$0x1] =	stream.indirect.gather [hbm4b:s4+s19], $0x80, s7, s19, $0xb8;
	[tilespmem:$0x1F680] =	vst v63  }
0x37: {  	s26 =	simm.s32 $0xAE00  }
0x38: {  	[tilespmem:s26], [sflag:$0x1] =	stream.indirect.gather [hbm4b:s4+s19], $0x80, s13, s19, $0xb8;
	[tilespmem:$0x1F680] =	vst v63  }
0x39: {  	v2 =	vld [tilespmem:s7+$0x4E80];
	_ =	sdelay $0x4  }
0x3a: {  	v3 =	vsub.s32 v2, v0;
	v2 =	vand.u32 $0x7, v2  }
0x3b: {  	vm0 =	vlt.u32 v3, $0x1388;
	v2 =	vor.u32 $0x1388, v2  }
0x3c: {  	v2 =	vsel vm0, v3, v2  }
0x3d: {  	[tilespmem:$0x9D00] =	vst v2  }
0x3e: {  	v2 =	vld [tilespmem:s7+$0x4E90];
	_ =	sdelay $0x4  }
0x3f: {  	v3 =	vsub.s32 v2, v0;
	v2 =	vand.u32 $0x7, v2  }
0x40: {  	vm15 =	vlt.u32 v3, $0x1388;
	v2 =	vor.u32 $0x1388, v2  }
0x41: {  	v2 =	vsel vm15, v3, v2  }
0x42: {  	[tilespmem:$0x9D10] =	vst v2  }
0x43: {  	_ =	swait.ge [sflag:s22], $0x1000  }
0x44: {  	[sflag:s22] =	ssyncset.done $0x0  }
0x45: {  	p2 =	por $0x0, $0x0;
	p1 =	por $0x0, $0x0;
	[sflag:s22] =	ssyncadd.s32 $0xFFFFF000  }
0x46: {  	[spmem:s1] =	stream.indirect.scatter.add.f32 [tilespmem:s20], [sflag:$0x2], $0x80, s23, s19, $0xb8;
	[tilespmem:$0x1F680] =	vst v63  }
0x47: {  	s2 =	simm.s32 @!p2 $0x20;
	s0 =	simm.s32 $0x2000;
	_ =	swait.ge [sflag:s24], $0x1000  }
0x48: {  	p3 =	por @!p1 $0x0, $0x0;
	s0 =	sand.u32 @!p2 $0x1000, s0;
	[sflag:s24] =	ssyncset.done $0x0  }
0x49: {  	p1 =	por p3, p1;
	s0 =	sadd.s32 @!p2 $0x9E00, s0;
	[sflag:s24] =	ssyncadd.s32 $0xFFFFF000  }
0x4a: {  	[tilespmem:s0], [sflag:$0x1] =	stream.indirect.gather @!p2 [hbm4b:s4+s2], $0x80, s14, s2, $0xb8;
	[tilespmem:$0x1F680] =	vst v63  }
0x4b: {  	v2 =	vld @!p1 [tilespmem:s15+$0xFFFFFFF0];
	_ =	sdelay $0x4  }
0x4c: {  	s0 =	simm.s32 @!p1 $0x1;
	v3 =	vsub.s32 @!p1 v2, v0;
	v2 =	vand.u32 @!p1 $0x7, v2  }
0x4d: {  	s0 =	sand.u32 @!p1 $0x1, s0;
	vm0 =	vlt.u32 @!p1 v3, $0x1388;
	v2 =	vor.u32 @!p1 $0x1388, v2  }
0x4e: {  	s16 =	sshll.u32 @!p1 s0, $0x7;
	v2 =	vsel @!p1 vm0, v3, v2  }
0x4f: {  	[tilespmem:s16+$0x9D00] =	vst @!p1 v2  }
0x50: {  	v2 =	vld @!p1 [tilespmem:s15+$0x0];
	_ =	sdelay $0x4  }
0x51: {  	v3 =	vsub.s32 @!p1 v2, v0;
	v2 =	vand.u32 @!p1 $0x7, v2  }
0x52: {  	s28 =	sadd.s32 $0x20, s15;
	vm0 =	vlt.u32 @!p1 v3, $0x1388;
	v2 =	vor.u32 @!p1 $0x1388, v2  }
0x53: {  	s29 =	simm.s32 $0x3;
	s31 =	sadd.s32 $0x20, s14;
	s30 =	simm.s32 @!p1 $0x20;
	v2 =	vsel @!p1 vm0, v3, v2  }
0x54: {  	s0 =	sshll.u32 @!p1 s0, $0xC;
	s2 =	sor.u32 @!p1 $0x9D00, s16;
	[tilespmem:s16+$0x9D10] =	vst @!p1 v2;
	s16 =	simm.s32 @!p1 $0x1  }
0x55: {  	s26 =	simm.s32 $0x3000;
	s0 =	sadd.s32 @!p1 $0x9E00, s0;
	_ =	swait.ge @!p1 [sflag:s16], $0x1000  }
.LBB2_4:
0x56: {  	p2 =	sgt.u32 s29, $0x270;
	p3 =	seq.s32 s29, $0x0;
	[sflag:s16] =	ssyncset.done @!p1 $0x0  }
0x57: {  	s18 =	sand.u32 @!p2 $0x1000, s26;
	s21 =	simm.s32 @!p2 $0x20;
	[sflag:s16] =	ssyncadd.s32 @!p1 $0xFFFFF000  }
0x58: {  	[spmem:s1] =	stream.indirect.scatter.add.f32 @!p1 [tilespmem:s0], [sflag:$0x2], $0x80, s2, s30, $0xb8;
	[tilespmem:$0x1F680] =	vst v63  }
0x59: {  	s0 =	sadd.s32 @!p2 $0x9E00, s18;
	p1 =	seq.s32 @!p3 s29, $0x272;
	_ =	swait.ge [sflag:s24], $0x1000  }
0x5a: {  	s26 =	sadd.s32 $0x1000, s26;
	p1 =	por p1, p3;
	[sflag:s24] =	ssyncset.done $0x0  }
0x5b: {  	s2 =	sadd.s32 @!p1 $0xFFFFFFFF, s29;
	s30 =	simm.s32 @!p1 $0x20;
	[sflag:s24] =	ssyncadd.s32 $0xFFFFF000  }
0x5c: {  	[tilespmem:s0], [sflag:$0x1] =	stream.indirect.gather @!p2 [hbm4b:s4+s21], $0x80, s31, s21, $0xb8;
	[tilespmem:$0x1F680] =	vst v63  }
0x5d: {  	s2 =	sand.u32 @!p1 $0x1, s2;
	p2 =	sne.s32 s26, $0x273000;
	v2 =	vld @!p1 [tilespmem:s28+$0xFFFFFFF0]  }
0x5e: {  	s0 =	sshll.u32 @!p1 s2, $0xC  }
0x5f: {  	s0 =	sadd.s32 @!p1 $0x9E00, s0;
	_ =	sdelay $0x2  }
0x60: {  	v3 =	vsub.s32 @!p1 v2, v0;
	v2 =	vand.u32 @!p1 $0x7, v2  }
0x61: {  	vm0 =	vlt.u32 @!p1 v3, $0x1388;
	v2 =	vor.u32 @!p1 $0x1388, v2  }
0x62: {  	s16 =	sshll.u32 @!p1 s2, $0x7;
	v2 =	vsel @!p1 vm0, v3, v2  }
0x63: {  	s2 =	sor.u32 @!p1 $0x9D00, s16;
	[tilespmem:s16+$0x9D00] =	vst @!p1 v2  }
0x64: {  	v2 =	vld @!p1 [tilespmem:s28+$0x0];
	_ =	sdelay $0x4  }
.Ltmp1:
0x65: {  	v3 =	vsub.s32 @!p1 v2, v0;
	v2 =	vand.u32 @!p1 $0x7, v2;
	(pc) =	sbr.rel @p2 .LBB2_4-.Ltmp1, $4  }
0x66: {  	vm0 =	vlt.u32 @!p1 v3, $0x1388;
	v2 =	vor.u32 @!p1 $0x1388, v2  }
0x67: {  	v2 =	vsel @!p1 vm0, v3, v2  }
0x68: {  	s28 =	sadd.s32 $0x20, s28;
	[tilespmem:s16+$0x9D10] =	vst @!p1 v2;
	s16 =	simm.s32 @!p1 $0x1  }
0x69: {  	s29 =	sadd.s32 $0x1, s29;
	s31 =	sadd.s32 $0x20, s31;
	_ =	swait.ge @!p1 [sflag:s16], $0x1000  }
0x6a: {  	[sflag:s16] =	ssyncset.done @!p1 $0x0  }
0x6b: {  	[sflag:s16] =	ssyncadd.s32 @!p1 $0xFFFFF000  }
0x6c: {  	[spmem:s1] =	stream.indirect.scatter.add.f32 @!p1 [tilespmem:s0], [sflag:$0x2], $0x80, s2, s30, $0xb8;
	[tilespmem:$0x1F680] =	vst v63  }
0x6d: {  	s30 =	stileid.u32  }
0x6e: {  	s0 =	sshll.u32 s30, $0x6  }
0x6f: {  	s31 =	sshrl.u32 s5, $0x3;
	[bflag:$0x0] =	sbarrier.arrive $0xFFFF;
	s0 =	sor.u32 $0x1C03, s0  }
0x70: {  	[hbm:s10], [sflag:s0] =	dma.local [spmem:s31], $0x1380  }
0x71: {  	_ =	swait.ge [sflag:s17], $0x1380  }
0x72: {  	s25 =	sadd.s32 $0x1, s25;
	[sflag:s17] =	ssyncset.done $0x0  }
0x73: {  	s2 =	sshrl.u32 @!p0 s6, $0x3;
	p1 =	sne.s32 s25, s12;
	[sflag:s17] =	ssyncadd.s32 $0xFFFFEC80  }
0x74: {  	[hbm:s11], [sflag:s0] =	dma.local @!p0 [spmem:s2], $0x80  }
.Ltmp2:
0x75: {  	_ = 	snop;
	(pc) =	sbr.rel @p1 .LBB2_1-.Ltmp2, $4  }
0x76: {  	s0 =	simm.s32 @!p0 $0x3  }
0x77: {  	_ =	swait.ge @!p0 [sflag:s0], $0x80  }
0x78: {  	[sflag:s0] =	ssyncset.done @!p0 $0x0  }
0x79: {  	[sflag:s0] =	ssyncadd.s32 @!p0 $0xFFFFFF80  }
0x7a: {  	_ =	sfence.sel $0x180000  }
0x7b: {  	[bflag:$0x0] =	sbarrier.arrive $0xFFFF  }
0x7c: {  	_ =	strace $0x90000056  }
0x7d: {  	[bflag:$0x2] =	sbarrier.arrive $0xFFFF  }
0x7e: {  	s0 =	rddreg [dreg:$0x3]  }
0x7f: {  	s0 =	sadd.s32 @!p0 $0x100000, s0  }
0x80: {  	[sflag:s0] =	ssyncadd.tile.s32 @!p0 $0x1;
	_ =	shalt  }
.Lfunc_end2:
_tile_overlayer_lowered:
.L_overlay_start_2:
0x81: {  	(tag) =	ssettag $0x2  }
0x82: {  	s0 =	rddreg [dreg:$0x0];
	s2 =	stileid.u32  }
0x83: {  	s1 =	rddreg [dreg:$0x1];
	p0 =	sne.s32 s2, $0x0  }
0x84: {  	s3 =	rddreg [dreg:$0x2];
	[bflag:$0x3] =	sbarrier.arrive $0xFFFF;
	s2 =	simm.s32 @!p0 $0x1C03  }
0x85: {  	[timem:s3], [sflag:s2] =	dma.local @!p0 [hbm:s0], s1  }
0x86: {  	s0 =	simm.s32 @!p0 $0x3  }
0x87: {  	_ =	swait.ge @!p0 [sflag:s0], s1  }
0x88: {  	s1 =	ssub.s32 @!p0 $0x0, s1;
	[sflag:s0] =	ssyncset.done @!p0 $0x0  }
0x89: {  	[sflag:s0] =	ssyncadd.s32 @!p0 s1  }
0x8a: {  	[bflag:$0x3] =	sbarrier.arrive $0xFFFF  }
0x8b: {  	_ =	shalt  }

</sc_bundles>
